<compile_context>
chip_gen: v7x
topology: tpu7x:2x2x1
jax: 0.10.2.dev20260603
libtpu: 0.0.44.dev20260713+nightly
codegen_flags: <defaults>
</compile_context>

<pallas_src>
import functools

import jax
import jax.numpy as jnp
from jax import lax
from jax.experimental import pallas as pl
from jax.experimental.pallas import tpu as pltpu
from jax.experimental.pallas import tpu_sc as plsc

_CHUNK = 128
_SPM = 2
_M = _CHUNK * _SPM
_NBUF = 4


def _gather_planar_sc(table, idx_t, B, L):
    V, D = table.shape
    N = B * L
    info = plsc.get_sparse_core_info()
    nw = info.num_cores * info.num_subcores
    n_chunks = N // _CHUNK
    c_per_w = n_chunks // nw
    m_per_w = c_per_w // _SPM
    assert c_per_w * nw == n_chunks and m_per_w % _NBUF == 0
    assert D % 8 == 0 and B % _CHUNK == 0
    db_n = D // 8
    bb_n = B // _CHUNK
    mwords = D * _M

    idx3 = idx_t.reshape(nw, c_per_w, _CHUNK)
    mesh = plsc.VectorSubcoreMesh(core_axis_name="c", subcore_axis_name="s")

    @functools.partial(
        pl.kernel,
        mesh=mesh,
        out_type=jax.ShapeDtypeStruct((N * D // _CHUNK, _CHUNK), jnp.float32),
        compiler_params=pltpu.CompilerParams(
            use_tc_tiling_on_sc=False, needs_layout_passes=False),
        scratch_types=(
            [pltpu.VMEM((c_per_w, _CHUNK), jnp.int32)]
            + [pltpu.VMEM((_M, D), jnp.float32) for _ in range(_NBUF)]
            + [pltpu.VMEM((D, _M + 1), jnp.float32) for _ in range(_NBUF)]
            + [pltpu.SemaphoreType.DMA for _ in range(2 * _NBUF)]
        ),
    )
    def k(table_hbm, idx_hbm, out_hbm, idx_v, *bufs):
        rows = bufs[0:_NBUF]
        rt = bufs[_NBUF:2 * _NBUF]
        gsem = bufs[2 * _NBUF:3 * _NBUF]
        osem = bufs[3 * _NBUF:4 * _NBUF]
        wid = lax.axis_index("s") * info.num_cores + lax.axis_index("c")
        cbase = wid * c_per_w
        pltpu.sync_copy(idx_hbm.at[wid], idx_v)

        dvec = [lax.iota(jnp.int32, 16) + (h * 16) for h in range(D // 16)]
        zero16 = jnp.full((16,), 0, dtype=jnp.int32)

        def fire_gather(m, b):
            for s in range(_SPM):
                pltpu.async_copy(
                    table_hbm.at[idx_v.at[_SPM * m + s]],
                    rows[b].at[pl.ds(s * _CHUNK, _CHUNK)],
                    gsem[b],
                )

        def wait_gather(b):
            pltpu.make_async_copy(
                table_hbm.at[pl.ds(0, _M)], rows[b], gsem[b]).wait()

        def transpose_block(b):
            def tcol(cc, carry):
                for u in range(8):
                    c = cc * 8 + u
                    cv = zero16 + c
                    for h in range(D // 16):
                        v = rows[b][c, pl.ds(h * 16, 16)]
                        plsc.store_scatter(rt[b], [dvec[h], cv], v)
                return carry

            lax.fori_loop(0, _M // 8, tcol, 0)

        def fire_out(m, b):
            t0 = cbase + _SPM * m
            l = t0 // bb_n
            bb = t0 - l * bb_n
            base_r = l * (db_n * bb_n * 8) + bb * 8
            for db in range(db_n):
                for cB in range(_SPM):
                    r0 = base_r + db * (bb_n * 8) + cB * 8
                    pltpu.async_copy(
                        rt[b].at[pl.ds(db * 8, 8), pl.ds(cB * _CHUNK, _CHUNK)],
                        out_hbm.at[pl.ds(r0, 8)],
                        osem[b],
                    )

        def drain_out(b):
            for _ in range(db_n * _SPM):
                pltpu.make_async_copy(
                    out_hbm.at[pl.ds(0, 8)],
                    rt[b].at[pl.ds(0, 8), pl.ds(0, _CHUNK)],
                    osem[b]).wait()

        for b in range(_NBUF - 1):
            fire_gather(b, b)

        def ring(i, carry):
            for kk in range(_NBUF):
                m = _NBUF * i + kk
                b = kk

                if kk == 0:
                    fire_gather(m + _NBUF - 1, (b + _NBUF - 1) % _NBUF)
                else:
                    @pl.when(i < m_per_w // _NBUF - 1)
                    def _(m=m, b=b):
                        fire_gather(m + _NBUF - 1, (b + _NBUF - 1) % _NBUF)

                wait_gather(b)

                @pl.when(i >= 1)
                def _(b=b):
                    drain_out(b)

                transpose_block(b)
                fire_out(m, b)
            return carry

        lax.fori_loop(0, m_per_w // _NBUF, ring, 0)
        for b in range(_NBUF):
            drain_out(b)

    return k(table, idx3)


def kernel(token_ids, embedding_weights):
    B, L = token_ids.shape
    V, D = embedding_weights.shape
    idx_t = token_ids.T.reshape(B * L) * (128 // D)
    tp = jnp.pad(embedding_weights, ((0, 0), (0, 128 - D)))
    table_lin = tp.reshape(V * (128 // D), D)
    flat = _gather_planar_sc(table_lin, idx_t, B, L)
    l6 = flat.reshape(L, D // 8, B // 128, 8, 128)
    return l6.transpose(2, 4, 0, 1, 3).reshape(B, L, D)

# --- scband reference (transcript-rebuilt; emitter-appended) ---
"""Pipeline reference for scband-word-embeddings-47674136986122 (READ-ONLY COPY).

The authoritative reference and input builder live on the scoring server;
editing this copy changes nothing except your own understanding.
"""

import jax, jax.numpy as jnp
import numpy as np

VOCAB = 1000000
EMBED_DIM = 32
BATCH = 4096
SEQ_LEN = 200


def setup_inputs(seed: int = 0) -> dict:
    key = jax.random.key(seed)
    k1, k2 = jax.random.split(key)
    token_ids = jax.random.randint(k1, (BATCH, SEQ_LEN), 0, VOCAB, dtype=jnp.int32)
    # Learned parameter: the pretrained word-embedding table (row 0 is <PAD>, zeros)
    embedding_weights = jax.random.normal(k2, (VOCAB, EMBED_DIM), dtype=jnp.float32) * 0.02
    embedding_weights = embedding_weights.at[0].set(0.0)  # <PAD> row is zeros per from_text_file
    return {"token_ids": token_ids, "embedding_weights": embedding_weights}


def reference(token_ids, embedding_weights):
    # WordEmbeddings.forward: token ids -> embedding lookup (nn.Embedding gather)
    out = jnp.take(embedding_weights, token_ids, axis=0)  # [B, L, D]
    return out

if __name__ == "__main__":
    import jax
    _d = setup_inputs()
    print(jax.jit(kernel)(*tuple(_d.values())))

</pallas_src>

<mosaic_0001>
#map = affine_map<(d0, d1) -> (0, 0)>
#map1 = affine_map<(d0, d1) -> (0, 0, 0)>
module attributes {stable_mosaic.version = 14 : i64} {
  func.func @k(%arg0: i32, %arg1: i32, %arg2: memref<4000000x32xf32, #tpu.memory_space<hbm>>, %arg3: memref<32x200x128xi32, #tpu.memory_space<hbm>>, %arg4: memref<204800x128xf32, #tpu.memory_space<hbm>>, %arg5: memref<200x128xi32, #tpu.memory_space<vmem>>, %arg6: memref<256x32xf32, #tpu.memory_space<vmem>>, %arg7: memref<256x32xf32, #tpu.memory_space<vmem>>, %arg8: memref<256x32xf32, #tpu.memory_space<vmem>>, %arg9: memref<256x32xf32, #tpu.memory_space<vmem>>, %arg10: memref<32x257xf32, #tpu.memory_space<vmem>>, %arg11: memref<32x257xf32, #tpu.memory_space<vmem>>, %arg12: memref<32x257xf32, #tpu.memory_space<vmem>>, %arg13: memref<32x257xf32, #tpu.memory_space<vmem>>, %arg14: memref<!tpu.dma_semaphore, #tpu.memory_space<semaphore_mem>>, %arg15: memref<!tpu.dma_semaphore, #tpu.memory_space<semaphore_mem>>, %arg16: memref<!tpu.dma_semaphore, #tpu.memory_space<semaphore_mem>>, %arg17: memref<!tpu.dma_semaphore, #tpu.memory_space<semaphore_mem>>, %arg18: memref<!tpu.dma_semaphore, #tpu.memory_space<semaphore_mem>>, %arg19: memref<!tpu.dma_semaphore, #tpu.memory_space<semaphore_mem>>, %arg20: memref<!tpu.dma_semaphore, #tpu.memory_space<semaphore_mem>>, %arg21: memref<!tpu.dma_semaphore, #tpu.memory_space<semaphore_mem>>) attributes {dimension_semantics = [#tpu.dimension_semantics<core_parallel>, #tpu.dimension_semantics<subcore_parallel>], iteration_bounds = array<i64: 2, 16>, scalar_prefetch = 0 : i64, scratch_operands = 17 : i64, tpu.core_type = #tpu.core_type<sc_vector_subcore>, window_params = [{transform_indices = #map}, {transform_indices = #map1}, {transform_indices = #map}]} {
    %mul3A = arith.constant 2 : i32
    %mul3A_0 = arith.muli %arg1, %mul3A : i32
    %add3A = arith.addi %mul3A_0, %arg0 : i32
    %mul3A_1 = arith.constant 200 : i32
    %mul3A_2 = arith.muli %add3A, %mul3A_1 : i32
    "tpu.region"() ({
      %run_scoped3A = tpu.sem_alloc : memref<!tpu.dma_semaphore, #tpu.memory_space<semaphore_mem>>
      %dma_start3A_458 = arith.constant 0 : i32
      %dma_start3A_459 = arith.constant 0 : i32
      %dma_start3A_460 = tpu.memref_slice %arg3[%add3A, %dma_start3A_458, %dma_start3A_459] : memref<32x200x128xi32, #tpu.memory_space<hbm>> -> memref<1x200x128xi32, #tpu.memory_space<hbm>>
      %dma_start3A_461 = tpu.memref_squeeze %dma_start3A_460 : memref<1x200x128xi32, #tpu.memory_space<hbm>> -> memref<200x128xi32, #tpu.memory_space<hbm>>
      %dma_start3A_462 = arith.constant 0 : i32
      %dma_start3A_463 = arith.constant 0 : i32
      %dma_start3A_464 = tpu.memref_slice %arg3[%add3A, %dma_start3A_462, %dma_start3A_463] : memref<32x200x128xi32, #tpu.memory_space<hbm>> -> memref<1x200x128xi32, #tpu.memory_space<hbm>>
      %dma_start3A_465 = tpu.memref_squeeze %dma_start3A_464 : memref<1x200x128xi32, #tpu.memory_space<hbm>> -> memref<200x128xi32, #tpu.memory_space<hbm>>
      tpu.enqueue_dma source(%dma_start3A_465 : memref<200x128xi32, #tpu.memory_space<hbm>>) target(%arg5 : memref<200x128xi32, #tpu.memory_space<vmem>>) target_semaphore(%run_scoped3A : memref<!tpu.dma_semaphore, #tpu.memory_space<semaphore_mem>>)
      %dma_wait3A_466 = arith.constant 0 : i32
      %dma_wait3A_467 = arith.constant 0 : i32
      %dma_wait3A_468 = tpu.memref_slice %arg3[%add3A, %dma_wait3A_466, %dma_wait3A_467] : memref<32x200x128xi32, #tpu.memory_space<hbm>> -> memref<1x200x128xi32, #tpu.memory_space<hbm>>
      %dma_wait3A_469 = tpu.memref_squeeze %dma_wait3A_468 : memref<1x200x128xi32, #tpu.memory_space<hbm>> -> memref<200x128xi32, #tpu.memory_space<hbm>>
      %dma_wait3A_470 = arith.constant 0 : i32
      %dma_wait3A_471 = arith.constant 0 : i32
      %dma_wait3A_472 = tpu.memref_slice %arg3[%add3A, %dma_wait3A_470, %dma_wait3A_471] : memref<32x200x128xi32, #tpu.memory_space<hbm>> -> memref<1x200x128xi32, #tpu.memory_space<hbm>>
      %dma_wait3A_473 = tpu.memref_squeeze %dma_wait3A_472 : memref<1x200x128xi32, #tpu.memory_space<hbm>> -> memref<200x128xi32, #tpu.memory_space<hbm>>
      tpu.wait_dma2 semaphore(%run_scoped3A : memref<!tpu.dma_semaphore, #tpu.memory_space<semaphore_mem>>) src(%dma_wait3A_473 : memref<200x128xi32, #tpu.memory_space<hbm>>) dst(%arg5 : memref<200x128xi32, #tpu.memory_space<vmem>>)
      tpu.yield
    }) : () -> ()
    %iota3A = tpu.iota {dimensions = array<i32: 0>} : vector<16xi32>
    %add3A_3 = arith.constant 0 : i32
    %add3A_4 = vector.broadcast %add3A_3 : i32 to vector<16xi32>
    %add3A_5 = arith.addi %iota3A, %add3A_4 : vector<16xi32>
    %iota3A_6 = tpu.iota {dimensions = array<i32: 0>} : vector<16xi32>
    %add3A_7 = arith.constant 16 : i32
    %add3A_8 = vector.broadcast %add3A_7 : i32 to vector<16xi32>
    %add3A_9 = arith.addi %iota3A_6, %add3A_8 : vector<16xi32>
    %broadcast_in_dim3A = arith.constant 0 : i32
    %broadcast_in_dim3A_10 = vector.broadcast %broadcast_in_dim3A : i32 to vector<16xi32>
    %dma_start3A = arith.constant 0 : i32
    %dma_start3A_11 = arith.constant 0 : i32
    %dma_start3A_12 = arith.constant 0 : i32
    %dma_start3A_13 = tpu.memref_slice %arg6[%dma_start3A_11, %dma_start3A_12] : memref<256x32xf32, #tpu.memory_space<vmem>> -> memref<128x32xf32, #tpu.memory_space<vmem>>
    %dma_start3A_14 = arith.constant 0 : i32
    %dma_start3A_15 = tpu.memref_slice %arg5[%dma_start3A, %dma_start3A_14] : memref<200x128xi32, #tpu.memory_space<vmem>> -> memref<1x128xi32, #tpu.memory_space<vmem>>
    %dma_start3A_16 = tpu.memref_squeeze %dma_start3A_15 : memref<1x128xi32, #tpu.memory_space<vmem>> -> memref<128xi32, #tpu.memory_space<vmem>>
    %dma_start3A_17 = arith.constant 0 : i32
    %dma_start3A_18 = arith.constant 0 : i32
    %dma_start3A_19 = tpu.memref_slice %arg2[%dma_start3A_17, %dma_start3A_18] : memref<4000000x32xf32, #tpu.memory_space<hbm>> -> memref<4000000x32xf32, #tpu.memory_space<hbm>>
    tpu.enqueue_indirect_dma source(%dma_start3A_19 : memref<4000000x32xf32, #tpu.memory_space<hbm>>) target(%dma_start3A_13 : memref<128x32xf32, #tpu.memory_space<vmem>>) offsets(%dma_start3A_16 : memref<128xi32, #tpu.memory_space<vmem>>) semaphore(%arg14 : memref<!tpu.dma_semaphore, #tpu.memory_space<semaphore_mem>>)
    %dma_start3A_20 = arith.constant 1 : i32
    %dma_start3A_21 = arith.constant 128 : i32
    %dma_start3A_22 = arith.constant 0 : i32
    %dma_start3A_23 = tpu.memref_slice %arg6[%dma_start3A_21, %dma_start3A_22] : memref<256x32xf32, #tpu.memory_space<vmem>> -> memref<128x32xf32, #tpu.memory_space<vmem>>
    %dma_start3A_24 = arith.constant 0 : i32
    %dma_start3A_25 = tpu.memref_slice %arg5[%dma_start3A_20, %dma_start3A_24] : memref<200x128xi32, #tpu.memory_space<vmem>> -> memref<1x128xi32, #tpu.memory_space<vmem>>
    %dma_start3A_26 = tpu.memref_squeeze %dma_start3A_25 : memref<1x128xi32, #tpu.memory_space<vmem>> -> memref<128xi32, #tpu.memory_space<vmem>>
    %dma_start3A_27 = arith.constant 0 : i32
    %dma_start3A_28 = arith.constant 0 : i32
    %dma_start3A_29 = tpu.memref_slice %arg2[%dma_start3A_27, %dma_start3A_28] : memref<4000000x32xf32, #tpu.memory_space<hbm>> -> memref<4000000x32xf32, #tpu.memory_space<hbm>>
    tpu.enqueue_indirect_dma source(%dma_start3A_29 : memref<4000000x32xf32, #tpu.memory_space<hbm>>) target(%dma_start3A_23 : memref<128x32xf32, #tpu.memory_space<vmem>>) offsets(%dma_start3A_26 : memref<128xi32, #tpu.memory_space<vmem>>) semaphore(%arg14 : memref<!tpu.dma_semaphore, #tpu.memory_space<semaphore_mem>>)
    %dma_start3A_30 = arith.constant 2 : i32
    %dma_start3A_31 = arith.constant 0 : i32
    %dma_start3A_32 = arith.constant 0 : i32
    %dma_start3A_33 = tpu.memref_slice %arg7[%dma_start3A_31, %dma_start3A_32] : memref<256x32xf32, #tpu.memory_space<vmem>> -> memref<128x32xf32, #tpu.memory_space<vmem>>
    %dma_start3A_34 = arith.constant 0 : i32
    %dma_start3A_35 = tpu.memref_slice %arg5[%dma_start3A_30, %dma_start3A_34] : memref<200x128xi32, #tpu.memory_space<vmem>> -> memref<1x128xi32, #tpu.memory_space<vmem>>
    %dma_start3A_36 = tpu.memref_squeeze %dma_start3A_35 : memref<1x128xi32, #tpu.memory_space<vmem>> -> memref<128xi32, #tpu.memory_space<vmem>>
    %dma_start3A_37 = arith.constant 0 : i32
    %dma_start3A_38 = arith.constant 0 : i32
    %dma_start3A_39 = tpu.memref_slice %arg2[%dma_start3A_37, %dma_start3A_38] : memref<4000000x32xf32, #tpu.memory_space<hbm>> -> memref<4000000x32xf32, #tpu.memory_space<hbm>>
    tpu.enqueue_indirect_dma source(%dma_start3A_39 : memref<4000000x32xf32, #tpu.memory_space<hbm>>) target(%dma_start3A_33 : memref<128x32xf32, #tpu.memory_space<vmem>>) offsets(%dma_start3A_36 : memref<128xi32, #tpu.memory_space<vmem>>) semaphore(%arg15 : memref<!tpu.dma_semaphore, #tpu.memory_space<semaphore_mem>>)
    %dma_start3A_40 = arith.constant 3 : i32
    %dma_start3A_41 = arith.constant 128 : i32
    %dma_start3A_42 = arith.constant 0 : i32
    %dma_start3A_43 = tpu.memref_slice %arg7[%dma_start3A_41, %dma_start3A_42] : memref<256x32xf32, #tpu.memory_space<vmem>> -> memref<128x32xf32, #tpu.memory_space<vmem>>
    %dma_start3A_44 = arith.constant 0 : i32
    %dma_start3A_45 = tpu.memref_slice %arg5[%dma_start3A_40, %dma_start3A_44] : memref<200x128xi32, #tpu.memory_space<vmem>> -> memref<1x128xi32, #tpu.memory_space<vmem>>
    %dma_start3A_46 = tpu.memref_squeeze %dma_start3A_45 : memref<1x128xi32, #tpu.memory_space<vmem>> -> memref<128xi32, #tpu.memory_space<vmem>>
    %dma_start3A_47 = arith.constant 0 : i32
    %dma_start3A_48 = arith.constant 0 : i32
    %dma_start3A_49 = tpu.memref_slice %arg2[%dma_start3A_47, %dma_start3A_48] : memref<4000000x32xf32, #tpu.memory_space<hbm>> -> memref<4000000x32xf32, #tpu.memory_space<hbm>>
    tpu.enqueue_indirect_dma source(%dma_start3A_49 : memref<4000000x32xf32, #tpu.memory_space<hbm>>) target(%dma_start3A_43 : memref<128x32xf32, #tpu.memory_space<vmem>>) offsets(%dma_start3A_46 : memref<128xi32, #tpu.memory_space<vmem>>) semaphore(%arg15 : memref<!tpu.dma_semaphore, #tpu.memory_space<semaphore_mem>>)
    %dma_start3A_50 = arith.constant 4 : i32
    %dma_start3A_51 = arith.constant 0 : i32
    %dma_start3A_52 = arith.constant 0 : i32
    %dma_start3A_53 = tpu.memref_slice %arg8[%dma_start3A_51, %dma_start3A_52] : memref<256x32xf32, #tpu.memory_space<vmem>> -> memref<128x32xf32, #tpu.memory_space<vmem>>
    %dma_start3A_54 = arith.constant 0 : i32
    %dma_start3A_55 = tpu.memref_slice %arg5[%dma_start3A_50, %dma_start3A_54] : memref<200x128xi32, #tpu.memory_space<vmem>> -> memref<1x128xi32, #tpu.memory_space<vmem>>
    %dma_start3A_56 = tpu.memref_squeeze %dma_start3A_55 : memref<1x128xi32, #tpu.memory_space<vmem>> -> memref<128xi32, #tpu.memory_space<vmem>>
    %dma_start3A_57 = arith.constant 0 : i32
    %dma_start3A_58 = arith.constant 0 : i32
    %dma_start3A_59 = tpu.memref_slice %arg2[%dma_start3A_57, %dma_start3A_58] : memref<4000000x32xf32, #tpu.memory_space<hbm>> -> memref<4000000x32xf32, #tpu.memory_space<hbm>>
    tpu.enqueue_indirect_dma source(%dma_start3A_59 : memref<4000000x32xf32, #tpu.memory_space<hbm>>) target(%dma_start3A_53 : memref<128x32xf32, #tpu.memory_space<vmem>>) offsets(%dma_start3A_56 : memref<128xi32, #tpu.memory_space<vmem>>) semaphore(%arg16 : memref<!tpu.dma_semaphore, #tpu.memory_space<semaphore_mem>>)
    %dma_start3A_60 = arith.constant 5 : i32
    %dma_start3A_61 = arith.constant 128 : i32
    %dma_start3A_62 = arith.constant 0 : i32
    %dma_start3A_63 = tpu.memref_slice %arg8[%dma_start3A_61, %dma_start3A_62] : memref<256x32xf32, #tpu.memory_space<vmem>> -> memref<128x32xf32, #tpu.memory_space<vmem>>
    %dma_start3A_64 = arith.constant 0 : i32
    %dma_start3A_65 = tpu.memref_slice %arg5[%dma_start3A_60, %dma_start3A_64] : memref<200x128xi32, #tpu.memory_space<vmem>> -> memref<1x128xi32, #tpu.memory_space<vmem>>
    %dma_start3A_66 = tpu.memref_squeeze %dma_start3A_65 : memref<1x128xi32, #tpu.memory_space<vmem>> -> memref<128xi32, #tpu.memory_space<vmem>>
    %dma_start3A_67 = arith.constant 0 : i32
    %dma_start3A_68 = arith.constant 0 : i32
    %dma_start3A_69 = tpu.memref_slice %arg2[%dma_start3A_67, %dma_start3A_68] : memref<4000000x32xf32, #tpu.memory_space<hbm>> -> memref<4000000x32xf32, #tpu.memory_space<hbm>>
    tpu.enqueue_indirect_dma source(%dma_start3A_69 : memref<4000000x32xf32, #tpu.memory_space<hbm>>) target(%dma_start3A_63 : memref<128x32xf32, #tpu.memory_space<vmem>>) offsets(%dma_start3A_66 : memref<128xi32, #tpu.memory_space<vmem>>) semaphore(%arg16 : memref<!tpu.dma_semaphore, #tpu.memory_space<semaphore_mem>>)
    %scan3A = arith.constant 0 : i32
    %scan3A_70 = arith.constant 0 : i32
    %scan3A_71 = arith.constant 25 : i32
    %scan3A_72 = arith.addi %scan3A_70, %scan3A_71 : i32
    %scan3A_73 = arith.constant 1 : i32
    scf.for %scan3A_458 = %scan3A_70 to %scan3A_72 step %scan3A_73  : i32 {
      %mul3A_459 = arith.constant 4 : i32
      %mul3A_460 = arith.muli %mul3A_459, %scan3A_458 : i32
      %add3A_461 = arith.constant 0 : i32
      %add3A_462 = arith.addi %mul3A_460, %add3A_461 : i32
      %add3A_463 = arith.constant 4 : i32
      %add3A_464 = arith.addi %add3A_462, %add3A_463 : i32
      %sub3A = arith.constant 1 : i32
      %sub3A_465 = arith.subi %add3A_464, %sub3A : i32
      %mul3A_466 = arith.constant 2 : i32
      %mul3A_467 = arith.muli %mul3A_466, %sub3A_465 : i32
      %add3A_468 = arith.constant 0 : i32
      %add3A_469 = arith.addi %mul3A_467, %add3A_468 : i32
      %dma_start3A_470 = arith.constant 0 : i32
      %dma_start3A_471 = arith.constant 0 : i32
      %dma_start3A_472 = tpu.memref_slice %arg9[%dma_start3A_470, %dma_start3A_471] : memref<256x32xf32, #tpu.memory_space<vmem>> -> memref<128x32xf32, #tpu.memory_space<vmem>>
      %dma_start3A_473 = arith.constant 0 : i32
      %dma_start3A_474 = tpu.memref_slice %arg5[%add3A_469, %dma_start3A_473] : memref<200x128xi32, #tpu.memory_space<vmem>> -> memref<1x128xi32, #tpu.memory_space<vmem>>
      %dma_start3A_475 = tpu.memref_squeeze %dma_start3A_474 : memref<1x128xi32, #tpu.memory_space<vmem>> -> memref<128xi32, #tpu.memory_space<vmem>>
      %dma_start3A_476 = arith.constant 0 : i32
      %dma_start3A_477 = arith.constant 0 : i32
      %dma_start3A_478 = tpu.memref_slice %arg2[%dma_start3A_476, %dma_start3A_477] : memref<4000000x32xf32, #tpu.memory_space<hbm>> -> memref<4000000x32xf32, #tpu.memory_space<hbm>>
      tpu.enqueue_indirect_dma source(%dma_start3A_478 : memref<4000000x32xf32, #tpu.memory_space<hbm>>) target(%dma_start3A_472 : memref<128x32xf32, #tpu.memory_space<vmem>>) offsets(%dma_start3A_475 : memref<128xi32, #tpu.memory_space<vmem>>) semaphore(%arg17 : memref<!tpu.dma_semaphore, #tpu.memory_space<semaphore_mem>>)
      %mul3A_479 = arith.constant 2 : i32
      %mul3A_480 = arith.muli %mul3A_479, %sub3A_465 : i32
      %add3A_481 = arith.constant 1 : i32
      %add3A_482 = arith.addi %mul3A_480, %add3A_481 : i32
      %dma_start3A_483 = arith.constant 128 : i32
      %dma_start3A_484 = arith.constant 0 : i32
      %dma_start3A_485 = tpu.memref_slice %arg9[%dma_start3A_483, %dma_start3A_484] : memref<256x32xf32, #tpu.memory_space<vmem>> -> memref<128x32xf32, #tpu.memory_space<vmem>>
      %dma_start3A_486 = arith.constant 0 : i32
      %dma_start3A_487 = tpu.memref_slice %arg5[%add3A_482, %dma_start3A_486] : memref<200x128xi32, #tpu.memory_space<vmem>> -> memref<1x128xi32, #tpu.memory_space<vmem>>
      %dma_start3A_488 = tpu.memref_squeeze %dma_start3A_487 : memref<1x128xi32, #tpu.memory_space<vmem>> -> memref<128xi32, #tpu.memory_space<vmem>>
      %dma_start3A_489 = arith.constant 0 : i32
      %dma_start3A_490 = arith.constant 0 : i32
      %dma_start3A_491 = tpu.memref_slice %arg2[%dma_start3A_489, %dma_start3A_490] : memref<4000000x32xf32, #tpu.memory_space<hbm>> -> memref<4000000x32xf32, #tpu.memory_space<hbm>>
      tpu.enqueue_indirect_dma source(%dma_start3A_491 : memref<4000000x32xf32, #tpu.memory_space<hbm>>) target(%dma_start3A_485 : memref<128x32xf32, #tpu.memory_space<vmem>>) offsets(%dma_start3A_488 : memref<128xi32, #tpu.memory_space<vmem>>) semaphore(%arg17 : memref<!tpu.dma_semaphore, #tpu.memory_space<semaphore_mem>>)
      %dma_wait3A_492 = arith.constant 0 : i32
      %dma_wait3A_493 = arith.constant 0 : i32
      %dma_wait3A_494 = tpu.memref_slice %arg2[%dma_wait3A_492, %dma_wait3A_493] : memref<4000000x32xf32, #tpu.memory_space<hbm>> -> memref<256x32xf32, #tpu.memory_space<hbm>>
      %dma_wait3A_495 = arith.constant 0 : i32
      %dma_wait3A_496 = arith.constant 0 : i32
      %dma_wait3A_497 = tpu.memref_slice %arg2[%dma_wait3A_495, %dma_wait3A_496] : memref<4000000x32xf32, #tpu.memory_space<hbm>> -> memref<256x32xf32, #tpu.memory_space<hbm>>
      tpu.wait_dma2 semaphore(%arg14 : memref<!tpu.dma_semaphore, #tpu.memory_space<semaphore_mem>>) src(%dma_wait3A_497 : memref<256x32xf32, #tpu.memory_space<hbm>>) dst(%arg6 : memref<256x32xf32, #tpu.memory_space<vmem>>)
      %ge3A = arith.constant 1 : i32
      %ge3A_498 = arith.cmpi sge, %scan3A_458, %ge3A : i32
      %convert_element_type3A = arith.extui %ge3A_498 : i1 to i32
      %cond3A = arith.constant 0 : i32
      %cond3A_499 = arith.cmpi ne, %convert_element_type3A, %cond3A : i32
      scf.if %cond3A_499 {
        %dma_wait3A_1164 = arith.constant 0 : i32
        %dma_wait3A_1165 = arith.constant 0 : i32
        %dma_wait3A_1166 = tpu.memref_slice %arg10[%dma_wait3A_1164, %dma_wait3A_1165] : memref<32x257xf32, #tpu.memory_space<vmem>> -> memref<8x128xf32, #tpu.memory_space<vmem>>
        %dma_wait3A_1167 = arith.constant 0 : i32
        %dma_wait3A_1168 = arith.constant 0 : i32
        %dma_wait3A_1169 = tpu.memref_slice %arg4[%dma_wait3A_1167, %dma_wait3A_1168] : memref<204800x128xf32, #tpu.memory_space<hbm>> -> memref<8x128xf32, #tpu.memory_space<hbm>>
        %dma_wait3A_1170 = arith.constant 0 : i32
        %dma_wait3A_1171 = arith.constant 0 : i32
        %dma_wait3A_1172 = tpu.memref_slice %arg10[%dma_wait3A_1170, %dma_wait3A_1171] : memref<32x257xf32, #tpu.memory_space<vmem>> -> memref<8x128xf32, #tpu.memory_space<vmem>>
        %dma_wait3A_1173 = arith.constant 0 : i32
        %dma_wait3A_1174 = arith.constant 0 : i32
        %dma_wait3A_1175 = tpu.memref_slice %arg4[%dma_wait3A_1173, %dma_wait3A_1174] : memref<204800x128xf32, #tpu.memory_space<hbm>> -> memref<8x128xf32, #tpu.memory_space<hbm>>
        tpu.wait_dma2 semaphore(%arg18 : memref<!tpu.dma_semaphore, #tpu.memory_space<semaphore_mem>>) src(%dma_wait3A_1175 : memref<8x128xf32, #tpu.memory_space<hbm>>) dst(%dma_wait3A_1172 : memref<8x128xf32, #tpu.memory_space<vmem>>)
        %dma_wait3A_1176 = arith.constant 0 : i32
        %dma_wait3A_1177 = arith.constant 0 : i32
        %dma_wait3A_1178 = tpu.memref_slice %arg10[%dma_wait3A_1176, %dma_wait3A_1177] : memref<32x257xf32, #tpu.memory_space<vmem>> -> memref<8x128xf32, #tpu.memory_space<vmem>>
        %dma_wait3A_1179 = arith.constant 0 : i32
        %dma_wait3A_1180 = arith.constant 0 : i32
        %dma_wait3A_1181 = tpu.memref_slice %arg4[%dma_wait3A_1179, %dma_wait3A_1180] : memref<204800x128xf32, #tpu.memory_space<hbm>> -> memref<8x128xf32, #tpu.memory_space<hbm>>
        %dma_wait3A_1182 = arith.constant 0 : i32
        %dma_wait3A_1183 = arith.constant 0 : i32
        %dma_wait3A_1184 = tpu.memref_slice %arg10[%dma_wait3A_1182, %dma_wait3A_1183] : memref<32x257xf32, #tpu.memory_space<vmem>> -> memref<8x128xf32, #tpu.memory_space<vmem>>
        %dma_wait3A_1185 = arith.constant 0 : i32
        %dma_wait3A_1186 = arith.constant 0 : i32
        %dma_wait3A_1187 = tpu.memref_slice %arg4[%dma_wait3A_1185, %dma_wait3A_1186] : memref<204800x128xf32, #tpu.memory_space<hbm>> -> memref<8x128xf32, #tpu.memory_space<hbm>>
        tpu.wait_dma2 semaphore(%arg18 : memref<!tpu.dma_semaphore, #tpu.memory_space<semaphore_mem>>) src(%dma_wait3A_1187 : memref<8x128xf32, #tpu.memory_space<hbm>>) dst(%dma_wait3A_1184 : memref<8x128xf32, #tpu.memory_space<vmem>>)
        %dma_wait3A_1188 = arith.constant 0 : i32
        %dma_wait3A_1189 = arith.constant 0 : i32
        %dma_wait3A_1190 = tpu.memref_slice %arg10[%dma_wait3A_1188, %dma_wait3A_1189] : memref<32x257xf32, #tpu.memory_space<vmem>> -> memref<8x128xf32, #tpu.memory_space<vmem>>
        %dma_wait3A_1191 = arith.constant 0 : i32
        %dma_wait3A_1192 = arith.constant 0 : i32
        %dma_wait3A_1193 = tpu.memref_slice %arg4[%dma_wait3A_1191, %dma_wait3A_1192] : memref<204800x128xf32, #tpu.memory_space<hbm>> -> memref<8x128xf32, #tpu.memory_space<hbm>>
        %dma_wait3A_1194 = arith.constant 0 : i32
        %dma_wait3A_1195 = arith.constant 0 : i32
        %dma_wait3A_1196 = tpu.memref_slice %arg10[%dma_wait3A_1194, %dma_wait3A_1195] : memref<32x257xf32, #tpu.memory_space<vmem>> -> memref<8x128xf32, #tpu.memory_space<vmem>>
        %dma_wait3A_1197 = arith.constant 0 : i32
        %dma_wait3A_1198 = arith.constant 0 : i32
        %dma_wait3A_1199 = tpu.memref_slice %arg4[%dma_wait3A_1197, %dma_wait3A_1198] : memref<204800x128xf32, #tpu.memory_space<hbm>> -> memref<8x128xf32, #tpu.memory_space<hbm>>
        tpu.wait_dma2 semaphore(%arg18 : memref<!tpu.dma_semaphore, #tpu.memory_space<semaphore_mem>>) src(%dma_wait3A_1199 : memref<8x128xf32, #tpu.memory_space<hbm>>) dst(%dma_wait3A_1196 : memref<8x128xf32, #tpu.memory_space<vmem>>)
        %dma_wait3A_1200 = arith.constant 0 : i32
        %dma_wait3A_1201 = arith.constant 0 : i32
        %dma_wait3A_1202 = tpu.memref_slice %arg10[%dma_wait3A_1200, %dma_wait3A_1201] : memref<32x257xf32, #tpu.memory_space<vmem>> -> memref<8x128xf32, #tpu.memory_space<vmem>>
        %dma_wait3A_1203 = arith.constant 0 : i32
        %dma_wait3A_1204 = arith.constant 0 : i32
        %dma_wait3A_1205 = tpu.memref_slice %arg4[%dma_wait3A_1203, %dma_wait3A_1204] : memref<204800x128xf32, #tpu.memory_space<hbm>> -> memref<8x128xf32, #tpu.memory_space<hbm>>
        %dma_wait3A_1206 = arith.constant 0 : i32
        %dma_wait3A_1207 = arith.constant 0 : i32
        %dma_wait3A_1208 = tpu.memref_slice %arg10[%dma_wait3A_1206, %dma_wait3A_1207] : memref<32x257xf32, #tpu.memory_space<vmem>> -> memref<8x128xf32, #tpu.memory_space<vmem>>
        %dma_wait3A_1209 = arith.constant 0 : i32
        %dma_wait3A_1210 = arith.constant 0 : i32
        %dma_wait3A_1211 = tpu.memref_slice %arg4[%dma_wait3A_1209, %dma_wait3A_1210] : memref<204800x128xf32, #tpu.memory_space<hbm>> -> memref<8x128xf32, #tpu.memory_space<hbm>>
        tpu.wait_dma2 semaphore(%arg18 : memref<!tpu.dma_semaphore, #tpu.memory_space<semaphore_mem>>) src(%dma_wait3A_1211 : memref<8x128xf32, #tpu.memory_space<hbm>>) dst(%dma_wait3A_1208 : memref<8x128xf32, #tpu.memory_space<vmem>>)
        %dma_wait3A_1212 = arith.constant 0 : i32
        %dma_wait3A_1213 = arith.constant 0 : i32
        %dma_wait3A_1214 = tpu.memref_slice %arg10[%dma_wait3A_1212, %dma_wait3A_1213] : memref<32x257xf32, #tpu.memory_space<vmem>> -> memref<8x128xf32, #tpu.memory_space<vmem>>
        %dma_wait3A_1215 = arith.constant 0 : i32
        %dma_wait3A_1216 = arith.constant 0 : i32
        %dma_wait3A_1217 = tpu.memref_slice %arg4[%dma_wait3A_1215, %dma_wait3A_1216] : memref<204800x128xf32, #tpu.memory_space<hbm>> -> memref<8x128xf32, #tpu.memory_space<hbm>>
        %dma_wait3A_1218 = arith.constant 0 : i32
        %dma_wait3A_1219 = arith.constant 0 : i32
        %dma_wait3A_1220 = tpu.memref_slice %arg10[%dma_wait3A_1218, %dma_wait3A_1219] : memref<32x257xf32, #tpu.memory_space<vmem>> -> memref<8x128xf32, #tpu.memory_space<vmem>>
        %dma_wait3A_1221 = arith.constant 0 : i32
        %dma_wait3A_1222 = arith.constant 0 : i32
        %dma_wait3A_1223 = tpu.memref_slice %arg4[%dma_wait3A_1221, %dma_wait3A_1222] : memref<204800x128xf32, #tpu.memory_space<hbm>> -> memref<8x128xf32, #tpu.memory_space<hbm>>
        tpu.wait_dma2 semaphore(%arg18 : memref<!tpu.dma_semaphore, #tpu.memory_space<semaphore_mem>>) src(%dma_wait3A_1223 : memref<8x128xf32, #tpu.memory_space<hbm>>) dst(%dma_wait3A_1220 : memref<8x128xf32, #tpu.memory_space<vmem>>)
        %dma_wait3A_1224 = arith.constant 0 : i32
        %dma_wait3A_1225 = arith.constant 0 : i32
        %dma_wait3A_1226 = tpu.memref_slice %arg10[%dma_wait3A_1224, %dma_wait3A_1225] : memref<32x257xf32, #tpu.memory_space<vmem>> -> memref<8x128xf32, #tpu.memory_space<vmem>>
        %dma_wait3A_1227 = arith.constant 0 : i32
        %dma_wait3A_1228 = arith.constant 0 : i32
        %dma_wait3A_1229 = tpu.memref_slice %arg4[%dma_wait3A_1227, %dma_wait3A_1228] : memref<204800x128xf32, #tpu.memory_space<hbm>> -> memref<8x128xf32, #tpu.memory_space<hbm>>
        %dma_wait3A_1230 = arith.constant 0 : i32
        %dma_wait3A_1231 = arith.constant 0 : i32
        %dma_wait3A_1232 = tpu.memref_slice %arg10[%dma_wait3A_1230, %dma_wait3A_1231] : memref<32x257xf32, #tpu.memory_space<vmem>> -> memref<8x128xf32, #tpu.memory_space<vmem>>
        %dma_wait3A_1233 = arith.constant 0 : i32
        %dma_wait3A_1234 = arith.constant 0 : i32
        %dma_wait3A_1235 = tpu.memref_slice %arg4[%dma_wait3A_1233, %dma_wait3A_1234] : memref<204800x128xf32, #tpu.memory_space<hbm>> -> memref<8x128xf32, #tpu.memory_space<hbm>>
        tpu.wait_dma2 semaphore(%arg18 : memref<!tpu.dma_semaphore, #tpu.memory_space<semaphore_mem>>) src(%dma_wait3A_1235 : memref<8x128xf32, #tpu.memory_space<hbm>>) dst(%dma_wait3A_1232 : memref<8x128xf32, #tpu.memory_space<vmem>>)
        %dma_wait3A_1236 = arith.constant 0 : i32
        %dma_wait3A_1237 = arith.constant 0 : i32
        %dma_wait3A_1238 = tpu.memref_slice %arg10[%dma_wait3A_1236, %dma_wait3A_1237] : memref<32x257xf32, #tpu.memory_space<vmem>> -> memref<8x128xf32, #tpu.memory_space<vmem>>
        %dma_wait3A_1239 = arith.constant 0 : i32
        %dma_wait3A_1240 = arith.constant 0 : i32
        %dma_wait3A_1241 = tpu.memref_slice %arg4[%dma_wait3A_1239, %dma_wait3A_1240] : memref<204800x128xf32, #tpu.memory_space<hbm>> -> memref<8x128xf32, #tpu.memory_space<hbm>>
        %dma_wait3A_1242 = arith.constant 0 : i32
        %dma_wait3A_1243 = arith.constant 0 : i32
        %dma_wait3A_1244 = tpu.memref_slice %arg10[%dma_wait3A_1242, %dma_wait3A_1243] : memref<32x257xf32, #tpu.memory_space<vmem>> -> memref<8x128xf32, #tpu.memory_space<vmem>>
        %dma_wait3A_1245 = arith.constant 0 : i32
        %dma_wait3A_1246 = arith.constant 0 : i32
        %dma_wait3A_1247 = tpu.memref_slice %arg4[%dma_wait3A_1245, %dma_wait3A_1246] : memref<204800x128xf32, #tpu.memory_space<hbm>> -> memref<8x128xf32, #tpu.memory_space<hbm>>
        tpu.wait_dma2 semaphore(%arg18 : memref<!tpu.dma_semaphore, #tpu.memory_space<semaphore_mem>>) src(%dma_wait3A_1247 : memref<8x128xf32, #tpu.memory_space<hbm>>) dst(%dma_wait3A_1244 : memref<8x128xf32, #tpu.memory_space<vmem>>)
        %dma_wait3A_1248 = arith.constant 0 : i32
        %dma_wait3A_1249 = arith.constant 0 : i32
        %dma_wait3A_1250 = tpu.memref_slice %arg10[%dma_wait3A_1248, %dma_wait3A_1249] : memref<32x257xf32, #tpu.memory_space<vmem>> -> memref<8x128xf32, #tpu.memory_space<vmem>>
        %dma_wait3A_1251 = arith.constant 0 : i32
        %dma_wait3A_1252 = arith.constant 0 : i32
        %dma_wait3A_1253 = tpu.memref_slice %arg4[%dma_wait3A_1251, %dma_wait3A_1252] : memref<204800x128xf32, #tpu.memory_space<hbm>> -> memref<8x128xf32, #tpu.memory_space<hbm>>
        %dma_wait3A_1254 = arith.constant 0 : i32
        %dma_wait3A_1255 = arith.constant 0 : i32
        %dma_wait3A_1256 = tpu.memref_slice %arg10[%dma_wait3A_1254, %dma_wait3A_1255] : memref<32x257xf32, #tpu.memory_space<vmem>> -> memref<8x128xf32, #tpu.memory_space<vmem>>
        %dma_wait3A_1257 = arith.constant 0 : i32
        %dma_wait3A_1258 = arith.constant 0 : i32
        %dma_wait3A_1259 = tpu.memref_slice %arg4[%dma_wait3A_1257, %dma_wait3A_1258] : memref<204800x128xf32, #tpu.memory_space<hbm>> -> memref<8x128xf32, #tpu.memory_space<hbm>>
        tpu.wait_dma2 semaphore(%arg18 : memref<!tpu.dma_semaphore, #tpu.memory_space<semaphore_mem>>) src(%dma_wait3A_1259 : memref<8x128xf32, #tpu.memory_space<hbm>>) dst(%dma_wait3A_1256 : memref<8x128xf32, #tpu.memory_space<vmem>>)
      } else {
      }
      %scan3A_500 = arith.constant 0 : i32
      %scan3A_501 = arith.constant 0 : i32
      %scan3A_502 = arith.constant 32 : i32
      %scan3A_503 = arith.addi %scan3A_501, %scan3A_502 : i32
      %scan3A_504 = arith.constant 1 : i32
      scf.for %scan3A_1164 = %scan3A_501 to %scan3A_503 step %scan3A_504  : i32 {
        %mul3A_1165 = arith.constant 8 : i32
        %mul3A_1166 = arith.muli %scan3A_1164, %mul3A_1165 : i32
        %add3A_1167 = arith.constant 0 : i32
        %add3A_1168 = arith.addi %mul3A_1166, %add3A_1167 : i32
        %add3A_1169 = vector.broadcast %add3A_1168 : i32 to vector<16xi32>
        %add3A_1170 = arith.addi %broadcast_in_dim3A_10, %add3A_1169 : vector<16xi32>
        %get3A = arith.index_cast %add3A_1168 : i32 to index
        %get3A_1171 = arith.constant 0 : index
        %get3A_1172 = tpu.vector_load %arg6[%get3A, %get3A_1171] {strides = array<i32>} : memref<256x32xf32, #tpu.memory_space<vmem>>, vector<16xf32>,
        tpu.vector_store_idx %arg10[%add3A_5, %add3A_1170], %get3A_1172 : memref<32x257xf32, #tpu.memory_space<vmem>>[vector<16xi32>, vector<16xi32>], vector<16xf32>,
        %get3A_1173 = arith.index_cast %add3A_1168 : i32 to index
        %get3A_1174 = arith.constant 16 : index
        %get3A_1175 = tpu.vector_load %arg6[%get3A_1173, %get3A_1174] {strides = array<i32>} : memref<256x32xf32, #tpu.memory_space<vmem>>, vector<16xf32>,
        tpu.vector_store_idx %arg10[%add3A_9, %add3A_1170], %get3A_1175 : memref<32x257xf32, #tpu.memory_space<vmem>>[vector<16xi32>, vector<16xi32>], vector<16xf32>,
        %mul3A_1176 = arith.constant 8 : i32
        %mul3A_1177 = arith.muli %scan3A_1164, %mul3A_1176 : i32
        %add3A_1178 = arith.constant 1 : i32
        %add3A_1179 = arith.addi %mul3A_1177, %add3A_1178 : i32
        %add3A_1180 = vector.broadcast %add3A_1179 : i32 to vector<16xi32>
        %add3A_1181 = arith.addi %broadcast_in_dim3A_10, %add3A_1180 : vector<16xi32>
        %get3A_1182 = arith.index_cast %add3A_1179 : i32 to index
        %get3A_1183 = arith.constant 0 : index
        %get3A_1184 = tpu.vector_load %arg6[%get3A_1182, %get3A_1183] {strides = array<i32>} : memref<256x32xf32, #tpu.memory_space<vmem>>, vector<16xf32>,
        tpu.vector_store_idx %arg10[%add3A_5, %add3A_1181], %get3A_1184 : memref<32x257xf32, #tpu.memory_space<vmem>>[vector<16xi32>, vector<16xi32>], vector<16xf32>,
        %get3A_1185 = arith.index_cast %add3A_1179 : i32 to index
        %get3A_1186 = arith.constant 16 : index
        %get3A_1187 = tpu.vector_load %arg6[%get3A_1185, %get3A_1186] {strides = array<i32>} : memref<256x32xf32, #tpu.memory_space<vmem>>, vector<16xf32>,
        tpu.vector_store_idx %arg10[%add3A_9, %add3A_1181], %get3A_1187 : memref<32x257xf32, #tpu.memory_space<vmem>>[vector<16xi32>, vector<16xi32>], vector<16xf32>,
        %mul3A_1188 = arith.constant 8 : i32
        %mul3A_1189 = arith.muli %scan3A_1164, %mul3A_1188 : i32
        %add3A_1190 = arith.constant 2 : i32
        %add3A_1191 = arith.addi %mul3A_1189, %add3A_1190 : i32
        %add3A_1192 = vector.broadcast %add3A_1191 : i32 to vector<16xi32>
        %add3A_1193 = arith.addi %broadcast_in_dim3A_10, %add3A_1192 : vector<16xi32>
        %get3A_1194 = arith.index_cast %add3A_1191 : i32 to index
        %get3A_1195 = arith.constant 0 : index
        %get3A_1196 = tpu.vector_load %arg6[%get3A_1194, %get3A_1195] {strides = array<i32>} : memref<256x32xf32, #tpu.memory_space<vmem>>, vector<16xf32>,
        tpu.vector_store_idx %arg10[%add3A_5, %add3A_1193], %get3A_1196 : memref<32x257xf32, #tpu.memory_space<vmem>>[vector<16xi32>, vector<16xi32>], vector<16xf32>,
        %get3A_1197 = arith.index_cast %add3A_1191 : i32 to index
        %get3A_1198 = arith.constant 16 : index
        %get3A_1199 = tpu.vector_load %arg6[%get3A_1197, %get3A_1198] {strides = array<i32>} : memref<256x32xf32, #tpu.memory_space<vmem>>, vector<16xf32>,
        tpu.vector_store_idx %arg10[%add3A_9, %add3A_1193], %get3A_1199 : memref<32x257xf32, #tpu.memory_space<vmem>>[vector<16xi32>, vector<16xi32>], vector<16xf32>,
        %mul3A_1200 = arith.constant 8 : i32
        %mul3A_1201 = arith.muli %scan3A_1164, %mul3A_1200 : i32
        %add3A_1202 = arith.constant 3 : i32
        %add3A_1203 = arith.addi %mul3A_1201, %add3A_1202 : i32
        %add3A_1204 = vector.broadcast %add3A_1203 : i32 to vector<16xi32>
        %add3A_1205 = arith.addi %broadcast_in_dim3A_10, %add3A_1204 : vector<16xi32>
        %get3A_1206 = arith.index_cast %add3A_1203 : i32 to index
        %get3A_1207 = arith.constant 0 : index
        %get3A_1208 = tpu.vector_load %arg6[%get3A_1206, %get3A_1207] {strides = array<i32>} : memref<256x32xf32, #tpu.memory_space<vmem>>, vector<16xf32>,
        tpu.vector_store_idx %arg10[%add3A_5, %add3A_1205], %get3A_1208 : memref<32x257xf32, #tpu.memory_space<vmem>>[vector<16xi32>, vector<16xi32>], vector<16xf32>,
        %get3A_1209 = arith.index_cast %add3A_1203 : i32 to index
        %get3A_1210 = arith.constant 16 : index
        %get3A_1211 = tpu.vector_load %arg6[%get3A_1209, %get3A_1210] {strides = array<i32>} : memref<256x32xf32, #tpu.memory_space<vmem>>, vector<16xf32>,
        tpu.vector_store_idx %arg10[%add3A_9, %add3A_1205], %get3A_1211 : memref<32x257xf32, #tpu.memory_space<vmem>>[vector<16xi32>, vector<16xi32>], vector<16xf32>,
        %mul3A_1212 = arith.constant 8 : i32
        %mul3A_1213 = arith.muli %scan3A_1164, %mul3A_1212 : i32
        %add3A_1214 = arith.constant 4 : i32
        %add3A_1215 = arith.addi %mul3A_1213, %add3A_1214 : i32
        %add3A_1216 = vector.broadcast %add3A_1215 : i32 to vector<16xi32>
        %add3A_1217 = arith.addi %broadcast_in_dim3A_10, %add3A_1216 : vector<16xi32>
        %get3A_1218 = arith.index_cast %add3A_1215 : i32 to index
        %get3A_1219 = arith.constant 0 : index
        %get3A_1220 = tpu.vector_load %arg6[%get3A_1218, %get3A_1219] {strides = array<i32>} : memref<256x32xf32, #tpu.memory_space<vmem>>, vector<16xf32>,
        tpu.vector_store_idx %arg10[%add3A_5, %add3A_1217], %get3A_1220 : memref<32x257xf32, #tpu.memory_space<vmem>>[vector<16xi32>, vector<16xi32>], vector<16xf32>,
        %get3A_1221 = arith.index_cast %add3A_1215 : i32 to index
        %get3A_1222 = arith.constant 16 : index
        %get3A_1223 = tpu.vector_load %arg6[%get3A_1221, %get3A_1222] {strides = array<i32>} : memref<256x32xf32, #tpu.memory_space<vmem>>, vector<16xf32>,
        tpu.vector_store_idx %arg10[%add3A_9, %add3A_1217], %get3A_1223 : memref<32x257xf32, #tpu.memory_space<vmem>>[vector<16xi32>, vector<16xi32>], vector<16xf32>,
        %mul3A_1224 = arith.constant 8 : i32
        %mul3A_1225 = arith.muli %scan3A_1164, %mul3A_1224 : i32
        %add3A_1226 = arith.constant 5 : i32
        %add3A_1227 = arith.addi %mul3A_1225, %add3A_1226 : i32
        %add3A_1228 = vector.broadcast %add3A_1227 : i32 to vector<16xi32>
        %add3A_1229 = arith.addi %broadcast_in_dim3A_10, %add3A_1228 : vector<16xi32>
        %get3A_1230 = arith.index_cast %add3A_1227 : i32 to index
        %get3A_1231 = arith.constant 0 : index
        %get3A_1232 = tpu.vector_load %arg6[%get3A_1230, %get3A_1231] {strides = array<i32>} : memref<256x32xf32, #tpu.memory_space<vmem>>, vector<16xf32>,
        tpu.vector_store_idx %arg10[%add3A_5, %add3A_1229], %get3A_1232 : memref<32x257xf32, #tpu.memory_space<vmem>>[vector<16xi32>, vector<16xi32>], vector<16xf32>,
        %get3A_1233 = arith.index_cast %add3A_1227 : i32 to index
        %get3A_1234 = arith.constant 16 : index
        %get3A_1235 = tpu.vector_load %arg6[%get3A_1233, %get3A_1234] {strides = array<i32>} : memref<256x32xf32, #tpu.memory_space<vmem>>, vector<16xf32>,
        tpu.vector_store_idx %arg10[%add3A_9, %add3A_1229], %get3A_1235 : memref<32x257xf32, #tpu.memory_space<vmem>>[vector<16xi32>, vector<16xi32>], vector<16xf32>,
        %mul3A_1236 = arith.constant 8 : i32
        %mul3A_1237 = arith.muli %scan3A_1164, %mul3A_1236 : i32
        %add3A_1238 = arith.constant 6 : i32
        %add3A_1239 = arith.addi %mul3A_1237, %add3A_1238 : i32
        %add3A_1240 = vector.broadcast %add3A_1239 : i32 to vector<16xi32>
        %add3A_1241 = arith.addi %broadcast_in_dim3A_10, %add3A_1240 : vector<16xi32>
        %get3A_1242 = arith.index_cast %add3A_1239 : i32 to index
        %get3A_1243 = arith.constant 0 : index
        %get3A_1244 = tpu.vector_load %arg6[%get3A_1242, %get3A_1243] {strides = array<i32>} : memref<256x32xf32, #tpu.memory_space<vmem>>, vector<16xf32>,
        tpu.vector_store_idx %arg10[%add3A_5, %add3A_1241], %get3A_1244 : memref<32x257xf32, #tpu.memory_space<vmem>>[vector<16xi32>, vector<16xi32>], vector<16xf32>,
        %get3A_1245 = arith.index_cast %add3A_1239 : i32 to index
        %get3A_1246 = arith.constant 16 : index
        %get3A_1247 = tpu.vector_load %arg6[%get3A_1245, %get3A_1246] {strides = array<i32>} : memref<256x32xf32, #tpu.memory_space<vmem>>, vector<16xf32>,
        tpu.vector_store_idx %arg10[%add3A_9, %add3A_1241], %get3A_1247 : memref<32x257xf32, #tpu.memory_space<vmem>>[vector<16xi32>, vector<16xi32>], vector<16xf32>,
        %mul3A_1248 = arith.constant 8 : i32
        %mul3A_1249 = arith.muli %scan3A_1164, %mul3A_1248 : i32
        %add3A_1250 = arith.constant 7 : i32
        %add3A_1251 = arith.addi %mul3A_1249, %add3A_1250 : i32
        %add3A_1252 = vector.broadcast %add3A_1251 : i32 to vector<16xi32>
        %add3A_1253 = arith.addi %broadcast_in_dim3A_10, %add3A_1252 : vector<16xi32>
        %get3A_1254 = arith.index_cast %add3A_1251 : i32 to index
        %get3A_1255 = arith.constant 0 : index
        %get3A_1256 = tpu.vector_load %arg6[%get3A_1254, %get3A_1255] {strides = array<i32>} : memref<256x32xf32, #tpu.memory_space<vmem>>, vector<16xf32>,
        tpu.vector_store_idx %arg10[%add3A_5, %add3A_1253], %get3A_1256 : memref<32x257xf32, #tpu.memory_space<vmem>>[vector<16xi32>, vector<16xi32>], vector<16xf32>,
        %get3A_1257 = arith.index_cast %add3A_1251 : i32 to index
        %get3A_1258 = arith.constant 16 : index
        %get3A_1259 = tpu.vector_load %arg6[%get3A_1257, %get3A_1258] {strides = array<i32>} : memref<256x32xf32, #tpu.memory_space<vmem>>, vector<16xf32>,
        tpu.vector_store_idx %arg10[%add3A_9, %add3A_1253], %get3A_1259 : memref<32x257xf32, #tpu.memory_space<vmem>>[vector<16xi32>, vector<16xi32>], vector<16xf32>,
      }
      %scan3A_505 = arith.constant 32 : i32
      %mul3A_506 = arith.constant 2 : i32
      %mul3A_507 = arith.muli %mul3A_506, %add3A_462 : i32
      %add3A_508 = arith.addi %mul3A_2, %mul3A_507 : i32
      %jit3A = arith.constant 32 : i32
      %div3A = arith.divsi %add3A_508, %jit3A : i32
      %sign3A = arith.constant 0 : i32
      %sign3A_509 = arith.cmpi sgt, %add3A_508, %sign3A : i32
      %sign3A_510 = arith.extui %sign3A_509 : i1 to i32
      %sign3A_511 = arith.constant 0 : i32
      %sign3A_512 = arith.cmpi slt, %add3A_508, %sign3A_511 : i32
      %sign3A_513 = arith.extui %sign3A_512 : i1 to i32
      %sign3A_514 = arith.subi %sign3A_510, %sign3A_513 : i32
      %sign3A_515 = arith.constant 0 : i32
      %sign3A_516 = arith.cmpi sgt, %jit3A, %sign3A_515 : i32
      %sign3A_517 = arith.extui %sign3A_516 : i1 to i32
      %sign3A_518 = arith.constant 0 : i32
      %sign3A_519 = arith.cmpi slt, %jit3A, %sign3A_518 : i32
      %sign3A_520 = arith.extui %sign3A_519 : i1 to i32
      %sign3A_521 = arith.subi %sign3A_517, %sign3A_520 : i32
      %ne3A = arith.cmpi ne, %sign3A_514, %sign3A_521 : i32
      %rem3A = arith.remsi %add3A_508, %jit3A : i32
      %ne3A_522 = arith.constant 0 : i32
      %ne3A_523 = arith.cmpi ne, %rem3A, %ne3A_522 : i32
      %and3A = arith.andi %ne3A, %ne3A_523 : i1
      %sub3A_524 = arith.constant 1 : i32
      %sub3A_525 = arith.subi %div3A, %sub3A_524 : i32
      %select_n3A = arith.select %and3A, %sub3A_525, %div3A : i32
      %mul3A_526 = arith.constant 32 : i32
      %mul3A_527 = arith.muli %select_n3A, %mul3A_526 : i32
      %sub3A_528 = arith.subi %add3A_508, %mul3A_527 : i32
      %mul3A_529 = arith.constant 1024 : i32
      %mul3A_530 = arith.muli %select_n3A, %mul3A_529 : i32
      %mul3A_531 = arith.constant 8 : i32
      %mul3A_532 = arith.muli %sub3A_528, %mul3A_531 : i32
      %add3A_533 = arith.addi %mul3A_530, %mul3A_532 : i32
      %add3A_534 = arith.constant 0 : i32
      %add3A_535 = arith.addi %add3A_533, %add3A_534 : i32
      %add3A_536 = arith.constant 0 : i32
      %add3A_537 = arith.addi %add3A_535, %add3A_536 : i32
      %dma_start3A_538 = arith.constant 0 : i32
      %dma_start3A_539 = arith.constant 0 : i32
      %dma_start3A_540 = tpu.memref_slice %arg10[%dma_start3A_538, %dma_start3A_539] : memref<32x257xf32, #tpu.memory_space<vmem>> -> memref<8x128xf32, #tpu.memory_space<vmem>>
      %dma_start3A_541 = arith.constant 0 : i32
      %dma_start3A_542 = tpu.memref_slice %arg4[%add3A_537, %dma_start3A_541] : memref<204800x128xf32, #tpu.memory_space<hbm>> -> memref<8x128xf32, #tpu.memory_space<hbm>>
      %dma_start3A_543 = arith.constant 0 : i32
      %dma_start3A_544 = tpu.memref_slice %arg4[%add3A_537, %dma_start3A_543] : memref<204800x128xf32, #tpu.memory_space<hbm>> -> memref<8x128xf32, #tpu.memory_space<hbm>>
      %dma_start3A_545 = arith.constant 0 : i32
      %dma_start3A_546 = arith.constant 0 : i32
      %dma_start3A_547 = tpu.memref_slice %arg10[%dma_start3A_545, %dma_start3A_546] : memref<32x257xf32, #tpu.memory_space<vmem>> -> memref<8x128xf32, #tpu.memory_space<vmem>>
      tpu.enqueue_dma source(%dma_start3A_547 : memref<8x128xf32, #tpu.memory_space<vmem>>) target(%dma_start3A_544 : memref<8x128xf32, #tpu.memory_space<hbm>>) target_semaphore(%arg18 : memref<!tpu.dma_semaphore, #tpu.memory_space<semaphore_mem>>)
      %add3A_548 = arith.constant 0 : i32
      %add3A_549 = arith.addi %add3A_533, %add3A_548 : i32
      %add3A_550 = arith.constant 8 : i32
      %add3A_551 = arith.addi %add3A_549, %add3A_550 : i32
      %dma_start3A_552 = arith.constant 0 : i32
      %dma_start3A_553 = arith.constant 128 : i32
      %dma_start3A_554 = tpu.memref_slice %arg10[%dma_start3A_552, %dma_start3A_553] : memref<32x257xf32, #tpu.memory_space<vmem>> -> memref<8x128xf32, #tpu.memory_space<vmem>>
      %dma_start3A_555 = arith.constant 0 : i32
      %dma_start3A_556 = tpu.memref_slice %arg4[%add3A_551, %dma_start3A_555] : memref<204800x128xf32, #tpu.memory_space<hbm>> -> memref<8x128xf32, #tpu.memory_space<hbm>>
      %dma_start3A_557 = arith.constant 0 : i32
      %dma_start3A_558 = tpu.memref_slice %arg4[%add3A_551, %dma_start3A_557] : memref<204800x128xf32, #tpu.memory_space<hbm>> -> memref<8x128xf32, #tpu.memory_space<hbm>>
      %dma_start3A_559 = arith.constant 0 : i32
      %dma_start3A_560 = arith.constant 128 : i32
      %dma_start3A_561 = tpu.memref_slice %arg10[%dma_start3A_559, %dma_start3A_560] : memref<32x257xf32, #tpu.memory_space<vmem>> -> memref<8x128xf32, #tpu.memory_space<vmem>>
      tpu.enqueue_dma source(%dma_start3A_561 : memref<8x128xf32, #tpu.memory_space<vmem>>) target(%dma_start3A_558 : memref<8x128xf32, #tpu.memory_space<hbm>>) target_semaphore(%arg18 : memref<!tpu.dma_semaphore, #tpu.memory_space<semaphore_mem>>)
      %add3A_562 = arith.constant 256 : i32
      %add3A_563 = arith.addi %add3A_533, %add3A_562 : i32
      %add3A_564 = arith.constant 0 : i32
      %add3A_565 = arith.addi %add3A_563, %add3A_564 : i32
      %dma_start3A_566 = arith.constant 8 : i32
      %dma_start3A_567 = arith.constant 0 : i32
      %dma_start3A_568 = tpu.memref_slice %arg10[%dma_start3A_566, %dma_start3A_567] : memref<32x257xf32, #tpu.memory_space<vmem>> -> memref<8x128xf32, #tpu.memory_space<vmem>>
      %dma_start3A_569 = arith.constant 0 : i32
      %dma_start3A_570 = tpu.memref_slice %arg4[%add3A_565, %dma_start3A_569] : memref<204800x128xf32, #tpu.memory_space<hbm>> -> memref<8x128xf32, #tpu.memory_space<hbm>>
      %dma_start3A_571 = arith.constant 0 : i32
      %dma_start3A_572 = tpu.memref_slice %arg4[%add3A_565, %dma_start3A_571] : memref<204800x128xf32, #tpu.memory_space<hbm>> -> memref<8x128xf32, #tpu.memory_space<hbm>>
      %dma_start3A_573 = arith.constant 8 : i32
      %dma_start3A_574 = arith.constant 0 : i32
      %dma_start3A_575 = tpu.memref_slice %arg10[%dma_start3A_573, %dma_start3A_574] : memref<32x257xf32, #tpu.memory_space<vmem>> -> memref<8x128xf32, #tpu.memory_space<vmem>>
      tpu.enqueue_dma source(%dma_start3A_575 : memref<8x128xf32, #tpu.memory_space<vmem>>) target(%dma_start3A_572 : memref<8x128xf32, #tpu.memory_space<hbm>>) target_semaphore(%arg18 : memref<!tpu.dma_semaphore, #tpu.memory_space<semaphore_mem>>)
      %add3A_576 = arith.constant 256 : i32
      %add3A_577 = arith.addi %add3A_533, %add3A_576 : i32
      %add3A_578 = arith.constant 8 : i32
      %add3A_579 = arith.addi %add3A_577, %add3A_578 : i32
      %dma_start3A_580 = arith.constant 8 : i32
      %dma_start3A_581 = arith.constant 128 : i32
      %dma_start3A_582 = tpu.memref_slice %arg10[%dma_start3A_580, %dma_start3A_581] : memref<32x257xf32, #tpu.memory_space<vmem>> -> memref<8x128xf32, #tpu.memory_space<vmem>>
      %dma_start3A_583 = arith.constant 0 : i32
      %dma_start3A_584 = tpu.memref_slice %arg4[%add3A_579, %dma_start3A_583] : memref<204800x128xf32, #tpu.memory_space<hbm>> -> memref<8x128xf32, #tpu.memory_space<hbm>>
      %dma_start3A_585 = arith.constant 0 : i32
      %dma_start3A_586 = tpu.memref_slice %arg4[%add3A_579, %dma_start3A_585] : memref<204800x128xf32, #tpu.memory_space<hbm>> -> memref<8x128xf32, #tpu.memory_space<hbm>>
      %dma_start3A_587 = arith.constant 8 : i32
      %dma_start3A_588 = arith.constant 128 : i32
      %dma_start3A_589 = tpu.memref_slice %arg10[%dma_start3A_587, %dma_start3A_588] : memref<32x257xf32, #tpu.memory_space<vmem>> -> memref<8x128xf32, #tpu.memory_space<vmem>>
      tpu.enqueue_dma source(%dma_start3A_589 : memref<8x128xf32, #tpu.memory_space<vmem>>) target(%dma_start3A_586 : memref<8x128xf32, #tpu.memory_space<hbm>>) target_semaphore(%arg18 : memref<!tpu.dma_semaphore, #tpu.memory_space<semaphore_mem>>)
      %add3A_590 = arith.constant 512 : i32
      %add3A_591 = arith.addi %add3A_533, %add3A_590 : i32
      %add3A_592 = arith.constant 0 : i32
      %add3A_593 = arith.addi %add3A_591, %add3A_592 : i32
      %dma_start3A_594 = arith.constant 16 : i32
      %dma_start3A_595 = arith.constant 0 : i32
      %dma_start3A_596 = tpu.memref_slice %arg10[%dma_start3A_594, %dma_start3A_595] : memref<32x257xf32, #tpu.memory_space<vmem>> -> memref<8x128xf32, #tpu.memory_space<vmem>>
      %dma_start3A_597 = arith.constant 0 : i32
      %dma_start3A_598 = tpu.memref_slice %arg4[%add3A_593, %dma_start3A_597] : memref<204800x128xf32, #tpu.memory_space<hbm>> -> memref<8x128xf32, #tpu.memory_space<hbm>>
      %dma_start3A_599 = arith.constant 0 : i32
      %dma_start3A_600 = tpu.memref_slice %arg4[%add3A_593, %dma_start3A_599] : memref<204800x128xf32, #tpu.memory_space<hbm>> -> memref<8x128xf32, #tpu.memory_space<hbm>>
      %dma_start3A_601 = arith.constant 16 : i32
      %dma_start3A_602 = arith.constant 0 : i32
      %dma_start3A_603 = tpu.memref_slice %arg10[%dma_start3A_601, %dma_start3A_602] : memref<32x257xf32, #tpu.memory_space<vmem>> -> memref<8x128xf32, #tpu.memory_space<vmem>>
      tpu.enqueue_dma source(%dma_start3A_603 : memref<8x128xf32, #tpu.memory_space<vmem>>) target(%dma_start3A_600 : memref<8x128xf32, #tpu.memory_space<hbm>>) target_semaphore(%arg18 : memref<!tpu.dma_semaphore, #tpu.memory_space<semaphore_mem>>)
      %add3A_604 = arith.constant 512 : i32
      %add3A_605 = arith.addi %add3A_533, %add3A_604 : i32
      %add3A_606 = arith.constant 8 : i32
      %add3A_607 = arith.addi %add3A_605, %add3A_606 : i32
      %dma_start3A_608 = arith.constant 16 : i32
      %dma_start3A_609 = arith.constant 128 : i32
      %dma_start3A_610 = tpu.memref_slice %arg10[%dma_start3A_608, %dma_start3A_609] : memref<32x257xf32, #tpu.memory_space<vmem>> -> memref<8x128xf32, #tpu.memory_space<vmem>>
      %dma_start3A_611 = arith.constant 0 : i32
      %dma_start3A_612 = tpu.memref_slice %arg4[%add3A_607, %dma_start3A_611] : memref<204800x128xf32, #tpu.memory_space<hbm>> -> memref<8x128xf32, #tpu.memory_space<hbm>>
      %dma_start3A_613 = arith.constant 0 : i32
      %dma_start3A_614 = tpu.memref_slice %arg4[%add3A_607, %dma_start3A_613] : memref<204800x128xf32, #tpu.memory_space<hbm>> -> memref<8x128xf32, #tpu.memory_space<hbm>>
      %dma_start3A_615 = arith.constant 16 : i32
      %dma_start3A_616 = arith.constant 128 : i32
      %dma_start3A_617 = tpu.memref_slice %arg10[%dma_start3A_615, %dma_start3A_616] : memref<32x257xf32, #tpu.memory_space<vmem>> -> memref<8x128xf32, #tpu.memory_space<vmem>>
      tpu.enqueue_dma source(%dma_start3A_617 : memref<8x128xf32, #tpu.memory_space<vmem>>) target(%dma_start3A_614 : memref<8x128xf32, #tpu.memory_space<hbm>>) target_semaphore(%arg18 : memref<!tpu.dma_semaphore, #tpu.memory_space<semaphore_mem>>)
      %add3A_618 = arith.constant 768 : i32
      %add3A_619 = arith.addi %add3A_533, %add3A_618 : i32
      %add3A_620 = arith.constant 0 : i32
      %add3A_621 = arith.addi %add3A_619, %add3A_620 : i32
      %dma_start3A_622 = arith.constant 24 : i32
      %dma_start3A_623 = arith.constant 0 : i32
      %dma_start3A_624 = tpu.memref_slice %arg10[%dma_start3A_622, %dma_start3A_623] : memref<32x257xf32, #tpu.memory_space<vmem>> -> memref<8x128xf32, #tpu.memory_space<vmem>>
      %dma_start3A_625 = arith.constant 0 : i32
      %dma_start3A_626 = tpu.memref_slice %arg4[%add3A_621, %dma_start3A_625] : memref<204800x128xf32, #tpu.memory_space<hbm>> -> memref<8x128xf32, #tpu.memory_space<hbm>>
      %dma_start3A_627 = arith.constant 0 : i32
      %dma_start3A_628 = tpu.memref_slice %arg4[%add3A_621, %dma_start3A_627] : memref<204800x128xf32, #tpu.memory_space<hbm>> -> memref<8x128xf32, #tpu.memory_space<hbm>>
      %dma_start3A_629 = arith.constant 24 : i32
      %dma_start3A_630 = arith.constant 0 : i32
      %dma_start3A_631 = tpu.memref_slice %arg10[%dma_start3A_629, %dma_start3A_630] : memref<32x257xf32, #tpu.memory_space<vmem>> -> memref<8x128xf32, #tpu.memory_space<vmem>>
      tpu.enqueue_dma source(%dma_start3A_631 : memref<8x128xf32, #tpu.memory_space<vmem>>) target(%dma_start3A_628 : memref<8x128xf32, #tpu.memory_space<hbm>>) target_semaphore(%arg18 : memref<!tpu.dma_semaphore, #tpu.memory_space<semaphore_mem>>)
      %add3A_632 = arith.constant 768 : i32
      %add3A_633 = arith.addi %add3A_533, %add3A_632 : i32
      %add3A_634 = arith.constant 8 : i32
      %add3A_635 = arith.addi %add3A_633, %add3A_634 : i32
      %dma_start3A_636 = arith.constant 24 : i32
      %dma_start3A_637 = arith.constant 128 : i32
      %dma_start3A_638 = tpu.memref_slice %arg10[%dma_start3A_636, %dma_start3A_637] : memref<32x257xf32, #tpu.memory_space<vmem>> -> memref<8x128xf32, #tpu.memory_space<vmem>>
      %dma_start3A_639 = arith.constant 0 : i32
      %dma_start3A_640 = tpu.memref_slice %arg4[%add3A_635, %dma_start3A_639] : memref<204800x128xf32, #tpu.memory_space<hbm>> -> memref<8x128xf32, #tpu.memory_space<hbm>>
      %dma_start3A_641 = arith.constant 0 : i32
      %dma_start3A_642 = tpu.memref_slice %arg4[%add3A_635, %dma_start3A_641] : memref<204800x128xf32, #tpu.memory_space<hbm>> -> memref<8x128xf32, #tpu.memory_space<hbm>>
      %dma_start3A_643 = arith.constant 24 : i32
      %dma_start3A_644 = arith.constant 128 : i32
      %dma_start3A_645 = tpu.memref_slice %arg10[%dma_start3A_643, %dma_start3A_644] : memref<32x257xf32, #tpu.memory_space<vmem>> -> memref<8x128xf32, #tpu.memory_space<vmem>>
      tpu.enqueue_dma source(%dma_start3A_645 : memref<8x128xf32, #tpu.memory_space<vmem>>) target(%dma_start3A_642 : memref<8x128xf32, #tpu.memory_space<hbm>>) target_semaphore(%arg18 : memref<!tpu.dma_semaphore, #tpu.memory_space<semaphore_mem>>)
      %mul3A_646 = arith.constant 4 : i32
      %mul3A_647 = arith.muli %mul3A_646, %scan3A_458 : i32
      %add3A_648 = arith.constant 1 : i32
      %add3A_649 = arith.addi %mul3A_647, %add3A_648 : i32
      %lt3A = arith.constant 24 : i32
      %lt3A_650 = arith.cmpi slt, %scan3A_458, %lt3A : i32
      %convert_element_type3A_651 = arith.extui %lt3A_650 : i1 to i32
      %cond3A_652 = arith.constant 0 : i32
      %cond3A_653 = arith.cmpi ne, %convert_element_type3A_651, %cond3A_652 : i32
      scf.if %cond3A_653 {
        %add3A_1164 = arith.constant 4 : i32
        %add3A_1165 = arith.addi %add3A_649, %add3A_1164 : i32
        %sub3A_1166 = arith.constant 1 : i32
        %sub3A_1167 = arith.subi %add3A_1165, %sub3A_1166 : i32
        %mul3A_1168 = arith.constant 2 : i32
        %mul3A_1169 = arith.muli %mul3A_1168, %sub3A_1167 : i32
        %add3A_1170 = arith.constant 0 : i32
        %add3A_1171 = arith.addi %mul3A_1169, %add3A_1170 : i32
        %dma_start3A_1172 = arith.constant 0 : i32
        %dma_start3A_1173 = arith.constant 0 : i32
        %dma_start3A_1174 = tpu.memref_slice %arg6[%dma_start3A_1172, %dma_start3A_1173] : memref<256x32xf32, #tpu.memory_space<vmem>> -> memref<128x32xf32, #tpu.memory_space<vmem>>
        %dma_start3A_1175 = arith.constant 0 : i32
        %dma_start3A_1176 = tpu.memref_slice %arg5[%add3A_1171, %dma_start3A_1175] : memref<200x128xi32, #tpu.memory_space<vmem>> -> memref<1x128xi32, #tpu.memory_space<vmem>>
        %dma_start3A_1177 = tpu.memref_squeeze %dma_start3A_1176 : memref<1x128xi32, #tpu.memory_space<vmem>> -> memref<128xi32, #tpu.memory_space<vmem>>
        %dma_start3A_1178 = arith.constant 0 : i32
        %dma_start3A_1179 = arith.constant 0 : i32
        %dma_start3A_1180 = tpu.memref_slice %arg2[%dma_start3A_1178, %dma_start3A_1179] : memref<4000000x32xf32, #tpu.memory_space<hbm>> -> memref<4000000x32xf32, #tpu.memory_space<hbm>>
        tpu.enqueue_indirect_dma source(%dma_start3A_1180 : memref<4000000x32xf32, #tpu.memory_space<hbm>>) target(%dma_start3A_1174 : memref<128x32xf32, #tpu.memory_space<vmem>>) offsets(%dma_start3A_1177 : memref<128xi32, #tpu.memory_space<vmem>>) semaphore(%arg14 : memref<!tpu.dma_semaphore, #tpu.memory_space<semaphore_mem>>)
        %mul3A_1181 = arith.constant 2 : i32
        %mul3A_1182 = arith.muli %mul3A_1181, %sub3A_1167 : i32
        %add3A_1183 = arith.constant 1 : i32
        %add3A_1184 = arith.addi %mul3A_1182, %add3A_1183 : i32
        %dma_start3A_1185 = arith.constant 128 : i32
        %dma_start3A_1186 = arith.constant 0 : i32
        %dma_start3A_1187 = tpu.memref_slice %arg6[%dma_start3A_1185, %dma_start3A_1186] : memref<256x32xf32, #tpu.memory_space<vmem>> -> memref<128x32xf32, #tpu.memory_space<vmem>>
        %dma_start3A_1188 = arith.constant 0 : i32
        %dma_start3A_1189 = tpu.memref_slice %arg5[%add3A_1184, %dma_start3A_1188] : memref<200x128xi32, #tpu.memory_space<vmem>> -> memref<1x128xi32, #tpu.memory_space<vmem>>
        %dma_start3A_1190 = tpu.memref_squeeze %dma_start3A_1189 : memref<1x128xi32, #tpu.memory_space<vmem>> -> memref<128xi32, #tpu.memory_space<vmem>>
        %dma_start3A_1191 = arith.constant 0 : i32
        %dma_start3A_1192 = arith.constant 0 : i32
        %dma_start3A_1193 = tpu.memref_slice %arg2[%dma_start3A_1191, %dma_start3A_1192] : memref<4000000x32xf32, #tpu.memory_space<hbm>> -> memref<4000000x32xf32, #tpu.memory_space<hbm>>
        tpu.enqueue_indirect_dma source(%dma_start3A_1193 : memref<4000000x32xf32, #tpu.memory_space<hbm>>) target(%dma_start3A_1187 : memref<128x32xf32, #tpu.memory_space<vmem>>) offsets(%dma_start3A_1190 : memref<128xi32, #tpu.memory_space<vmem>>) semaphore(%arg14 : memref<!tpu.dma_semaphore, #tpu.memory_space<semaphore_mem>>)
      } else {
      }
      %dma_wait3A_654 = arith.constant 0 : i32
      %dma_wait3A_655 = arith.constant 0 : i32
      %dma_wait3A_656 = tpu.memref_slice %arg2[%dma_wait3A_654, %dma_wait3A_655] : memref<4000000x32xf32, #tpu.memory_space<hbm>> -> memref<256x32xf32, #tpu.memory_space<hbm>>
      %dma_wait3A_657 = arith.constant 0 : i32
      %dma_wait3A_658 = arith.constant 0 : i32
      %dma_wait3A_659 = tpu.memref_slice %arg2[%dma_wait3A_657, %dma_wait3A_658] : memref<4000000x32xf32, #tpu.memory_space<hbm>> -> memref<256x32xf32, #tpu.memory_space<hbm>>
      tpu.wait_dma2 semaphore(%arg15 : memref<!tpu.dma_semaphore, #tpu.memory_space<semaphore_mem>>) src(%dma_wait3A_659 : memref<256x32xf32, #tpu.memory_space<hbm>>) dst(%arg7 : memref<256x32xf32, #tpu.memory_space<vmem>>)
      %ge3A_660 = arith.constant 1 : i32
      %ge3A_661 = arith.cmpi sge, %scan3A_458, %ge3A_660 : i32
      %convert_element_type3A_662 = arith.extui %ge3A_661 : i1 to i32
      %cond3A_663 = arith.constant 0 : i32
      %cond3A_664 = arith.cmpi ne, %convert_element_type3A_662, %cond3A_663 : i32
      scf.if %cond3A_664 {
        %dma_wait3A_1164 = arith.constant 0 : i32
        %dma_wait3A_1165 = arith.constant 0 : i32
        %dma_wait3A_1166 = tpu.memref_slice %arg11[%dma_wait3A_1164, %dma_wait3A_1165] : memref<32x257xf32, #tpu.memory_space<vmem>> -> memref<8x128xf32, #tpu.memory_space<vmem>>
        %dma_wait3A_1167 = arith.constant 0 : i32
        %dma_wait3A_1168 = arith.constant 0 : i32
        %dma_wait3A_1169 = tpu.memref_slice %arg4[%dma_wait3A_1167, %dma_wait3A_1168] : memref<204800x128xf32, #tpu.memory_space<hbm>> -> memref<8x128xf32, #tpu.memory_space<hbm>>
        %dma_wait3A_1170 = arith.constant 0 : i32
        %dma_wait3A_1171 = arith.constant 0 : i32
        %dma_wait3A_1172 = tpu.memref_slice %arg11[%dma_wait3A_1170, %dma_wait3A_1171] : memref<32x257xf32, #tpu.memory_space<vmem>> -> memref<8x128xf32, #tpu.memory_space<vmem>>
        %dma_wait3A_1173 = arith.constant 0 : i32
        %dma_wait3A_1174 = arith.constant 0 : i32
        %dma_wait3A_1175 = tpu.memref_slice %arg4[%dma_wait3A_1173, %dma_wait3A_1174] : memref<204800x128xf32, #tpu.memory_space<hbm>> -> memref<8x128xf32, #tpu.memory_space<hbm>>
        tpu.wait_dma2 semaphore(%arg19 : memref<!tpu.dma_semaphore, #tpu.memory_space<semaphore_mem>>) src(%dma_wait3A_1175 : memref<8x128xf32, #tpu.memory_space<hbm>>) dst(%dma_wait3A_1172 : memref<8x128xf32, #tpu.memory_space<vmem>>)
        %dma_wait3A_1176 = arith.constant 0 : i32
        %dma_wait3A_1177 = arith.constant 0 : i32
        %dma_wait3A_1178 = tpu.memref_slice %arg11[%dma_wait3A_1176, %dma_wait3A_1177] : memref<32x257xf32, #tpu.memory_space<vmem>> -> memref<8x128xf32, #tpu.memory_space<vmem>>
        %dma_wait3A_1179 = arith.constant 0 : i32
        %dma_wait3A_1180 = arith.constant 0 : i32
        %dma_wait3A_1181 = tpu.memref_slice %arg4[%dma_wait3A_1179, %dma_wait3A_1180] : memref<204800x128xf32, #tpu.memory_space<hbm>> -> memref<8x128xf32, #tpu.memory_space<hbm>>
        %dma_wait3A_1182 = arith.constant 0 : i32
        %dma_wait3A_1183 = arith.constant 0 : i32
        %dma_wait3A_1184 = tpu.memref_slice %arg11[%dma_wait3A_1182, %dma_wait3A_1183] : memref<32x257xf32, #tpu.memory_space<vmem>> -> memref<8x128xf32, #tpu.memory_space<vmem>>
        %dma_wait3A_1185 = arith.constant 0 : i32
        %dma_wait3A_1186 = arith.constant 0 : i32
        %dma_wait3A_1187 = tpu.memref_slice %arg4[%dma_wait3A_1185, %dma_wait3A_1186] : memref<204800x128xf32, #tpu.memory_space<hbm>> -> memref<8x128xf32, #tpu.memory_space<hbm>>
        tpu.wait_dma2 semaphore(%arg19 : memref<!tpu.dma_semaphore, #tpu.memory_space<semaphore_mem>>) src(%dma_wait3A_1187 : memref<8x128xf32, #tpu.memory_space<hbm>>) dst(%dma_wait3A_1184 : memref<8x128xf32, #tpu.memory_space<vmem>>)
        %dma_wait3A_1188 = arith.constant 0 : i32
        %dma_wait3A_1189 = arith.constant 0 : i32
        %dma_wait3A_1190 = tpu.memref_slice %arg11[%dma_wait3A_1188, %dma_wait3A_1189] : memref<32x257xf32, #tpu.memory_space<vmem>> -> memref<8x128xf32, #tpu.memory_space<vmem>>
        %dma_wait3A_1191 = arith.constant 0 : i32
        %dma_wait3A_1192 = arith.constant 0 : i32
        %dma_wait3A_1193 = tpu.memref_slice %arg4[%dma_wait3A_1191, %dma_wait3A_1192] : memref<204800x128xf32, #tpu.memory_space<hbm>> -> memref<8x128xf32, #tpu.memory_space<hbm>>
        %dma_wait3A_1194 = arith.constant 0 : i32
        %dma_wait3A_1195 = arith.constant 0 : i32
        %dma_wait3A_1196 = tpu.memref_slice %arg11[%dma_wait3A_1194, %dma_wait3A_1195] : memref<32x257xf32, #tpu.memory_space<vmem>> -> memref<8x128xf32, #tpu.memory_space<vmem>>
        %dma_wait3A_1197 = arith.constant 0 : i32
        %dma_wait3A_1198 = arith.constant 0 : i32
        %dma_wait3A_1199 = tpu.memref_slice %arg4[%dma_wait3A_1197, %dma_wait3A_1198] : memref<204800x128xf32, #tpu.memory_space<hbm>> -> memref<8x128xf32, #tpu.memory_space<hbm>>
        tpu.wait_dma2 semaphore(%arg19 : memref<!tpu.dma_semaphore, #tpu.memory_space<semaphore_mem>>) src(%dma_wait3A_1199 : memref<8x128xf32, #tpu.memory_space<hbm>>) dst(%dma_wait3A_1196 : memref<8x128xf32, #tpu.memory_space<vmem>>)
        %dma_wait3A_1200 = arith.constant 0 : i32
        %dma_wait3A_1201 = arith.constant 0 : i32
        %dma_wait3A_1202 = tpu.memref_slice %arg11[%dma_wait3A_1200, %dma_wait3A_1201] : memref<32x257xf32, #tpu.memory_space<vmem>> -> memref<8x128xf32, #tpu.memory_space<vmem>>
        %dma_wait3A_1203 = arith.constant 0 : i32
        %dma_wait3A_1204 = arith.constant 0 : i32
        %dma_wait3A_1205 = tpu.memref_slice %arg4[%dma_wait3A_1203, %dma_wait3A_1204] : memref<204800x128xf32, #tpu.memory_space<hbm>> -> memref<8x128xf32, #tpu.memory_space<hbm>>
        %dma_wait3A_1206 = arith.constant 0 : i32
        %dma_wait3A_1207 = arith.constant 0 : i32
        %dma_wait3A_1208 = tpu.memref_slice %arg11[%dma_wait3A_1206, %dma_wait3A_1207] : memref<32x257xf32, #tpu.memory_space<vmem>> -> memref<8x128xf32, #tpu.memory_space<vmem>>
        %dma_wait3A_1209 = arith.constant 0 : i32
        %dma_wait3A_1210 = arith.constant 0 : i32
        %dma_wait3A_1211 = tpu.memref_slice %arg4[%dma_wait3A_1209, %dma_wait3A_1210] : memref<204800x128xf32, #tpu.memory_space<hbm>> -> memref<8x128xf32, #tpu.memory_space<hbm>>
        tpu.wait_dma2 semaphore(%arg19 : memref<!tpu.dma_semaphore, #tpu.memory_space<semaphore_mem>>) src(%dma_wait3A_1211 : memref<8x128xf32, #tpu.memory_space<hbm>>) dst(%dma_wait3A_1208 : memref<8x128xf32, #tpu.memory_space<vmem>>)
        %dma_wait3A_1212 = arith.constant 0 : i32
        %dma_wait3A_1213 = arith.constant 0 : i32
        %dma_wait3A_1214 = tpu.memref_slice %arg11[%dma_wait3A_1212, %dma_wait3A_1213] : memref<32x257xf32, #tpu.memory_space<vmem>> -> memref<8x128xf32, #tpu.memory_space<vmem>>
        %dma_wait3A_1215 = arith.constant 0 : i32
        %dma_wait3A_1216 = arith.constant 0 : i32
        %dma_wait3A_1217 = tpu.memref_slice %arg4[%dma_wait3A_1215, %dma_wait3A_1216] : memref<204800x128xf32, #tpu.memory_space<hbm>> -> memref<8x128xf32, #tpu.memory_space<hbm>>
        %dma_wait3A_1218 = arith.constant 0 : i32
        %dma_wait3A_1219 = arith.constant 0 : i32
        %dma_wait3A_1220 = tpu.memref_slice %arg11[%dma_wait3A_1218, %dma_wait3A_1219] : memref<32x257xf32, #tpu.memory_space<vmem>> -> memref<8x128xf32, #tpu.memory_space<vmem>>
        %dma_wait3A_1221 = arith.constant 0 : i32
        %dma_wait3A_1222 = arith.constant 0 : i32
        %dma_wait3A_1223 = tpu.memref_slice %arg4[%dma_wait3A_1221, %dma_wait3A_1222] : memref<204800x128xf32, #tpu.memory_space<hbm>> -> memref<8x128xf32, #tpu.memory_space<hbm>>
        tpu.wait_dma2 semaphore(%arg19 : memref<!tpu.dma_semaphore, #tpu.memory_space<semaphore_mem>>) src(%dma_wait3A_1223 : memref<8x128xf32, #tpu.memory_space<hbm>>) dst(%dma_wait3A_1220 : memref<8x128xf32, #tpu.memory_space<vmem>>)
        %dma_wait3A_1224 = arith.constant 0 : i32
        %dma_wait3A_1225 = arith.constant 0 : i32
        %dma_wait3A_1226 = tpu.memref_slice %arg11[%dma_wait3A_1224, %dma_wait3A_1225] : memref<32x257xf32, #tpu.memory_space<vmem>> -> memref<8x128xf32, #tpu.memory_space<vmem>>
        %dma_wait3A_1227 = arith.constant 0 : i32
        %dma_wait3A_1228 = arith.constant 0 : i32
        %dma_wait3A_1229 = tpu.memref_slice %arg4[%dma_wait3A_1227, %dma_wait3A_1228] : memref<204800x128xf32, #tpu.memory_space<hbm>> -> memref<8x128xf32, #tpu.memory_space<hbm>>
        %dma_wait3A_1230 = arith.constant 0 : i32
        %dma_wait3A_1231 = arith.constant 0 : i32
        %dma_wait3A_1232 = tpu.memref_slice %arg11[%dma_wait3A_1230, %dma_wait3A_1231] : memref<32x257xf32, #tpu.memory_space<vmem>> -> memref<8x128xf32, #tpu.memory_space<vmem>>
        %dma_wait3A_1233 = arith.constant 0 : i32
        %dma_wait3A_1234 = arith.constant 0 : i32
        %dma_wait3A_1235 = tpu.memref_slice %arg4[%dma_wait3A_1233, %dma_wait3A_1234] : memref<204800x128xf32, #tpu.memory_space<hbm>> -> memref<8x128xf32, #tpu.memory_space<hbm>>
        tpu.wait_dma2 semaphore(%arg19 : memref<!tpu.dma_semaphore, #tpu.memory_space<semaphore_mem>>) src(%dma_wait3A_1235 : memref<8x128xf32, #tpu.memory_space<hbm>>) dst(%dma_wait3A_1232 : memref<8x128xf32, #tpu.memory_space<vmem>>)
        %dma_wait3A_1236 = arith.constant 0 : i32
        %dma_wait3A_1237 = arith.constant 0 : i32
        %dma_wait3A_1238 = tpu.memref_slice %arg11[%dma_wait3A_1236, %dma_wait3A_1237] : memref<32x257xf32, #tpu.memory_space<vmem>> -> memref<8x128xf32, #tpu.memory_space<vmem>>
        %dma_wait3A_1239 = arith.constant 0 : i32
        %dma_wait3A_1240 = arith.constant 0 : i32
        %dma_wait3A_1241 = tpu.memref_slice %arg4[%dma_wait3A_1239, %dma_wait3A_1240] : memref<204800x128xf32, #tpu.memory_space<hbm>> -> memref<8x128xf32, #tpu.memory_space<hbm>>
        %dma_wait3A_1242 = arith.constant 0 : i32
        %dma_wait3A_1243 = arith.constant 0 : i32
        %dma_wait3A_1244 = tpu.memref_slice %arg11[%dma_wait3A_1242, %dma_wait3A_1243] : memref<32x257xf32, #tpu.memory_space<vmem>> -> memref<8x128xf32, #tpu.memory_space<vmem>>
        %dma_wait3A_1245 = arith.constant 0 : i32
        %dma_wait3A_1246 = arith.constant 0 : i32
        %dma_wait3A_1247 = tpu.memref_slice %arg4[%dma_wait3A_1245, %dma_wait3A_1246] : memref<204800x128xf32, #tpu.memory_space<hbm>> -> memref<8x128xf32, #tpu.memory_space<hbm>>
        tpu.wait_dma2 semaphore(%arg19 : memref<!tpu.dma_semaphore, #tpu.memory_space<semaphore_mem>>) src(%dma_wait3A_1247 : memref<8x128xf32, #tpu.memory_space<hbm>>) dst(%dma_wait3A_1244 : memref<8x128xf32, #tpu.memory_space<vmem>>)
        %dma_wait3A_1248 = arith.constant 0 : i32
        %dma_wait3A_1249 = arith.constant 0 : i32
        %dma_wait3A_1250 = tpu.memref_slice %arg11[%dma_wait3A_1248, %dma_wait3A_1249] : memref<32x257xf32, #tpu.memory_space<vmem>> -> memref<8x128xf32, #tpu.memory_space<vmem>>
        %dma_wait3A_1251 = arith.constant 0 : i32
        %dma_wait3A_1252 = arith.constant 0 : i32
        %dma_wait3A_1253 = tpu.memref_slice %arg4[%dma_wait3A_1251, %dma_wait3A_1252] : memref<204800x128xf32, #tpu.memory_space<hbm>> -> memref<8x128xf32, #tpu.memory_space<hbm>>
        %dma_wait3A_1254 = arith.constant 0 : i32
        %dma_wait3A_1255 = arith.constant 0 : i32
        %dma_wait3A_1256 = tpu.memref_slice %arg11[%dma_wait3A_1254, %dma_wait3A_1255] : memref<32x257xf32, #tpu.memory_space<vmem>> -> memref<8x128xf32, #tpu.memory_space<vmem>>
        %dma_wait3A_1257 = arith.constant 0 : i32
        %dma_wait3A_1258 = arith.constant 0 : i32
        %dma_wait3A_1259 = tpu.memref_slice %arg4[%dma_wait3A_1257, %dma_wait3A_1258] : memref<204800x128xf32, #tpu.memory_space<hbm>> -> memref<8x128xf32, #tpu.memory_space<hbm>>
        tpu.wait_dma2 semaphore(%arg19 : memref<!tpu.dma_semaphore, #tpu.memory_space<semaphore_mem>>) src(%dma_wait3A_1259 : memref<8x128xf32, #tpu.memory_space<hbm>>) dst(%dma_wait3A_1256 : memref<8x128xf32, #tpu.memory_space<vmem>>)
      } else {
      }
      %scan3A_665 = arith.constant 0 : i32
      %scan3A_666 = arith.constant 0 : i32
      %scan3A_667 = arith.constant 32 : i32
      %scan3A_668 = arith.addi %scan3A_666, %scan3A_667 : i32
      %scan3A_669 = arith.constant 1 : i32
      scf.for %scan3A_1164 = %scan3A_666 to %scan3A_668 step %scan3A_669  : i32 {
        %mul3A_1165 = arith.constant 8 : i32
        %mul3A_1166 = arith.muli %scan3A_1164, %mul3A_1165 : i32
        %add3A_1167 = arith.constant 0 : i32
        %add3A_1168 = arith.addi %mul3A_1166, %add3A_1167 : i32
        %add3A_1169 = vector.broadcast %add3A_1168 : i32 to vector<16xi32>
        %add3A_1170 = arith.addi %broadcast_in_dim3A_10, %add3A_1169 : vector<16xi32>
        %get3A = arith.index_cast %add3A_1168 : i32 to index
        %get3A_1171 = arith.constant 0 : index
        %get3A_1172 = tpu.vector_load %arg7[%get3A, %get3A_1171] {strides = array<i32>} : memref<256x32xf32, #tpu.memory_space<vmem>>, vector<16xf32>,
        tpu.vector_store_idx %arg11[%add3A_5, %add3A_1170], %get3A_1172 : memref<32x257xf32, #tpu.memory_space<vmem>>[vector<16xi32>, vector<16xi32>], vector<16xf32>,
        %get3A_1173 = arith.index_cast %add3A_1168 : i32 to index
        %get3A_1174 = arith.constant 16 : index
        %get3A_1175 = tpu.vector_load %arg7[%get3A_1173, %get3A_1174] {strides = array<i32>} : memref<256x32xf32, #tpu.memory_space<vmem>>, vector<16xf32>,
        tpu.vector_store_idx %arg11[%add3A_9, %add3A_1170], %get3A_1175 : memref<32x257xf32, #tpu.memory_space<vmem>>[vector<16xi32>, vector<16xi32>], vector<16xf32>,
        %mul3A_1176 = arith.constant 8 : i32
        %mul3A_1177 = arith.muli %scan3A_1164, %mul3A_1176 : i32
        %add3A_1178 = arith.constant 1 : i32
        %add3A_1179 = arith.addi %mul3A_1177, %add3A_1178 : i32
        %add3A_1180 = vector.broadcast %add3A_1179 : i32 to vector<16xi32>
        %add3A_1181 = arith.addi %broadcast_in_dim3A_10, %add3A_1180 : vector<16xi32>
        %get3A_1182 = arith.index_cast %add3A_1179 : i32 to index
        %get3A_1183 = arith.constant 0 : index
        %get3A_1184 = tpu.vector_load %arg7[%get3A_1182, %get3A_1183] {strides = array<i32>} : memref<256x32xf32, #tpu.memory_space<vmem>>, vector<16xf32>,
        tpu.vector_store_idx %arg11[%add3A_5, %add3A_1181], %get3A_1184 : memref<32x257xf32, #tpu.memory_space<vmem>>[vector<16xi32>, vector<16xi32>], vector<16xf32>,
        %get3A_1185 = arith.index_cast %add3A_1179 : i32 to index
        %get3A_1186 = arith.constant 16 : index
        %get3A_1187 = tpu.vector_load %arg7[%get3A_1185, %get3A_1186] {strides = array<i32>} : memref<256x32xf32, #tpu.memory_space<vmem>>, vector<16xf32>,
        tpu.vector_store_idx %arg11[%add3A_9, %add3A_1181], %get3A_1187 : memref<32x257xf32, #tpu.memory_space<vmem>>[vector<16xi32>, vector<16xi32>], vector<16xf32>,
        %mul3A_1188 = arith.constant 8 : i32
        %mul3A_1189 = arith.muli %scan3A_1164, %mul3A_1188 : i32
        %add3A_1190 = arith.constant 2 : i32
        %add3A_1191 = arith.addi %mul3A_1189, %add3A_1190 : i32
        %add3A_1192 = vector.broadcast %add3A_1191 : i32 to vector<16xi32>
        %add3A_1193 = arith.addi %broadcast_in_dim3A_10, %add3A_1192 : vector<16xi32>
        %get3A_1194 = arith.index_cast %add3A_1191 : i32 to index
        %get3A_1195 = arith.constant 0 : index
        %get3A_1196 = tpu.vector_load %arg7[%get3A_1194, %get3A_1195] {strides = array<i32>} : memref<256x32xf32, #tpu.memory_space<vmem>>, vector<16xf32>,
        tpu.vector_store_idx %arg11[%add3A_5, %add3A_1193], %get3A_1196 : memref<32x257xf32, #tpu.memory_space<vmem>>[vector<16xi32>, vector<16xi32>], vector<16xf32>,
        %get3A_1197 = arith.index_cast %add3A_1191 : i32 to index
        %get3A_1198 = arith.constant 16 : index
        %get3A_1199 = tpu.vector_load %arg7[%get3A_1197, %get3A_1198] {strides = array<i32>} : memref<256x32xf32, #tpu.memory_space<vmem>>, vector<16xf32>,
        tpu.vector_store_idx %arg11[%add3A_9, %add3A_1193], %get3A_1199 : memref<32x257xf32, #tpu.memory_space<vmem>>[vector<16xi32>, vector<16xi32>], vector<16xf32>,
        %mul3A_1200 = arith.constant 8 : i32
        %mul3A_1201 = arith.muli %scan3A_1164, %mul3A_1200 : i32
        %add3A_1202 = arith.constant 3 : i32
        %add3A_1203 = arith.addi %mul3A_1201, %add3A_1202 : i32
        %add3A_1204 = vector.broadcast %add3A_1203 : i32 to vector<16xi32>
        %add3A_1205 = arith.addi %broadcast_in_dim3A_10, %add3A_1204 : vector<16xi32>
        %get3A_1206 = arith.index_cast %add3A_1203 : i32 to index
        %get3A_1207 = arith.constant 0 : index
        %get3A_1208 = tpu.vector_load %arg7[%get3A_1206, %get3A_1207] {strides = array<i32>} : memref<256x32xf32, #tpu.memory_space<vmem>>, vector<16xf32>,
        tpu.vector_store_idx %arg11[%add3A_5, %add3A_1205], %get3A_1208 : memref<32x257xf32, #tpu.memory_space<vmem>>[vector<16xi32>, vector<16xi32>], vector<16xf32>,
        %get3A_1209 = arith.index_cast %add3A_1203 : i32 to index
        %get3A_1210 = arith.constant 16 : index
        %get3A_1211 = tpu.vector_load %arg7[%get3A_1209, %get3A_1210] {strides = array<i32>} : memref<256x32xf32, #tpu.memory_space<vmem>>, vector<16xf32>,
        tpu.vector_store_idx %arg11[%add3A_9, %add3A_1205], %get3A_1211 : memref<32x257xf32, #tpu.memory_space<vmem>>[vector<16xi32>, vector<16xi32>], vector<16xf32>,
        %mul3A_1212 = arith.constant 8 : i32
        %mul3A_1213 = arith.muli %scan3A_1164, %mul3A_1212 : i32
        %add3A_1214 = arith.constant 4 : i32
        %add3A_1215 = arith.addi %mul3A_1213, %add3A_1214 : i32
        %add3A_1216 = vector.broadcast %add3A_1215 : i32 to vector<16xi32>
        %add3A_1217 = arith.addi %broadcast_in_dim3A_10, %add3A_1216 : vector<16xi32>
        %get3A_1218 = arith.index_cast %add3A_1215 : i32 to index
        %get3A_1219 = arith.constant 0 : index
        %get3A_1220 = tpu.vector_load %arg7[%get3A_1218, %get3A_1219] {strides = array<i32>} : memref<256x32xf32, #tpu.memory_space<vmem>>, vector<16xf32>,
        tpu.vector_store_idx %arg11[%add3A_5, %add3A_1217], %get3A_1220 : memref<32x257xf32, #tpu.memory_space<vmem>>[vector<16xi32>, vector<16xi32>], vector<16xf32>,
        %get3A_1221 = arith.index_cast %add3A_1215 : i32 to index
        %get3A_1222 = arith.constant 16 : index
        %get3A_1223 = tpu.vector_load %arg7[%get3A_1221, %get3A_1222] {strides = array<i32>} : memref<256x32xf32, #tpu.memory_space<vmem>>, vector<16xf32>,
        tpu.vector_store_idx %arg11[%add3A_9, %add3A_1217], %get3A_1223 : memref<32x257xf32, #tpu.memory_space<vmem>>[vector<16xi32>, vector<16xi32>], vector<16xf32>,
        %mul3A_1224 = arith.constant 8 : i32
        %mul3A_1225 = arith.muli %scan3A_1164, %mul3A_1224 : i32
        %add3A_1226 = arith.constant 5 : i32
        %add3A_1227 = arith.addi %mul3A_1225, %add3A_1226 : i32
        %add3A_1228 = vector.broadcast %add3A_1227 : i32 to vector<16xi32>
        %add3A_1229 = arith.addi %broadcast_in_dim3A_10, %add3A_1228 : vector<16xi32>
        %get3A_1230 = arith.index_cast %add3A_1227 : i32 to index
        %get3A_1231 = arith.constant 0 : index
        %get3A_1232 = tpu.vector_load %arg7[%get3A_1230, %get3A_1231] {strides = array<i32>} : memref<256x32xf32, #tpu.memory_space<vmem>>, vector<16xf32>,
        tpu.vector_store_idx %arg11[%add3A_5, %add3A_1229], %get3A_1232 : memref<32x257xf32, #tpu.memory_space<vmem>>[vector<16xi32>, vector<16xi32>], vector<16xf32>,
        %get3A_1233 = arith.index_cast %add3A_1227 : i32 to index
        %get3A_1234 = arith.constant 16 : index
        %get3A_1235 = tpu.vector_load %arg7[%get3A_1233, %get3A_1234] {strides = array<i32>} : memref<256x32xf32, #tpu.memory_space<vmem>>, vector<16xf32>,
        tpu.vector_store_idx %arg11[%add3A_9, %add3A_1229], %get3A_1235 : memref<32x257xf32, #tpu.memory_space<vmem>>[vector<16xi32>, vector<16xi32>], vector<16xf32>,
        %mul3A_1236 = arith.constant 8 : i32
        %mul3A_1237 = arith.muli %scan3A_1164, %mul3A_1236 : i32
        %add3A_1238 = arith.constant 6 : i32
        %add3A_1239 = arith.addi %mul3A_1237, %add3A_1238 : i32
        %add3A_1240 = vector.broadcast %add3A_1239 : i32 to vector<16xi32>
        %add3A_1241 = arith.addi %broadcast_in_dim3A_10, %add3A_1240 : vector<16xi32>
        %get3A_1242 = arith.index_cast %add3A_1239 : i32 to index
        %get3A_1243 = arith.constant 0 : index
        %get3A_1244 = tpu.vector_load %arg7[%get3A_1242, %get3A_1243] {strides = array<i32>} : memref<256x32xf32, #tpu.memory_space<vmem>>, vector<16xf32>,
        tpu.vector_store_idx %arg11[%add3A_5, %add3A_1241], %get3A_1244 : memref<32x257xf32, #tpu.memory_space<vmem>>[vector<16xi32>, vector<16xi32>], vector<16xf32>,
        %get3A_1245 = arith.index_cast %add3A_1239 : i32 to index
        %get3A_1246 = arith.constant 16 : index
        %get3A_1247 = tpu.vector_load %arg7[%get3A_1245, %get3A_1246] {strides = array<i32>} : memref<256x32xf32, #tpu.memory_space<vmem>>, vector<16xf32>,
        tpu.vector_store_idx %arg11[%add3A_9, %add3A_1241], %get3A_1247 : memref<32x257xf32, #tpu.memory_space<vmem>>[vector<16xi32>, vector<16xi32>], vector<16xf32>,
        %mul3A_1248 = arith.constant 8 : i32
        %mul3A_1249 = arith.muli %scan3A_1164, %mul3A_1248 : i32
        %add3A_1250 = arith.constant 7 : i32
        %add3A_1251 = arith.addi %mul3A_1249, %add3A_1250 : i32
        %add3A_1252 = vector.broadcast %add3A_1251 : i32 to vector<16xi32>
        %add3A_1253 = arith.addi %broadcast_in_dim3A_10, %add3A_1252 : vector<16xi32>
        %get3A_1254 = arith.index_cast %add3A_1251 : i32 to index
        %get3A_1255 = arith.constant 0 : index
        %get3A_1256 = tpu.vector_load %arg7[%get3A_1254, %get3A_1255] {strides = array<i32>} : memref<256x32xf32, #tpu.memory_space<vmem>>, vector<16xf32>,
        tpu.vector_store_idx %arg11[%add3A_5, %add3A_1253], %get3A_1256 : memref<32x257xf32, #tpu.memory_space<vmem>>[vector<16xi32>, vector<16xi32>], vector<16xf32>,
        %get3A_1257 = arith.index_cast %add3A_1251 : i32 to index
        %get3A_1258 = arith.constant 16 : index
        %get3A_1259 = tpu.vector_load %arg7[%get3A_1257, %get3A_1258] {strides = array<i32>} : memref<256x32xf32, #tpu.memory_space<vmem>>, vector<16xf32>,
        tpu.vector_store_idx %arg11[%add3A_9, %add3A_1253], %get3A_1259 : memref<32x257xf32, #tpu.memory_space<vmem>>[vector<16xi32>, vector<16xi32>], vector<16xf32>,
      }
      %scan3A_670 = arith.constant 32 : i32
      %mul3A_671 = arith.constant 2 : i32
      %mul3A_672 = arith.muli %mul3A_671, %add3A_649 : i32
      %add3A_673 = arith.addi %mul3A_2, %mul3A_672 : i32
      %jit3A_674 = arith.constant 32 : i32
      %div3A_675 = arith.divsi %add3A_673, %jit3A_674 : i32
      %sign3A_676 = arith.constant 0 : i32
      %sign3A_677 = arith.cmpi sgt, %add3A_673, %sign3A_676 : i32
      %sign3A_678 = arith.extui %sign3A_677 : i1 to i32
      %sign3A_679 = arith.constant 0 : i32
      %sign3A_680 = arith.cmpi slt, %add3A_673, %sign3A_679 : i32
      %sign3A_681 = arith.extui %sign3A_680 : i1 to i32
      %sign3A_682 = arith.subi %sign3A_678, %sign3A_681 : i32
      %sign3A_683 = arith.constant 0 : i32
      %sign3A_684 = arith.cmpi sgt, %jit3A_674, %sign3A_683 : i32
      %sign3A_685 = arith.extui %sign3A_684 : i1 to i32
      %sign3A_686 = arith.constant 0 : i32
      %sign3A_687 = arith.cmpi slt, %jit3A_674, %sign3A_686 : i32
      %sign3A_688 = arith.extui %sign3A_687 : i1 to i32
      %sign3A_689 = arith.subi %sign3A_685, %sign3A_688 : i32
      %ne3A_690 = arith.cmpi ne, %sign3A_682, %sign3A_689 : i32
      %rem3A_691 = arith.remsi %add3A_673, %jit3A_674 : i32
      %ne3A_692 = arith.constant 0 : i32
      %ne3A_693 = arith.cmpi ne, %rem3A_691, %ne3A_692 : i32
      %and3A_694 = arith.andi %ne3A_690, %ne3A_693 : i1
      %sub3A_695 = arith.constant 1 : i32
      %sub3A_696 = arith.subi %div3A_675, %sub3A_695 : i32
      %select_n3A_697 = arith.select %and3A_694, %sub3A_696, %div3A_675 : i32
      %mul3A_698 = arith.constant 32 : i32
      %mul3A_699 = arith.muli %select_n3A_697, %mul3A_698 : i32
      %sub3A_700 = arith.subi %add3A_673, %mul3A_699 : i32
      %mul3A_701 = arith.constant 1024 : i32
      %mul3A_702 = arith.muli %select_n3A_697, %mul3A_701 : i32
      %mul3A_703 = arith.constant 8 : i32
      %mul3A_704 = arith.muli %sub3A_700, %mul3A_703 : i32
      %add3A_705 = arith.addi %mul3A_702, %mul3A_704 : i32
      %add3A_706 = arith.constant 0 : i32
      %add3A_707 = arith.addi %add3A_705, %add3A_706 : i32
      %add3A_708 = arith.constant 0 : i32
      %add3A_709 = arith.addi %add3A_707, %add3A_708 : i32
      %dma_start3A_710 = arith.constant 0 : i32
      %dma_start3A_711 = arith.constant 0 : i32
      %dma_start3A_712 = tpu.memref_slice %arg11[%dma_start3A_710, %dma_start3A_711] : memref<32x257xf32, #tpu.memory_space<vmem>> -> memref<8x128xf32, #tpu.memory_space<vmem>>
      %dma_start3A_713 = arith.constant 0 : i32
      %dma_start3A_714 = tpu.memref_slice %arg4[%add3A_709, %dma_start3A_713] : memref<204800x128xf32, #tpu.memory_space<hbm>> -> memref<8x128xf32, #tpu.memory_space<hbm>>
      %dma_start3A_715 = arith.constant 0 : i32
      %dma_start3A_716 = tpu.memref_slice %arg4[%add3A_709, %dma_start3A_715] : memref<204800x128xf32, #tpu.memory_space<hbm>> -> memref<8x128xf32, #tpu.memory_space<hbm>>
      %dma_start3A_717 = arith.constant 0 : i32
      %dma_start3A_718 = arith.constant 0 : i32
      %dma_start3A_719 = tpu.memref_slice %arg11[%dma_start3A_717, %dma_start3A_718] : memref<32x257xf32, #tpu.memory_space<vmem>> -> memref<8x128xf32, #tpu.memory_space<vmem>>
      tpu.enqueue_dma source(%dma_start3A_719 : memref<8x128xf32, #tpu.memory_space<vmem>>) target(%dma_start3A_716 : memref<8x128xf32, #tpu.memory_space<hbm>>) target_semaphore(%arg19 : memref<!tpu.dma_semaphore, #tpu.memory_space<semaphore_mem>>)
      %add3A_720 = arith.constant 0 : i32
      %add3A_721 = arith.addi %add3A_705, %add3A_720 : i32
      %add3A_722 = arith.constant 8 : i32
      %add3A_723 = arith.addi %add3A_721, %add3A_722 : i32
      %dma_start3A_724 = arith.constant 0 : i32
      %dma_start3A_725 = arith.constant 128 : i32
      %dma_start3A_726 = tpu.memref_slice %arg11[%dma_start3A_724, %dma_start3A_725] : memref<32x257xf32, #tpu.memory_space<vmem>> -> memref<8x128xf32, #tpu.memory_space<vmem>>
      %dma_start3A_727 = arith.constant 0 : i32
      %dma_start3A_728 = tpu.memref_slice %arg4[%add3A_723, %dma_start3A_727] : memref<204800x128xf32, #tpu.memory_space<hbm>> -> memref<8x128xf32, #tpu.memory_space<hbm>>
      %dma_start3A_729 = arith.constant 0 : i32
      %dma_start3A_730 = tpu.memref_slice %arg4[%add3A_723, %dma_start3A_729] : memref<204800x128xf32, #tpu.memory_space<hbm>> -> memref<8x128xf32, #tpu.memory_space<hbm>>
      %dma_start3A_731 = arith.constant 0 : i32
      %dma_start3A_732 = arith.constant 128 : i32
      %dma_start3A_733 = tpu.memref_slice %arg11[%dma_start3A_731, %dma_start3A_732] : memref<32x257xf32, #tpu.memory_space<vmem>> -> memref<8x128xf32, #tpu.memory_space<vmem>>
      tpu.enqueue_dma source(%dma_start3A_733 : memref<8x128xf32, #tpu.memory_space<vmem>>) target(%dma_start3A_730 : memref<8x128xf32, #tpu.memory_space<hbm>>) target_semaphore(%arg19 : memref<!tpu.dma_semaphore, #tpu.memory_space<semaphore_mem>>)
      %add3A_734 = arith.constant 256 : i32
      %add3A_735 = arith.addi %add3A_705, %add3A_734 : i32
      %add3A_736 = arith.constant 0 : i32
      %add3A_737 = arith.addi %add3A_735, %add3A_736 : i32
      %dma_start3A_738 = arith.constant 8 : i32
      %dma_start3A_739 = arith.constant 0 : i32
      %dma_start3A_740 = tpu.memref_slice %arg11[%dma_start3A_738, %dma_start3A_739] : memref<32x257xf32, #tpu.memory_space<vmem>> -> memref<8x128xf32, #tpu.memory_space<vmem>>
      %dma_start3A_741 = arith.constant 0 : i32
      %dma_start3A_742 = tpu.memref_slice %arg4[%add3A_737, %dma_start3A_741] : memref<204800x128xf32, #tpu.memory_space<hbm>> -> memref<8x128xf32, #tpu.memory_space<hbm>>
      %dma_start3A_743 = arith.constant 0 : i32
      %dma_start3A_744 = tpu.memref_slice %arg4[%add3A_737, %dma_start3A_743] : memref<204800x128xf32, #tpu.memory_space<hbm>> -> memref<8x128xf32, #tpu.memory_space<hbm>>
      %dma_start3A_745 = arith.constant 8 : i32
      %dma_start3A_746 = arith.constant 0 : i32
      %dma_start3A_747 = tpu.memref_slice %arg11[%dma_start3A_745, %dma_start3A_746] : memref<32x257xf32, #tpu.memory_space<vmem>> -> memref<8x128xf32, #tpu.memory_space<vmem>>
      tpu.enqueue_dma source(%dma_start3A_747 : memref<8x128xf32, #tpu.memory_space<vmem>>) target(%dma_start3A_744 : memref<8x128xf32, #tpu.memory_space<hbm>>) target_semaphore(%arg19 : memref<!tpu.dma_semaphore, #tpu.memory_space<semaphore_mem>>)
      %add3A_748 = arith.constant 256 : i32
      %add3A_749 = arith.addi %add3A_705, %add3A_748 : i32
      %add3A_750 = arith.constant 8 : i32
      %add3A_751 = arith.addi %add3A_749, %add3A_750 : i32
      %dma_start3A_752 = arith.constant 8 : i32
      %dma_start3A_753 = arith.constant 128 : i32
      %dma_start3A_754 = tpu.memref_slice %arg11[%dma_start3A_752, %dma_start3A_753] : memref<32x257xf32, #tpu.memory_space<vmem>> -> memref<8x128xf32, #tpu.memory_space<vmem>>
      %dma_start3A_755 = arith.constant 0 : i32
      %dma_start3A_756 = tpu.memref_slice %arg4[%add3A_751, %dma_start3A_755] : memref<204800x128xf32, #tpu.memory_space<hbm>> -> memref<8x128xf32, #tpu.memory_space<hbm>>
      %dma_start3A_757 = arith.constant 0 : i32
      %dma_start3A_758 = tpu.memref_slice %arg4[%add3A_751, %dma_start3A_757] : memref<204800x128xf32, #tpu.memory_space<hbm>> -> memref<8x128xf32, #tpu.memory_space<hbm>>
      %dma_start3A_759 = arith.constant 8 : i32
      %dma_start3A_760 = arith.constant 128 : i32
      %dma_start3A_761 = tpu.memref_slice %arg11[%dma_start3A_759, %dma_start3A_760] : memref<32x257xf32, #tpu.memory_space<vmem>> -> memref<8x128xf32, #tpu.memory_space<vmem>>
      tpu.enqueue_dma source(%dma_start3A_761 : memref<8x128xf32, #tpu.memory_space<vmem>>) target(%dma_start3A_758 : memref<8x128xf32, #tpu.memory_space<hbm>>) target_semaphore(%arg19 : memref<!tpu.dma_semaphore, #tpu.memory_space<semaphore_mem>>)
      %add3A_762 = arith.constant 512 : i32
      %add3A_763 = arith.addi %add3A_705, %add3A_762 : i32
      %add3A_764 = arith.constant 0 : i32
      %add3A_765 = arith.addi %add3A_763, %add3A_764 : i32
      %dma_start3A_766 = arith.constant 16 : i32
      %dma_start3A_767 = arith.constant 0 : i32
      %dma_start3A_768 = tpu.memref_slice %arg11[%dma_start3A_766, %dma_start3A_767] : memref<32x257xf32, #tpu.memory_space<vmem>> -> memref<8x128xf32, #tpu.memory_space<vmem>>
      %dma_start3A_769 = arith.constant 0 : i32
      %dma_start3A_770 = tpu.memref_slice %arg4[%add3A_765, %dma_start3A_769] : memref<204800x128xf32, #tpu.memory_space<hbm>> -> memref<8x128xf32, #tpu.memory_space<hbm>>
      %dma_start3A_771 = arith.constant 0 : i32
      %dma_start3A_772 = tpu.memref_slice %arg4[%add3A_765, %dma_start3A_771] : memref<204800x128xf32, #tpu.memory_space<hbm>> -> memref<8x128xf32, #tpu.memory_space<hbm>>
      %dma_start3A_773 = arith.constant 16 : i32
      %dma_start3A_774 = arith.constant 0 : i32
      %dma_start3A_775 = tpu.memref_slice %arg11[%dma_start3A_773, %dma_start3A_774] : memref<32x257xf32, #tpu.memory_space<vmem>> -> memref<8x128xf32, #tpu.memory_space<vmem>>
      tpu.enqueue_dma source(%dma_start3A_775 : memref<8x128xf32, #tpu.memory_space<vmem>>) target(%dma_start3A_772 : memref<8x128xf32, #tpu.memory_space<hbm>>) target_semaphore(%arg19 : memref<!tpu.dma_semaphore, #tpu.memory_space<semaphore_mem>>)
      %add3A_776 = arith.constant 512 : i32
      %add3A_777 = arith.addi %add3A_705, %add3A_776 : i32
      %add3A_778 = arith.constant 8 : i32
      %add3A_779 = arith.addi %add3A_777, %add3A_778 : i32
      %dma_start3A_780 = arith.constant 16 : i32
      %dma_start3A_781 = arith.constant 128 : i32
      %dma_start3A_782 = tpu.memref_slice %arg11[%dma_start3A_780, %dma_start3A_781] : memref<32x257xf32, #tpu.memory_space<vmem>> -> memref<8x128xf32, #tpu.memory_space<vmem>>
      %dma_start3A_783 = arith.constant 0 : i32
      %dma_start3A_784 = tpu.memref_slice %arg4[%add3A_779, %dma_start3A_783] : memref<204800x128xf32, #tpu.memory_space<hbm>> -> memref<8x128xf32, #tpu.memory_space<hbm>>
      %dma_start3A_785 = arith.constant 0 : i32
      %dma_start3A_786 = tpu.memref_slice %arg4[%add3A_779, %dma_start3A_785] : memref<204800x128xf32, #tpu.memory_space<hbm>> -> memref<8x128xf32, #tpu.memory_space<hbm>>
      %dma_start3A_787 = arith.constant 16 : i32
      %dma_start3A_788 = arith.constant 128 : i32
      %dma_start3A_789 = tpu.memref_slice %arg11[%dma_start3A_787, %dma_start3A_788] : memref<32x257xf32, #tpu.memory_space<vmem>> -> memref<8x128xf32, #tpu.memory_space<vmem>>
      tpu.enqueue_dma source(%dma_start3A_789 : memref<8x128xf32, #tpu.memory_space<vmem>>) target(%dma_start3A_786 : memref<8x128xf32, #tpu.memory_space<hbm>>) target_semaphore(%arg19 : memref<!tpu.dma_semaphore, #tpu.memory_space<semaphore_mem>>)
      %add3A_790 = arith.constant 768 : i32
      %add3A_791 = arith.addi %add3A_705, %add3A_790 : i32
      %add3A_792 = arith.constant 0 : i32
      %add3A_793 = arith.addi %add3A_791, %add3A_792 : i32
      %dma_start3A_794 = arith.constant 24 : i32
      %dma_start3A_795 = arith.constant 0 : i32
      %dma_start3A_796 = tpu.memref_slice %arg11[%dma_start3A_794, %dma_start3A_795] : memref<32x257xf32, #tpu.memory_space<vmem>> -> memref<8x128xf32, #tpu.memory_space<vmem>>
      %dma_start3A_797 = arith.constant 0 : i32
      %dma_start3A_798 = tpu.memref_slice %arg4[%add3A_793, %dma_start3A_797] : memref<204800x128xf32, #tpu.memory_space<hbm>> -> memref<8x128xf32, #tpu.memory_space<hbm>>
      %dma_start3A_799 = arith.constant 0 : i32
      %dma_start3A_800 = tpu.memref_slice %arg4[%add3A_793, %dma_start3A_799] : memref<204800x128xf32, #tpu.memory_space<hbm>> -> memref<8x128xf32, #tpu.memory_space<hbm>>
      %dma_start3A_801 = arith.constant 24 : i32
      %dma_start3A_802 = arith.constant 0 : i32
      %dma_start3A_803 = tpu.memref_slice %arg11[%dma_start3A_801, %dma_start3A_802] : memref<32x257xf32, #tpu.memory_space<vmem>> -> memref<8x128xf32, #tpu.memory_space<vmem>>
      tpu.enqueue_dma source(%dma_start3A_803 : memref<8x128xf32, #tpu.memory_space<vmem>>) target(%dma_start3A_800 : memref<8x128xf32, #tpu.memory_space<hbm>>) target_semaphore(%arg19 : memref<!tpu.dma_semaphore, #tpu.memory_space<semaphore_mem>>)
      %add3A_804 = arith.constant 768 : i32
      %add3A_805 = arith.addi %add3A_705, %add3A_804 : i32
      %add3A_806 = arith.constant 8 : i32
      %add3A_807 = arith.addi %add3A_805, %add3A_806 : i32
      %dma_start3A_808 = arith.constant 24 : i32
      %dma_start3A_809 = arith.constant 128 : i32
      %dma_start3A_810 = tpu.memref_slice %arg11[%dma_start3A_808, %dma_start3A_809] : memref<32x257xf32, #tpu.memory_space<vmem>> -> memref<8x128xf32, #tpu.memory_space<vmem>>
      %dma_start3A_811 = arith.constant 0 : i32
      %dma_start3A_812 = tpu.memref_slice %arg4[%add3A_807, %dma_start3A_811] : memref<204800x128xf32, #tpu.memory_space<hbm>> -> memref<8x128xf32, #tpu.memory_space<hbm>>
      %dma_start3A_813 = arith.constant 0 : i32
      %dma_start3A_814 = tpu.memref_slice %arg4[%add3A_807, %dma_start3A_813] : memref<204800x128xf32, #tpu.memory_space<hbm>> -> memref<8x128xf32, #tpu.memory_space<hbm>>
      %dma_start3A_815 = arith.constant 24 : i32
      %dma_start3A_816 = arith.constant 128 : i32
      %dma_start3A_817 = tpu.memref_slice %arg11[%dma_start3A_815, %dma_start3A_816] : memref<32x257xf32, #tpu.memory_space<vmem>> -> memref<8x128xf32, #tpu.memory_space<vmem>>
      tpu.enqueue_dma source(%dma_start3A_817 : memref<8x128xf32, #tpu.memory_space<vmem>>) target(%dma_start3A_814 : memref<8x128xf32, #tpu.memory_space<hbm>>) target_semaphore(%arg19 : memref<!tpu.dma_semaphore, #tpu.memory_space<semaphore_mem>>)
      %mul3A_818 = arith.constant 4 : i32
      %mul3A_819 = arith.muli %mul3A_818, %scan3A_458 : i32
      %add3A_820 = arith.constant 2 : i32
      %add3A_821 = arith.addi %mul3A_819, %add3A_820 : i32
      %lt3A_822 = arith.constant 24 : i32
      %lt3A_823 = arith.cmpi slt, %scan3A_458, %lt3A_822 : i32
      %convert_element_type3A_824 = arith.extui %lt3A_823 : i1 to i32
      %cond3A_825 = arith.constant 0 : i32
      %cond3A_826 = arith.cmpi ne, %convert_element_type3A_824, %cond3A_825 : i32
      scf.if %cond3A_826 {
        %add3A_1164 = arith.constant 4 : i32
        %add3A_1165 = arith.addi %add3A_821, %add3A_1164 : i32
        %sub3A_1166 = arith.constant 1 : i32
        %sub3A_1167 = arith.subi %add3A_1165, %sub3A_1166 : i32
        %mul3A_1168 = arith.constant 2 : i32
        %mul3A_1169 = arith.muli %mul3A_1168, %sub3A_1167 : i32
        %add3A_1170 = arith.constant 0 : i32
        %add3A_1171 = arith.addi %mul3A_1169, %add3A_1170 : i32
        %dma_start3A_1172 = arith.constant 0 : i32
        %dma_start3A_1173 = arith.constant 0 : i32
        %dma_start3A_1174 = tpu.memref_slice %arg7[%dma_start3A_1172, %dma_start3A_1173] : memref<256x32xf32, #tpu.memory_space<vmem>> -> memref<128x32xf32, #tpu.memory_space<vmem>>
        %dma_start3A_1175 = arith.constant 0 : i32
        %dma_start3A_1176 = tpu.memref_slice %arg5[%add3A_1171, %dma_start3A_1175] : memref<200x128xi32, #tpu.memory_space<vmem>> -> memref<1x128xi32, #tpu.memory_space<vmem>>
        %dma_start3A_1177 = tpu.memref_squeeze %dma_start3A_1176 : memref<1x128xi32, #tpu.memory_space<vmem>> -> memref<128xi32, #tpu.memory_space<vmem>>
        %dma_start3A_1178 = arith.constant 0 : i32
        %dma_start3A_1179 = arith.constant 0 : i32
        %dma_start3A_1180 = tpu.memref_slice %arg2[%dma_start3A_1178, %dma_start3A_1179] : memref<4000000x32xf32, #tpu.memory_space<hbm>> -> memref<4000000x32xf32, #tpu.memory_space<hbm>>
        tpu.enqueue_indirect_dma source(%dma_start3A_1180 : memref<4000000x32xf32, #tpu.memory_space<hbm>>) target(%dma_start3A_1174 : memref<128x32xf32, #tpu.memory_space<vmem>>) offsets(%dma_start3A_1177 : memref<128xi32, #tpu.memory_space<vmem>>) semaphore(%arg15 : memref<!tpu.dma_semaphore, #tpu.memory_space<semaphore_mem>>)
        %mul3A_1181 = arith.constant 2 : i32
        %mul3A_1182 = arith.muli %mul3A_1181, %sub3A_1167 : i32
        %add3A_1183 = arith.constant 1 : i32
        %add3A_1184 = arith.addi %mul3A_1182, %add3A_1183 : i32
        %dma_start3A_1185 = arith.constant 128 : i32
        %dma_start3A_1186 = arith.constant 0 : i32
        %dma_start3A_1187 = tpu.memref_slice %arg7[%dma_start3A_1185, %dma_start3A_1186] : memref<256x32xf32, #tpu.memory_space<vmem>> -> memref<128x32xf32, #tpu.memory_space<vmem>>
        %dma_start3A_1188 = arith.constant 0 : i32
        %dma_start3A_1189 = tpu.memref_slice %arg5[%add3A_1184, %dma_start3A_1188] : memref<200x128xi32, #tpu.memory_space<vmem>> -> memref<1x128xi32, #tpu.memory_space<vmem>>
        %dma_start3A_1190 = tpu.memref_squeeze %dma_start3A_1189 : memref<1x128xi32, #tpu.memory_space<vmem>> -> memref<128xi32, #tpu.memory_space<vmem>>
        %dma_start3A_1191 = arith.constant 0 : i32
        %dma_start3A_1192 = arith.constant 0 : i32
        %dma_start3A_1193 = tpu.memref_slice %arg2[%dma_start3A_1191, %dma_start3A_1192] : memref<4000000x32xf32, #tpu.memory_space<hbm>> -> memref<4000000x32xf32, #tpu.memory_space<hbm>>
        tpu.enqueue_indirect_dma source(%dma_start3A_1193 : memref<4000000x32xf32, #tpu.memory_space<hbm>>) target(%dma_start3A_1187 : memref<128x32xf32, #tpu.memory_space<vmem>>) offsets(%dma_start3A_1190 : memref<128xi32, #tpu.memory_space<vmem>>) semaphore(%arg15 : memref<!tpu.dma_semaphore, #tpu.memory_space<semaphore_mem>>)
      } else {
      }
      %dma_wait3A_827 = arith.constant 0 : i32
      %dma_wait3A_828 = arith.constant 0 : i32
      %dma_wait3A_829 = tpu.memref_slice %arg2[%dma_wait3A_827, %dma_wait3A_828] : memref<4000000x32xf32, #tpu.memory_space<hbm>> -> memref<256x32xf32, #tpu.memory_space<hbm>>
      %dma_wait3A_830 = arith.constant 0 : i32
      %dma_wait3A_831 = arith.constant 0 : i32
      %dma_wait3A_832 = tpu.memref_slice %arg2[%dma_wait3A_830, %dma_wait3A_831] : memref<4000000x32xf32, #tpu.memory_space<hbm>> -> memref<256x32xf32, #tpu.memory_space<hbm>>
      tpu.wait_dma2 semaphore(%arg16 : memref<!tpu.dma_semaphore, #tpu.memory_space<semaphore_mem>>) src(%dma_wait3A_832 : memref<256x32xf32, #tpu.memory_space<hbm>>) dst(%arg8 : memref<256x32xf32, #tpu.memory_space<vmem>>)
      %ge3A_833 = arith.constant 1 : i32
      %ge3A_834 = arith.cmpi sge, %scan3A_458, %ge3A_833 : i32
      %convert_element_type3A_835 = arith.extui %ge3A_834 : i1 to i32
      %cond3A_836 = arith.constant 0 : i32
      %cond3A_837 = arith.cmpi ne, %convert_element_type3A_835, %cond3A_836 : i32
      scf.if %cond3A_837 {
        %dma_wait3A_1164 = arith.constant 0 : i32
        %dma_wait3A_1165 = arith.constant 0 : i32
        %dma_wait3A_1166 = tpu.memref_slice %arg12[%dma_wait3A_1164, %dma_wait3A_1165] : memref<32x257xf32, #tpu.memory_space<vmem>> -> memref<8x128xf32, #tpu.memory_space<vmem>>
        %dma_wait3A_1167 = arith.constant 0 : i32
        %dma_wait3A_1168 = arith.constant 0 : i32
        %dma_wait3A_1169 = tpu.memref_slice %arg4[%dma_wait3A_1167, %dma_wait3A_1168] : memref<204800x128xf32, #tpu.memory_space<hbm>> -> memref<8x128xf32, #tpu.memory_space<hbm>>
        %dma_wait3A_1170 = arith.constant 0 : i32
        %dma_wait3A_1171 = arith.constant 0 : i32
        %dma_wait3A_1172 = tpu.memref_slice %arg12[%dma_wait3A_1170, %dma_wait3A_1171] : memref<32x257xf32, #tpu.memory_space<vmem>> -> memref<8x128xf32, #tpu.memory_space<vmem>>
        %dma_wait3A_1173 = arith.constant 0 : i32
        %dma_wait3A_1174 = arith.constant 0 : i32
        %dma_wait3A_1175 = tpu.memref_slice %arg4[%dma_wait3A_1173, %dma_wait3A_1174] : memref<204800x128xf32, #tpu.memory_space<hbm>> -> memref<8x128xf32, #tpu.memory_space<hbm>>
        tpu.wait_dma2 semaphore(%arg20 : memref<!tpu.dma_semaphore, #tpu.memory_space<semaphore_mem>>) src(%dma_wait3A_1175 : memref<8x128xf32, #tpu.memory_space<hbm>>) dst(%dma_wait3A_1172 : memref<8x128xf32, #tpu.memory_space<vmem>>)
        %dma_wait3A_1176 = arith.constant 0 : i32
        %dma_wait3A_1177 = arith.constant 0 : i32
        %dma_wait3A_1178 = tpu.memref_slice %arg12[%dma_wait3A_1176, %dma_wait3A_1177] : memref<32x257xf32, #tpu.memory_space<vmem>> -> memref<8x128xf32, #tpu.memory_space<vmem>>
        %dma_wait3A_1179 = arith.constant 0 : i32
        %dma_wait3A_1180 = arith.constant 0 : i32
        %dma_wait3A_1181 = tpu.memref_slice %arg4[%dma_wait3A_1179, %dma_wait3A_1180] : memref<204800x128xf32, #tpu.memory_space<hbm>> -> memref<8x128xf32, #tpu.memory_space<hbm>>
        %dma_wait3A_1182 = arith.constant 0 : i32
        %dma_wait3A_1183 = arith.constant 0 : i32
        %dma_wait3A_1184 = tpu.memref_slice %arg12[%dma_wait3A_1182, %dma_wait3A_1183] : memref<32x257xf32, #tpu.memory_space<vmem>> -> memref<8x128xf32, #tpu.memory_space<vmem>>
        %dma_wait3A_1185 = arith.constant 0 : i32
        %dma_wait3A_1186 = arith.constant 0 : i32
        %dma_wait3A_1187 = tpu.memref_slice %arg4[%dma_wait3A_1185, %dma_wait3A_1186] : memref<204800x128xf32, #tpu.memory_space<hbm>> -> memref<8x128xf32, #tpu.memory_space<hbm>>
        tpu.wait_dma2 semaphore(%arg20 : memref<!tpu.dma_semaphore, #tpu.memory_space<semaphore_mem>>) src(%dma_wait3A_1187 : memref<8x128xf32, #tpu.memory_space<hbm>>) dst(%dma_wait3A_1184 : memref<8x128xf32, #tpu.memory_space<vmem>>)
        %dma_wait3A_1188 = arith.constant 0 : i32
        %dma_wait3A_1189 = arith.constant 0 : i32
        %dma_wait3A_1190 = tpu.memref_slice %arg12[%dma_wait3A_1188, %dma_wait3A_1189] : memref<32x257xf32, #tpu.memory_space<vmem>> -> memref<8x128xf32, #tpu.memory_space<vmem>>
        %dma_wait3A_1191 = arith.constant 0 : i32
        %dma_wait3A_1192 = arith.constant 0 : i32
        %dma_wait3A_1193 = tpu.memref_slice %arg4[%dma_wait3A_1191, %dma_wait3A_1192] : memref<204800x128xf32, #tpu.memory_space<hbm>> -> memref<8x128xf32, #tpu.memory_space<hbm>>
        %dma_wait3A_1194 = arith.constant 0 : i32
        %dma_wait3A_1195 = arith.constant 0 : i32
        %dma_wait3A_1196 = tpu.memref_slice %arg12[%dma_wait3A_1194, %dma_wait3A_1195] : memref<32x257xf32, #tpu.memory_space<vmem>> -> memref<8x128xf32, #tpu.memory_space<vmem>>
        %dma_wait3A_1197 = arith.constant 0 : i32
        %dma_wait3A_1198 = arith.constant 0 : i32
        %dma_wait3A_1199 = tpu.memref_slice %arg4[%dma_wait3A_1197, %dma_wait3A_1198] : memref<204800x128xf32, #tpu.memory_space<hbm>> -> memref<8x128xf32, #tpu.memory_space<hbm>>
        tpu.wait_dma2 semaphore(%arg20 : memref<!tpu.dma_semaphore, #tpu.memory_space<semaphore_mem>>) src(%dma_wait3A_1199 : memref<8x128xf32, #tpu.memory_space<hbm>>) dst(%dma_wait3A_1196 : memref<8x128xf32, #tpu.memory_space<vmem>>)
        %dma_wait3A_1200 = arith.constant 0 : i32
        %dma_wait3A_1201 = arith.constant 0 : i32
        %dma_wait3A_1202 = tpu.memref_slice %arg12[%dma_wait3A_1200, %dma_wait3A_1201] : memref<32x257xf32, #tpu.memory_space<vmem>> -> memref<8x128xf32, #tpu.memory_space<vmem>>
        %dma_wait3A_1203 = arith.constant 0 : i32
        %dma_wait3A_1204 = arith.constant 0 : i32
        %dma_wait3A_1205 = tpu.memref_slice %arg4[%dma_wait3A_1203, %dma_wait3A_1204] : memref<204800x128xf32, #tpu.memory_space<hbm>> -> memref<8x128xf32, #tpu.memory_space<hbm>>
        %dma_wait3A_1206 = arith.constant 0 : i32
        %dma_wait3A_1207 = arith.constant 0 : i32
        %dma_wait3A_1208 = tpu.memref_slice %arg12[%dma_wait3A_1206, %dma_wait3A_1207] : memref<32x257xf32, #tpu.memory_space<vmem>> -> memref<8x128xf32, #tpu.memory_space<vmem>>
        %dma_wait3A_1209 = arith.constant 0 : i32
        %dma_wait3A_1210 = arith.constant 0 : i32
        %dma_wait3A_1211 = tpu.memref_slice %arg4[%dma_wait3A_1209, %dma_wait3A_1210] : memref<204800x128xf32, #tpu.memory_space<hbm>> -> memref<8x128xf32, #tpu.memory_space<hbm>>
        tpu.wait_dma2 semaphore(%arg20 : memref<!tpu.dma_semaphore, #tpu.memory_space<semaphore_mem>>) src(%dma_wait3A_1211 : memref<8x128xf32, #tpu.memory_space<hbm>>) dst(%dma_wait3A_1208 : memref<8x128xf32, #tpu.memory_space<vmem>>)
        %dma_wait3A_1212 = arith.constant 0 : i32
        %dma_wait3A_1213 = arith.constant 0 : i32
        %dma_wait3A_1214 = tpu.memref_slice %arg12[%dma_wait3A_1212, %dma_wait3A_1213] : memref<32x257xf32, #tpu.memory_space<vmem>> -> memref<8x128xf32, #tpu.memory_space<vmem>>
        %dma_wait3A_1215 = arith.constant 0 : i32
        %dma_wait3A_1216 = arith.constant 0 : i32
        %dma_wait3A_1217 = tpu.memref_slice %arg4[%dma_wait3A_1215, %dma_wait3A_1216] : memref<204800x128xf32, #tpu.memory_space<hbm>> -> memref<8x128xf32, #tpu.memory_space<hbm>>
        %dma_wait3A_1218 = arith.constant 0 : i32
        %dma_wait3A_1219 = arith.constant 0 : i32
        %dma_wait3A_1220 = tpu.memref_slice %arg12[%dma_wait3A_1218, %dma_wait3A_1219] : memref<32x257xf32, #tpu.memory_space<vmem>> -> memref<8x128xf32, #tpu.memory_space<vmem>>
        %dma_wait3A_1221 = arith.constant 0 : i32
        %dma_wait3A_1222 = arith.constant 0 : i32
        %dma_wait3A_1223 = tpu.memref_slice %arg4[%dma_wait3A_1221, %dma_wait3A_1222] : memref<204800x128xf32, #tpu.memory_space<hbm>> -> memref<8x128xf32, #tpu.memory_space<hbm>>
        tpu.wait_dma2 semaphore(%arg20 : memref<!tpu.dma_semaphore, #tpu.memory_space<semaphore_mem>>) src(%dma_wait3A_1223 : memref<8x128xf32, #tpu.memory_space<hbm>>) dst(%dma_wait3A_1220 : memref<8x128xf32, #tpu.memory_space<vmem>>)
        %dma_wait3A_1224 = arith.constant 0 : i32
        %dma_wait3A_1225 = arith.constant 0 : i32
        %dma_wait3A_1226 = tpu.memref_slice %arg12[%dma_wait3A_1224, %dma_wait3A_1225] : memref<32x257xf32, #tpu.memory_space<vmem>> -> memref<8x128xf32, #tpu.memory_space<vmem>>
        %dma_wait3A_1227 = arith.constant 0 : i32
        %dma_wait3A_1228 = arith.constant 0 : i32
        %dma_wait3A_1229 = tpu.memref_slice %arg4[%dma_wait3A_1227, %dma_wait3A_1228] : memref<204800x128xf32, #tpu.memory_space<hbm>> -> memref<8x128xf32, #tpu.memory_space<hbm>>
        %dma_wait3A_1230 = arith.constant 0 : i32
        %dma_wait3A_1231 = arith.constant 0 : i32
        %dma_wait3A_1232 = tpu.memref_slice %arg12[%dma_wait3A_1230, %dma_wait3A_1231] : memref<32x257xf32, #tpu.memory_space<vmem>> -> memref<8x128xf32, #tpu.memory_space<vmem>>
        %dma_wait3A_1233 = arith.constant 0 : i32
        %dma_wait3A_1234 = arith.constant 0 : i32
        %dma_wait3A_1235 = tpu.memref_slice %arg4[%dma_wait3A_1233, %dma_wait3A_1234] : memref<204800x128xf32, #tpu.memory_space<hbm>> -> memref<8x128xf32, #tpu.memory_space<hbm>>
        tpu.wait_dma2 semaphore(%arg20 : memref<!tpu.dma_semaphore, #tpu.memory_space<semaphore_mem>>) src(%dma_wait3A_1235 : memref<8x128xf32, #tpu.memory_space<hbm>>) dst(%dma_wait3A_1232 : memref<8x128xf32, #tpu.memory_space<vmem>>)
        %dma_wait3A_1236 = arith.constant 0 : i32
        %dma_wait3A_1237 = arith.constant 0 : i32
        %dma_wait3A_1238 = tpu.memref_slice %arg12[%dma_wait3A_1236, %dma_wait3A_1237] : memref<32x257xf32, #tpu.memory_space<vmem>> -> memref<8x128xf32, #tpu.memory_space<vmem>>
        %dma_wait3A_1239 = arith.constant 0 : i32
        %dma_wait3A_1240 = arith.constant 0 : i32
        %dma_wait3A_1241 = tpu.memref_slice %arg4[%dma_wait3A_1239, %dma_wait3A_1240] : memref<204800x128xf32, #tpu.memory_space<hbm>> -> memref<8x128xf32, #tpu.memory_space<hbm>>
        %dma_wait3A_1242 = arith.constant 0 : i32
        %dma_wait3A_1243 = arith.constant 0 : i32
        %dma_wait3A_1244 = tpu.memref_slice %arg12[%dma_wait3A_1242, %dma_wait3A_1243] : memref<32x257xf32, #tpu.memory_space<vmem>> -> memref<8x128xf32, #tpu.memory_space<vmem>>
        %dma_wait3A_1245 = arith.constant 0 : i32
        %dma_wait3A_1246 = arith.constant 0 : i32
        %dma_wait3A_1247 = tpu.memref_slice %arg4[%dma_wait3A_1245, %dma_wait3A_1246] : memref<204800x128xf32, #tpu.memory_space<hbm>> -> memref<8x128xf32, #tpu.memory_space<hbm>>
        tpu.wait_dma2 semaphore(%arg20 : memref<!tpu.dma_semaphore, #tpu.memory_space<semaphore_mem>>) src(%dma_wait3A_1247 : memref<8x128xf32, #tpu.memory_space<hbm>>) dst(%dma_wait3A_1244 : memref<8x128xf32, #tpu.memory_space<vmem>>)
        %dma_wait3A_1248 = arith.constant 0 : i32
        %dma_wait3A_1249 = arith.constant 0 : i32
        %dma_wait3A_1250 = tpu.memref_slice %arg12[%dma_wait3A_1248, %dma_wait3A_1249] : memref<32x257xf32, #tpu.memory_space<vmem>> -> memref<8x128xf32, #tpu.memory_space<vmem>>
        %dma_wait3A_1251 = arith.constant 0 : i32
        %dma_wait3A_1252 = arith.constant 0 : i32
        %dma_wait3A_1253 = tpu.memref_slice %arg4[%dma_wait3A_1251, %dma_wait3A_1252] : memref<204800x128xf32, #tpu.memory_space<hbm>> -> memref<8x128xf32, #tpu.memory_space<hbm>>
        %dma_wait3A_1254 = arith.constant 0 : i32
        %dma_wait3A_1255 = arith.constant 0 : i32
        %dma_wait3A_1256 = tpu.memref_slice %arg12[%dma_wait3A_1254, %dma_wait3A_1255] : memref<32x257xf32, #tpu.memory_space<vmem>> -> memref<8x128xf32, #tpu.memory_space<vmem>>
        %dma_wait3A_1257 = arith.constant 0 : i32
        %dma_wait3A_1258 = arith.constant 0 : i32
        %dma_wait3A_1259 = tpu.memref_slice %arg4[%dma_wait3A_1257, %dma_wait3A_1258] : memref<204800x128xf32, #tpu.memory_space<hbm>> -> memref<8x128xf32, #tpu.memory_space<hbm>>
        tpu.wait_dma2 semaphore(%arg20 : memref<!tpu.dma_semaphore, #tpu.memory_space<semaphore_mem>>) src(%dma_wait3A_1259 : memref<8x128xf32, #tpu.memory_space<hbm>>) dst(%dma_wait3A_1256 : memref<8x128xf32, #tpu.memory_space<vmem>>)
      } else {
      }
      %scan3A_838 = arith.constant 0 : i32
      %scan3A_839 = arith.constant 0 : i32
      %scan3A_840 = arith.constant 32 : i32
      %scan3A_841 = arith.addi %scan3A_839, %scan3A_840 : i32
      %scan3A_842 = arith.constant 1 : i32
      scf.for %scan3A_1164 = %scan3A_839 to %scan3A_841 step %scan3A_842  : i32 {
        %mul3A_1165 = arith.constant 8 : i32
        %mul3A_1166 = arith.muli %scan3A_1164, %mul3A_1165 : i32
        %add3A_1167 = arith.constant 0 : i32
        %add3A_1168 = arith.addi %mul3A_1166, %add3A_1167 : i32
        %add3A_1169 = vector.broadcast %add3A_1168 : i32 to vector<16xi32>
        %add3A_1170 = arith.addi %broadcast_in_dim3A_10, %add3A_1169 : vector<16xi32>
        %get3A = arith.index_cast %add3A_1168 : i32 to index
        %get3A_1171 = arith.constant 0 : index
        %get3A_1172 = tpu.vector_load %arg8[%get3A, %get3A_1171] {strides = array<i32>} : memref<256x32xf32, #tpu.memory_space<vmem>>, vector<16xf32>,
        tpu.vector_store_idx %arg12[%add3A_5, %add3A_1170], %get3A_1172 : memref<32x257xf32, #tpu.memory_space<vmem>>[vector<16xi32>, vector<16xi32>], vector<16xf32>,
        %get3A_1173 = arith.index_cast %add3A_1168 : i32 to index
        %get3A_1174 = arith.constant 16 : index
        %get3A_1175 = tpu.vector_load %arg8[%get3A_1173, %get3A_1174] {strides = array<i32>} : memref<256x32xf32, #tpu.memory_space<vmem>>, vector<16xf32>,
        tpu.vector_store_idx %arg12[%add3A_9, %add3A_1170], %get3A_1175 : memref<32x257xf32, #tpu.memory_space<vmem>>[vector<16xi32>, vector<16xi32>], vector<16xf32>,
        %mul3A_1176 = arith.constant 8 : i32
        %mul3A_1177 = arith.muli %scan3A_1164, %mul3A_1176 : i32
        %add3A_1178 = arith.constant 1 : i32
        %add3A_1179 = arith.addi %mul3A_1177, %add3A_1178 : i32
        %add3A_1180 = vector.broadcast %add3A_1179 : i32 to vector<16xi32>
        %add3A_1181 = arith.addi %broadcast_in_dim3A_10, %add3A_1180 : vector<16xi32>
        %get3A_1182 = arith.index_cast %add3A_1179 : i32 to index
        %get3A_1183 = arith.constant 0 : index
        %get3A_1184 = tpu.vector_load %arg8[%get3A_1182, %get3A_1183] {strides = array<i32>} : memref<256x32xf32, #tpu.memory_space<vmem>>, vector<16xf32>,
        tpu.vector_store_idx %arg12[%add3A_5, %add3A_1181], %get3A_1184 : memref<32x257xf32, #tpu.memory_space<vmem>>[vector<16xi32>, vector<16xi32>], vector<16xf32>,
        %get3A_1185 = arith.index_cast %add3A_1179 : i32 to index
        %get3A_1186 = arith.constant 16 : index
        %get3A_1187 = tpu.vector_load %arg8[%get3A_1185, %get3A_1186] {strides = array<i32>} : memref<256x32xf32, #tpu.memory_space<vmem>>, vector<16xf32>,
        tpu.vector_store_idx %arg12[%add3A_9, %add3A_1181], %get3A_1187 : memref<32x257xf32, #tpu.memory_space<vmem>>[vector<16xi32>, vector<16xi32>], vector<16xf32>,
        %mul3A_1188 = arith.constant 8 : i32
        %mul3A_1189 = arith.muli %scan3A_1164, %mul3A_1188 : i32
        %add3A_1190 = arith.constant 2 : i32
        %add3A_1191 = arith.addi %mul3A_1189, %add3A_1190 : i32
        %add3A_1192 = vector.broadcast %add3A_1191 : i32 to vector<16xi32>
        %add3A_1193 = arith.addi %broadcast_in_dim3A_10, %add3A_1192 : vector<16xi32>
        %get3A_1194 = arith.index_cast %add3A_1191 : i32 to index
        %get3A_1195 = arith.constant 0 : index
        %get3A_1196 = tpu.vector_load %arg8[%get3A_1194, %get3A_1195] {strides = array<i32>} : memref<256x32xf32, #tpu.memory_space<vmem>>, vector<16xf32>,
        tpu.vector_store_idx %arg12[%add3A_5, %add3A_1193], %get3A_1196 : memref<32x257xf32, #tpu.memory_space<vmem>>[vector<16xi32>, vector<16xi32>], vector<16xf32>,
        %get3A_1197 = arith.index_cast %add3A_1191 : i32 to index
        %get3A_1198 = arith.constant 16 : index
        %get3A_1199 = tpu.vector_load %arg8[%get3A_1197, %get3A_1198] {strides = array<i32>} : memref<256x32xf32, #tpu.memory_space<vmem>>, vector<16xf32>,
        tpu.vector_store_idx %arg12[%add3A_9, %add3A_1193], %get3A_1199 : memref<32x257xf32, #tpu.memory_space<vmem>>[vector<16xi32>, vector<16xi32>], vector<16xf32>,
        %mul3A_1200 = arith.constant 8 : i32
        %mul3A_1201 = arith.muli %scan3A_1164, %mul3A_1200 : i32
        %add3A_1202 = arith.constant 3 : i32
        %add3A_1203 = arith.addi %mul3A_1201, %add3A_1202 : i32
        %add3A_1204 = vector.broadcast %add3A_1203 : i32 to vector<16xi32>
        %add3A_1205 = arith.addi %broadcast_in_dim3A_10, %add3A_1204 : vector<16xi32>
        %get3A_1206 = arith.index_cast %add3A_1203 : i32 to index
        %get3A_1207 = arith.constant 0 : index
        %get3A_1208 = tpu.vector_load %arg8[%get3A_1206, %get3A_1207] {strides = array<i32>} : memref<256x32xf32, #tpu.memory_space<vmem>>, vector<16xf32>,
        tpu.vector_store_idx %arg12[%add3A_5, %add3A_1205], %get3A_1208 : memref<32x257xf32, #tpu.memory_space<vmem>>[vector<16xi32>, vector<16xi32>], vector<16xf32>,
        %get3A_1209 = arith.index_cast %add3A_1203 : i32 to index
        %get3A_1210 = arith.constant 16 : index
        %get3A_1211 = tpu.vector_load %arg8[%get3A_1209, %get3A_1210] {strides = array<i32>} : memref<256x32xf32, #tpu.memory_space<vmem>>, vector<16xf32>,
        tpu.vector_store_idx %arg12[%add3A_9, %add3A_1205], %get3A_1211 : memref<32x257xf32, #tpu.memory_space<vmem>>[vector<16xi32>, vector<16xi32>], vector<16xf32>,
        %mul3A_1212 = arith.constant 8 : i32
        %mul3A_1213 = arith.muli %scan3A_1164, %mul3A_1212 : i32
        %add3A_1214 = arith.constant 4 : i32
        %add3A_1215 = arith.addi %mul3A_1213, %add3A_1214 : i32
        %add3A_1216 = vector.broadcast %add3A_1215 : i32 to vector<16xi32>
        %add3A_1217 = arith.addi %broadcast_in_dim3A_10, %add3A_1216 : vector<16xi32>
        %get3A_1218 = arith.index_cast %add3A_1215 : i32 to index
        %get3A_1219 = arith.constant 0 : index
        %get3A_1220 = tpu.vector_load %arg8[%get3A_1218, %get3A_1219] {strides = array<i32>} : memref<256x32xf32, #tpu.memory_space<vmem>>, vector<16xf32>,
        tpu.vector_store_idx %arg12[%add3A_5, %add3A_1217], %get3A_1220 : memref<32x257xf32, #tpu.memory_space<vmem>>[vector<16xi32>, vector<16xi32>], vector<16xf32>,
        %get3A_1221 = arith.index_cast %add3A_1215 : i32 to index
        %get3A_1222 = arith.constant 16 : index
        %get3A_1223 = tpu.vector_load %arg8[%get3A_1221, %get3A_1222] {strides = array<i32>} : memref<256x32xf32, #tpu.memory_space<vmem>>, vector<16xf32>,
        tpu.vector_store_idx %arg12[%add3A_9, %add3A_1217], %get3A_1223 : memref<32x257xf32, #tpu.memory_space<vmem>>[vector<16xi32>, vector<16xi32>], vector<16xf32>,
        %mul3A_1224 = arith.constant 8 : i32
        %mul3A_1225 = arith.muli %scan3A_1164, %mul3A_1224 : i32
        %add3A_1226 = arith.constant 5 : i32
        %add3A_1227 = arith.addi %mul3A_1225, %add3A_1226 : i32
        %add3A_1228 = vector.broadcast %add3A_1227 : i32 to vector<16xi32>
        %add3A_1229 = arith.addi %broadcast_in_dim3A_10, %add3A_1228 : vector<16xi32>
        %get3A_1230 = arith.index_cast %add3A_1227 : i32 to index
        %get3A_1231 = arith.constant 0 : index
        %get3A_1232 = tpu.vector_load %arg8[%get3A_1230, %get3A_1231] {strides = array<i32>} : memref<256x32xf32, #tpu.memory_space<vmem>>, vector<16xf32>,
        tpu.vector_store_idx %arg12[%add3A_5, %add3A_1229], %get3A_1232 : memref<32x257xf32, #tpu.memory_space<vmem>>[vector<16xi32>, vector<16xi32>], vector<16xf32>,
        %get3A_1233 = arith.index_cast %add3A_1227 : i32 to index
        %get3A_1234 = arith.constant 16 : index
        %get3A_1235 = tpu.vector_load %arg8[%get3A_1233, %get3A_1234] {strides = array<i32>} : memref<256x32xf32, #tpu.memory_space<vmem>>, vector<16xf32>,
        tpu.vector_store_idx %arg12[%add3A_9, %add3A_1229], %get3A_1235 : memref<32x257xf32, #tpu.memory_space<vmem>>[vector<16xi32>, vector<16xi32>], vector<16xf32>,
        %mul3A_1236 = arith.constant 8 : i32
        %mul3A_1237 = arith.muli %scan3A_1164, %mul3A_1236 : i32
        %add3A_1238 = arith.constant 6 : i32
        %add3A_1239 = arith.addi %mul3A_1237, %add3A_1238 : i32
        %add3A_1240 = vector.broadcast %add3A_1239 : i32 to vector<16xi32>
        %add3A_1241 = arith.addi %broadcast_in_dim3A_10, %add3A_1240 : vector<16xi32>
        %get3A_1242 = arith.index_cast %add3A_1239 : i32 to index
        %get3A_1243 = arith.constant 0 : index
        %get3A_1244 = tpu.vector_load %arg8[%get3A_1242, %get3A_1243] {strides = array<i32>} : memref<256x32xf32, #tpu.memory_space<vmem>>, vector<16xf32>,
        tpu.vector_store_idx %arg12[%add3A_5, %add3A_1241], %get3A_1244 : memref<32x257xf32, #tpu.memory_space<vmem>>[vector<16xi32>, vector<16xi32>], vector<16xf32>,
        %get3A_1245 = arith.index_cast %add3A_1239 : i32 to index
        %get3A_1246 = arith.constant 16 : index
        %get3A_1247 = tpu.vector_load %arg8[%get3A_1245, %get3A_1246] {strides = array<i32>} : memref<256x32xf32, #tpu.memory_space<vmem>>, vector<16xf32>,
        tpu.vector_store_idx %arg12[%add3A_9, %add3A_1241], %get3A_1247 : memref<32x257xf32, #tpu.memory_space<vmem>>[vector<16xi32>, vector<16xi32>], vector<16xf32>,
        %mul3A_1248 = arith.constant 8 : i32
        %mul3A_1249 = arith.muli %scan3A_1164, %mul3A_1248 : i32
        %add3A_1250 = arith.constant 7 : i32
        %add3A_1251 = arith.addi %mul3A_1249, %add3A_1250 : i32
        %add3A_1252 = vector.broadcast %add3A_1251 : i32 to vector<16xi32>
        %add3A_1253 = arith.addi %broadcast_in_dim3A_10, %add3A_1252 : vector<16xi32>
        %get3A_1254 = arith.index_cast %add3A_1251 : i32 to index
        %get3A_1255 = arith.constant 0 : index
        %get3A_1256 = tpu.vector_load %arg8[%get3A_1254, %get3A_1255] {strides = array<i32>} : memref<256x32xf32, #tpu.memory_space<vmem>>, vector<16xf32>,
        tpu.vector_store_idx %arg12[%add3A_5, %add3A_1253], %get3A_1256 : memref<32x257xf32, #tpu.memory_space<vmem>>[vector<16xi32>, vector<16xi32>], vector<16xf32>,
        %get3A_1257 = arith.index_cast %add3A_1251 : i32 to index
        %get3A_1258 = arith.constant 16 : index
        %get3A_1259 = tpu.vector_load %arg8[%get3A_1257, %get3A_1258] {strides = array<i32>} : memref<256x32xf32, #tpu.memory_space<vmem>>, vector<16xf32>,
        tpu.vector_store_idx %arg12[%add3A_9, %add3A_1253], %get3A_1259 : memref<32x257xf32, #tpu.memory_space<vmem>>[vector<16xi32>, vector<16xi32>], vector<16xf32>,
      }
      %scan3A_843 = arith.constant 32 : i32
      %mul3A_844 = arith.constant 2 : i32
      %mul3A_845 = arith.muli %mul3A_844, %add3A_821 : i32
      %add3A_846 = arith.addi %mul3A_2, %mul3A_845 : i32
      %jit3A_847 = arith.constant 32 : i32
      %div3A_848 = arith.divsi %add3A_846, %jit3A_847 : i32
      %sign3A_849 = arith.constant 0 : i32
      %sign3A_850 = arith.cmpi sgt, %add3A_846, %sign3A_849 : i32
      %sign3A_851 = arith.extui %sign3A_850 : i1 to i32
      %sign3A_852 = arith.constant 0 : i32
      %sign3A_853 = arith.cmpi slt, %add3A_846, %sign3A_852 : i32
      %sign3A_854 = arith.extui %sign3A_853 : i1 to i32
      %sign3A_855 = arith.subi %sign3A_851, %sign3A_854 : i32
      %sign3A_856 = arith.constant 0 : i32
      %sign3A_857 = arith.cmpi sgt, %jit3A_847, %sign3A_856 : i32
      %sign3A_858 = arith.extui %sign3A_857 : i1 to i32
      %sign3A_859 = arith.constant 0 : i32
      %sign3A_860 = arith.cmpi slt, %jit3A_847, %sign3A_859 : i32
      %sign3A_861 = arith.extui %sign3A_860 : i1 to i32
      %sign3A_862 = arith.subi %sign3A_858, %sign3A_861 : i32
      %ne3A_863 = arith.cmpi ne, %sign3A_855, %sign3A_862 : i32
      %rem3A_864 = arith.remsi %add3A_846, %jit3A_847 : i32
      %ne3A_865 = arith.constant 0 : i32
      %ne3A_866 = arith.cmpi ne, %rem3A_864, %ne3A_865 : i32
      %and3A_867 = arith.andi %ne3A_863, %ne3A_866 : i1
      %sub3A_868 = arith.constant 1 : i32
      %sub3A_869 = arith.subi %div3A_848, %sub3A_868 : i32
      %select_n3A_870 = arith.select %and3A_867, %sub3A_869, %div3A_848 : i32
      %mul3A_871 = arith.constant 32 : i32
      %mul3A_872 = arith.muli %select_n3A_870, %mul3A_871 : i32
      %sub3A_873 = arith.subi %add3A_846, %mul3A_872 : i32
      %mul3A_874 = arith.constant 1024 : i32
      %mul3A_875 = arith.muli %select_n3A_870, %mul3A_874 : i32
      %mul3A_876 = arith.constant 8 : i32
      %mul3A_877 = arith.muli %sub3A_873, %mul3A_876 : i32
      %add3A_878 = arith.addi %mul3A_875, %mul3A_877 : i32
      %add3A_879 = arith.constant 0 : i32
      %add3A_880 = arith.addi %add3A_878, %add3A_879 : i32
      %add3A_881 = arith.constant 0 : i32
      %add3A_882 = arith.addi %add3A_880, %add3A_881 : i32
      %dma_start3A_883 = arith.constant 0 : i32
      %dma_start3A_884 = arith.constant 0 : i32
      %dma_start3A_885 = tpu.memref_slice %arg12[%dma_start3A_883, %dma_start3A_884] : memref<32x257xf32, #tpu.memory_space<vmem>> -> memref<8x128xf32, #tpu.memory_space<vmem>>
      %dma_start3A_886 = arith.constant 0 : i32
      %dma_start3A_887 = tpu.memref_slice %arg4[%add3A_882, %dma_start3A_886] : memref<204800x128xf32, #tpu.memory_space<hbm>> -> memref<8x128xf32, #tpu.memory_space<hbm>>
      %dma_start3A_888 = arith.constant 0 : i32
      %dma_start3A_889 = tpu.memref_slice %arg4[%add3A_882, %dma_start3A_888] : memref<204800x128xf32, #tpu.memory_space<hbm>> -> memref<8x128xf32, #tpu.memory_space<hbm>>
      %dma_start3A_890 = arith.constant 0 : i32
      %dma_start3A_891 = arith.constant 0 : i32
      %dma_start3A_892 = tpu.memref_slice %arg12[%dma_start3A_890, %dma_start3A_891] : memref<32x257xf32, #tpu.memory_space<vmem>> -> memref<8x128xf32, #tpu.memory_space<vmem>>
      tpu.enqueue_dma source(%dma_start3A_892 : memref<8x128xf32, #tpu.memory_space<vmem>>) target(%dma_start3A_889 : memref<8x128xf32, #tpu.memory_space<hbm>>) target_semaphore(%arg20 : memref<!tpu.dma_semaphore, #tpu.memory_space<semaphore_mem>>)
      %add3A_893 = arith.constant 0 : i32
      %add3A_894 = arith.addi %add3A_878, %add3A_893 : i32
      %add3A_895 = arith.constant 8 : i32
      %add3A_896 = arith.addi %add3A_894, %add3A_895 : i32
      %dma_start3A_897 = arith.constant 0 : i32
      %dma_start3A_898 = arith.constant 128 : i32
      %dma_start3A_899 = tpu.memref_slice %arg12[%dma_start3A_897, %dma_start3A_898] : memref<32x257xf32, #tpu.memory_space<vmem>> -> memref<8x128xf32, #tpu.memory_space<vmem>>
      %dma_start3A_900 = arith.constant 0 : i32
      %dma_start3A_901 = tpu.memref_slice %arg4[%add3A_896, %dma_start3A_900] : memref<204800x128xf32, #tpu.memory_space<hbm>> -> memref<8x128xf32, #tpu.memory_space<hbm>>
      %dma_start3A_902 = arith.constant 0 : i32
      %dma_start3A_903 = tpu.memref_slice %arg4[%add3A_896, %dma_start3A_902] : memref<204800x128xf32, #tpu.memory_space<hbm>> -> memref<8x128xf32, #tpu.memory_space<hbm>>
      %dma_start3A_904 = arith.constant 0 : i32
      %dma_start3A_905 = arith.constant 128 : i32
      %dma_start3A_906 = tpu.memref_slice %arg12[%dma_start3A_904, %dma_start3A_905] : memref<32x257xf32, #tpu.memory_space<vmem>> -> memref<8x128xf32, #tpu.memory_space<vmem>>
      tpu.enqueue_dma source(%dma_start3A_906 : memref<8x128xf32, #tpu.memory_space<vmem>>) target(%dma_start3A_903 : memref<8x128xf32, #tpu.memory_space<hbm>>) target_semaphore(%arg20 : memref<!tpu.dma_semaphore, #tpu.memory_space<semaphore_mem>>)
      %add3A_907 = arith.constant 256 : i32
      %add3A_908 = arith.addi %add3A_878, %add3A_907 : i32
      %add3A_909 = arith.constant 0 : i32
      %add3A_910 = arith.addi %add3A_908, %add3A_909 : i32
      %dma_start3A_911 = arith.constant 8 : i32
      %dma_start3A_912 = arith.constant 0 : i32
      %dma_start3A_913 = tpu.memref_slice %arg12[%dma_start3A_911, %dma_start3A_912] : memref<32x257xf32, #tpu.memory_space<vmem>> -> memref<8x128xf32, #tpu.memory_space<vmem>>
      %dma_start3A_914 = arith.constant 0 : i32
      %dma_start3A_915 = tpu.memref_slice %arg4[%add3A_910, %dma_start3A_914] : memref<204800x128xf32, #tpu.memory_space<hbm>> -> memref<8x128xf32, #tpu.memory_space<hbm>>
      %dma_start3A_916 = arith.constant 0 : i32
      %dma_start3A_917 = tpu.memref_slice %arg4[%add3A_910, %dma_start3A_916] : memref<204800x128xf32, #tpu.memory_space<hbm>> -> memref<8x128xf32, #tpu.memory_space<hbm>>
      %dma_start3A_918 = arith.constant 8 : i32
      %dma_start3A_919 = arith.constant 0 : i32
      %dma_start3A_920 = tpu.memref_slice %arg12[%dma_start3A_918, %dma_start3A_919] : memref<32x257xf32, #tpu.memory_space<vmem>> -> memref<8x128xf32, #tpu.memory_space<vmem>>
      tpu.enqueue_dma source(%dma_start3A_920 : memref<8x128xf32, #tpu.memory_space<vmem>>) target(%dma_start3A_917 : memref<8x128xf32, #tpu.memory_space<hbm>>) target_semaphore(%arg20 : memref<!tpu.dma_semaphore, #tpu.memory_space<semaphore_mem>>)
      %add3A_921 = arith.constant 256 : i32
      %add3A_922 = arith.addi %add3A_878, %add3A_921 : i32
      %add3A_923 = arith.constant 8 : i32
      %add3A_924 = arith.addi %add3A_922, %add3A_923 : i32
      %dma_start3A_925 = arith.constant 8 : i32
      %dma_start3A_926 = arith.constant 128 : i32
      %dma_start3A_927 = tpu.memref_slice %arg12[%dma_start3A_925, %dma_start3A_926] : memref<32x257xf32, #tpu.memory_space<vmem>> -> memref<8x128xf32, #tpu.memory_space<vmem>>
      %dma_start3A_928 = arith.constant 0 : i32
      %dma_start3A_929 = tpu.memref_slice %arg4[%add3A_924, %dma_start3A_928] : memref<204800x128xf32, #tpu.memory_space<hbm>> -> memref<8x128xf32, #tpu.memory_space<hbm>>
      %dma_start3A_930 = arith.constant 0 : i32
      %dma_start3A_931 = tpu.memref_slice %arg4[%add3A_924, %dma_start3A_930] : memref<204800x128xf32, #tpu.memory_space<hbm>> -> memref<8x128xf32, #tpu.memory_space<hbm>>
      %dma_start3A_932 = arith.constant 8 : i32
      %dma_start3A_933 = arith.constant 128 : i32
      %dma_start3A_934 = tpu.memref_slice %arg12[%dma_start3A_932, %dma_start3A_933] : memref<32x257xf32, #tpu.memory_space<vmem>> -> memref<8x128xf32, #tpu.memory_space<vmem>>
      tpu.enqueue_dma source(%dma_start3A_934 : memref<8x128xf32, #tpu.memory_space<vmem>>) target(%dma_start3A_931 : memref<8x128xf32, #tpu.memory_space<hbm>>) target_semaphore(%arg20 : memref<!tpu.dma_semaphore, #tpu.memory_space<semaphore_mem>>)
      %add3A_935 = arith.constant 512 : i32
      %add3A_936 = arith.addi %add3A_878, %add3A_935 : i32
      %add3A_937 = arith.constant 0 : i32
      %add3A_938 = arith.addi %add3A_936, %add3A_937 : i32
      %dma_start3A_939 = arith.constant 16 : i32
      %dma_start3A_940 = arith.constant 0 : i32
      %dma_start3A_941 = tpu.memref_slice %arg12[%dma_start3A_939, %dma_start3A_940] : memref<32x257xf32, #tpu.memory_space<vmem>> -> memref<8x128xf32, #tpu.memory_space<vmem>>
      %dma_start3A_942 = arith.constant 0 : i32
      %dma_start3A_943 = tpu.memref_slice %arg4[%add3A_938, %dma_start3A_942] : memref<204800x128xf32, #tpu.memory_space<hbm>> -> memref<8x128xf32, #tpu.memory_space<hbm>>
      %dma_start3A_944 = arith.constant 0 : i32
      %dma_start3A_945 = tpu.memref_slice %arg4[%add3A_938, %dma_start3A_944] : memref<204800x128xf32, #tpu.memory_space<hbm>> -> memref<8x128xf32, #tpu.memory_space<hbm>>
      %dma_start3A_946 = arith.constant 16 : i32
      %dma_start3A_947 = arith.constant 0 : i32
      %dma_start3A_948 = tpu.memref_slice %arg12[%dma_start3A_946, %dma_start3A_947] : memref<32x257xf32, #tpu.memory_space<vmem>> -> memref<8x128xf32, #tpu.memory_space<vmem>>
      tpu.enqueue_dma source(%dma_start3A_948 : memref<8x128xf32, #tpu.memory_space<vmem>>) target(%dma_start3A_945 : memref<8x128xf32, #tpu.memory_space<hbm>>) target_semaphore(%arg20 : memref<!tpu.dma_semaphore, #tpu.memory_space<semaphore_mem>>)
      %add3A_949 = arith.constant 512 : i32
      %add3A_950 = arith.addi %add3A_878, %add3A_949 : i32
      %add3A_951 = arith.constant 8 : i32
      %add3A_952 = arith.addi %add3A_950, %add3A_951 : i32
      %dma_start3A_953 = arith.constant 16 : i32
      %dma_start3A_954 = arith.constant 128 : i32
      %dma_start3A_955 = tpu.memref_slice %arg12[%dma_start3A_953, %dma_start3A_954] : memref<32x257xf32, #tpu.memory_space<vmem>> -> memref<8x128xf32, #tpu.memory_space<vmem>>
      %dma_start3A_956 = arith.constant 0 : i32
      %dma_start3A_957 = tpu.memref_slice %arg4[%add3A_952, %dma_start3A_956] : memref<204800x128xf32, #tpu.memory_space<hbm>> -> memref<8x128xf32, #tpu.memory_space<hbm>>
      %dma_start3A_958 = arith.constant 0 : i32
      %dma_start3A_959 = tpu.memref_slice %arg4[%add3A_952, %dma_start3A_958] : memref<204800x128xf32, #tpu.memory_space<hbm>> -> memref<8x128xf32, #tpu.memory_space<hbm>>
      %dma_start3A_960 = arith.constant 16 : i32
      %dma_start3A_961 = arith.constant 128 : i32
      %dma_start3A_962 = tpu.memref_slice %arg12[%dma_start3A_960, %dma_start3A_961] : memref<32x257xf32, #tpu.memory_space<vmem>> -> memref<8x128xf32, #tpu.memory_space<vmem>>
      tpu.enqueue_dma source(%dma_start3A_962 : memref<8x128xf32, #tpu.memory_space<vmem>>) target(%dma_start3A_959 : memref<8x128xf32, #tpu.memory_space<hbm>>) target_semaphore(%arg20 : memref<!tpu.dma_semaphore, #tpu.memory_space<semaphore_mem>>)
      %add3A_963 = arith.constant 768 : i32
      %add3A_964 = arith.addi %add3A_878, %add3A_963 : i32
      %add3A_965 = arith.constant 0 : i32
      %add3A_966 = arith.addi %add3A_964, %add3A_965 : i32
      %dma_start3A_967 = arith.constant 24 : i32
      %dma_start3A_968 = arith.constant 0 : i32
      %dma_start3A_969 = tpu.memref_slice %arg12[%dma_start3A_967, %dma_start3A_968] : memref<32x257xf32, #tpu.memory_space<vmem>> -> memref<8x128xf32, #tpu.memory_space<vmem>>
      %dma_start3A_970 = arith.constant 0 : i32
      %dma_start3A_971 = tpu.memref_slice %arg4[%add3A_966, %dma_start3A_970] : memref<204800x128xf32, #tpu.memory_space<hbm>> -> memref<8x128xf32, #tpu.memory_space<hbm>>
      %dma_start3A_972 = arith.constant 0 : i32
      %dma_start3A_973 = tpu.memref_slice %arg4[%add3A_966, %dma_start3A_972] : memref<204800x128xf32, #tpu.memory_space<hbm>> -> memref<8x128xf32, #tpu.memory_space<hbm>>
      %dma_start3A_974 = arith.constant 24 : i32
      %dma_start3A_975 = arith.constant 0 : i32
      %dma_start3A_976 = tpu.memref_slice %arg12[%dma_start3A_974, %dma_start3A_975] : memref<32x257xf32, #tpu.memory_space<vmem>> -> memref<8x128xf32, #tpu.memory_space<vmem>>
      tpu.enqueue_dma source(%dma_start3A_976 : memref<8x128xf32, #tpu.memory_space<vmem>>) target(%dma_start3A_973 : memref<8x128xf32, #tpu.memory_space<hbm>>) target_semaphore(%arg20 : memref<!tpu.dma_semaphore, #tpu.memory_space<semaphore_mem>>)
      %add3A_977 = arith.constant 768 : i32
      %add3A_978 = arith.addi %add3A_878, %add3A_977 : i32
      %add3A_979 = arith.constant 8 : i32
      %add3A_980 = arith.addi %add3A_978, %add3A_979 : i32
      %dma_start3A_981 = arith.constant 24 : i32
      %dma_start3A_982 = arith.constant 128 : i32
      %dma_start3A_983 = tpu.memref_slice %arg12[%dma_start3A_981, %dma_start3A_982] : memref<32x257xf32, #tpu.memory_space<vmem>> -> memref<8x128xf32, #tpu.memory_space<vmem>>
      %dma_start3A_984 = arith.constant 0 : i32
      %dma_start3A_985 = tpu.memref_slice %arg4[%add3A_980, %dma_start3A_984] : memref<204800x128xf32, #tpu.memory_space<hbm>> -> memref<8x128xf32, #tpu.memory_space<hbm>>
      %dma_start3A_986 = arith.constant 0 : i32
      %dma_start3A_987 = tpu.memref_slice %arg4[%add3A_980, %dma_start3A_986] : memref<204800x128xf32, #tpu.memory_space<hbm>> -> memref<8x128xf32, #tpu.memory_space<hbm>>
      %dma_start3A_988 = arith.constant 24 : i32
      %dma_start3A_989 = arith.constant 128 : i32
      %dma_start3A_990 = tpu.memref_slice %arg12[%dma_start3A_988, %dma_start3A_989] : memref<32x257xf32, #tpu.memory_space<vmem>> -> memref<8x128xf32, #tpu.memory_space<vmem>>
      tpu.enqueue_dma source(%dma_start3A_990 : memref<8x128xf32, #tpu.memory_space<vmem>>) target(%dma_start3A_987 : memref<8x128xf32, #tpu.memory_space<hbm>>) target_semaphore(%arg20 : memref<!tpu.dma_semaphore, #tpu.memory_space<semaphore_mem>>)
      %mul3A_991 = arith.constant 4 : i32
      %mul3A_992 = arith.muli %mul3A_991, %scan3A_458 : i32
      %add3A_993 = arith.constant 3 : i32
      %add3A_994 = arith.addi %mul3A_992, %add3A_993 : i32
      %lt3A_995 = arith.constant 24 : i32
      %lt3A_996 = arith.cmpi slt, %scan3A_458, %lt3A_995 : i32
      %convert_element_type3A_997 = arith.extui %lt3A_996 : i1 to i32
      %cond3A_998 = arith.constant 0 : i32
      %cond3A_999 = arith.cmpi ne, %convert_element_type3A_997, %cond3A_998 : i32
      scf.if %cond3A_999 {
        %add3A_1164 = arith.constant 4 : i32
        %add3A_1165 = arith.addi %add3A_994, %add3A_1164 : i32
        %sub3A_1166 = arith.constant 1 : i32
        %sub3A_1167 = arith.subi %add3A_1165, %sub3A_1166 : i32
        %mul3A_1168 = arith.constant 2 : i32
        %mul3A_1169 = arith.muli %mul3A_1168, %sub3A_1167 : i32
        %add3A_1170 = arith.constant 0 : i32
        %add3A_1171 = arith.addi %mul3A_1169, %add3A_1170 : i32
        %dma_start3A_1172 = arith.constant 0 : i32
        %dma_start3A_1173 = arith.constant 0 : i32
        %dma_start3A_1174 = tpu.memref_slice %arg8[%dma_start3A_1172, %dma_start3A_1173] : memref<256x32xf32, #tpu.memory_space<vmem>> -> memref<128x32xf32, #tpu.memory_space<vmem>>
        %dma_start3A_1175 = arith.constant 0 : i32
        %dma_start3A_1176 = tpu.memref_slice %arg5[%add3A_1171, %dma_start3A_1175] : memref<200x128xi32, #tpu.memory_space<vmem>> -> memref<1x128xi32, #tpu.memory_space<vmem>>
        %dma_start3A_1177 = tpu.memref_squeeze %dma_start3A_1176 : memref<1x128xi32, #tpu.memory_space<vmem>> -> memref<128xi32, #tpu.memory_space<vmem>>
        %dma_start3A_1178 = arith.constant 0 : i32
        %dma_start3A_1179 = arith.constant 0 : i32
        %dma_start3A_1180 = tpu.memref_slice %arg2[%dma_start3A_1178, %dma_start3A_1179] : memref<4000000x32xf32, #tpu.memory_space<hbm>> -> memref<4000000x32xf32, #tpu.memory_space<hbm>>
        tpu.enqueue_indirect_dma source(%dma_start3A_1180 : memref<4000000x32xf32, #tpu.memory_space<hbm>>) target(%dma_start3A_1174 : memref<128x32xf32, #tpu.memory_space<vmem>>) offsets(%dma_start3A_1177 : memref<128xi32, #tpu.memory_space<vmem>>) semaphore(%arg16 : memref<!tpu.dma_semaphore, #tpu.memory_space<semaphore_mem>>)
        %mul3A_1181 = arith.constant 2 : i32
        %mul3A_1182 = arith.muli %mul3A_1181, %sub3A_1167 : i32
        %add3A_1183 = arith.constant 1 : i32
        %add3A_1184 = arith.addi %mul3A_1182, %add3A_1183 : i32
        %dma_start3A_1185 = arith.constant 128 : i32
        %dma_start3A_1186 = arith.constant 0 : i32
        %dma_start3A_1187 = tpu.memref_slice %arg8[%dma_start3A_1185, %dma_start3A_1186] : memref<256x32xf32, #tpu.memory_space<vmem>> -> memref<128x32xf32, #tpu.memory_space<vmem>>
        %dma_start3A_1188 = arith.constant 0 : i32
        %dma_start3A_1189 = tpu.memref_slice %arg5[%add3A_1184, %dma_start3A_1188] : memref<200x128xi32, #tpu.memory_space<vmem>> -> memref<1x128xi32, #tpu.memory_space<vmem>>
        %dma_start3A_1190 = tpu.memref_squeeze %dma_start3A_1189 : memref<1x128xi32, #tpu.memory_space<vmem>> -> memref<128xi32, #tpu.memory_space<vmem>>
        %dma_start3A_1191 = arith.constant 0 : i32
        %dma_start3A_1192 = arith.constant 0 : i32
        %dma_start3A_1193 = tpu.memref_slice %arg2[%dma_start3A_1191, %dma_start3A_1192] : memref<4000000x32xf32, #tpu.memory_space<hbm>> -> memref<4000000x32xf32, #tpu.memory_space<hbm>>
        tpu.enqueue_indirect_dma source(%dma_start3A_1193 : memref<4000000x32xf32, #tpu.memory_space<hbm>>) target(%dma_start3A_1187 : memref<128x32xf32, #tpu.memory_space<vmem>>) offsets(%dma_start3A_1190 : memref<128xi32, #tpu.memory_space<vmem>>) semaphore(%arg16 : memref<!tpu.dma_semaphore, #tpu.memory_space<semaphore_mem>>)
      } else {
      }
      %dma_wait3A_1000 = arith.constant 0 : i32
      %dma_wait3A_1001 = arith.constant 0 : i32
      %dma_wait3A_1002 = tpu.memref_slice %arg2[%dma_wait3A_1000, %dma_wait3A_1001] : memref<4000000x32xf32, #tpu.memory_space<hbm>> -> memref<256x32xf32, #tpu.memory_space<hbm>>
      %dma_wait3A_1003 = arith.constant 0 : i32
      %dma_wait3A_1004 = arith.constant 0 : i32
      %dma_wait3A_1005 = tpu.memref_slice %arg2[%dma_wait3A_1003, %dma_wait3A_1004] : memref<4000000x32xf32, #tpu.memory_space<hbm>> -> memref<256x32xf32, #tpu.memory_space<hbm>>
      tpu.wait_dma2 semaphore(%arg17 : memref<!tpu.dma_semaphore, #tpu.memory_space<semaphore_mem>>) src(%dma_wait3A_1005 : memref<256x32xf32, #tpu.memory_space<hbm>>) dst(%arg9 : memref<256x32xf32, #tpu.memory_space<vmem>>)
      %ge3A_1006 = arith.constant 1 : i32
      %ge3A_1007 = arith.cmpi sge, %scan3A_458, %ge3A_1006 : i32
      %convert_element_type3A_1008 = arith.extui %ge3A_1007 : i1 to i32
      %cond3A_1009 = arith.constant 0 : i32
      %cond3A_1010 = arith.cmpi ne, %convert_element_type3A_1008, %cond3A_1009 : i32
      scf.if %cond3A_1010 {
        %dma_wait3A_1164 = arith.constant 0 : i32
        %dma_wait3A_1165 = arith.constant 0 : i32
        %dma_wait3A_1166 = tpu.memref_slice %arg13[%dma_wait3A_1164, %dma_wait3A_1165] : memref<32x257xf32, #tpu.memory_space<vmem>> -> memref<8x128xf32, #tpu.memory_space<vmem>>
        %dma_wait3A_1167 = arith.constant 0 : i32
        %dma_wait3A_1168 = arith.constant 0 : i32
        %dma_wait3A_1169 = tpu.memref_slice %arg4[%dma_wait3A_1167, %dma_wait3A_1168] : memref<204800x128xf32, #tpu.memory_space<hbm>> -> memref<8x128xf32, #tpu.memory_space<hbm>>
        %dma_wait3A_1170 = arith.constant 0 : i32
        %dma_wait3A_1171 = arith.constant 0 : i32
        %dma_wait3A_1172 = tpu.memref_slice %arg13[%dma_wait3A_1170, %dma_wait3A_1171] : memref<32x257xf32, #tpu.memory_space<vmem>> -> memref<8x128xf32, #tpu.memory_space<vmem>>
        %dma_wait3A_1173 = arith.constant 0 : i32
        %dma_wait3A_1174 = arith.constant 0 : i32
        %dma_wait3A_1175 = tpu.memref_slice %arg4[%dma_wait3A_1173, %dma_wait3A_1174] : memref<204800x128xf32, #tpu.memory_space<hbm>> -> memref<8x128xf32, #tpu.memory_space<hbm>>
        tpu.wait_dma2 semaphore(%arg21 : memref<!tpu.dma_semaphore, #tpu.memory_space<semaphore_mem>>) src(%dma_wait3A_1175 : memref<8x128xf32, #tpu.memory_space<hbm>>) dst(%dma_wait3A_1172 : memref<8x128xf32, #tpu.memory_space<vmem>>)
        %dma_wait3A_1176 = arith.constant 0 : i32
        %dma_wait3A_1177 = arith.constant 0 : i32
        %dma_wait3A_1178 = tpu.memref_slice %arg13[%dma_wait3A_1176, %dma_wait3A_1177] : memref<32x257xf32, #tpu.memory_space<vmem>> -> memref<8x128xf32, #tpu.memory_space<vmem>>
        %dma_wait3A_1179 = arith.constant 0 : i32
        %dma_wait3A_1180 = arith.constant 0 : i32
        %dma_wait3A_1181 = tpu.memref_slice %arg4[%dma_wait3A_1179, %dma_wait3A_1180] : memref<204800x128xf32, #tpu.memory_space<hbm>> -> memref<8x128xf32, #tpu.memory_space<hbm>>
        %dma_wait3A_1182 = arith.constant 0 : i32
        %dma_wait3A_1183 = arith.constant 0 : i32
        %dma_wait3A_1184 = tpu.memref_slice %arg13[%dma_wait3A_1182, %dma_wait3A_1183] : memref<32x257xf32, #tpu.memory_space<vmem>> -> memref<8x128xf32, #tpu.memory_space<vmem>>
        %dma_wait3A_1185 = arith.constant 0 : i32
        %dma_wait3A_1186 = arith.constant 0 : i32
        %dma_wait3A_1187 = tpu.memref_slice %arg4[%dma_wait3A_1185, %dma_wait3A_1186] : memref<204800x128xf32, #tpu.memory_space<hbm>> -> memref<8x128xf32, #tpu.memory_space<hbm>>
        tpu.wait_dma2 semaphore(%arg21 : memref<!tpu.dma_semaphore, #tpu.memory_space<semaphore_mem>>) src(%dma_wait3A_1187 : memref<8x128xf32, #tpu.memory_space<hbm>>) dst(%dma_wait3A_1184 : memref<8x128xf32, #tpu.memory_space<vmem>>)
        %dma_wait3A_1188 = arith.constant 0 : i32
        %dma_wait3A_1189 = arith.constant 0 : i32
        %dma_wait3A_1190 = tpu.memref_slice %arg13[%dma_wait3A_1188, %dma_wait3A_1189] : memref<32x257xf32, #tpu.memory_space<vmem>> -> memref<8x128xf32, #tpu.memory_space<vmem>>
        %dma_wait3A_1191 = arith.constant 0 : i32
        %dma_wait3A_1192 = arith.constant 0 : i32
        %dma_wait3A_1193 = tpu.memref_slice %arg4[%dma_wait3A_1191, %dma_wait3A_1192] : memref<204800x128xf32, #tpu.memory_space<hbm>> -> memref<8x128xf32, #tpu.memory_space<hbm>>
        %dma_wait3A_1194 = arith.constant 0 : i32
        %dma_wait3A_1195 = arith.constant 0 : i32
        %dma_wait3A_1196 = tpu.memref_slice %arg13[%dma_wait3A_1194, %dma_wait3A_1195] : memref<32x257xf32, #tpu.memory_space<vmem>> -> memref<8x128xf32, #tpu.memory_space<vmem>>
        %dma_wait3A_1197 = arith.constant 0 : i32
        %dma_wait3A_1198 = arith.constant 0 : i32
        %dma_wait3A_1199 = tpu.memref_slice %arg4[%dma_wait3A_1197, %dma_wait3A_1198] : memref<204800x128xf32, #tpu.memory_space<hbm>> -> memref<8x128xf32, #tpu.memory_space<hbm>>
        tpu.wait_dma2 semaphore(%arg21 : memref<!tpu.dma_semaphore, #tpu.memory_space<semaphore_mem>>) src(%dma_wait3A_1199 : memref<8x128xf32, #tpu.memory_space<hbm>>) dst(%dma_wait3A_1196 : memref<8x128xf32, #tpu.memory_space<vmem>>)
        %dma_wait3A_1200 = arith.constant 0 : i32
        %dma_wait3A_1201 = arith.constant 0 : i32
        %dma_wait3A_1202 = tpu.memref_slice %arg13[%dma_wait3A_1200, %dma_wait3A_1201] : memref<32x257xf32, #tpu.memory_space<vmem>> -> memref<8x128xf32, #tpu.memory_space<vmem>>
        %dma_wait3A_1203 = arith.constant 0 : i32
        %dma_wait3A_1204 = arith.constant 0 : i32
        %dma_wait3A_1205 = tpu.memref_slice %arg4[%dma_wait3A_1203, %dma_wait3A_1204] : memref<204800x128xf32, #tpu.memory_space<hbm>> -> memref<8x128xf32, #tpu.memory_space<hbm>>
        %dma_wait3A_1206 = arith.constant 0 : i32
        %dma_wait3A_1207 = arith.constant 0 : i32
        %dma_wait3A_1208 = tpu.memref_slice %arg13[%dma_wait3A_1206, %dma_wait3A_1207] : memref<32x257xf32, #tpu.memory_space<vmem>> -> memref<8x128xf32, #tpu.memory_space<vmem>>
        %dma_wait3A_1209 = arith.constant 0 : i32
        %dma_wait3A_1210 = arith.constant 0 : i32
        %dma_wait3A_1211 = tpu.memref_slice %arg4[%dma_wait3A_1209, %dma_wait3A_1210] : memref<204800x128xf32, #tpu.memory_space<hbm>> -> memref<8x128xf32, #tpu.memory_space<hbm>>
        tpu.wait_dma2 semaphore(%arg21 : memref<!tpu.dma_semaphore, #tpu.memory_space<semaphore_mem>>) src(%dma_wait3A_1211 : memref<8x128xf32, #tpu.memory_space<hbm>>) dst(%dma_wait3A_1208 : memref<8x128xf32, #tpu.memory_space<vmem>>)
        %dma_wait3A_1212 = arith.constant 0 : i32
        %dma_wait3A_1213 = arith.constant 0 : i32
        %dma_wait3A_1214 = tpu.memref_slice %arg13[%dma_wait3A_1212, %dma_wait3A_1213] : memref<32x257xf32, #tpu.memory_space<vmem>> -> memref<8x128xf32, #tpu.memory_space<vmem>>
        %dma_wait3A_1215 = arith.constant 0 : i32
        %dma_wait3A_1216 = arith.constant 0 : i32
        %dma_wait3A_1217 = tpu.memref_slice %arg4[%dma_wait3A_1215, %dma_wait3A_1216] : memref<204800x128xf32, #tpu.memory_space<hbm>> -> memref<8x128xf32, #tpu.memory_space<hbm>>
        %dma_wait3A_1218 = arith.constant 0 : i32
        %dma_wait3A_1219 = arith.constant 0 : i32
        %dma_wait3A_1220 = tpu.memref_slice %arg13[%dma_wait3A_1218, %dma_wait3A_1219] : memref<32x257xf32, #tpu.memory_space<vmem>> -> memref<8x128xf32, #tpu.memory_space<vmem>>
        %dma_wait3A_1221 = arith.constant 0 : i32
        %dma_wait3A_1222 = arith.constant 0 : i32
        %dma_wait3A_1223 = tpu.memref_slice %arg4[%dma_wait3A_1221, %dma_wait3A_1222] : memref<204800x128xf32, #tpu.memory_space<hbm>> -> memref<8x128xf32, #tpu.memory_space<hbm>>
        tpu.wait_dma2 semaphore(%arg21 : memref<!tpu.dma_semaphore, #tpu.memory_space<semaphore_mem>>) src(%dma_wait3A_1223 : memref<8x128xf32, #tpu.memory_space<hbm>>) dst(%dma_wait3A_1220 : memref<8x128xf32, #tpu.memory_space<vmem>>)
        %dma_wait3A_1224 = arith.constant 0 : i32
        %dma_wait3A_1225 = arith.constant 0 : i32
        %dma_wait3A_1226 = tpu.memref_slice %arg13[%dma_wait3A_1224, %dma_wait3A_1225] : memref<32x257xf32, #tpu.memory_space<vmem>> -> memref<8x128xf32, #tpu.memory_space<vmem>>
        %dma_wait3A_1227 = arith.constant 0 : i32
        %dma_wait3A_1228 = arith.constant 0 : i32
        %dma_wait3A_1229 = tpu.memref_slice %arg4[%dma_wait3A_1227, %dma_wait3A_1228] : memref<204800x128xf32, #tpu.memory_space<hbm>> -> memref<8x128xf32, #tpu.memory_space<hbm>>
        %dma_wait3A_1230 = arith.constant 0 : i32
        %dma_wait3A_1231 = arith.constant 0 : i32
        %dma_wait3A_1232 = tpu.memref_slice %arg13[%dma_wait3A_1230, %dma_wait3A_1231] : memref<32x257xf32, #tpu.memory_space<vmem>> -> memref<8x128xf32, #tpu.memory_space<vmem>>
        %dma_wait3A_1233 = arith.constant 0 : i32
        %dma_wait3A_1234 = arith.constant 0 : i32
        %dma_wait3A_1235 = tpu.memref_slice %arg4[%dma_wait3A_1233, %dma_wait3A_1234] : memref<204800x128xf32, #tpu.memory_space<hbm>> -> memref<8x128xf32, #tpu.memory_space<hbm>>
        tpu.wait_dma2 semaphore(%arg21 : memref<!tpu.dma_semaphore, #tpu.memory_space<semaphore_mem>>) src(%dma_wait3A_1235 : memref<8x128xf32, #tpu.memory_space<hbm>>) dst(%dma_wait3A_1232 : memref<8x128xf32, #tpu.memory_space<vmem>>)
        %dma_wait3A_1236 = arith.constant 0 : i32
        %dma_wait3A_1237 = arith.constant 0 : i32
        %dma_wait3A_1238 = tpu.memref_slice %arg13[%dma_wait3A_1236, %dma_wait3A_1237] : memref<32x257xf32, #tpu.memory_space<vmem>> -> memref<8x128xf32, #tpu.memory_space<vmem>>
        %dma_wait3A_1239 = arith.constant 0 : i32
        %dma_wait3A_1240 = arith.constant 0 : i32
        %dma_wait3A_1241 = tpu.memref_slice %arg4[%dma_wait3A_1239, %dma_wait3A_1240] : memref<204800x128xf32, #tpu.memory_space<hbm>> -> memref<8x128xf32, #tpu.memory_space<hbm>>
        %dma_wait3A_1242 = arith.constant 0 : i32
        %dma_wait3A_1243 = arith.constant 0 : i32
        %dma_wait3A_1244 = tpu.memref_slice %arg13[%dma_wait3A_1242, %dma_wait3A_1243] : memref<32x257xf32, #tpu.memory_space<vmem>> -> memref<8x128xf32, #tpu.memory_space<vmem>>
        %dma_wait3A_1245 = arith.constant 0 : i32
        %dma_wait3A_1246 = arith.constant 0 : i32
        %dma_wait3A_1247 = tpu.memref_slice %arg4[%dma_wait3A_1245, %dma_wait3A_1246] : memref<204800x128xf32, #tpu.memory_space<hbm>> -> memref<8x128xf32, #tpu.memory_space<hbm>>
        tpu.wait_dma2 semaphore(%arg21 : memref<!tpu.dma_semaphore, #tpu.memory_space<semaphore_mem>>) src(%dma_wait3A_1247 : memref<8x128xf32, #tpu.memory_space<hbm>>) dst(%dma_wait3A_1244 : memref<8x128xf32, #tpu.memory_space<vmem>>)
        %dma_wait3A_1248 = arith.constant 0 : i32
        %dma_wait3A_1249 = arith.constant 0 : i32
        %dma_wait3A_1250 = tpu.memref_slice %arg13[%dma_wait3A_1248, %dma_wait3A_1249] : memref<32x257xf32, #tpu.memory_space<vmem>> -> memref<8x128xf32, #tpu.memory_space<vmem>>
        %dma_wait3A_1251 = arith.constant 0 : i32
        %dma_wait3A_1252 = arith.constant 0 : i32
        %dma_wait3A_1253 = tpu.memref_slice %arg4[%dma_wait3A_1251, %dma_wait3A_1252] : memref<204800x128xf32, #tpu.memory_space<hbm>> -> memref<8x128xf32, #tpu.memory_space<hbm>>
        %dma_wait3A_1254 = arith.constant 0 : i32
        %dma_wait3A_1255 = arith.constant 0 : i32
        %dma_wait3A_1256 = tpu.memref_slice %arg13[%dma_wait3A_1254, %dma_wait3A_1255] : memref<32x257xf32, #tpu.memory_space<vmem>> -> memref<8x128xf32, #tpu.memory_space<vmem>>
        %dma_wait3A_1257 = arith.constant 0 : i32
        %dma_wait3A_1258 = arith.constant 0 : i32
        %dma_wait3A_1259 = tpu.memref_slice %arg4[%dma_wait3A_1257, %dma_wait3A_1258] : memref<204800x128xf32, #tpu.memory_space<hbm>> -> memref<8x128xf32, #tpu.memory_space<hbm>>
        tpu.wait_dma2 semaphore(%arg21 : memref<!tpu.dma_semaphore, #tpu.memory_space<semaphore_mem>>) src(%dma_wait3A_1259 : memref<8x128xf32, #tpu.memory_space<hbm>>) dst(%dma_wait3A_1256 : memref<8x128xf32, #tpu.memory_space<vmem>>)
      } else {
      }
      %scan3A_1011 = arith.constant 0 : i32
      %scan3A_1012 = arith.constant 0 : i32
      %scan3A_1013 = arith.constant 32 : i32
      %scan3A_1014 = arith.addi %scan3A_1012, %scan3A_1013 : i32
      %scan3A_1015 = arith.constant 1 : i32
      scf.for %scan3A_1164 = %scan3A_1012 to %scan3A_1014 step %scan3A_1015  : i32 {
        %mul3A_1165 = arith.constant 8 : i32
        %mul3A_1166 = arith.muli %scan3A_1164, %mul3A_1165 : i32
        %add3A_1167 = arith.constant 0 : i32
        %add3A_1168 = arith.addi %mul3A_1166, %add3A_1167 : i32
        %add3A_1169 = vector.broadcast %add3A_1168 : i32 to vector<16xi32>
        %add3A_1170 = arith.addi %broadcast_in_dim3A_10, %add3A_1169 : vector<16xi32>
        %get3A = arith.index_cast %add3A_1168 : i32 to index
        %get3A_1171 = arith.constant 0 : index
        %get3A_1172 = tpu.vector_load %arg9[%get3A, %get3A_1171] {strides = array<i32>} : memref<256x32xf32, #tpu.memory_space<vmem>>, vector<16xf32>,
        tpu.vector_store_idx %arg13[%add3A_5, %add3A_1170], %get3A_1172 : memref<32x257xf32, #tpu.memory_space<vmem>>[vector<16xi32>, vector<16xi32>], vector<16xf32>,
        %get3A_1173 = arith.index_cast %add3A_1168 : i32 to index
        %get3A_1174 = arith.constant 16 : index
        %get3A_1175 = tpu.vector_load %arg9[%get3A_1173, %get3A_1174] {strides = array<i32>} : memref<256x32xf32, #tpu.memory_space<vmem>>, vector<16xf32>,
        tpu.vector_store_idx %arg13[%add3A_9, %add3A_1170], %get3A_1175 : memref<32x257xf32, #tpu.memory_space<vmem>>[vector<16xi32>, vector<16xi32>], vector<16xf32>,
        %mul3A_1176 = arith.constant 8 : i32
        %mul3A_1177 = arith.muli %scan3A_1164, %mul3A_1176 : i32
        %add3A_1178 = arith.constant 1 : i32
        %add3A_1179 = arith.addi %mul3A_1177, %add3A_1178 : i32
        %add3A_1180 = vector.broadcast %add3A_1179 : i32 to vector<16xi32>
        %add3A_1181 = arith.addi %broadcast_in_dim3A_10, %add3A_1180 : vector<16xi32>
        %get3A_1182 = arith.index_cast %add3A_1179 : i32 to index
        %get3A_1183 = arith.constant 0 : index
        %get3A_1184 = tpu.vector_load %arg9[%get3A_1182, %get3A_1183] {strides = array<i32>} : memref<256x32xf32, #tpu.memory_space<vmem>>, vector<16xf32>,
        tpu.vector_store_idx %arg13[%add3A_5, %add3A_1181], %get3A_1184 : memref<32x257xf32, #tpu.memory_space<vmem>>[vector<16xi32>, vector<16xi32>], vector<16xf32>,
        %get3A_1185 = arith.index_cast %add3A_1179 : i32 to index
        %get3A_1186 = arith.constant 16 : index
        %get3A_1187 = tpu.vector_load %arg9[%get3A_1185, %get3A_1186] {strides = array<i32>} : memref<256x32xf32, #tpu.memory_space<vmem>>, vector<16xf32>,
        tpu.vector_store_idx %arg13[%add3A_9, %add3A_1181], %get3A_1187 : memref<32x257xf32, #tpu.memory_space<vmem>>[vector<16xi32>, vector<16xi32>], vector<16xf32>,
        %mul3A_1188 = arith.constant 8 : i32
        %mul3A_1189 = arith.muli %scan3A_1164, %mul3A_1188 : i32
        %add3A_1190 = arith.constant 2 : i32
        %add3A_1191 = arith.addi %mul3A_1189, %add3A_1190 : i32
        %add3A_1192 = vector.broadcast %add3A_1191 : i32 to vector<16xi32>
        %add3A_1193 = arith.addi %broadcast_in_dim3A_10, %add3A_1192 : vector<16xi32>
        %get3A_1194 = arith.index_cast %add3A_1191 : i32 to index
        %get3A_1195 = arith.constant 0 : index
        %get3A_1196 = tpu.vector_load %arg9[%get3A_1194, %get3A_1195] {strides = array<i32>} : memref<256x32xf32, #tpu.memory_space<vmem>>, vector<16xf32>,
        tpu.vector_store_idx %arg13[%add3A_5, %add3A_1193], %get3A_1196 : memref<32x257xf32, #tpu.memory_space<vmem>>[vector<16xi32>, vector<16xi32>], vector<16xf32>,
        %get3A_1197 = arith.index_cast %add3A_1191 : i32 to index
        %get3A_1198 = arith.constant 16 : index
        %get3A_1199 = tpu.vector_load %arg9[%get3A_1197, %get3A_1198] {strides = array<i32>} : memref<256x32xf32, #tpu.memory_space<vmem>>, vector<16xf32>,
        tpu.vector_store_idx %arg13[%add3A_9, %add3A_1193], %get3A_1199 : memref<32x257xf32, #tpu.memory_space<vmem>>[vector<16xi32>, vector<16xi32>], vector<16xf32>,
        %mul3A_1200 = arith.constant 8 : i32
        %mul3A_1201 = arith.muli %scan3A_1164, %mul3A_1200 : i32
        %add3A_1202 = arith.constant 3 : i32
        %add3A_1203 = arith.addi %mul3A_1201, %add3A_1202 : i32
        %add3A_1204 = vector.broadcast %add3A_1203 : i32 to vector<16xi32>
        %add3A_1205 = arith.addi %broadcast_in_dim3A_10, %add3A_1204 : vector<16xi32>
        %get3A_1206 = arith.index_cast %add3A_1203 : i32 to index
        %get3A_1207 = arith.constant 0 : index
        %get3A_1208 = tpu.vector_load %arg9[%get3A_1206, %get3A_1207] {strides = array<i32>} : memref<256x32xf32, #tpu.memory_space<vmem>>, vector<16xf32>,
        tpu.vector_store_idx %arg13[%add3A_5, %add3A_1205], %get3A_1208 : memref<32x257xf32, #tpu.memory_space<vmem>>[vector<16xi32>, vector<16xi32>], vector<16xf32>,
        %get3A_1209 = arith.index_cast %add3A_1203 : i32 to index
        %get3A_1210 = arith.constant 16 : index
        %get3A_1211 = tpu.vector_load %arg9[%get3A_1209, %get3A_1210] {strides = array<i32>} : memref<256x32xf32, #tpu.memory_space<vmem>>, vector<16xf32>,
        tpu.vector_store_idx %arg13[%add3A_9, %add3A_1205], %get3A_1211 : memref<32x257xf32, #tpu.memory_space<vmem>>[vector<16xi32>, vector<16xi32>], vector<16xf32>,
        %mul3A_1212 = arith.constant 8 : i32
        %mul3A_1213 = arith.muli %scan3A_1164, %mul3A_1212 : i32
        %add3A_1214 = arith.constant 4 : i32
        %add3A_1215 = arith.addi %mul3A_1213, %add3A_1214 : i32
        %add3A_1216 = vector.broadcast %add3A_1215 : i32 to vector<16xi32>
        %add3A_1217 = arith.addi %broadcast_in_dim3A_10, %add3A_1216 : vector<16xi32>
        %get3A_1218 = arith.index_cast %add3A_1215 : i32 to index
        %get3A_1219 = arith.constant 0 : index
        %get3A_1220 = tpu.vector_load %arg9[%get3A_1218, %get3A_1219] {strides = array<i32>} : memref<256x32xf32, #tpu.memory_space<vmem>>, vector<16xf32>,
        tpu.vector_store_idx %arg13[%add3A_5, %add3A_1217], %get3A_1220 : memref<32x257xf32, #tpu.memory_space<vmem>>[vector<16xi32>, vector<16xi32>], vector<16xf32>,
        %get3A_1221 = arith.index_cast %add3A_1215 : i32 to index
        %get3A_1222 = arith.constant 16 : index
        %get3A_1223 = tpu.vector_load %arg9[%get3A_1221, %get3A_1222] {strides = array<i32>} : memref<256x32xf32, #tpu.memory_space<vmem>>, vector<16xf32>,
        tpu.vector_store_idx %arg13[%add3A_9, %add3A_1217], %get3A_1223 : memref<32x257xf32, #tpu.memory_space<vmem>>[vector<16xi32>, vector<16xi32>], vector<16xf32>,
        %mul3A_1224 = arith.constant 8 : i32
        %mul3A_1225 = arith.muli %scan3A_1164, %mul3A_1224 : i32
        %add3A_1226 = arith.constant 5 : i32
        %add3A_1227 = arith.addi %mul3A_1225, %add3A_1226 : i32
        %add3A_1228 = vector.broadcast %add3A_1227 : i32 to vector<16xi32>
        %add3A_1229 = arith.addi %broadcast_in_dim3A_10, %add3A_1228 : vector<16xi32>
        %get3A_1230 = arith.index_cast %add3A_1227 : i32 to index
        %get3A_1231 = arith.constant 0 : index
        %get3A_1232 = tpu.vector_load %arg9[%get3A_1230, %get3A_1231] {strides = array<i32>} : memref<256x32xf32, #tpu.memory_space<vmem>>, vector<16xf32>,
        tpu.vector_store_idx %arg13[%add3A_5, %add3A_1229], %get3A_1232 : memref<32x257xf32, #tpu.memory_space<vmem>>[vector<16xi32>, vector<16xi32>], vector<16xf32>,
        %get3A_1233 = arith.index_cast %add3A_1227 : i32 to index
        %get3A_1234 = arith.constant 16 : index
        %get3A_1235 = tpu.vector_load %arg9[%get3A_1233, %get3A_1234] {strides = array<i32>} : memref<256x32xf32, #tpu.memory_space<vmem>>, vector<16xf32>,
        tpu.vector_store_idx %arg13[%add3A_9, %add3A_1229], %get3A_1235 : memref<32x257xf32, #tpu.memory_space<vmem>>[vector<16xi32>, vector<16xi32>], vector<16xf32>,
        %mul3A_1236 = arith.constant 8 : i32
        %mul3A_1237 = arith.muli %scan3A_1164, %mul3A_1236 : i32
        %add3A_1238 = arith.constant 6 : i32
        %add3A_1239 = arith.addi %mul3A_1237, %add3A_1238 : i32
        %add3A_1240 = vector.broadcast %add3A_1239 : i32 to vector<16xi32>
        %add3A_1241 = arith.addi %broadcast_in_dim3A_10, %add3A_1240 : vector<16xi32>
        %get3A_1242 = arith.index_cast %add3A_1239 : i32 to index
        %get3A_1243 = arith.constant 0 : index
        %get3A_1244 = tpu.vector_load %arg9[%get3A_1242, %get3A_1243] {strides = array<i32>} : memref<256x32xf32, #tpu.memory_space<vmem>>, vector<16xf32>,
        tpu.vector_store_idx %arg13[%add3A_5, %add3A_1241], %get3A_1244 : memref<32x257xf32, #tpu.memory_space<vmem>>[vector<16xi32>, vector<16xi32>], vector<16xf32>,
        %get3A_1245 = arith.index_cast %add3A_1239 : i32 to index
        %get3A_1246 = arith.constant 16 : index
        %get3A_1247 = tpu.vector_load %arg9[%get3A_1245, %get3A_1246] {strides = array<i32>} : memref<256x32xf32, #tpu.memory_space<vmem>>, vector<16xf32>,
        tpu.vector_store_idx %arg13[%add3A_9, %add3A_1241], %get3A_1247 : memref<32x257xf32, #tpu.memory_space<vmem>>[vector<16xi32>, vector<16xi32>], vector<16xf32>,
        %mul3A_1248 = arith.constant 8 : i32
        %mul3A_1249 = arith.muli %scan3A_1164, %mul3A_1248 : i32
        %add3A_1250 = arith.constant 7 : i32
        %add3A_1251 = arith.addi %mul3A_1249, %add3A_1250 : i32
        %add3A_1252 = vector.broadcast %add3A_1251 : i32 to vector<16xi32>
        %add3A_1253 = arith.addi %broadcast_in_dim3A_10, %add3A_1252 : vector<16xi32>
        %get3A_1254 = arith.index_cast %add3A_1251 : i32 to index
        %get3A_1255 = arith.constant 0 : index
        %get3A_1256 = tpu.vector_load %arg9[%get3A_1254, %get3A_1255] {strides = array<i32>} : memref<256x32xf32, #tpu.memory_space<vmem>>, vector<16xf32>,
        tpu.vector_store_idx %arg13[%add3A_5, %add3A_1253], %get3A_1256 : memref<32x257xf32, #tpu.memory_space<vmem>>[vector<16xi32>, vector<16xi32>], vector<16xf32>,
        %get3A_1257 = arith.index_cast %add3A_1251 : i32 to index
        %get3A_1258 = arith.constant 16 : index
        %get3A_1259 = tpu.vector_load %arg9[%get3A_1257, %get3A_1258] {strides = array<i32>} : memref<256x32xf32, #tpu.memory_space<vmem>>, vector<16xf32>,
        tpu.vector_store_idx %arg13[%add3A_9, %add3A_1253], %get3A_1259 : memref<32x257xf32, #tpu.memory_space<vmem>>[vector<16xi32>, vector<16xi32>], vector<16xf32>,
      }
      %scan3A_1016 = arith.constant 32 : i32
      %mul3A_1017 = arith.constant 2 : i32
      %mul3A_1018 = arith.muli %mul3A_1017, %add3A_994 : i32
      %add3A_1019 = arith.addi %mul3A_2, %mul3A_1018 : i32
      %jit3A_1020 = arith.constant 32 : i32
      %div3A_1021 = arith.divsi %add3A_1019, %jit3A_1020 : i32
      %sign3A_1022 = arith.constant 0 : i32
      %sign3A_1023 = arith.cmpi sgt, %add3A_1019, %sign3A_1022 : i32
      %sign3A_1024 = arith.extui %sign3A_1023 : i1 to i32
      %sign3A_1025 = arith.constant 0 : i32
      %sign3A_1026 = arith.cmpi slt, %add3A_1019, %sign3A_1025 : i32
      %sign3A_1027 = arith.extui %sign3A_1026 : i1 to i32
      %sign3A_1028 = arith.subi %sign3A_1024, %sign3A_1027 : i32
      %sign3A_1029 = arith.constant 0 : i32
      %sign3A_1030 = arith.cmpi sgt, %jit3A_1020, %sign3A_1029 : i32
      %sign3A_1031 = arith.extui %sign3A_1030 : i1 to i32
      %sign3A_1032 = arith.constant 0 : i32
      %sign3A_1033 = arith.cmpi slt, %jit3A_1020, %sign3A_1032 : i32
      %sign3A_1034 = arith.extui %sign3A_1033 : i1 to i32
      %sign3A_1035 = arith.subi %sign3A_1031, %sign3A_1034 : i32
      %ne3A_1036 = arith.cmpi ne, %sign3A_1028, %sign3A_1035 : i32
      %rem3A_1037 = arith.remsi %add3A_1019, %jit3A_1020 : i32
      %ne3A_1038 = arith.constant 0 : i32
      %ne3A_1039 = arith.cmpi ne, %rem3A_1037, %ne3A_1038 : i32
      %and3A_1040 = arith.andi %ne3A_1036, %ne3A_1039 : i1
      %sub3A_1041 = arith.constant 1 : i32
      %sub3A_1042 = arith.subi %div3A_1021, %sub3A_1041 : i32
      %select_n3A_1043 = arith.select %and3A_1040, %sub3A_1042, %div3A_1021 : i32
      %mul3A_1044 = arith.constant 32 : i32
      %mul3A_1045 = arith.muli %select_n3A_1043, %mul3A_1044 : i32
      %sub3A_1046 = arith.subi %add3A_1019, %mul3A_1045 : i32
      %mul3A_1047 = arith.constant 1024 : i32
      %mul3A_1048 = arith.muli %select_n3A_1043, %mul3A_1047 : i32
      %mul3A_1049 = arith.constant 8 : i32
      %mul3A_1050 = arith.muli %sub3A_1046, %mul3A_1049 : i32
      %add3A_1051 = arith.addi %mul3A_1048, %mul3A_1050 : i32
      %add3A_1052 = arith.constant 0 : i32
      %add3A_1053 = arith.addi %add3A_1051, %add3A_1052 : i32
      %add3A_1054 = arith.constant 0 : i32
      %add3A_1055 = arith.addi %add3A_1053, %add3A_1054 : i32
      %dma_start3A_1056 = arith.constant 0 : i32
      %dma_start3A_1057 = arith.constant 0 : i32
      %dma_start3A_1058 = tpu.memref_slice %arg13[%dma_start3A_1056, %dma_start3A_1057] : memref<32x257xf32, #tpu.memory_space<vmem>> -> memref<8x128xf32, #tpu.memory_space<vmem>>
      %dma_start3A_1059 = arith.constant 0 : i32
      %dma_start3A_1060 = tpu.memref_slice %arg4[%add3A_1055, %dma_start3A_1059] : memref<204800x128xf32, #tpu.memory_space<hbm>> -> memref<8x128xf32, #tpu.memory_space<hbm>>
      %dma_start3A_1061 = arith.constant 0 : i32
      %dma_start3A_1062 = tpu.memref_slice %arg4[%add3A_1055, %dma_start3A_1061] : memref<204800x128xf32, #tpu.memory_space<hbm>> -> memref<8x128xf32, #tpu.memory_space<hbm>>
      %dma_start3A_1063 = arith.constant 0 : i32
      %dma_start3A_1064 = arith.constant 0 : i32
      %dma_start3A_1065 = tpu.memref_slice %arg13[%dma_start3A_1063, %dma_start3A_1064] : memref<32x257xf32, #tpu.memory_space<vmem>> -> memref<8x128xf32, #tpu.memory_space<vmem>>
      tpu.enqueue_dma source(%dma_start3A_1065 : memref<8x128xf32, #tpu.memory_space<vmem>>) target(%dma_start3A_1062 : memref<8x128xf32, #tpu.memory_space<hbm>>) target_semaphore(%arg21 : memref<!tpu.dma_semaphore, #tpu.memory_space<semaphore_mem>>)
      %add3A_1066 = arith.constant 0 : i32
      %add3A_1067 = arith.addi %add3A_1051, %add3A_1066 : i32
      %add3A_1068 = arith.constant 8 : i32
      %add3A_1069 = arith.addi %add3A_1067, %add3A_1068 : i32
      %dma_start3A_1070 = arith.constant 0 : i32
      %dma_start3A_1071 = arith.constant 128 : i32
      %dma_start3A_1072 = tpu.memref_slice %arg13[%dma_start3A_1070, %dma_start3A_1071] : memref<32x257xf32, #tpu.memory_space<vmem>> -> memref<8x128xf32, #tpu.memory_space<vmem>>
      %dma_start3A_1073 = arith.constant 0 : i32
      %dma_start3A_1074 = tpu.memref_slice %arg4[%add3A_1069, %dma_start3A_1073] : memref<204800x128xf32, #tpu.memory_space<hbm>> -> memref<8x128xf32, #tpu.memory_space<hbm>>
      %dma_start3A_1075 = arith.constant 0 : i32
      %dma_start3A_1076 = tpu.memref_slice %arg4[%add3A_1069, %dma_start3A_1075] : memref<204800x128xf32, #tpu.memory_space<hbm>> -> memref<8x128xf32, #tpu.memory_space<hbm>>
      %dma_start3A_1077 = arith.constant 0 : i32
      %dma_start3A_1078 = arith.constant 128 : i32
      %dma_start3A_1079 = tpu.memref_slice %arg13[%dma_start3A_1077, %dma_start3A_1078] : memref<32x257xf32, #tpu.memory_space<vmem>> -> memref<8x128xf32, #tpu.memory_space<vmem>>
      tpu.enqueue_dma source(%dma_start3A_1079 : memref<8x128xf32, #tpu.memory_space<vmem>>) target(%dma_start3A_1076 : memref<8x128xf32, #tpu.memory_space<hbm>>) target_semaphore(%arg21 : memref<!tpu.dma_semaphore, #tpu.memory_space<semaphore_mem>>)
      %add3A_1080 = arith.constant 256 : i32
      %add3A_1081 = arith.addi %add3A_1051, %add3A_1080 : i32
      %add3A_1082 = arith.constant 0 : i32
      %add3A_1083 = arith.addi %add3A_1081, %add3A_1082 : i32
      %dma_start3A_1084 = arith.constant 8 : i32
      %dma_start3A_1085 = arith.constant 0 : i32
      %dma_start3A_1086 = tpu.memref_slice %arg13[%dma_start3A_1084, %dma_start3A_1085] : memref<32x257xf32, #tpu.memory_space<vmem>> -> memref<8x128xf32, #tpu.memory_space<vmem>>
      %dma_start3A_1087 = arith.constant 0 : i32
      %dma_start3A_1088 = tpu.memref_slice %arg4[%add3A_1083, %dma_start3A_1087] : memref<204800x128xf32, #tpu.memory_space<hbm>> -> memref<8x128xf32, #tpu.memory_space<hbm>>
      %dma_start3A_1089 = arith.constant 0 : i32
      %dma_start3A_1090 = tpu.memref_slice %arg4[%add3A_1083, %dma_start3A_1089] : memref<204800x128xf32, #tpu.memory_space<hbm>> -> memref<8x128xf32, #tpu.memory_space<hbm>>
      %dma_start3A_1091 = arith.constant 8 : i32
      %dma_start3A_1092 = arith.constant 0 : i32
      %dma_start3A_1093 = tpu.memref_slice %arg13[%dma_start3A_1091, %dma_start3A_1092] : memref<32x257xf32, #tpu.memory_space<vmem>> -> memref<8x128xf32, #tpu.memory_space<vmem>>
      tpu.enqueue_dma source(%dma_start3A_1093 : memref<8x128xf32, #tpu.memory_space<vmem>>) target(%dma_start3A_1090 : memref<8x128xf32, #tpu.memory_space<hbm>>) target_semaphore(%arg21 : memref<!tpu.dma_semaphore, #tpu.memory_space<semaphore_mem>>)
      %add3A_1094 = arith.constant 256 : i32
      %add3A_1095 = arith.addi %add3A_1051, %add3A_1094 : i32
      %add3A_1096 = arith.constant 8 : i32
      %add3A_1097 = arith.addi %add3A_1095, %add3A_1096 : i32
      %dma_start3A_1098 = arith.constant 8 : i32
      %dma_start3A_1099 = arith.constant 128 : i32
      %dma_start3A_1100 = tpu.memref_slice %arg13[%dma_start3A_1098, %dma_start3A_1099] : memref<32x257xf32, #tpu.memory_space<vmem>> -> memref<8x128xf32, #tpu.memory_space<vmem>>
      %dma_start3A_1101 = arith.constant 0 : i32
      %dma_start3A_1102 = tpu.memref_slice %arg4[%add3A_1097, %dma_start3A_1101] : memref<204800x128xf32, #tpu.memory_space<hbm>> -> memref<8x128xf32, #tpu.memory_space<hbm>>
      %dma_start3A_1103 = arith.constant 0 : i32
      %dma_start3A_1104 = tpu.memref_slice %arg4[%add3A_1097, %dma_start3A_1103] : memref<204800x128xf32, #tpu.memory_space<hbm>> -> memref<8x128xf32, #tpu.memory_space<hbm>>
      %dma_start3A_1105 = arith.constant 8 : i32
      %dma_start3A_1106 = arith.constant 128 : i32
      %dma_start3A_1107 = tpu.memref_slice %arg13[%dma_start3A_1105, %dma_start3A_1106] : memref<32x257xf32, #tpu.memory_space<vmem>> -> memref<8x128xf32, #tpu.memory_space<vmem>>
      tpu.enqueue_dma source(%dma_start3A_1107 : memref<8x128xf32, #tpu.memory_space<vmem>>) target(%dma_start3A_1104 : memref<8x128xf32, #tpu.memory_space<hbm>>) target_semaphore(%arg21 : memref<!tpu.dma_semaphore, #tpu.memory_space<semaphore_mem>>)
      %add3A_1108 = arith.constant 512 : i32
      %add3A_1109 = arith.addi %add3A_1051, %add3A_1108 : i32
      %add3A_1110 = arith.constant 0 : i32
      %add3A_1111 = arith.addi %add3A_1109, %add3A_1110 : i32
      %dma_start3A_1112 = arith.constant 16 : i32
      %dma_start3A_1113 = arith.constant 0 : i32
      %dma_start3A_1114 = tpu.memref_slice %arg13[%dma_start3A_1112, %dma_start3A_1113] : memref<32x257xf32, #tpu.memory_space<vmem>> -> memref<8x128xf32, #tpu.memory_space<vmem>>
      %dma_start3A_1115 = arith.constant 0 : i32
      %dma_start3A_1116 = tpu.memref_slice %arg4[%add3A_1111, %dma_start3A_1115] : memref<204800x128xf32, #tpu.memory_space<hbm>> -> memref<8x128xf32, #tpu.memory_space<hbm>>
      %dma_start3A_1117 = arith.constant 0 : i32
      %dma_start3A_1118 = tpu.memref_slice %arg4[%add3A_1111, %dma_start3A_1117] : memref<204800x128xf32, #tpu.memory_space<hbm>> -> memref<8x128xf32, #tpu.memory_space<hbm>>
      %dma_start3A_1119 = arith.constant 16 : i32
      %dma_start3A_1120 = arith.constant 0 : i32
      %dma_start3A_1121 = tpu.memref_slice %arg13[%dma_start3A_1119, %dma_start3A_1120] : memref<32x257xf32, #tpu.memory_space<vmem>> -> memref<8x128xf32, #tpu.memory_space<vmem>>
      tpu.enqueue_dma source(%dma_start3A_1121 : memref<8x128xf32, #tpu.memory_space<vmem>>) target(%dma_start3A_1118 : memref<8x128xf32, #tpu.memory_space<hbm>>) target_semaphore(%arg21 : memref<!tpu.dma_semaphore, #tpu.memory_space<semaphore_mem>>)
      %add3A_1122 = arith.constant 512 : i32
      %add3A_1123 = arith.addi %add3A_1051, %add3A_1122 : i32
      %add3A_1124 = arith.constant 8 : i32
      %add3A_1125 = arith.addi %add3A_1123, %add3A_1124 : i32
      %dma_start3A_1126 = arith.constant 16 : i32
      %dma_start3A_1127 = arith.constant 128 : i32
      %dma_start3A_1128 = tpu.memref_slice %arg13[%dma_start3A_1126, %dma_start3A_1127] : memref<32x257xf32, #tpu.memory_space<vmem>> -> memref<8x128xf32, #tpu.memory_space<vmem>>
      %dma_start3A_1129 = arith.constant 0 : i32
      %dma_start3A_1130 = tpu.memref_slice %arg4[%add3A_1125, %dma_start3A_1129] : memref<204800x128xf32, #tpu.memory_space<hbm>> -> memref<8x128xf32, #tpu.memory_space<hbm>>
      %dma_start3A_1131 = arith.constant 0 : i32
      %dma_start3A_1132 = tpu.memref_slice %arg4[%add3A_1125, %dma_start3A_1131] : memref<204800x128xf32, #tpu.memory_space<hbm>> -> memref<8x128xf32, #tpu.memory_space<hbm>>
      %dma_start3A_1133 = arith.constant 16 : i32
      %dma_start3A_1134 = arith.constant 128 : i32
      %dma_start3A_1135 = tpu.memref_slice %arg13[%dma_start3A_1133, %dma_start3A_1134] : memref<32x257xf32, #tpu.memory_space<vmem>> -> memref<8x128xf32, #tpu.memory_space<vmem>>
      tpu.enqueue_dma source(%dma_start3A_1135 : memref<8x128xf32, #tpu.memory_space<vmem>>) target(%dma_start3A_1132 : memref<8x128xf32, #tpu.memory_space<hbm>>) target_semaphore(%arg21 : memref<!tpu.dma_semaphore, #tpu.memory_space<semaphore_mem>>)
      %add3A_1136 = arith.constant 768 : i32
      %add3A_1137 = arith.addi %add3A_1051, %add3A_1136 : i32
      %add3A_1138 = arith.constant 0 : i32
      %add3A_1139 = arith.addi %add3A_1137, %add3A_1138 : i32
      %dma_start3A_1140 = arith.constant 24 : i32
      %dma_start3A_1141 = arith.constant 0 : i32
      %dma_start3A_1142 = tpu.memref_slice %arg13[%dma_start3A_1140, %dma_start3A_1141] : memref<32x257xf32, #tpu.memory_space<vmem>> -> memref<8x128xf32, #tpu.memory_space<vmem>>
      %dma_start3A_1143 = arith.constant 0 : i32
      %dma_start3A_1144 = tpu.memref_slice %arg4[%add3A_1139, %dma_start3A_1143] : memref<204800x128xf32, #tpu.memory_space<hbm>> -> memref<8x128xf32, #tpu.memory_space<hbm>>
      %dma_start3A_1145 = arith.constant 0 : i32
      %dma_start3A_1146 = tpu.memref_slice %arg4[%add3A_1139, %dma_start3A_1145] : memref<204800x128xf32, #tpu.memory_space<hbm>> -> memref<8x128xf32, #tpu.memory_space<hbm>>
      %dma_start3A_1147 = arith.constant 24 : i32
      %dma_start3A_1148 = arith.constant 0 : i32
      %dma_start3A_1149 = tpu.memref_slice %arg13[%dma_start3A_1147, %dma_start3A_1148] : memref<32x257xf32, #tpu.memory_space<vmem>> -> memref<8x128xf32, #tpu.memory_space<vmem>>
      tpu.enqueue_dma source(%dma_start3A_1149 : memref<8x128xf32, #tpu.memory_space<vmem>>) target(%dma_start3A_1146 : memref<8x128xf32, #tpu.memory_space<hbm>>) target_semaphore(%arg21 : memref<!tpu.dma_semaphore, #tpu.memory_space<semaphore_mem>>)
      %add3A_1150 = arith.constant 768 : i32
      %add3A_1151 = arith.addi %add3A_1051, %add3A_1150 : i32
      %add3A_1152 = arith.constant 8 : i32
      %add3A_1153 = arith.addi %add3A_1151, %add3A_1152 : i32
      %dma_start3A_1154 = arith.constant 24 : i32
      %dma_start3A_1155 = arith.constant 128 : i32
      %dma_start3A_1156 = tpu.memref_slice %arg13[%dma_start3A_1154, %dma_start3A_1155] : memref<32x257xf32, #tpu.memory_space<vmem>> -> memref<8x128xf32, #tpu.memory_space<vmem>>
      %dma_start3A_1157 = arith.constant 0 : i32
      %dma_start3A_1158 = tpu.memref_slice %arg4[%add3A_1153, %dma_start3A_1157] : memref<204800x128xf32, #tpu.memory_space<hbm>> -> memref<8x128xf32, #tpu.memory_space<hbm>>
      %dma_start3A_1159 = arith.constant 0 : i32
      %dma_start3A_1160 = tpu.memref_slice %arg4[%add3A_1153, %dma_start3A_1159] : memref<204800x128xf32, #tpu.memory_space<hbm>> -> memref<8x128xf32, #tpu.memory_space<hbm>>
      %dma_start3A_1161 = arith.constant 24 : i32
      %dma_start3A_1162 = arith.constant 128 : i32
      %dma_start3A_1163 = tpu.memref_slice %arg13[%dma_start3A_1161, %dma_start3A_1162] : memref<32x257xf32, #tpu.memory_space<vmem>> -> memref<8x128xf32, #tpu.memory_space<vmem>>
      tpu.enqueue_dma source(%dma_start3A_1163 : memref<8x128xf32, #tpu.memory_space<vmem>>) target(%dma_start3A_1160 : memref<8x128xf32, #tpu.memory_space<hbm>>) target_semaphore(%arg21 : memref<!tpu.dma_semaphore, #tpu.memory_space<semaphore_mem>>)
    }
    %scan3A_74 = arith.constant 25 : i32
    %dma_wait3A = arith.constant 0 : i32
    %dma_wait3A_75 = arith.constant 0 : i32
    %dma_wait3A_76 = tpu.memref_slice %arg10[%dma_wait3A, %dma_wait3A_75] : memref<32x257xf32, #tpu.memory_space<vmem>> -> memref<8x128xf32, #tpu.memory_space<vmem>>
    %dma_wait3A_77 = arith.constant 0 : i32
    %dma_wait3A_78 = arith.constant 0 : i32
    %dma_wait3A_79 = tpu.memref_slice %arg4[%dma_wait3A_77, %dma_wait3A_78] : memref<204800x128xf32, #tpu.memory_space<hbm>> -> memref<8x128xf32, #tpu.memory_space<hbm>>
    %dma_wait3A_80 = arith.constant 0 : i32
    %dma_wait3A_81 = arith.constant 0 : i32
    %dma_wait3A_82 = tpu.memref_slice %arg10[%dma_wait3A_80, %dma_wait3A_81] : memref<32x257xf32, #tpu.memory_space<vmem>> -> memref<8x128xf32, #tpu.memory_space<vmem>>
    %dma_wait3A_83 = arith.constant 0 : i32
    %dma_wait3A_84 = arith.constant 0 : i32
    %dma_wait3A_85 = tpu.memref_slice %arg4[%dma_wait3A_83, %dma_wait3A_84] : memref<204800x128xf32, #tpu.memory_space<hbm>> -> memref<8x128xf32, #tpu.memory_space<hbm>>
    tpu.wait_dma2 semaphore(%arg18 : memref<!tpu.dma_semaphore, #tpu.memory_space<semaphore_mem>>) src(%dma_wait3A_85 : memref<8x128xf32, #tpu.memory_space<hbm>>) dst(%dma_wait3A_82 : memref<8x128xf32, #tpu.memory_space<vmem>>)
    %dma_wait3A_86 = arith.constant 0 : i32
    %dma_wait3A_87 = arith.constant 0 : i32
    %dma_wait3A_88 = tpu.memref_slice %arg10[%dma_wait3A_86, %dma_wait3A_87] : memref<32x257xf32, #tpu.memory_space<vmem>> -> memref<8x128xf32, #tpu.memory_space<vmem>>
    %dma_wait3A_89 = arith.constant 0 : i32
    %dma_wait3A_90 = arith.constant 0 : i32
    %dma_wait3A_91 = tpu.memref_slice %arg4[%dma_wait3A_89, %dma_wait3A_90] : memref<204800x128xf32, #tpu.memory_space<hbm>> -> memref<8x128xf32, #tpu.memory_space<hbm>>
    %dma_wait3A_92 = arith.constant 0 : i32
    %dma_wait3A_93 = arith.constant 0 : i32
    %dma_wait3A_94 = tpu.memref_slice %arg10[%dma_wait3A_92, %dma_wait3A_93] : memref<32x257xf32, #tpu.memory_space<vmem>> -> memref<8x128xf32, #tpu.memory_space<vmem>>
    %dma_wait3A_95 = arith.constant 0 : i32
    %dma_wait3A_96 = arith.constant 0 : i32
    %dma_wait3A_97 = tpu.memref_slice %arg4[%dma_wait3A_95, %dma_wait3A_96] : memref<204800x128xf32, #tpu.memory_space<hbm>> -> memref<8x128xf32, #tpu.memory_space<hbm>>
    tpu.wait_dma2 semaphore(%arg18 : memref<!tpu.dma_semaphore, #tpu.memory_space<semaphore_mem>>) src(%dma_wait3A_97 : memref<8x128xf32, #tpu.memory_space<hbm>>) dst(%dma_wait3A_94 : memref<8x128xf32, #tpu.memory_space<vmem>>)
    %dma_wait3A_98 = arith.constant 0 : i32
    %dma_wait3A_99 = arith.constant 0 : i32
    %dma_wait3A_100 = tpu.memref_slice %arg10[%dma_wait3A_98, %dma_wait3A_99] : memref<32x257xf32, #tpu.memory_space<vmem>> -> memref<8x128xf32, #tpu.memory_space<vmem>>
    %dma_wait3A_101 = arith.constant 0 : i32
    %dma_wait3A_102 = arith.constant 0 : i32
    %dma_wait3A_103 = tpu.memref_slice %arg4[%dma_wait3A_101, %dma_wait3A_102] : memref<204800x128xf32, #tpu.memory_space<hbm>> -> memref<8x128xf32, #tpu.memory_space<hbm>>
    %dma_wait3A_104 = arith.constant 0 : i32
    %dma_wait3A_105 = arith.constant 0 : i32
    %dma_wait3A_106 = tpu.memref_slice %arg10[%dma_wait3A_104, %dma_wait3A_105] : memref<32x257xf32, #tpu.memory_space<vmem>> -> memref<8x128xf32, #tpu.memory_space<vmem>>
    %dma_wait3A_107 = arith.constant 0 : i32
    %dma_wait3A_108 = arith.constant 0 : i32
    %dma_wait3A_109 = tpu.memref_slice %arg4[%dma_wait3A_107, %dma_wait3A_108] : memref<204800x128xf32, #tpu.memory_space<hbm>> -> memref<8x128xf32, #tpu.memory_space<hbm>>
    tpu.wait_dma2 semaphore(%arg18 : memref<!tpu.dma_semaphore, #tpu.memory_space<semaphore_mem>>) src(%dma_wait3A_109 : memref<8x128xf32, #tpu.memory_space<hbm>>) dst(%dma_wait3A_106 : memref<8x128xf32, #tpu.memory_space<vmem>>)
    %dma_wait3A_110 = arith.constant 0 : i32
    %dma_wait3A_111 = arith.constant 0 : i32
    %dma_wait3A_112 = tpu.memref_slice %arg10[%dma_wait3A_110, %dma_wait3A_111] : memref<32x257xf32, #tpu.memory_space<vmem>> -> memref<8x128xf32, #tpu.memory_space<vmem>>
    %dma_wait3A_113 = arith.constant 0 : i32
    %dma_wait3A_114 = arith.constant 0 : i32
    %dma_wait3A_115 = tpu.memref_slice %arg4[%dma_wait3A_113, %dma_wait3A_114] : memref<204800x128xf32, #tpu.memory_space<hbm>> -> memref<8x128xf32, #tpu.memory_space<hbm>>
    %dma_wait3A_116 = arith.constant 0 : i32
    %dma_wait3A_117 = arith.constant 0 : i32
    %dma_wait3A_118 = tpu.memref_slice %arg10[%dma_wait3A_116, %dma_wait3A_117] : memref<32x257xf32, #tpu.memory_space<vmem>> -> memref<8x128xf32, #tpu.memory_space<vmem>>
    %dma_wait3A_119 = arith.constant 0 : i32
    %dma_wait3A_120 = arith.constant 0 : i32
    %dma_wait3A_121 = tpu.memref_slice %arg4[%dma_wait3A_119, %dma_wait3A_120] : memref<204800x128xf32, #tpu.memory_space<hbm>> -> memref<8x128xf32, #tpu.memory_space<hbm>>
    tpu.wait_dma2 semaphore(%arg18 : memref<!tpu.dma_semaphore, #tpu.memory_space<semaphore_mem>>) src(%dma_wait3A_121 : memref<8x128xf32, #tpu.memory_space<hbm>>) dst(%dma_wait3A_118 : memref<8x128xf32, #tpu.memory_space<vmem>>)
    %dma_wait3A_122 = arith.constant 0 : i32
    %dma_wait3A_123 = arith.constant 0 : i32
    %dma_wait3A_124 = tpu.memref_slice %arg10[%dma_wait3A_122, %dma_wait3A_123] : memref<32x257xf32, #tpu.memory_space<vmem>> -> memref<8x128xf32, #tpu.memory_space<vmem>>
    %dma_wait3A_125 = arith.constant 0 : i32
    %dma_wait3A_126 = arith.constant 0 : i32
    %dma_wait3A_127 = tpu.memref_slice %arg4[%dma_wait3A_125, %dma_wait3A_126] : memref<204800x128xf32, #tpu.memory_space<hbm>> -> memref<8x128xf32, #tpu.memory_space<hbm>>
    %dma_wait3A_128 = arith.constant 0 : i32
    %dma_wait3A_129 = arith.constant 0 : i32
    %dma_wait3A_130 = tpu.memref_slice %arg10[%dma_wait3A_128, %dma_wait3A_129] : memref<32x257xf32, #tpu.memory_space<vmem>> -> memref<8x128xf32, #tpu.memory_space<vmem>>
    %dma_wait3A_131 = arith.constant 0 : i32
    %dma_wait3A_132 = arith.constant 0 : i32
    %dma_wait3A_133 = tpu.memref_slice %arg4[%dma_wait3A_131, %dma_wait3A_132] : memref<204800x128xf32, #tpu.memory_space<hbm>> -> memref<8x128xf32, #tpu.memory_space<hbm>>
    tpu.wait_dma2 semaphore(%arg18 : memref<!tpu.dma_semaphore, #tpu.memory_space<semaphore_mem>>) src(%dma_wait3A_133 : memref<8x128xf32, #tpu.memory_space<hbm>>) dst(%dma_wait3A_130 : memref<8x128xf32, #tpu.memory_space<vmem>>)
    %dma_wait3A_134 = arith.constant 0 : i32
    %dma_wait3A_135 = arith.constant 0 : i32
    %dma_wait3A_136 = tpu.memref_slice %arg10[%dma_wait3A_134, %dma_wait3A_135] : memref<32x257xf32, #tpu.memory_space<vmem>> -> memref<8x128xf32, #tpu.memory_space<vmem>>
    %dma_wait3A_137 = arith.constant 0 : i32
    %dma_wait3A_138 = arith.constant 0 : i32
    %dma_wait3A_139 = tpu.memref_slice %arg4[%dma_wait3A_137, %dma_wait3A_138] : memref<204800x128xf32, #tpu.memory_space<hbm>> -> memref<8x128xf32, #tpu.memory_space<hbm>>
    %dma_wait3A_140 = arith.constant 0 : i32
    %dma_wait3A_141 = arith.constant 0 : i32
    %dma_wait3A_142 = tpu.memref_slice %arg10[%dma_wait3A_140, %dma_wait3A_141] : memref<32x257xf32, #tpu.memory_space<vmem>> -> memref<8x128xf32, #tpu.memory_space<vmem>>
    %dma_wait3A_143 = arith.constant 0 : i32
    %dma_wait3A_144 = arith.constant 0 : i32
    %dma_wait3A_145 = tpu.memref_slice %arg4[%dma_wait3A_143, %dma_wait3A_144] : memref<204800x128xf32, #tpu.memory_space<hbm>> -> memref<8x128xf32, #tpu.memory_space<hbm>>
    tpu.wait_dma2 semaphore(%arg18 : memref<!tpu.dma_semaphore, #tpu.memory_space<semaphore_mem>>) src(%dma_wait3A_145 : memref<8x128xf32, #tpu.memory_space<hbm>>) dst(%dma_wait3A_142 : memref<8x128xf32, #tpu.memory_space<vmem>>)
    %dma_wait3A_146 = arith.constant 0 : i32
    %dma_wait3A_147 = arith.constant 0 : i32
    %dma_wait3A_148 = tpu.memref_slice %arg10[%dma_wait3A_146, %dma_wait3A_147] : memref<32x257xf32, #tpu.memory_space<vmem>> -> memref<8x128xf32, #tpu.memory_space<vmem>>
    %dma_wait3A_149 = arith.constant 0 : i32
    %dma_wait3A_150 = arith.constant 0 : i32
    %dma_wait3A_151 = tpu.memref_slice %arg4[%dma_wait3A_149, %dma_wait3A_150] : memref<204800x128xf32, #tpu.memory_space<hbm>> -> memref<8x128xf32, #tpu.memory_space<hbm>>
    %dma_wait3A_152 = arith.constant 0 : i32
    %dma_wait3A_153 = arith.constant 0 : i32
    %dma_wait3A_154 = tpu.memref_slice %arg10[%dma_wait3A_152, %dma_wait3A_153] : memref<32x257xf32, #tpu.memory_space<vmem>> -> memref<8x128xf32, #tpu.memory_space<vmem>>
    %dma_wait3A_155 = arith.constant 0 : i32
    %dma_wait3A_156 = arith.constant 0 : i32
    %dma_wait3A_157 = tpu.memref_slice %arg4[%dma_wait3A_155, %dma_wait3A_156] : memref<204800x128xf32, #tpu.memory_space<hbm>> -> memref<8x128xf32, #tpu.memory_space<hbm>>
    tpu.wait_dma2 semaphore(%arg18 : memref<!tpu.dma_semaphore, #tpu.memory_space<semaphore_mem>>) src(%dma_wait3A_157 : memref<8x128xf32, #tpu.memory_space<hbm>>) dst(%dma_wait3A_154 : memref<8x128xf32, #tpu.memory_space<vmem>>)
    %dma_wait3A_158 = arith.constant 0 : i32
    %dma_wait3A_159 = arith.constant 0 : i32
    %dma_wait3A_160 = tpu.memref_slice %arg10[%dma_wait3A_158, %dma_wait3A_159] : memref<32x257xf32, #tpu.memory_space<vmem>> -> memref<8x128xf32, #tpu.memory_space<vmem>>
    %dma_wait3A_161 = arith.constant 0 : i32
    %dma_wait3A_162 = arith.constant 0 : i32
    %dma_wait3A_163 = tpu.memref_slice %arg4[%dma_wait3A_161, %dma_wait3A_162] : memref<204800x128xf32, #tpu.memory_space<hbm>> -> memref<8x128xf32, #tpu.memory_space<hbm>>
    %dma_wait3A_164 = arith.constant 0 : i32
    %dma_wait3A_165 = arith.constant 0 : i32
    %dma_wait3A_166 = tpu.memref_slice %arg10[%dma_wait3A_164, %dma_wait3A_165] : memref<32x257xf32, #tpu.memory_space<vmem>> -> memref<8x128xf32, #tpu.memory_space<vmem>>
    %dma_wait3A_167 = arith.constant 0 : i32
    %dma_wait3A_168 = arith.constant 0 : i32
    %dma_wait3A_169 = tpu.memref_slice %arg4[%dma_wait3A_167, %dma_wait3A_168] : memref<204800x128xf32, #tpu.memory_space<hbm>> -> memref<8x128xf32, #tpu.memory_space<hbm>>
    tpu.wait_dma2 semaphore(%arg18 : memref<!tpu.dma_semaphore, #tpu.memory_space<semaphore_mem>>) src(%dma_wait3A_169 : memref<8x128xf32, #tpu.memory_space<hbm>>) dst(%dma_wait3A_166 : memref<8x128xf32, #tpu.memory_space<vmem>>)
    %dma_wait3A_170 = arith.constant 0 : i32
    %dma_wait3A_171 = arith.constant 0 : i32
    %dma_wait3A_172 = tpu.memref_slice %arg11[%dma_wait3A_170, %dma_wait3A_171] : memref<32x257xf32, #tpu.memory_space<vmem>> -> memref<8x128xf32, #tpu.memory_space<vmem>>
    %dma_wait3A_173 = arith.constant 0 : i32
    %dma_wait3A_174 = arith.constant 0 : i32
    %dma_wait3A_175 = tpu.memref_slice %arg4[%dma_wait3A_173, %dma_wait3A_174] : memref<204800x128xf32, #tpu.memory_space<hbm>> -> memref<8x128xf32, #tpu.memory_space<hbm>>
    %dma_wait3A_176 = arith.constant 0 : i32
    %dma_wait3A_177 = arith.constant 0 : i32
    %dma_wait3A_178 = tpu.memref_slice %arg11[%dma_wait3A_176, %dma_wait3A_177] : memref<32x257xf32, #tpu.memory_space<vmem>> -> memref<8x128xf32, #tpu.memory_space<vmem>>
    %dma_wait3A_179 = arith.constant 0 : i32
    %dma_wait3A_180 = arith.constant 0 : i32
    %dma_wait3A_181 = tpu.memref_slice %arg4[%dma_wait3A_179, %dma_wait3A_180] : memref<204800x128xf32, #tpu.memory_space<hbm>> -> memref<8x128xf32, #tpu.memory_space<hbm>>
    tpu.wait_dma2 semaphore(%arg19 : memref<!tpu.dma_semaphore, #tpu.memory_space<semaphore_mem>>) src(%dma_wait3A_181 : memref<8x128xf32, #tpu.memory_space<hbm>>) dst(%dma_wait3A_178 : memref<8x128xf32, #tpu.memory_space<vmem>>)
    %dma_wait3A_182 = arith.constant 0 : i32
    %dma_wait3A_183 = arith.constant 0 : i32
    %dma_wait3A_184 = tpu.memref_slice %arg11[%dma_wait3A_182, %dma_wait3A_183] : memref<32x257xf32, #tpu.memory_space<vmem>> -> memref<8x128xf32, #tpu.memory_space<vmem>>
    %dma_wait3A_185 = arith.constant 0 : i32
    %dma_wait3A_186 = arith.constant 0 : i32
    %dma_wait3A_187 = tpu.memref_slice %arg4[%dma_wait3A_185, %dma_wait3A_186] : memref<204800x128xf32, #tpu.memory_space<hbm>> -> memref<8x128xf32, #tpu.memory_space<hbm>>
    %dma_wait3A_188 = arith.constant 0 : i32
    %dma_wait3A_189 = arith.constant 0 : i32
    %dma_wait3A_190 = tpu.memref_slice %arg11[%dma_wait3A_188, %dma_wait3A_189] : memref<32x257xf32, #tpu.memory_space<vmem>> -> memref<8x128xf32, #tpu.memory_space<vmem>>
    %dma_wait3A_191 = arith.constant 0 : i32
    %dma_wait3A_192 = arith.constant 0 : i32
    %dma_wait3A_193 = tpu.memref_slice %arg4[%dma_wait3A_191, %dma_wait3A_192] : memref<204800x128xf32, #tpu.memory_space<hbm>> -> memref<8x128xf32, #tpu.memory_space<hbm>>
    tpu.wait_dma2 semaphore(%arg19 : memref<!tpu.dma_semaphore, #tpu.memory_space<semaphore_mem>>) src(%dma_wait3A_193 : memref<8x128xf32, #tpu.memory_space<hbm>>) dst(%dma_wait3A_190 : memref<8x128xf32, #tpu.memory_space<vmem>>)
    %dma_wait3A_194 = arith.constant 0 : i32
    %dma_wait3A_195 = arith.constant 0 : i32
    %dma_wait3A_196 = tpu.memref_slice %arg11[%dma_wait3A_194, %dma_wait3A_195] : memref<32x257xf32, #tpu.memory_space<vmem>> -> memref<8x128xf32, #tpu.memory_space<vmem>>
    %dma_wait3A_197 = arith.constant 0 : i32
    %dma_wait3A_198 = arith.constant 0 : i32
    %dma_wait3A_199 = tpu.memref_slice %arg4[%dma_wait3A_197, %dma_wait3A_198] : memref<204800x128xf32, #tpu.memory_space<hbm>> -> memref<8x128xf32, #tpu.memory_space<hbm>>
    %dma_wait3A_200 = arith.constant 0 : i32
    %dma_wait3A_201 = arith.constant 0 : i32
    %dma_wait3A_202 = tpu.memref_slice %arg11[%dma_wait3A_200, %dma_wait3A_201] : memref<32x257xf32, #tpu.memory_space<vmem>> -> memref<8x128xf32, #tpu.memory_space<vmem>>
    %dma_wait3A_203 = arith.constant 0 : i32
    %dma_wait3A_204 = arith.constant 0 : i32
    %dma_wait3A_205 = tpu.memref_slice %arg4[%dma_wait3A_203, %dma_wait3A_204] : memref<204800x128xf32, #tpu.memory_space<hbm>> -> memref<8x128xf32, #tpu.memory_space<hbm>>
    tpu.wait_dma2 semaphore(%arg19 : memref<!tpu.dma_semaphore, #tpu.memory_space<semaphore_mem>>) src(%dma_wait3A_205 : memref<8x128xf32, #tpu.memory_space<hbm>>) dst(%dma_wait3A_202 : memref<8x128xf32, #tpu.memory_space<vmem>>)
    %dma_wait3A_206 = arith.constant 0 : i32
    %dma_wait3A_207 = arith.constant 0 : i32
    %dma_wait3A_208 = tpu.memref_slice %arg11[%dma_wait3A_206, %dma_wait3A_207] : memref<32x257xf32, #tpu.memory_space<vmem>> -> memref<8x128xf32, #tpu.memory_space<vmem>>
    %dma_wait3A_209 = arith.constant 0 : i32
    %dma_wait3A_210 = arith.constant 0 : i32
    %dma_wait3A_211 = tpu.memref_slice %arg4[%dma_wait3A_209, %dma_wait3A_210] : memref<204800x128xf32, #tpu.memory_space<hbm>> -> memref<8x128xf32, #tpu.memory_space<hbm>>
    %dma_wait3A_212 = arith.constant 0 : i32
    %dma_wait3A_213 = arith.constant 0 : i32
    %dma_wait3A_214 = tpu.memref_slice %arg11[%dma_wait3A_212, %dma_wait3A_213] : memref<32x257xf32, #tpu.memory_space<vmem>> -> memref<8x128xf32, #tpu.memory_space<vmem>>
    %dma_wait3A_215 = arith.constant 0 : i32
    %dma_wait3A_216 = arith.constant 0 : i32
    %dma_wait3A_217 = tpu.memref_slice %arg4[%dma_wait3A_215, %dma_wait3A_216] : memref<204800x128xf32, #tpu.memory_space<hbm>> -> memref<8x128xf32, #tpu.memory_space<hbm>>
    tpu.wait_dma2 semaphore(%arg19 : memref<!tpu.dma_semaphore, #tpu.memory_space<semaphore_mem>>) src(%dma_wait3A_217 : memref<8x128xf32, #tpu.memory_space<hbm>>) dst(%dma_wait3A_214 : memref<8x128xf32, #tpu.memory_space<vmem>>)
    %dma_wait3A_218 = arith.constant 0 : i32
    %dma_wait3A_219 = arith.constant 0 : i32
    %dma_wait3A_220 = tpu.memref_slice %arg11[%dma_wait3A_218, %dma_wait3A_219] : memref<32x257xf32, #tpu.memory_space<vmem>> -> memref<8x128xf32, #tpu.memory_space<vmem>>
    %dma_wait3A_221 = arith.constant 0 : i32
    %dma_wait3A_222 = arith.constant 0 : i32
    %dma_wait3A_223 = tpu.memref_slice %arg4[%dma_wait3A_221, %dma_wait3A_222] : memref<204800x128xf32, #tpu.memory_space<hbm>> -> memref<8x128xf32, #tpu.memory_space<hbm>>
    %dma_wait3A_224 = arith.constant 0 : i32
    %dma_wait3A_225 = arith.constant 0 : i32
    %dma_wait3A_226 = tpu.memref_slice %arg11[%dma_wait3A_224, %dma_wait3A_225] : memref<32x257xf32, #tpu.memory_space<vmem>> -> memref<8x128xf32, #tpu.memory_space<vmem>>
    %dma_wait3A_227 = arith.constant 0 : i32
    %dma_wait3A_228 = arith.constant 0 : i32
    %dma_wait3A_229 = tpu.memref_slice %arg4[%dma_wait3A_227, %dma_wait3A_228] : memref<204800x128xf32, #tpu.memory_space<hbm>> -> memref<8x128xf32, #tpu.memory_space<hbm>>
    tpu.wait_dma2 semaphore(%arg19 : memref<!tpu.dma_semaphore, #tpu.memory_space<semaphore_mem>>) src(%dma_wait3A_229 : memref<8x128xf32, #tpu.memory_space<hbm>>) dst(%dma_wait3A_226 : memref<8x128xf32, #tpu.memory_space<vmem>>)
    %dma_wait3A_230 = arith.constant 0 : i32
    %dma_wait3A_231 = arith.constant 0 : i32
    %dma_wait3A_232 = tpu.memref_slice %arg11[%dma_wait3A_230, %dma_wait3A_231] : memref<32x257xf32, #tpu.memory_space<vmem>> -> memref<8x128xf32, #tpu.memory_space<vmem>>
    %dma_wait3A_233 = arith.constant 0 : i32
    %dma_wait3A_234 = arith.constant 0 : i32
    %dma_wait3A_235 = tpu.memref_slice %arg4[%dma_wait3A_233, %dma_wait3A_234] : memref<204800x128xf32, #tpu.memory_space<hbm>> -> memref<8x128xf32, #tpu.memory_space<hbm>>
    %dma_wait3A_236 = arith.constant 0 : i32
    %dma_wait3A_237 = arith.constant 0 : i32
    %dma_wait3A_238 = tpu.memref_slice %arg11[%dma_wait3A_236, %dma_wait3A_237] : memref<32x257xf32, #tpu.memory_space<vmem>> -> memref<8x128xf32, #tpu.memory_space<vmem>>
    %dma_wait3A_239 = arith.constant 0 : i32
    %dma_wait3A_240 = arith.constant 0 : i32
    %dma_wait3A_241 = tpu.memref_slice %arg4[%dma_wait3A_239, %dma_wait3A_240] : memref<204800x128xf32, #tpu.memory_space<hbm>> -> memref<8x128xf32, #tpu.memory_space<hbm>>
    tpu.wait_dma2 semaphore(%arg19 : memref<!tpu.dma_semaphore, #tpu.memory_space<semaphore_mem>>) src(%dma_wait3A_241 : memref<8x128xf32, #tpu.memory_space<hbm>>) dst(%dma_wait3A_238 : memref<8x128xf32, #tpu.memory_space<vmem>>)
    %dma_wait3A_242 = arith.constant 0 : i32
    %dma_wait3A_243 = arith.constant 0 : i32
    %dma_wait3A_244 = tpu.memref_slice %arg11[%dma_wait3A_242, %dma_wait3A_243] : memref<32x257xf32, #tpu.memory_space<vmem>> -> memref<8x128xf32, #tpu.memory_space<vmem>>
    %dma_wait3A_245 = arith.constant 0 : i32
    %dma_wait3A_246 = arith.constant 0 : i32
    %dma_wait3A_247 = tpu.memref_slice %arg4[%dma_wait3A_245, %dma_wait3A_246] : memref<204800x128xf32, #tpu.memory_space<hbm>> -> memref<8x128xf32, #tpu.memory_space<hbm>>
    %dma_wait3A_248 = arith.constant 0 : i32
    %dma_wait3A_249 = arith.constant 0 : i32
    %dma_wait3A_250 = tpu.memref_slice %arg11[%dma_wait3A_248, %dma_wait3A_249] : memref<32x257xf32, #tpu.memory_space<vmem>> -> memref<8x128xf32, #tpu.memory_space<vmem>>
    %dma_wait3A_251 = arith.constant 0 : i32
    %dma_wait3A_252 = arith.constant 0 : i32
    %dma_wait3A_253 = tpu.memref_slice %arg4[%dma_wait3A_251, %dma_wait3A_252] : memref<204800x128xf32, #tpu.memory_space<hbm>> -> memref<8x128xf32, #tpu.memory_space<hbm>>
    tpu.wait_dma2 semaphore(%arg19 : memref<!tpu.dma_semaphore, #tpu.memory_space<semaphore_mem>>) src(%dma_wait3A_253 : memref<8x128xf32, #tpu.memory_space<hbm>>) dst(%dma_wait3A_250 : memref<8x128xf32, #tpu.memory_space<vmem>>)
    %dma_wait3A_254 = arith.constant 0 : i32
    %dma_wait3A_255 = arith.constant 0 : i32
    %dma_wait3A_256 = tpu.memref_slice %arg11[%dma_wait3A_254, %dma_wait3A_255] : memref<32x257xf32, #tpu.memory_space<vmem>> -> memref<8x128xf32, #tpu.memory_space<vmem>>
    %dma_wait3A_257 = arith.constant 0 : i32
    %dma_wait3A_258 = arith.constant 0 : i32
    %dma_wait3A_259 = tpu.memref_slice %arg4[%dma_wait3A_257, %dma_wait3A_258] : memref<204800x128xf32, #tpu.memory_space<hbm>> -> memref<8x128xf32, #tpu.memory_space<hbm>>
    %dma_wait3A_260 = arith.constant 0 : i32
    %dma_wait3A_261 = arith.constant 0 : i32
    %dma_wait3A_262 = tpu.memref_slice %arg11[%dma_wait3A_260, %dma_wait3A_261] : memref<32x257xf32, #tpu.memory_space<vmem>> -> memref<8x128xf32, #tpu.memory_space<vmem>>
    %dma_wait3A_263 = arith.constant 0 : i32
    %dma_wait3A_264 = arith.constant 0 : i32
    %dma_wait3A_265 = tpu.memref_slice %arg4[%dma_wait3A_263, %dma_wait3A_264] : memref<204800x128xf32, #tpu.memory_space<hbm>> -> memref<8x128xf32, #tpu.memory_space<hbm>>
    tpu.wait_dma2 semaphore(%arg19 : memref<!tpu.dma_semaphore, #tpu.memory_space<semaphore_mem>>) src(%dma_wait3A_265 : memref<8x128xf32, #tpu.memory_space<hbm>>) dst(%dma_wait3A_262 : memref<8x128xf32, #tpu.memory_space<vmem>>)
    %dma_wait3A_266 = arith.constant 0 : i32
    %dma_wait3A_267 = arith.constant 0 : i32
    %dma_wait3A_268 = tpu.memref_slice %arg12[%dma_wait3A_266, %dma_wait3A_267] : memref<32x257xf32, #tpu.memory_space<vmem>> -> memref<8x128xf32, #tpu.memory_space<vmem>>
    %dma_wait3A_269 = arith.constant 0 : i32
    %dma_wait3A_270 = arith.constant 0 : i32
    %dma_wait3A_271 = tpu.memref_slice %arg4[%dma_wait3A_269, %dma_wait3A_270] : memref<204800x128xf32, #tpu.memory_space<hbm>> -> memref<8x128xf32, #tpu.memory_space<hbm>>
    %dma_wait3A_272 = arith.constant 0 : i32
    %dma_wait3A_273 = arith.constant 0 : i32
    %dma_wait3A_274 = tpu.memref_slice %arg12[%dma_wait3A_272, %dma_wait3A_273] : memref<32x257xf32, #tpu.memory_space<vmem>> -> memref<8x128xf32, #tpu.memory_space<vmem>>
    %dma_wait3A_275 = arith.constant 0 : i32
    %dma_wait3A_276 = arith.constant 0 : i32
    %dma_wait3A_277 = tpu.memref_slice %arg4[%dma_wait3A_275, %dma_wait3A_276] : memref<204800x128xf32, #tpu.memory_space<hbm>> -> memref<8x128xf32, #tpu.memory_space<hbm>>
    tpu.wait_dma2 semaphore(%arg20 : memref<!tpu.dma_semaphore, #tpu.memory_space<semaphore_mem>>) src(%dma_wait3A_277 : memref<8x128xf32, #tpu.memory_space<hbm>>) dst(%dma_wait3A_274 : memref<8x128xf32, #tpu.memory_space<vmem>>)
    %dma_wait3A_278 = arith.constant 0 : i32
    %dma_wait3A_279 = arith.constant 0 : i32
    %dma_wait3A_280 = tpu.memref_slice %arg12[%dma_wait3A_278, %dma_wait3A_279] : memref<32x257xf32, #tpu.memory_space<vmem>> -> memref<8x128xf32, #tpu.memory_space<vmem>>
    %dma_wait3A_281 = arith.constant 0 : i32
    %dma_wait3A_282 = arith.constant 0 : i32
    %dma_wait3A_283 = tpu.memref_slice %arg4[%dma_wait3A_281, %dma_wait3A_282] : memref<204800x128xf32, #tpu.memory_space<hbm>> -> memref<8x128xf32, #tpu.memory_space<hbm>>
    %dma_wait3A_284 = arith.constant 0 : i32
    %dma_wait3A_285 = arith.constant 0 : i32
    %dma_wait3A_286 = tpu.memref_slice %arg12[%dma_wait3A_284, %dma_wait3A_285] : memref<32x257xf32, #tpu.memory_space<vmem>> -> memref<8x128xf32, #tpu.memory_space<vmem>>
    %dma_wait3A_287 = arith.constant 0 : i32
    %dma_wait3A_288 = arith.constant 0 : i32
    %dma_wait3A_289 = tpu.memref_slice %arg4[%dma_wait3A_287, %dma_wait3A_288] : memref<204800x128xf32, #tpu.memory_space<hbm>> -> memref<8x128xf32, #tpu.memory_space<hbm>>
    tpu.wait_dma2 semaphore(%arg20 : memref<!tpu.dma_semaphore, #tpu.memory_space<semaphore_mem>>) src(%dma_wait3A_289 : memref<8x128xf32, #tpu.memory_space<hbm>>) dst(%dma_wait3A_286 : memref<8x128xf32, #tpu.memory_space<vmem>>)
    %dma_wait3A_290 = arith.constant 0 : i32
    %dma_wait3A_291 = arith.constant 0 : i32
    %dma_wait3A_292 = tpu.memref_slice %arg12[%dma_wait3A_290, %dma_wait3A_291] : memref<32x257xf32, #tpu.memory_space<vmem>> -> memref<8x128xf32, #tpu.memory_space<vmem>>
    %dma_wait3A_293 = arith.constant 0 : i32
    %dma_wait3A_294 = arith.constant 0 : i32
    %dma_wait3A_295 = tpu.memref_slice %arg4[%dma_wait3A_293, %dma_wait3A_294] : memref<204800x128xf32, #tpu.memory_space<hbm>> -> memref<8x128xf32, #tpu.memory_space<hbm>>
    %dma_wait3A_296 = arith.constant 0 : i32
    %dma_wait3A_297 = arith.constant 0 : i32
    %dma_wait3A_298 = tpu.memref_slice %arg12[%dma_wait3A_296, %dma_wait3A_297] : memref<32x257xf32, #tpu.memory_space<vmem>> -> memref<8x128xf32, #tpu.memory_space<vmem>>
    %dma_wait3A_299 = arith.constant 0 : i32
    %dma_wait3A_300 = arith.constant 0 : i32
    %dma_wait3A_301 = tpu.memref_slice %arg4[%dma_wait3A_299, %dma_wait3A_300] : memref<204800x128xf32, #tpu.memory_space<hbm>> -> memref<8x128xf32, #tpu.memory_space<hbm>>
    tpu.wait_dma2 semaphore(%arg20 : memref<!tpu.dma_semaphore, #tpu.memory_space<semaphore_mem>>) src(%dma_wait3A_301 : memref<8x128xf32, #tpu.memory_space<hbm>>) dst(%dma_wait3A_298 : memref<8x128xf32, #tpu.memory_space<vmem>>)
    %dma_wait3A_302 = arith.constant 0 : i32
    %dma_wait3A_303 = arith.constant 0 : i32
    %dma_wait3A_304 = tpu.memref_slice %arg12[%dma_wait3A_302, %dma_wait3A_303] : memref<32x257xf32, #tpu.memory_space<vmem>> -> memref<8x128xf32, #tpu.memory_space<vmem>>
    %dma_wait3A_305 = arith.constant 0 : i32
    %dma_wait3A_306 = arith.constant 0 : i32
    %dma_wait3A_307 = tpu.memref_slice %arg4[%dma_wait3A_305, %dma_wait3A_306] : memref<204800x128xf32, #tpu.memory_space<hbm>> -> memref<8x128xf32, #tpu.memory_space<hbm>>
    %dma_wait3A_308 = arith.constant 0 : i32
    %dma_wait3A_309 = arith.constant 0 : i32
    %dma_wait3A_310 = tpu.memref_slice %arg12[%dma_wait3A_308, %dma_wait3A_309] : memref<32x257xf32, #tpu.memory_space<vmem>> -> memref<8x128xf32, #tpu.memory_space<vmem>>
    %dma_wait3A_311 = arith.constant 0 : i32
    %dma_wait3A_312 = arith.constant 0 : i32
    %dma_wait3A_313 = tpu.memref_slice %arg4[%dma_wait3A_311, %dma_wait3A_312] : memref<204800x128xf32, #tpu.memory_space<hbm>> -> memref<8x128xf32, #tpu.memory_space<hbm>>
    tpu.wait_dma2 semaphore(%arg20 : memref<!tpu.dma_semaphore, #tpu.memory_space<semaphore_mem>>) src(%dma_wait3A_313 : memref<8x128xf32, #tpu.memory_space<hbm>>) dst(%dma_wait3A_310 : memref<8x128xf32, #tpu.memory_space<vmem>>)
    %dma_wait3A_314 = arith.constant 0 : i32
    %dma_wait3A_315 = arith.constant 0 : i32
    %dma_wait3A_316 = tpu.memref_slice %arg12[%dma_wait3A_314, %dma_wait3A_315] : memref<32x257xf32, #tpu.memory_space<vmem>> -> memref<8x128xf32, #tpu.memory_space<vmem>>
    %dma_wait3A_317 = arith.constant 0 : i32
    %dma_wait3A_318 = arith.constant 0 : i32
    %dma_wait3A_319 = tpu.memref_slice %arg4[%dma_wait3A_317, %dma_wait3A_318] : memref<204800x128xf32, #tpu.memory_space<hbm>> -> memref<8x128xf32, #tpu.memory_space<hbm>>
    %dma_wait3A_320 = arith.constant 0 : i32
    %dma_wait3A_321 = arith.constant 0 : i32
    %dma_wait3A_322 = tpu.memref_slice %arg12[%dma_wait3A_320, %dma_wait3A_321] : memref<32x257xf32, #tpu.memory_space<vmem>> -> memref<8x128xf32, #tpu.memory_space<vmem>>
    %dma_wait3A_323 = arith.constant 0 : i32
    %dma_wait3A_324 = arith.constant 0 : i32
    %dma_wait3A_325 = tpu.memref_slice %arg4[%dma_wait3A_323, %dma_wait3A_324] : memref<204800x128xf32, #tpu.memory_space<hbm>> -> memref<8x128xf32, #tpu.memory_space<hbm>>
    tpu.wait_dma2 semaphore(%arg20 : memref<!tpu.dma_semaphore, #tpu.memory_space<semaphore_mem>>) src(%dma_wait3A_325 : memref<8x128xf32, #tpu.memory_space<hbm>>) dst(%dma_wait3A_322 : memref<8x128xf32, #tpu.memory_space<vmem>>)
    %dma_wait3A_326 = arith.constant 0 : i32
    %dma_wait3A_327 = arith.constant 0 : i32
    %dma_wait3A_328 = tpu.memref_slice %arg12[%dma_wait3A_326, %dma_wait3A_327] : memref<32x257xf32, #tpu.memory_space<vmem>> -> memref<8x128xf32, #tpu.memory_space<vmem>>
    %dma_wait3A_329 = arith.constant 0 : i32
    %dma_wait3A_330 = arith.constant 0 : i32
    %dma_wait3A_331 = tpu.memref_slice %arg4[%dma_wait3A_329, %dma_wait3A_330] : memref<204800x128xf32, #tpu.memory_space<hbm>> -> memref<8x128xf32, #tpu.memory_space<hbm>>
    %dma_wait3A_332 = arith.constant 0 : i32
    %dma_wait3A_333 = arith.constant 0 : i32
    %dma_wait3A_334 = tpu.memref_slice %arg12[%dma_wait3A_332, %dma_wait3A_333] : memref<32x257xf32, #tpu.memory_space<vmem>> -> memref<8x128xf32, #tpu.memory_space<vmem>>
    %dma_wait3A_335 = arith.constant 0 : i32
    %dma_wait3A_336 = arith.constant 0 : i32
    %dma_wait3A_337 = tpu.memref_slice %arg4[%dma_wait3A_335, %dma_wait3A_336] : memref<204800x128xf32, #tpu.memory_space<hbm>> -> memref<8x128xf32, #tpu.memory_space<hbm>>
    tpu.wait_dma2 semaphore(%arg20 : memref<!tpu.dma_semaphore, #tpu.memory_space<semaphore_mem>>) src(%dma_wait3A_337 : memref<8x128xf32, #tpu.memory_space<hbm>>) dst(%dma_wait3A_334 : memref<8x128xf32, #tpu.memory_space<vmem>>)
    %dma_wait3A_338 = arith.constant 0 : i32
    %dma_wait3A_339 = arith.constant 0 : i32
    %dma_wait3A_340 = tpu.memref_slice %arg12[%dma_wait3A_338, %dma_wait3A_339] : memref<32x257xf32, #tpu.memory_space<vmem>> -> memref<8x128xf32, #tpu.memory_space<vmem>>
    %dma_wait3A_341 = arith.constant 0 : i32
    %dma_wait3A_342 = arith.constant 0 : i32
    %dma_wait3A_343 = tpu.memref_slice %arg4[%dma_wait3A_341, %dma_wait3A_342] : memref<204800x128xf32, #tpu.memory_space<hbm>> -> memref<8x128xf32, #tpu.memory_space<hbm>>
    %dma_wait3A_344 = arith.constant 0 : i32
    %dma_wait3A_345 = arith.constant 0 : i32
    %dma_wait3A_346 = tpu.memref_slice %arg12[%dma_wait3A_344, %dma_wait3A_345] : memref<32x257xf32, #tpu.memory_space<vmem>> -> memref<8x128xf32, #tpu.memory_space<vmem>>
    %dma_wait3A_347 = arith.constant 0 : i32
    %dma_wait3A_348 = arith.constant 0 : i32
    %dma_wait3A_349 = tpu.memref_slice %arg4[%dma_wait3A_347, %dma_wait3A_348] : memref<204800x128xf32, #tpu.memory_space<hbm>> -> memref<8x128xf32, #tpu.memory_space<hbm>>
    tpu.wait_dma2 semaphore(%arg20 : memref<!tpu.dma_semaphore, #tpu.memory_space<semaphore_mem>>) src(%dma_wait3A_349 : memref<8x128xf32, #tpu.memory_space<hbm>>) dst(%dma_wait3A_346 : memref<8x128xf32, #tpu.memory_space<vmem>>)
    %dma_wait3A_350 = arith.constant 0 : i32
    %dma_wait3A_351 = arith.constant 0 : i32
    %dma_wait3A_352 = tpu.memref_slice %arg12[%dma_wait3A_350, %dma_wait3A_351] : memref<32x257xf32, #tpu.memory_space<vmem>> -> memref<8x128xf32, #tpu.memory_space<vmem>>
    %dma_wait3A_353 = arith.constant 0 : i32
    %dma_wait3A_354 = arith.constant 0 : i32
    %dma_wait3A_355 = tpu.memref_slice %arg4[%dma_wait3A_353, %dma_wait3A_354] : memref<204800x128xf32, #tpu.memory_space<hbm>> -> memref<8x128xf32, #tpu.memory_space<hbm>>
    %dma_wait3A_356 = arith.constant 0 : i32
    %dma_wait3A_357 = arith.constant 0 : i32
    %dma_wait3A_358 = tpu.memref_slice %arg12[%dma_wait3A_356, %dma_wait3A_357] : memref<32x257xf32, #tpu.memory_space<vmem>> -> memref<8x128xf32, #tpu.memory_space<vmem>>
    %dma_wait3A_359 = arith.constant 0 : i32
    %dma_wait3A_360 = arith.constant 0 : i32
    %dma_wait3A_361 = tpu.memref_slice %arg4[%dma_wait3A_359, %dma_wait3A_360] : memref<204800x128xf32, #tpu.memory_space<hbm>> -> memref<8x128xf32, #tpu.memory_space<hbm>>
    tpu.wait_dma2 semaphore(%arg20 : memref<!tpu.dma_semaphore, #tpu.memory_space<semaphore_mem>>) src(%dma_wait3A_361 : memref<8x128xf32, #tpu.memory_space<hbm>>) dst(%dma_wait3A_358 : memref<8x128xf32, #tpu.memory_space<vmem>>)
    %dma_wait3A_362 = arith.constant 0 : i32
    %dma_wait3A_363 = arith.constant 0 : i32
    %dma_wait3A_364 = tpu.memref_slice %arg13[%dma_wait3A_362, %dma_wait3A_363] : memref<32x257xf32, #tpu.memory_space<vmem>> -> memref<8x128xf32, #tpu.memory_space<vmem>>
    %dma_wait3A_365 = arith.constant 0 : i32
    %dma_wait3A_366 = arith.constant 0 : i32
    %dma_wait3A_367 = tpu.memref_slice %arg4[%dma_wait3A_365, %dma_wait3A_366] : memref<204800x128xf32, #tpu.memory_space<hbm>> -> memref<8x128xf32, #tpu.memory_space<hbm>>
    %dma_wait3A_368 = arith.constant 0 : i32
    %dma_wait3A_369 = arith.constant 0 : i32
    %dma_wait3A_370 = tpu.memref_slice %arg13[%dma_wait3A_368, %dma_wait3A_369] : memref<32x257xf32, #tpu.memory_space<vmem>> -> memref<8x128xf32, #tpu.memory_space<vmem>>
    %dma_wait3A_371 = arith.constant 0 : i32
    %dma_wait3A_372 = arith.constant 0 : i32
    %dma_wait3A_373 = tpu.memref_slice %arg4[%dma_wait3A_371, %dma_wait3A_372] : memref<204800x128xf32, #tpu.memory_space<hbm>> -> memref<8x128xf32, #tpu.memory_space<hbm>>
    tpu.wait_dma2 semaphore(%arg21 : memref<!tpu.dma_semaphore, #tpu.memory_space<semaphore_mem>>) src(%dma_wait3A_373 : memref<8x128xf32, #tpu.memory_space<hbm>>) dst(%dma_wait3A_370 : memref<8x128xf32, #tpu.memory_space<vmem>>)
    %dma_wait3A_374 = arith.constant 0 : i32
    %dma_wait3A_375 = arith.constant 0 : i32
    %dma_wait3A_376 = tpu.memref_slice %arg13[%dma_wait3A_374, %dma_wait3A_375] : memref<32x257xf32, #tpu.memory_space<vmem>> -> memref<8x128xf32, #tpu.memory_space<vmem>>
    %dma_wait3A_377 = arith.constant 0 : i32
    %dma_wait3A_378 = arith.constant 0 : i32
    %dma_wait3A_379 = tpu.memref_slice %arg4[%dma_wait3A_377, %dma_wait3A_378] : memref<204800x128xf32, #tpu.memory_space<hbm>> -> memref<8x128xf32, #tpu.memory_space<hbm>>
    %dma_wait3A_380 = arith.constant 0 : i32
    %dma_wait3A_381 = arith.constant 0 : i32
    %dma_wait3A_382 = tpu.memref_slice %arg13[%dma_wait3A_380, %dma_wait3A_381] : memref<32x257xf32, #tpu.memory_space<vmem>> -> memref<8x128xf32, #tpu.memory_space<vmem>>
    %dma_wait3A_383 = arith.constant 0 : i32
    %dma_wait3A_384 = arith.constant 0 : i32
    %dma_wait3A_385 = tpu.memref_slice %arg4[%dma_wait3A_383, %dma_wait3A_384] : memref<204800x128xf32, #tpu.memory_space<hbm>> -> memref<8x128xf32, #tpu.memory_space<hbm>>
    tpu.wait_dma2 semaphore(%arg21 : memref<!tpu.dma_semaphore, #tpu.memory_space<semaphore_mem>>) src(%dma_wait3A_385 : memref<8x128xf32, #tpu.memory_space<hbm>>) dst(%dma_wait3A_382 : memref<8x128xf32, #tpu.memory_space<vmem>>)
    %dma_wait3A_386 = arith.constant 0 : i32
    %dma_wait3A_387 = arith.constant 0 : i32
    %dma_wait3A_388 = tpu.memref_slice %arg13[%dma_wait3A_386, %dma_wait3A_387] : memref<32x257xf32, #tpu.memory_space<vmem>> -> memref<8x128xf32, #tpu.memory_space<vmem>>
    %dma_wait3A_389 = arith.constant 0 : i32
    %dma_wait3A_390 = arith.constant 0 : i32
    %dma_wait3A_391 = tpu.memref_slice %arg4[%dma_wait3A_389, %dma_wait3A_390] : memref<204800x128xf32, #tpu.memory_space<hbm>> -> memref<8x128xf32, #tpu.memory_space<hbm>>
    %dma_wait3A_392 = arith.constant 0 : i32
    %dma_wait3A_393 = arith.constant 0 : i32
    %dma_wait3A_394 = tpu.memref_slice %arg13[%dma_wait3A_392, %dma_wait3A_393] : memref<32x257xf32, #tpu.memory_space<vmem>> -> memref<8x128xf32, #tpu.memory_space<vmem>>
    %dma_wait3A_395 = arith.constant 0 : i32
    %dma_wait3A_396 = arith.constant 0 : i32
    %dma_wait3A_397 = tpu.memref_slice %arg4[%dma_wait3A_395, %dma_wait3A_396] : memref<204800x128xf32, #tpu.memory_space<hbm>> -> memref<8x128xf32, #tpu.memory_space<hbm>>
    tpu.wait_dma2 semaphore(%arg21 : memref<!tpu.dma_semaphore, #tpu.memory_space<semaphore_mem>>) src(%dma_wait3A_397 : memref<8x128xf32, #tpu.memory_space<hbm>>) dst(%dma_wait3A_394 : memref<8x128xf32, #tpu.memory_space<vmem>>)
    %dma_wait3A_398 = arith.constant 0 : i32
    %dma_wait3A_399 = arith.constant 0 : i32
    %dma_wait3A_400 = tpu.memref_slice %arg13[%dma_wait3A_398, %dma_wait3A_399] : memref<32x257xf32, #tpu.memory_space<vmem>> -> memref<8x128xf32, #tpu.memory_space<vmem>>
    %dma_wait3A_401 = arith.constant 0 : i32
    %dma_wait3A_402 = arith.constant 0 : i32
    %dma_wait3A_403 = tpu.memref_slice %arg4[%dma_wait3A_401, %dma_wait3A_402] : memref<204800x128xf32, #tpu.memory_space<hbm>> -> memref<8x128xf32, #tpu.memory_space<hbm>>
    %dma_wait3A_404 = arith.constant 0 : i32
    %dma_wait3A_405 = arith.constant 0 : i32
    %dma_wait3A_406 = tpu.memref_slice %arg13[%dma_wait3A_404, %dma_wait3A_405] : memref<32x257xf32, #tpu.memory_space<vmem>> -> memref<8x128xf32, #tpu.memory_space<vmem>>
    %dma_wait3A_407 = arith.constant 0 : i32
    %dma_wait3A_408 = arith.constant 0 : i32
    %dma_wait3A_409 = tpu.memref_slice %arg4[%dma_wait3A_407, %dma_wait3A_408] : memref<204800x128xf32, #tpu.memory_space<hbm>> -> memref<8x128xf32, #tpu.memory_space<hbm>>
    tpu.wait_dma2 semaphore(%arg21 : memref<!tpu.dma_semaphore, #tpu.memory_space<semaphore_mem>>) src(%dma_wait3A_409 : memref<8x128xf32, #tpu.memory_space<hbm>>) dst(%dma_wait3A_406 : memref<8x128xf32, #tpu.memory_space<vmem>>)
    %dma_wait3A_410 = arith.constant 0 : i32
    %dma_wait3A_411 = arith.constant 0 : i32
    %dma_wait3A_412 = tpu.memref_slice %arg13[%dma_wait3A_410, %dma_wait3A_411] : memref<32x257xf32, #tpu.memory_space<vmem>> -> memref<8x128xf32, #tpu.memory_space<vmem>>
    %dma_wait3A_413 = arith.constant 0 : i32
    %dma_wait3A_414 = arith.constant 0 : i32
    %dma_wait3A_415 = tpu.memref_slice %arg4[%dma_wait3A_413, %dma_wait3A_414] : memref<204800x128xf32, #tpu.memory_space<hbm>> -> memref<8x128xf32, #tpu.memory_space<hbm>>
    %dma_wait3A_416 = arith.constant 0 : i32
    %dma_wait3A_417 = arith.constant 0 : i32
    %dma_wait3A_418 = tpu.memref_slice %arg13[%dma_wait3A_416, %dma_wait3A_417] : memref<32x257xf32, #tpu.memory_space<vmem>> -> memref<8x128xf32, #tpu.memory_space<vmem>>
    %dma_wait3A_419 = arith.constant 0 : i32
    %dma_wait3A_420 = arith.constant 0 : i32
    %dma_wait3A_421 = tpu.memref_slice %arg4[%dma_wait3A_419, %dma_wait3A_420] : memref<204800x128xf32, #tpu.memory_space<hbm>> -> memref<8x128xf32, #tpu.memory_space<hbm>>
    tpu.wait_dma2 semaphore(%arg21 : memref<!tpu.dma_semaphore, #tpu.memory_space<semaphore_mem>>) src(%dma_wait3A_421 : memref<8x128xf32, #tpu.memory_space<hbm>>) dst(%dma_wait3A_418 : memref<8x128xf32, #tpu.memory_space<vmem>>)
    %dma_wait3A_422 = arith.constant 0 : i32
    %dma_wait3A_423 = arith.constant 0 : i32
    %dma_wait3A_424 = tpu.memref_slice %arg13[%dma_wait3A_422, %dma_wait3A_423] : memref<32x257xf32, #tpu.memory_space<vmem>> -> memref<8x128xf32, #tpu.memory_space<vmem>>
    %dma_wait3A_425 = arith.constant 0 : i32
    %dma_wait3A_426 = arith.constant 0 : i32
    %dma_wait3A_427 = tpu.memref_slice %arg4[%dma_wait3A_425, %dma_wait3A_426] : memref<204800x128xf32, #tpu.memory_space<hbm>> -> memref<8x128xf32, #tpu.memory_space<hbm>>
    %dma_wait3A_428 = arith.constant 0 : i32
    %dma_wait3A_429 = arith.constant 0 : i32
    %dma_wait3A_430 = tpu.memref_slice %arg13[%dma_wait3A_428, %dma_wait3A_429] : memref<32x257xf32, #tpu.memory_space<vmem>> -> memref<8x128xf32, #tpu.memory_space<vmem>>
    %dma_wait3A_431 = arith.constant 0 : i32
    %dma_wait3A_432 = arith.constant 0 : i32
    %dma_wait3A_433 = tpu.memref_slice %arg4[%dma_wait3A_431, %dma_wait3A_432] : memref<204800x128xf32, #tpu.memory_space<hbm>> -> memref<8x128xf32, #tpu.memory_space<hbm>>
    tpu.wait_dma2 semaphore(%arg21 : memref<!tpu.dma_semaphore, #tpu.memory_space<semaphore_mem>>) src(%dma_wait3A_433 : memref<8x128xf32, #tpu.memory_space<hbm>>) dst(%dma_wait3A_430 : memref<8x128xf32, #tpu.memory_space<vmem>>)
    %dma_wait3A_434 = arith.constant 0 : i32
    %dma_wait3A_435 = arith.constant 0 : i32
    %dma_wait3A_436 = tpu.memref_slice %arg13[%dma_wait3A_434, %dma_wait3A_435] : memref<32x257xf32, #tpu.memory_space<vmem>> -> memref<8x128xf32, #tpu.memory_space<vmem>>
    %dma_wait3A_437 = arith.constant 0 : i32
    %dma_wait3A_438 = arith.constant 0 : i32
    %dma_wait3A_439 = tpu.memref_slice %arg4[%dma_wait3A_437, %dma_wait3A_438] : memref<204800x128xf32, #tpu.memory_space<hbm>> -> memref<8x128xf32, #tpu.memory_space<hbm>>
    %dma_wait3A_440 = arith.constant 0 : i32
    %dma_wait3A_441 = arith.constant 0 : i32
    %dma_wait3A_442 = tpu.memref_slice %arg13[%dma_wait3A_440, %dma_wait3A_441] : memref<32x257xf32, #tpu.memory_space<vmem>> -> memref<8x128xf32, #tpu.memory_space<vmem>>
    %dma_wait3A_443 = arith.constant 0 : i32
    %dma_wait3A_444 = arith.constant 0 : i32
    %dma_wait3A_445 = tpu.memref_slice %arg4[%dma_wait3A_443, %dma_wait3A_444] : memref<204800x128xf32, #tpu.memory_space<hbm>> -> memref<8x128xf32, #tpu.memory_space<hbm>>
    tpu.wait_dma2 semaphore(%arg21 : memref<!tpu.dma_semaphore, #tpu.memory_space<semaphore_mem>>) src(%dma_wait3A_445 : memref<8x128xf32, #tpu.memory_space<hbm>>) dst(%dma_wait3A_442 : memref<8x128xf32, #tpu.memory_space<vmem>>)
    %dma_wait3A_446 = arith.constant 0 : i32
    %dma_wait3A_447 = arith.constant 0 : i32
    %dma_wait3A_448 = tpu.memref_slice %arg13[%dma_wait3A_446, %dma_wait3A_447] : memref<32x257xf32, #tpu.memory_space<vmem>> -> memref<8x128xf32, #tpu.memory_space<vmem>>
    %dma_wait3A_449 = arith.constant 0 : i32
    %dma_wait3A_450 = arith.constant 0 : i32
    %dma_wait3A_451 = tpu.memref_slice %arg4[%dma_wait3A_449, %dma_wait3A_450] : memref<204800x128xf32, #tpu.memory_space<hbm>> -> memref<8x128xf32, #tpu.memory_space<hbm>>
    %dma_wait3A_452 = arith.constant 0 : i32
    %dma_wait3A_453 = arith.constant 0 : i32
    %dma_wait3A_454 = tpu.memref_slice %arg13[%dma_wait3A_452, %dma_wait3A_453] : memref<32x257xf32, #tpu.memory_space<vmem>> -> memref<8x128xf32, #tpu.memory_space<vmem>>
    %dma_wait3A_455 = arith.constant 0 : i32
    %dma_wait3A_456 = arith.constant 0 : i32
    %dma_wait3A_457 = tpu.memref_slice %arg4[%dma_wait3A_455, %dma_wait3A_456] : memref<204800x128xf32, #tpu.memory_space<hbm>> -> memref<8x128xf32, #tpu.memory_space<hbm>>
    tpu.wait_dma2 semaphore(%arg21 : memref<!tpu.dma_semaphore, #tpu.memory_space<semaphore_mem>>) src(%dma_wait3A_457 : memref<8x128xf32, #tpu.memory_space<hbm>>) dst(%dma_wait3A_454 : memref<8x128xf32, #tpu.memory_space<vmem>>)
    return
  }
}

</mosaic_0001>

<sc_bundles>
// kernel: kernel.3.cloned.1.call-start
scs
__scs_entry_jumppad:
0x0: {  	(pc) =	sbr.rel $0x88, $3  }
0x1: {  	(tag) =	ssettag $0x0;
	lr =	simm.s32 $0x1  }
0x2: {  	[smem:$0x3F9F] =	sst lr;
	_ =	strace $0xD0000000  }
0x3: {  	_ = 	snop  }
0x4: {  	_ = 	snop  }
0x5: {  	_ = 	snop  }
0x6: {  	_ = 	snop  }
0x7: {  	_ = 	snop  }
__scs_overlays_trampoline_lowered:
0x8: {  	[smem:$0x3FAE] =	sst s0  }
0x9: {  	[smem:$0x3FAF] =	sst s1  }
0xa: {  	[smem:$0x3FB0] =	sst s2  }
0xb: {  	[smem:$0x3FB1] =	sst s3  }
0xc: {  	[smem:$0x3FB2] =	sst s4  }
0xd: {  	[smem:$0x3FB3] =	sst s5  }
0xe: {  	[smem:$0x3FB4] =	sst s6  }
0xf: {  	[smem:$0x3FB5] =	sst s7  }
0x10: {  	[smem:$0x3FB6] =	sst s8  }
0x11: {  	[smem:$0x3FB7] =	sst s9;
	s0 =	simm.s32 @!p0 $0x0  }
0x12: {  	s1 =	sld [smem:$0x3F9D];
	s0 =	simm.s32 @p0 $0x1  }
0x13: {  	[smem:$0x3FB8] =	sst s0;
	s0 =	simm.s32 @!p1 $0x0  }
0x14: {  	s2 =	sld [smem:$0x3F9C];
	s0 =	simm.s32 @p1 $0x1  }
0x15: {  	[smem:$0x3FB9] =	sst s0;
	s0 =	simm.s32 @!p2 $0x0  }
0x16: {  	s3 =	sld [smem:$0x3FDB];
	s0 =	simm.s32 @p2 $0x1  }
0x17: {  	s4 =	simm.s32 $0x1BF5;
	[smem:$0x3FBB] =	sst s0  }
0x18: {  	s0 =	sld [smem:$0x3F9E];
	_ =	swait.ge [sflag:s4], $0x0  }
0x19: {  	s7 =	sld [smem:$0x3F9F]  }
0x1a: {  	s8 =	sadd.s32 $0xFFFFE003, lr  }
0x1b: {  	s9 =	sadd.s32 $0xFFFFFEF7, lr;
	s5 =	simm.s32 $0xFFFFFFFF;
	p2 =	slt.u32 s8, $0xFFFFF086  }
0x1c: {  	p1 =	slt.u32 s9, $0xF7A;
	s5 =	simm.s32 @!p2 $0x0  }
0x1d: {  	s5 =	simm.s32 @p1 $0x1;
	p0 =	seq.s32 s7, s2  }
0x1e: {  	s7 =	smul.u32 @!p0 $0xF7A, s2;
	p2 =	seq.s32 @!p0 s5, $0x0  }
0x1f: {  	s9 =	smul.u32 $0xF7A, s1;
	s8 =	simm.s32 @!p0 $0x1BF5;
	p2 =	por !p2, p0  }
0x20: {  	[sflag:s8] =	ssyncset.s32 @!p0 $0xFFFFF086;
	s6 =	sadd.s32 @!p0 s3, s7;
	s7 =	simm.s32 @!p0 $0x108  }
0x21: {  	s3 =	sadd.s32 s3, s9;
	s6 =	sadd.s32 @!p0 $0x88, s6;
	s7 =	simm.s32 @p2 $0x1082  }
0x22: {  	[simem:s7], [sflag:s8] =	dma.local @!p0 [hbm:s6], $0xF7A  }
0x23: {  	s9 =	sor.u32 $0xD0000000, s2;
	s6 =	simm.s32 $0x108;
	_ =	swait.ge @!p0 [sflag:s8], $0x0  }
0x24: {  	s3 =	sadd.s32 $0x88, s3;
	s6 =	simm.s32 @!p1 $0x1082;
	[sflag:s4] =	ssyncset.s32 $0xFFFFF086  }
0x25: {  	[simem:s6], [sflag:s4] =	dma.local [hbm:s3], $0xF7A  }
0x26: {  	[smem:$0x3F9F] =	sst s1;
	(tag) =	ssettag s2;
	_ =	strace s9  }
0x27: {  	s1 =	sld [smem:$0x3FAF]  }
0x28: {  	s2 =	sld [smem:$0x3FB0]  }
0x29: {  	s4 =	sld [smem:$0x3FB2]  }
0x2a: {  	p0 =	seq.s32 s5, $0x0;
	s5 =	sld [smem:$0x3FB3]  }
0x2b: {  	s6 =	sld [smem:$0x3FB4]  }
0x2c: {  	s7 =	sld [smem:$0x3FB5]  }
0x2d: {  	s3 =	simm.s32 $0x108;
	s8 =	sld [smem:$0x3FB6]  }
0x2e: {  	s3 =	simm.s32 @!p0 $0x1082;
	s9 =	sld [smem:$0x3FB7]  }
0x2f: {  	lr =	sadd.s32 s0, s3;
	s0 =	sld [smem:$0x3FAE]  }
0x30: {  	s3 =	sld [smem:$0x3FB1]  }
0x31: {  	[smem:$0x3FBA] =	sst s10  }
0x32: {  	s10 =	sld [smem:$0x3FB8];
	_ =	sdelay $0x3  }
0x33: {  	p0 =	seq.s32 s10, $0x1;
	s10 =	sld [smem:$0x3FBA];
	_ =	sdelay $0x3  }
0x34: {  	[smem:$0x3FBA] =	sst s10  }
0x35: {  	s10 =	sld [smem:$0x3FB9];
	_ =	sdelay $0x3  }
0x36: {  	p1 =	seq.s32 s10, $0x1;
	s10 =	sld [smem:$0x3FBA];
	_ =	sdelay $0x3  }
0x37: {  	[smem:$0x3FBA] =	sst s10  }
0x38: {  	s10 =	sld [smem:$0x3FBB]  }
0x39: {  	_ = 	snop;
	(pc) =	sbr.ind lr, $3  }
0x3a: {  	_ = 	snop  }
0x3b: {  	_ = 	snop  }
0x3c: {  	p2 =	seq.s32 s10, $0x1;
	s10 =	sld [smem:$0x3FBA]  }
0x3d: {  	_ =	shalt  }
0x3e: {  	_ =	shalt  }
0x3f: {  	_ =	shalt  }
0x40: {  	_ =	shalt  }
0x41: {  	_ =	shalt  }
0x42: {  	_ =	shalt  }
0x43: {  	_ =	shalt  }
0x44: {  	_ =	shalt  }
0x45: {  	_ =	shalt  }
0x46: {  	_ =	shalt  }
0x47: {  	_ =	shalt  }
0x48: {  	_ =	shalt  }
0x49: {  	_ =	shalt  }
0x4a: {  	_ =	shalt  }
0x4b: {  	_ =	shalt  }
0x4c: {  	_ =	shalt  }
0x4d: {  	_ =	shalt  }
0x4e: {  	_ =	shalt  }
0x4f: {  	_ =	shalt  }
0x50: {  	_ =	shalt  }
0x51: {  	_ =	shalt  }
0x52: {  	_ =	shalt  }
0x53: {  	_ =	shalt  }
0x54: {  	_ =	shalt  }
0x55: {  	_ =	shalt  }
0x56: {  	_ =	shalt  }
0x57: {  	_ =	shalt  }
0x58: {  	_ =	shalt  }
0x59: {  	_ =	shalt  }
0x5a: {  	_ =	shalt  }
0x5b: {  	_ =	shalt  }
0x5c: {  	_ =	shalt  }
0x5d: {  	_ =	shalt  }
0x5e: {  	_ =	shalt  }
0x5f: {  	_ =	shalt  }
0x60: {  	_ =	shalt  }
0x61: {  	_ =	shalt  }
0x62: {  	_ =	shalt  }
0x63: {  	_ =	shalt  }
0x64: {  	_ =	shalt  }
0x65: {  	_ =	shalt  }
0x66: {  	_ =	shalt  }
0x67: {  	_ =	shalt  }
0x68: {  	_ =	shalt  }
0x69: {  	_ =	shalt  }
0x6a: {  	_ =	shalt  }
0x6b: {  	_ =	shalt  }
0x6c: {  	_ =	shalt  }
0x6d: {  	_ =	shalt  }
0x6e: {  	_ =	shalt  }
0x6f: {  	_ =	shalt  }
0x70: {  	_ =	shalt  }
0x71: {  	_ =	shalt  }
0x72: {  	_ =	shalt  }
0x73: {  	_ =	shalt  }
0x74: {  	_ =	shalt  }
0x75: {  	_ =	shalt  }
0x76: {  	_ =	shalt  }
0x77: {  	_ =	shalt  }
0x78: {  	_ =	shalt  }
0x79: {  	_ =	shalt  }
0x7a: {  	_ =	shalt  }
0x7b: {  	_ =	shalt  }
0x7c: {  	_ =	shalt  }
0x7d: {  	_ =	shalt  }
0x7e: {  	_ =	shalt  }
0x7f: {  	_ =	shalt  }
0x80: {  	_ =	shalt  }
0x81: {  	_ =	shalt  }
0x82: {  	_ =	shalt  }
0x83: {  	_ =	shalt  }
0x84: {  	_ =	shalt  }
0x85: {  	_ =	shalt  }
0x86: {  	_ =	shalt  }
0x87: {  	_ =	shalt  }
.Lfunc_end0:
.L_simem_size_0:
called_computation.1_lowered:
.L_overlay_start_0:
0x88: {  	s2 =	sld [smem:$0x3FD9]  }
0x89: {  	s3 =	sld [smem:$0x3FFE];
	_ =	sdelay $0x1  }
0x8a: {  	s1 =	srdreg.scid  }
0x8b: {  	s0 =	sand.u32 $0x1, s1  }
0x8c: {  	s17 =	sshll.u32 s0, $0xA;
	s2 =	sadd.s32 s3, s2  }
0x8d: {  	s2 =	sadd.s32 s2, s17  }
0x8e: {  	[smem:$0x3FC6] =	sst s2  }
0x8f: {  	_ = 	snop  }
0x90: {  	s2 =	sld [smem:$0x3FD0];
	(tm) =	ssettm $0x1  }
0x91: {  	s18 =	sld [smem:$0x3FFB];
	_ =	sdelay $0x3  }
0x92: {  	_ =	strace s18  }
0x93: {  	s3 =	sld [smem:$0x3FFC];
	_ =	sdelay $0x3  }
0x94: {  	_ =	strace s3  }
0x95: {  	s3 =	sld [smem:$0x3FFD];
	_ =	sdelay $0x3  }
0x96: {  	_ =	strace s3  }
0x97: {  	_ =	strace $0x8FFFFFFF  }
0x98: {  	s19 =	sld [smem:$0x3FDB];
	_ =	sdelay $0x1  }
0x99: {  	s4 =	simm.s32 $_scs_section_size  }
0x9a: {  	s5 =	simm.s32 $_size__tile_overlayer_lowered;
	s6 =	simm.s32 $_tile_overlayer_lowered  }
0x9b: {  	s22 =	simm.s32 $0x1BFF;
	s21 =	sshll.u32 s6, $0x1;
	s3 =	sadd.s32 s4, s19  }
0x9c: {  	s7 =	simm.s32 $0x0;
	s20 =	sshll.u32 s5, $0x1;
	s5 =	sadd.s32 s21, s3  }
0x9d: {  	[timem:s7], [sflag:s22] =	dma.local [hbm:s5], s20  }
0x9e: {  	_ =	swait.ge [sflag:s22], s20  }
0x9f: {  	s4 =	ssub.s32 $0x0, s20;
	[sflag:s22] =	ssyncset.done $0x0  }
0xa0: {  	[sflag:s22] =	ssyncadd.s32 s4;
	_ =	sdelay $0x1  }
0xa1: {  	s23 =	simm.s32 $0x1B8B  }
0xa2: {  	_ =	swait.ge [sflag:s23], $0x1  }
0xa3: {  	[sflag:s23] =	ssyncset.done $0x0  }
0xa4: {  	s25 =	simm.s32 $0x1B8E;
	s24 =	sld [smem:$0x3FFE];
	[sflag:s23] =	ssyncadd.s32 $0xFFFFFFFF  }
0xa5: {  	s26 =	simm.s32 $execute0_lowered;
	[smem:$0x3FD2] =	sst s25  }
0xa6: {  	s5 =	sshll.u32 s26, $0x1;
	_ =	strace $0x80000049;
	[dreg:$0x1] =	wrdreg $0xFFFFFFFF  }
0xa7: {  	s28 =	simm.s32 $_size_execute0_lowered;
	s3 =	sadd.s32 s3, s5;
	[dreg:$0x0] =	wrdreg $0x0  }
0xa8: {  	s5 =	sshll.u32 s28, $0x1;
	[dreg:$0x2] =	wrdreg s3  }
0xa9: {  	[dreg:$0x3] =	wrdreg s5  }
0xaa: {  	[dreg:$0x4] =	wrdreg $0xC0  }
0xab: {  	_ =	task [dreg:s7], $0x5FFFF  }
0xac: {  	[dreg:$0x1] =	wrdreg $0xFFFFFFFF  }
0xad: {  	[dreg:$0x0] =	wrdreg $0x60  }
0xae: {  	[dreg:$0x2] =	wrdreg s24  }
0xaf: {  	[dreg:$0x3] =	wrdreg s2  }
0xb0: {  	[dreg:$0x4] =	wrdreg $0x9  }
0xb1: {  	_ =	task.clear_ibuf [dreg:s7], $0x5FFFF;
	_ =	strace $0x90000049  }
0xb2: {  	s29 =	simm.s32 $0x9;
	_ =	strace $0x8000004B  }
0xb3: {  	_ =	swait.ge [sflag:s29], $0x1  }
0xb4: {  	[sflag:s29] =	ssyncadd.s32 $0xFFFFFFFF  }
0xb5: {  	_ =	strace $0x9000004B  }
0xb6: {  	_ =	sfence  }
0xb7: {  	s30 =	sld [smem:$0x0];
	_ =	sdelay $0x2  }
0xb8: {  	s31 =	sshll.u32 s1, $0xD;
	s1 =	sshrl.u32 s1, $0x2  }
0xb9: {  	s3 =	sand.u32 $0x4000, s31;
	s1 =	sadd.s32 s1, s30  }
0xba: {  	s0 =	sor.u32 s3, s0;
	s1 =	sshll.u32 s1, $0x11  }
0xbb: {  	s0 =	sor.u32 s1, s0  }
0xbc: {  	s0 =	sadd.s32 $0x8F2B, s0  }
0xbd: {  	[sflag:s0] =	ssyncadd.remote.s32 $0x1  }
0xbe: {  	_ =	sfence.sel $0xFFFF  }
0xbf: {  	[dreg:$0x0] =	wrdreg $0xFFFFFFFF;
	(pc) =	sbr.abs _section_cstart, $3  }
0xc0: {  	[dreg:$0x1] =	wrdreg $0xFFFFFFFF  }
0xc1: {  	_ =	task.clear_ibuf [dreg:s7], $0x2FFFF;
	_ =	strace $0x9FFFFFFF  }
0xc2: {  	(tm) =	ssettm $0x7FFFFFFF  }
0xc3: {  	_ =	shalt  }
tec
execute0_lowered:
.L_overlay_start_1:
0x0: {  	(tag) =	ssettag $0x1  }
0x1: {  	s0 =	rddreg [dreg:$0x0];
	s1 =	srdreg.scid  }
0x2: {  	s3 =	stileid.u32;
	s2 =	rddreg [dreg:$0x1]  }
0x3: {  	s10 =	simm.s32 $0x80;
	s23 =	simm.s32 $0x1;
	s24 =	simm.s32 $0xE400  }
0x4: {  	s14 =	simm.s32 $0x2;
	s16 =	simm.s32 $0x6;
	s18 =	simm.s32 $0x10500  }
0x5: {  	s25 =	simm.s32 $0x3;
	s28 =	simm.s32 $0x12600;
	s11 =	simm.s32 $0x4  }
0x6: {  	s12 =	simm.s32 $0x8;
	s20 =	simm.s32 $0x14700;
	s29 =	simm.s32 $0x15D28  }
0x7: {  	v0 =	vlaneseq.u32;
	s30 =	simm.s32 $0x15E30;
	s31 =	simm.s32 $0x15F38;
	s8 =	simm.s32 $0x0  }
0x8: {  	v1 =	vimm.s32 $0x0;
	vm0 =	vcmask $0x300;
	s1 =	sand.u32 $0x1, s1;
	s4 =	sshll.u32 s3, $0x1;
	s3 =	simm.s32 $0x0;
	v0 =	vmul.u32 $0x108, v0  }
0x9: {  	v1 =	vsel vm0, $0x3, v1;
	s5 =	sor.u32 s1, s4;
	[smem:$0x7FF] =	sst s3;
	s1 =	ssub.s32 $0x2, s1  }
0xa: {  	s4 =	sadd.s32 $0xF5BE00, s0;
	s6 =	smul.u32 $0xC80, s5;
	s7 =	sshrl.u32 s1, $0x1;
	v2 =	vadd.s32 $0x1080, v0;
	v3 =	vor.u32 $0x1, v0;
	v4 =	vadd.s32 $0x1081, v0  }
0xb: {  	_ =	strace $0x8000004A;
	s5 =	smul.u32 $0xC8, s5;
	v5 =	vor.u32 $0x2, v0;
	v6 =	vadd.s32 $0x1082, v0;
	v7 =	vor.u32 $0x3, v0;
	s1 =	ssub.s32 s1, s7  }
0xc: {  	v8 =	vadd.s32 $0x1083, v0;
	v9 =	vor.u32 $0x4, v0;
	v10 =	vadd.s32 $0x1084, v0;
	s7 =	sadd.s32 $0x80, s2;
	s0 =	sadd.s32 s6, s0;
	s26 =	smax.u32 s1, $0x1  }
0xd: {  	v11 =	vor.u32 $0x5, v0;
	v12 =	vadd.s32 $0x1085, v0;
	v13 =	vor.u32 $0x6, v0;
	s1 =	simm.s32 $0x15FC0;
	s0 =	sadd.s32 $0xF42E00, s0;
	[dreg:$0x4] =	wrdreg s26  }
0xe: {  	v14 =	vadd.s32 $0x1086, v0;
	v15 =	vor.u32 $0x7, v0;
	v16 =	vadd.s32 $0x1087, v0;
	s26 =	simm.s32 $0x7;
	[dreg:$0x3] =	wrdreg s0;
	s0 =	simm.s32 $0x16778  }
.LBB2_1:
0xf: {  	[dreg:$0x5] =	wrdreg s8  }
0x10: {  	s6 =	rddreg [dreg:$0x3];
	s19 =	simm.s32 $0x9  }
0x11: {  	[tilespmem:s3], [sflag:$0x9] =	stream.linear.gather [hbm4b:s6+s3], $0x6400, $0x38;
	[tilespmem:$0x16800] =	vst v63  }
0x12: {  	_ =	swait.ge [sflag:s19], $0x6400  }
0x13: {  	[sflag:s19] =	ssyncset.done $0x0  }
0x14: {  	s21 =	simm.s32 $0x6400;
	[sflag:s19] =	ssyncadd.s32 $0xFFFF9C00  }
0x15: {  	[tilespmem:s21], [sflag:$0x1] =	stream.indirect.gather [hbm4b:s4+s10], $0x20, s3, s10, $0xb8;
	[tilespmem:$0x16800] =	vst v63  }
0x16: {  	s22 =	simm.s32 $0x7400  }
0x17: {  	[tilespmem:s22], [sflag:$0x1] =	stream.indirect.gather [hbm4b:s4+s10], $0x20, s10, s10, $0xb8;
	[tilespmem:$0x16800] =	vst v63  }
0x18: {  	s8 =	simm.s32 $0x100;
	s9 =	simm.s32 $0x8400  }
0x19: {  	[tilespmem:s9], [sflag:$0x2] =	stream.indirect.gather [hbm4b:s4+s10], $0x20, s8, s10, $0xb8;
	[tilespmem:$0x16800] =	vst v63  }
0x1a: {  	s13 =	simm.s32 $0x180;
	s15 =	simm.s32 $0x9400  }
0x1b: {  	[tilespmem:s15], [sflag:$0x2] =	stream.indirect.gather [hbm4b:s4+s10], $0x20, s13, s10, $0xb8;
	[tilespmem:$0x16800] =	vst v63  }
0x1c: {  	s17 =	simm.s32 $0x200;
	s19 =	simm.s32 $0xA400  }
0x1d: {  	[tilespmem:s19], [sflag:$0x3] =	stream.indirect.gather [hbm4b:s4+s10], $0x20, s17, s10, $0xb8;
	[tilespmem:$0x16800] =	vst v63  }
0x1e: {  	s21 =	simm.s32 $0x280;
	s22 =	simm.s32 $0xB400;
	s13 =	simm.s32 $0x0  }
0x1f: {  	[tilespmem:s22], [sflag:$0x3] =	stream.indirect.gather [hbm4b:s4+s10], $0x20, s21, s10, $0xb8;
	[tilespmem:$0x16800] =	vst v63  }
.LBB2_2:
0x20: {  	s19 =	sshll.u32 s13, $0x3  }
0x21: {  	s15 =	sor.u32 $0x6, s19  }
0x22: {  	s6 =	sshll.u32 s15, $0x7  }
0x23: {  	s8 =	simm.s32 $0xC400;
	s6 =	sand.u32 $0x3FFFFF00, s6  }
0x24: {  	[tilespmem:s8], [sflag:$0x4] =	stream.indirect.gather [hbm4b:s4+s10], $0x20, s6, s10, $0xb8;
	[tilespmem:$0x16800] =	vst v63  }
0x25: {  	s8 =	sshll.u32 s13, $0xA  }
0x26: {  	s17 =	sand.u32 $0x3FFFFC00, s8  }
0x27: {  	s9 =	simm.s32 $0xD400;
	s6 =	sor.u32 $0x380, s17  }
0x28: {  	[tilespmem:s9], [sflag:$0x4] =	stream.indirect.gather [hbm4b:s4+s10], $0x20, s6, s10, $0xb8;
	[tilespmem:$0x16800] =	vst v63  }
0x29: {  	_ =	swait.ge [sflag:s23], $0x2000  }
0x2a: {  	p0 =	seq.s32 s13, $0x0;
	[sflag:s23] =	ssyncset.done $0x0  }
0x2b: {  	s6 =	simm.s32 @!p0 $0x5;
	[sflag:s23] =	ssyncadd.s32 $0xFFFFE000  }
0x2c: {  	_ =	swait.ge @!p0 [sflag:s6], $0x400  }
0x2d: {  	[sflag:s6] =	ssyncset.done @!p0 $0x0  }
0x2e: {  	[sflag:s6] =	ssyncadd.s32 @!p0 $0xFFFFFC00  }
0x2f: {  	_ =	swait.ge @!p0 [sflag:s6], $0x400  }
0x30: {  	[sflag:s6] =	ssyncset.done @!p0 $0x0  }
0x31: {  	[sflag:s6] =	ssyncadd.s32 @!p0 $0xFFFFFC00  }
0x32: {  	_ =	swait.ge @!p0 [sflag:s6], $0x400  }
0x33: {  	[sflag:s6] =	ssyncset.done @!p0 $0x0  }
0x34: {  	[sflag:s6] =	ssyncadd.s32 @!p0 $0xFFFFFC00  }
0x35: {  	_ =	swait.ge @!p0 [sflag:s6], $0x400  }
0x36: {  	[sflag:s6] =	ssyncset.done @!p0 $0x0  }
0x37: {  	[sflag:s6] =	ssyncadd.s32 @!p0 $0xFFFFFC00  }
0x38: {  	_ =	swait.ge @!p0 [sflag:s6], $0x400  }
0x39: {  	[sflag:s6] =	ssyncset.done @!p0 $0x0  }
0x3a: {  	[sflag:s6] =	ssyncadd.s32 @!p0 $0xFFFFFC00  }
0x3b: {  	_ =	swait.ge @!p0 [sflag:s6], $0x400  }
0x3c: {  	[sflag:s6] =	ssyncset.done @!p0 $0x0  }
0x3d: {  	[sflag:s6] =	ssyncadd.s32 @!p0 $0xFFFFFC00  }
0x3e: {  	s21 =	simm.s32 $0x0;
	_ =	swait.ge @!p0 [sflag:s6], $0x400  }
0x3f: {  	v17 =	vmov s21;
	[sflag:s6] =	ssyncset.done @!p0 $0x0  }
0x40: {  	v17 =	vshrl.u32 v17, $0x3;
	[sflag:s6] =	ssyncadd.s32 @!p0 $0xFFFFFC00  }
0x41: {  	v17 =	vshll.u32 v17, v1;
	_ =	swait.ge @!p0 [sflag:s6], $0x400  }
0x42: {  	v17 =	vbroadcast v17, $0x0;
	[sflag:s6] =	ssyncset.done @!p0 $0x0  }
0x43: {  	[sflag:s6] =	ssyncadd.s32 @!p0 $0xFFFFFC00;
	s6 =	simm.s32 $0x6480  }
0x44: {  	v19 =	vadd.s32 v0, v17;
	v18 =	vld [tilespmem:s6+$0xFFFFFF80];
	_ =	sdelay $0x4  }
0x45: {  	[tilespmem:v19+s24+$0x0] =	vst.idx.msk $0xffff, v18  }
0x46: {  	s22 =	simm.s32 $0x1;
	v17 =	vadd.s32 v2, v17;
	v18 =	vld [tilespmem:s6+$0xFFFFFF90]  }
0x47: {  	v19 =	vmov s22  }
0x48: {  	v19 =	vshrl.u32 v19, $0x3  }
0x49: {  	v19 =	vshll.u32 v19, v1  }
0x4a: {  	v19 =	vbroadcast v19, $0x0  }
0x4b: {  	[tilespmem:v17+s24+$0x0] =	vst.idx.msk $0xffff, v18  }
0x4c: {  	v18 =	vadd.s32 v3, v19;
	v17 =	vld [tilespmem:s6+$0xFFFFFFA0];
	_ =	sdelay $0x4  }
0x4d: {  	[tilespmem:v18+s24+$0x0] =	vst.idx.msk $0xffff, v17  }
0x4e: {  	s9 =	simm.s32 $0x2;
	v18 =	vadd.s32 v4, v19;
	v17 =	vld [tilespmem:s6+$0xFFFFFFB0]  }
0x4f: {  	v19 =	vmov s9  }
0x50: {  	v19 =	vshrl.u32 v19, $0x3  }
0x51: {  	v19 =	vshll.u32 v19, v1  }
0x52: {  	v19 =	vbroadcast v19, $0x0  }
0x53: {  	[tilespmem:v18+s24+$0x0] =	vst.idx.msk $0xffff, v17  }
0x54: {  	v18 =	vadd.s32 v5, v19;
	v17 =	vld [tilespmem:s6+$0xFFFFFFC0];
	_ =	sdelay $0x4  }
0x55: {  	[tilespmem:v18+s24+$0x0] =	vst.idx.msk $0xffff, v17  }
0x56: {  	s21 =	simm.s32 $0x3;
	v18 =	vadd.s32 v6, v19;
	v17 =	vld [tilespmem:s6+$0xFFFFFFD0]  }
0x57: {  	v19 =	vmov s21  }
0x58: {  	v19 =	vshrl.u32 v19, $0x3  }
0x59: {  	v19 =	vshll.u32 v19, v1  }
0x5a: {  	v19 =	vbroadcast v19, $0x0  }
0x5b: {  	[tilespmem:v18+s24+$0x0] =	vst.idx.msk $0xffff, v17  }
0x5c: {  	v18 =	vadd.s32 v7, v19;
	v17 =	vld [tilespmem:s6+$0xFFFFFFE0];
	_ =	sdelay $0x4  }
0x5d: {  	[tilespmem:v18+s24+$0x0] =	vst.idx.msk $0xffff, v17  }
0x5e: {  	s22 =	simm.s32 $0x4;
	v18 =	vadd.s32 v8, v19;
	v17 =	vld [tilespmem:s6+$0xFFFFFFF0]  }
0x5f: {  	v19 =	vmov s22  }
0x60: {  	v19 =	vshrl.u32 v19, $0x3  }
0x61: {  	v19 =	vshll.u32 v19, v1  }
0x62: {  	v19 =	vbroadcast v19, $0x0  }
0x63: {  	[tilespmem:v18+s24+$0x0] =	vst.idx.msk $0xffff, v17  }
0x64: {  	v18 =	vadd.s32 v9, v19;
	v17 =	vld [tilespmem:s6+$0x0];
	_ =	sdelay $0x4  }
0x65: {  	[tilespmem:v18+s24+$0x0] =	vst.idx.msk $0xffff, v17  }
0x66: {  	s9 =	simm.s32 $0x5;
	v18 =	vadd.s32 v10, v19;
	v17 =	vld [tilespmem:s6+$0x10]  }
0x67: {  	v19 =	vmov s9  }
0x68: {  	v19 =	vshrl.u32 v19, $0x3  }
0x69: {  	v19 =	vshll.u32 v19, v1  }
0x6a: {  	v19 =	vbroadcast v19, $0x0  }
0x6b: {  	[tilespmem:v18+s24+$0x0] =	vst.idx.msk $0xffff, v17  }
0x6c: {  	v18 =	vadd.s32 v11, v19;
	v17 =	vld [tilespmem:s6+$0x20];
	_ =	sdelay $0x4  }
0x6d: {  	[tilespmem:v18+s24+$0x0] =	vst.idx.msk $0xffff, v17  }
0x6e: {  	s21 =	simm.s32 $0x6;
	v18 =	vadd.s32 v12, v19;
	v17 =	vld [tilespmem:s6+$0x30]  }
0x6f: {  	v19 =	vmov s21  }
0x70: {  	v19 =	vshrl.u32 v19, $0x3  }
0x71: {  	v19 =	vshll.u32 v19, v1  }
0x72: {  	v19 =	vbroadcast v19, $0x0  }
0x73: {  	[tilespmem:v18+s24+$0x0] =	vst.idx.msk $0xffff, v17  }
0x74: {  	v18 =	vadd.s32 v13, v19;
	v17 =	vld [tilespmem:s6+$0x40];
	_ =	sdelay $0x4  }
0x75: {  	[tilespmem:v18+s24+$0x0] =	vst.idx.msk $0xffff, v17  }
0x76: {  	s22 =	simm.s32 $0x7;
	v18 =	vadd.s32 v14, v19;
	v17 =	vld [tilespmem:s6+$0x50]  }
0x77: {  	v19 =	vmov s22  }
0x78: {  	v19 =	vshrl.u32 v19, $0x3  }
0x79: {  	v19 =	vshll.u32 v19, v1  }
0x7a: {  	v19 =	vbroadcast v19, $0x0  }
0x7b: {  	[tilespmem:v18+s24+$0x0] =	vst.idx.msk $0xffff, v17  }
0x7c: {  	v18 =	vadd.s32 v15, v19;
	v17 =	vld [tilespmem:s6+$0x60];
	_ =	sdelay $0x4  }
0x7d: {  	[tilespmem:v18+s24+$0x0] =	vst.idx.msk $0xffff, v17  }
0x7e: {  	s8 =	simm.s32 $0xF;
	s9 =	simm.s32 $0x17;
	s21 =	simm.s32 $0x8;
	v18 =	vadd.s32 v16, v19;
	v17 =	vld [tilespmem:s6+$0x70]  }
.LBB2_3:
0x7f: {  	p1 =	sne.s32 s9, $0xFF;
	v19 =	vmov s21  }
0x80: {  	v19 =	vshrl.u32 v19, $0x3  }
0x81: {  	v19 =	vshll.u32 v19, v1  }
0x82: {  	v19 =	vbroadcast v19, $0x0  }
0x83: {  	s6 =	sadd.s32 $0x100, s6;
	[tilespmem:v18+s24+$0x0] =	vst.idx.msk $0xffff, v17  }
0x84: {  	v17 =	vld [tilespmem:s6+$0xFFFFFF80];
	v18 =	vadd.s32 v0, v19;
	_ =	sdelay $0x4  }
0x85: {  	[tilespmem:v18+s24+$0x0] =	vst.idx.msk $0xffff, v17  }
0x86: {  	s21 =	sadd.s32 $0xFFFFFFFA, s8;
	v18 =	vadd.s32 v2, v19;
	v17 =	vld [tilespmem:s6+$0xFFFFFF90]  }
0x87: {  	v19 =	vmov s21  }
0x88: {  	v19 =	vshrl.u32 v19, $0x3  }
0x89: {  	v19 =	vshll.u32 v19, v1  }
0x8a: {  	v19 =	vbroadcast v19, $0x0  }
0x8b: {  	[tilespmem:v18+s24+$0x0] =	vst.idx.msk $0xffff, v17  }
0x8c: {  	v18 =	vadd.s32 v3, v19;
	v17 =	vld [tilespmem:s6+$0xFFFFFFA0];
	_ =	sdelay $0x4  }
0x8d: {  	[tilespmem:v18+s24+$0x0] =	vst.idx.msk $0xffff, v17  }
0x8e: {  	s21 =	sadd.s32 $0xFFFFFFFB, s8;
	v18 =	vadd.s32 v4, v19;
	v17 =	vld [tilespmem:s6+$0xFFFFFFB0]  }
0x8f: {  	v19 =	vmov s21  }
0x90: {  	v19 =	vshrl.u32 v19, $0x3  }
0x91: {  	v19 =	vshll.u32 v19, v1  }
0x92: {  	v19 =	vbroadcast v19, $0x0  }
0x93: {  	[tilespmem:v18+s24+$0x0] =	vst.idx.msk $0xffff, v17  }
0x94: {  	v18 =	vadd.s32 v5, v19;
	v17 =	vld [tilespmem:s6+$0xFFFFFFC0];
	_ =	sdelay $0x4  }
0x95: {  	[tilespmem:v18+s24+$0x0] =	vst.idx.msk $0xffff, v17  }
0x96: {  	s21 =	sadd.s32 $0xFFFFFFFC, s8;
	v18 =	vadd.s32 v6, v19;
	v17 =	vld [tilespmem:s6+$0xFFFFFFD0]  }
0x97: {  	v19 =	vmov s21  }
0x98: {  	v19 =	vshrl.u32 v19, $0x3  }
0x99: {  	v19 =	vshll.u32 v19, v1  }
0x9a: {  	v19 =	vbroadcast v19, $0x0  }
0x9b: {  	[tilespmem:v18+s24+$0x0] =	vst.idx.msk $0xffff, v17  }
0x9c: {  	v18 =	vadd.s32 v7, v19;
	v17 =	vld [tilespmem:s6+$0xFFFFFFE0];
	_ =	sdelay $0x4  }
0x9d: {  	[tilespmem:v18+s24+$0x0] =	vst.idx.msk $0xffff, v17  }
0x9e: {  	s21 =	sadd.s32 $0xFFFFFFFD, s8;
	v18 =	vadd.s32 v8, v19;
	v17 =	vld [tilespmem:s6+$0xFFFFFFF0]  }
0x9f: {  	v19 =	vmov s21  }
0xa0: {  	v19 =	vshrl.u32 v19, $0x3  }
0xa1: {  	v19 =	vshll.u32 v19, v1  }
0xa2: {  	v19 =	vbroadcast v19, $0x0  }
0xa3: {  	[tilespmem:v18+s24+$0x0] =	vst.idx.msk $0xffff, v17  }
0xa4: {  	v18 =	vadd.s32 v9, v19;
	v17 =	vld [tilespmem:s6+$0x0];
	_ =	sdelay $0x4  }
0xa5: {  	[tilespmem:v18+s24+$0x0] =	vst.idx.msk $0xffff, v17  }
0xa6: {  	s21 =	sadd.s32 $0xFFFFFFFE, s8;
	v18 =	vadd.s32 v10, v19;
	v17 =	vld [tilespmem:s6+$0x10]  }
0xa7: {  	v19 =	vmov s21  }
0xa8: {  	v19 =	vshrl.u32 v19, $0x3  }
0xa9: {  	v19 =	vshll.u32 v19, v1  }
0xaa: {  	v19 =	vbroadcast v19, $0x0  }
0xab: {  	[tilespmem:v18+s24+$0x0] =	vst.idx.msk $0xffff, v17  }
0xac: {  	v18 =	vadd.s32 v11, v19;
	v17 =	vld [tilespmem:s6+$0x20];
	_ =	sdelay $0x4  }
0xad: {  	[tilespmem:v18+s24+$0x0] =	vst.idx.msk $0xffff, v17  }
0xae: {  	s21 =	sadd.s32 $0xFFFFFFFF, s8;
	v18 =	vadd.s32 v12, v19;
	v17 =	vld [tilespmem:s6+$0x30]  }
0xaf: {  	v19 =	vmov s21  }
0xb0: {  	v19 =	vshrl.u32 v19, $0x3  }
0xb1: {  	v19 =	vshll.u32 v19, v1  }
0xb2: {  	v19 =	vbroadcast v19, $0x0  }
0xb3: {  	[tilespmem:v18+s24+$0x0] =	vst.idx.msk $0xffff, v17  }
0xb4: {  	v18 =	vadd.s32 v13, v19;
	v17 =	vld [tilespmem:s6+$0x40];
	_ =	sdelay $0x4  }
0xb5: {  	[tilespmem:v18+s24+$0x0] =	vst.idx.msk $0xffff, v17  }
0xb6: {  	v18 =	vadd.s32 v14, v19;
	v17 =	vld [tilespmem:s6+$0x50]  }
0xb7: {  	v19 =	vmov s8;
	s8 =	smov.u32 s9  }
0xb8: {  	v19 =	vshrl.u32 v19, $0x3  }
0xb9: {  	v19 =	vshll.u32 v19, v1  }
0xba: {  	v19 =	vbroadcast v19, $0x0  }
0xbb: {  	[tilespmem:v18+s24+$0x0] =	vst.idx.msk $0xffff, v17  }
0xbc: {  	v18 =	vadd.s32 v15, v19;
	v17 =	vld [tilespmem:s6+$0x60];
	_ =	sdelay $0x1  }
.Ltmp0:
0xbd: {  	(pc) =	sbr.rel @p1 .LBB2_3-.Ltmp0, $3  }
0xbe: {  	_ =	sdelay $0x1  }
0xbf: {  	[tilespmem:v18+s24+$0x0] =	vst.idx.msk $0xffff, v17  }
0xc0: {  	s9 =	sadd.s32 $0x8, s9;
	s21 =	sadd.s32 $0xFFFFFFF9, s8;
	v18 =	vadd.s32 v16, v19;
	v17 =	vld [tilespmem:s6+$0x70]  }
0xc1: {  	v19 =	vmov s21  }
0xc2: {  	v19 =	vshrl.u32 v19, $0x3  }
0xc3: {  	v19 =	vshll.u32 v19, v1  }
0xc4: {  	v19 =	vbroadcast v19, $0x0  }
0xc5: {  	s6 =	sadd.s32 $0x100, s6;
	[tilespmem:v18+s24+$0x0] =	vst.idx.msk $0xffff, v17  }
0xc6: {  	v17 =	vld [tilespmem:s6+$0xFFFFFF80];
	v18 =	vadd.s32 v0, v19;
	_ =	sdelay $0x4  }
0xc7: {  	[tilespmem:v18+s24+$0x0] =	vst.idx.msk $0xffff, v17  }
0xc8: {  	s9 =	sadd.s32 $0xFFFFFFFA, s8;
	v18 =	vadd.s32 v2, v19;
	v17 =	vld [tilespmem:s6+$0xFFFFFF90]  }
0xc9: {  	v19 =	vmov s9  }
0xca: {  	v19 =	vshrl.u32 v19, $0x3  }
0xcb: {  	v19 =	vshll.u32 v19, v1  }
0xcc: {  	v19 =	vbroadcast v19, $0x0  }
0xcd: {  	[tilespmem:v18+s24+$0x0] =	vst.idx.msk $0xffff, v17  }
0xce: {  	v18 =	vadd.s32 v3, v19;
	v17 =	vld [tilespmem:s6+$0xFFFFFFA0];
	_ =	sdelay $0x4  }
0xcf: {  	[tilespmem:v18+s24+$0x0] =	vst.idx.msk $0xffff, v17  }
0xd0: {  	s22 =	sadd.s32 $0xFFFFFFFB, s8;
	v18 =	vadd.s32 v4, v19;
	v17 =	vld [tilespmem:s6+$0xFFFFFFB0]  }
0xd1: {  	v19 =	vmov s22  }
0xd2: {  	v19 =	vshrl.u32 v19, $0x3  }
0xd3: {  	v19 =	vshll.u32 v19, v1  }
0xd4: {  	v19 =	vbroadcast v19, $0x0  }
0xd5: {  	[tilespmem:v18+s24+$0x0] =	vst.idx.msk $0xffff, v17  }
0xd6: {  	v18 =	vadd.s32 v5, v19;
	v17 =	vld [tilespmem:s6+$0xFFFFFFC0];
	_ =	sdelay $0x4  }
0xd7: {  	[tilespmem:v18+s24+$0x0] =	vst.idx.msk $0xffff, v17  }
0xd8: {  	s21 =	sadd.s32 $0xFFFFFFFC, s8;
	v18 =	vadd.s32 v6, v19;
	v17 =	vld [tilespmem:s6+$0xFFFFFFD0]  }
0xd9: {  	v19 =	vmov s21  }
0xda: {  	v19 =	vshrl.u32 v19, $0x3  }
0xdb: {  	v19 =	vshll.u32 v19, v1  }
0xdc: {  	v19 =	vbroadcast v19, $0x0  }
0xdd: {  	[tilespmem:v18+s24+$0x0] =	vst.idx.msk $0xffff, v17  }
0xde: {  	v18 =	vadd.s32 v7, v19;
	v17 =	vld [tilespmem:s6+$0xFFFFFFE0];
	_ =	sdelay $0x4  }
0xdf: {  	[tilespmem:v18+s24+$0x0] =	vst.idx.msk $0xffff, v17  }
0xe0: {  	s22 =	sadd.s32 $0xFFFFFFFD, s8;
	v18 =	vadd.s32 v8, v19;
	v17 =	vld [tilespmem:s6+$0xFFFFFFF0]  }
0xe1: {  	v19 =	vmov s22  }
0xe2: {  	v19 =	vshrl.u32 v19, $0x3  }
0xe3: {  	v19 =	vshll.u32 v19, v1  }
0xe4: {  	v19 =	vbroadcast v19, $0x0  }
0xe5: {  	[tilespmem:v18+s24+$0x0] =	vst.idx.msk $0xffff, v17  }
0xe6: {  	v18 =	vadd.s32 v9, v19;
	v17 =	vld [tilespmem:s6+$0x0];
	_ =	sdelay $0x4  }
0xe7: {  	[tilespmem:v18+s24+$0x0] =	vst.idx.msk $0xffff, v17  }
0xe8: {  	s21 =	sadd.s32 $0xFFFFFFFE, s8;
	v18 =	vadd.s32 v10, v19;
	v17 =	vld [tilespmem:s6+$0x10]  }
0xe9: {  	v19 =	vmov s21  }
0xea: {  	v19 =	vshrl.u32 v19, $0x3  }
0xeb: {  	v19 =	vshll.u32 v19, v1  }
0xec: {  	v19 =	vbroadcast v19, $0x0  }
0xed: {  	[tilespmem:v18+s24+$0x0] =	vst.idx.msk $0xffff, v17  }
0xee: {  	v18 =	vadd.s32 v11, v19;
	v17 =	vld [tilespmem:s6+$0x20];
	_ =	sdelay $0x4  }
0xef: {  	[tilespmem:v18+s24+$0x0] =	vst.idx.msk $0xffff, v17  }
0xf0: {  	s22 =	sadd.s32 $0xFFFFFFFF, s8;
	v18 =	vadd.s32 v12, v19;
	v17 =	vld [tilespmem:s6+$0x30]  }
0xf1: {  	v19 =	vmov s22  }
0xf2: {  	v19 =	vshrl.u32 v19, $0x3  }
0xf3: {  	v19 =	vshll.u32 v19, v1  }
0xf4: {  	v19 =	vbroadcast v19, $0x0  }
0xf5: {  	[tilespmem:v18+s24+$0x0] =	vst.idx.msk $0xffff, v17  }
0xf6: {  	v18 =	vadd.s32 v13, v19;
	v17 =	vld [tilespmem:s6+$0x40];
	_ =	sdelay $0x4  }
0xf7: {  	[tilespmem:v18+s24+$0x0] =	vst.idx.msk $0xffff, v17  }
0xf8: {  	v18 =	vadd.s32 v14, v19;
	v17 =	vld [tilespmem:s6+$0x50]  }
0xf9: {  	v19 =	vmov s8  }
0xfa: {  	v19 =	vshrl.u32 v19, $0x3  }
0xfb: {  	v19 =	vshll.u32 v19, v1  }
0xfc: {  	v19 =	vbroadcast v19, $0x0  }
0xfd: {  	[tilespmem:v18+s24+$0x0] =	vst.idx.msk $0xffff, v17  }
0xfe: {  	v18 =	vadd.s32 v15, v19;
	v17 =	vld [tilespmem:s6+$0x60];
	_ =	sdelay $0x3  }
0xff: {  	s9 =	sadd.s32 s5, s19  }
0x100: {  	s21 =	sshrl.u32 s9, $0x5;
	[tilespmem:v18+s24+$0x0] =	vst.idx.msk $0xffff, v17  }
0x101: {  	s22 =	sshll.u32 s21, $0x8;
	s8 =	sshll.u32 s9, $0x3;
	v18 =	vadd.s32 v16, v19;
	v17 =	vld [tilespmem:s6+$0x70]  }
0x102: {  	s9 =	sshll.u32 s21, $0xA;
	s6 =	ssub.s32 s8, s22  }
0x103: {  	s6 =	sadd.s32 s9, s6  }
0x104: {  	s8 =	sshll.u32 s6, $0x4  }
0x105: {  	s21 =	sand.u32 $0x1FFFFF80, s8  }
0x106: {  	s9 =	sadd.s32 s2, s21;
	[tilespmem:v18+s24+$0x0] =	vst.idx.msk $0xffff, v17  }
0x107: {  	[hbm4b:s9+s3] =	stream.linear.scatter [tilespmem:s24], [sflag:$0x5], $0x80, $0x38;
	[tilespmem:$0x16800] =	vst v63  }
0x108: {  	s22 =	simm.s32 $0xE508;
	s21 =	sadd.s32 $0x10, s9  }
0x109: {  	[hbm4b:s21+s3] =	stream.linear.scatter [tilespmem:s22], [sflag:$0x5], $0x80, $0x38;
	[tilespmem:$0x16800] =	vst v63  }
0x10a: {  	s21 =	sadd.s32 $0x20, s9;
	s22 =	simm.s32 $0xE610  }
0x10b: {  	[hbm4b:s21+s3] =	stream.linear.scatter [tilespmem:s22], [sflag:$0x5], $0x80, $0x38;
	[tilespmem:$0x16800] =	vst v63  }
0x10c: {  	s21 =	sadd.s32 $0x30, s9;
	s22 =	simm.s32 $0xE718  }
0x10d: {  	[hbm4b:s21+s3] =	stream.linear.scatter [tilespmem:s22], [sflag:$0x5], $0x80, $0x38;
	[tilespmem:$0x16800] =	vst v63  }
0x10e: {  	s21 =	sadd.s32 $0x40, s9;
	s22 =	simm.s32 $0xE820  }
0x10f: {  	[hbm4b:s21+s3] =	stream.linear.scatter [tilespmem:s22], [sflag:$0x5], $0x80, $0x38;
	[tilespmem:$0x16800] =	vst v63  }
0x110: {  	s21 =	sadd.s32 $0x50, s9;
	s22 =	simm.s32 $0xE928  }
0x111: {  	[hbm4b:s21+s3] =	stream.linear.scatter [tilespmem:s22], [sflag:$0x5], $0x80, $0x38;
	[tilespmem:$0x16800] =	vst v63  }
0x112: {  	s21 =	sadd.s32 $0x60, s9;
	s22 =	simm.s32 $0xEA30  }
0x113: {  	[hbm4b:s21+s3] =	stream.linear.scatter [tilespmem:s22], [sflag:$0x5], $0x80, $0x38;
	[tilespmem:$0x16800] =	vst v63  }
0x114: {  	s8 =	sand.u32 $0x1FFFFF00, s8;
	s9 =	sadd.s32 $0x70, s9;
	s22 =	simm.s32 $0xEB38  }
0x115: {  	[hbm4b:s9+s3] =	stream.linear.scatter [tilespmem:s22], [sflag:$0x5], $0x80, $0x38;
	[tilespmem:$0x16800] =	vst v63  }
0x116: {  	s8 =	sadd.s32 s8, s7;
	s22 =	simm.s32 $0xE480  }
0x117: {  	[hbm4b:s8+s3] =	stream.linear.scatter [tilespmem:s22], [sflag:$0x5], $0x80, $0x38;
	[tilespmem:$0x16800] =	vst v63  }
0x118: {  	s21 =	sadd.s32 $0x10, s8;
	s22 =	simm.s32 $0xE588  }
0x119: {  	[hbm4b:s21+s3] =	stream.linear.scatter [tilespmem:s22], [sflag:$0x5], $0x80, $0x38;
	[tilespmem:$0x16800] =	vst v63  }
0x11a: {  	s21 =	sadd.s32 $0x20, s8;
	s22 =	simm.s32 $0xE690  }
0x11b: {  	[hbm4b:s21+s3] =	stream.linear.scatter [tilespmem:s22], [sflag:$0x5], $0x80, $0x38;
	[tilespmem:$0x16800] =	vst v63  }
0x11c: {  	s21 =	sadd.s32 $0x30, s8;
	s22 =	simm.s32 $0xE798  }
0x11d: {  	[hbm4b:s21+s3] =	stream.linear.scatter [tilespmem:s22], [sflag:$0x5], $0x80, $0x38;
	[tilespmem:$0x16800] =	vst v63  }
0x11e: {  	s21 =	sadd.s32 $0x40, s8;
	s22 =	simm.s32 $0xE8A0  }
0x11f: {  	[hbm4b:s21+s3] =	stream.linear.scatter [tilespmem:s22], [sflag:$0x5], $0x80, $0x38;
	[tilespmem:$0x16800] =	vst v63  }
0x120: {  	s21 =	sadd.s32 $0x50, s8;
	s22 =	simm.s32 $0xE9A8  }
0x121: {  	[hbm4b:s21+s3] =	stream.linear.scatter [tilespmem:s22], [sflag:$0x5], $0x80, $0x38;
	[tilespmem:$0x16800] =	vst v63  }
0x122: {  	s6 =	sshll.u32 s6, $0x7;
	s21 =	sadd.s32 $0x60, s8;
	s22 =	simm.s32 $0xEAB0  }
0x123: {  	[hbm4b:s21+s3] =	stream.linear.scatter [tilespmem:s22], [sflag:$0x5], $0x80, $0x38;
	[tilespmem:$0x16800] =	vst v63  }
0x124: {  	s8 =	sadd.s32 $0x70, s8;
	s22 =	simm.s32 $0xEBB8;
	s21 =	sadd.s32 $0x8000, s6  }
0x125: {  	[hbm4b:s8+s3] =	stream.linear.scatter [tilespmem:s22], [sflag:$0x5], $0x80, $0x38;
	[tilespmem:$0x16800] =	vst v63  }
0x126: {  	s8 =	sshrl.u32 s21, $0x3  }
0x127: {  	s22 =	simm.s32 $0xEC40;
	s8 =	sadd.s32 s2, s8  }
0x128: {  	[hbm4b:s8+s3] =	stream.linear.scatter [tilespmem:s22], [sflag:$0x5], $0x80, $0x38;
	[tilespmem:$0x16800] =	vst v63  }
0x129: {  	s21 =	sadd.s32 $0x10, s8;
	s22 =	simm.s32 $0xED48  }
0x12a: {  	[hbm4b:s21+s3] =	stream.linear.scatter [tilespmem:s22], [sflag:$0x5], $0x80, $0x38;
	[tilespmem:$0x16800] =	vst v63  }
0x12b: {  	s21 =	sadd.s32 $0x20, s8;
	s22 =	simm.s32 $0xEE50  }
0x12c: {  	[hbm4b:s21+s3] =	stream.linear.scatter [tilespmem:s22], [sflag:$0x5], $0x80, $0x38;
	[tilespmem:$0x16800] =	vst v63  }
0x12d: {  	s21 =	sadd.s32 $0x30, s8;
	s22 =	simm.s32 $0xEF58  }
0x12e: {  	[hbm4b:s21+s3] =	stream.linear.scatter [tilespmem:s22], [sflag:$0x5], $0x80, $0x38;
	[tilespmem:$0x16800] =	vst v63  }
0x12f: {  	s21 =	sadd.s32 $0x40, s8;
	s22 =	simm.s32 $0xF060  }
0x130: {  	[hbm4b:s21+s3] =	stream.linear.scatter [tilespmem:s22], [sflag:$0x5], $0x80, $0x38;
	[tilespmem:$0x16800] =	vst v63  }
0x131: {  	s21 =	sadd.s32 $0x50, s8;
	s22 =	simm.s32 $0xF168  }
0x132: {  	[hbm4b:s21+s3] =	stream.linear.scatter [tilespmem:s22], [sflag:$0x5], $0x80, $0x38;
	[tilespmem:$0x16800] =	vst v63  }
0x133: {  	s21 =	sadd.s32 $0x60, s8;
	s22 =	simm.s32 $0xF270  }
0x134: {  	[hbm4b:s21+s3] =	stream.linear.scatter [tilespmem:s22], [sflag:$0x5], $0x80, $0x38;
	[tilespmem:$0x16800] =	vst v63  }
0x135: {  	s8 =	sadd.s32 $0x70, s8;
	s22 =	simm.s32 $0xF378;
	s21 =	sadd.s32 $0x8400, s6  }
0x136: {  	[hbm4b:s8+s3] =	stream.linear.scatter [tilespmem:s22], [sflag:$0x5], $0x80, $0x38;
	[tilespmem:$0x16800] =	vst v63  }
0x137: {  	s8 =	sshrl.u32 s21, $0x3  }
0x138: {  	s22 =	simm.s32 $0xECC0;
	s8 =	sadd.s32 s2, s8  }
0x139: {  	[hbm4b:s8+s3] =	stream.linear.scatter [tilespmem:s22], [sflag:$0x5], $0x80, $0x38;
	[tilespmem:$0x16800] =	vst v63  }
0x13a: {  	s21 =	sadd.s32 $0x10, s8;
	s22 =	simm.s32 $0xEDC8  }
0x13b: {  	[hbm4b:s21+s3] =	stream.linear.scatter [tilespmem:s22], [sflag:$0x5], $0x80, $0x38;
	[tilespmem:$0x16800] =	vst v63  }
0x13c: {  	s21 =	sadd.s32 $0x20, s8;
	s22 =	simm.s32 $0xEED0  }
0x13d: {  	[hbm4b:s21+s3] =	stream.linear.scatter [tilespmem:s22], [sflag:$0x5], $0x80, $0x38;
	[tilespmem:$0x16800] =	vst v63  }
0x13e: {  	s21 =	sadd.s32 $0x30, s8;
	s22 =	simm.s32 $0xEFD8  }
0x13f: {  	[hbm4b:s21+s3] =	stream.linear.scatter [tilespmem:s22], [sflag:$0x5], $0x80, $0x38;
	[tilespmem:$0x16800] =	vst v63  }
0x140: {  	s21 =	sadd.s32 $0x40, s8;
	s22 =	simm.s32 $0xF0E0  }
0x141: {  	[hbm4b:s21+s3] =	stream.linear.scatter [tilespmem:s22], [sflag:$0x5], $0x80, $0x38;
	[tilespmem:$0x16800] =	vst v63  }
0x142: {  	s21 =	sadd.s32 $0x50, s8;
	s22 =	simm.s32 $0xF1E8  }
0x143: {  	[hbm4b:s21+s3] =	stream.linear.scatter [tilespmem:s22], [sflag:$0x5], $0x80, $0x38;
	[tilespmem:$0x16800] =	vst v63  }
0x144: {  	s21 =	sadd.s32 $0x60, s8;
	s22 =	simm.s32 $0xF2F0  }
0x145: {  	[hbm4b:s21+s3] =	stream.linear.scatter [tilespmem:s22], [sflag:$0x5], $0x80, $0x38;
	[tilespmem:$0x16800] =	vst v63  }
0x146: {  	s8 =	sadd.s32 $0x70, s8;
	s22 =	simm.s32 $0xF3F8;
	s21 =	sadd.s32 $0x10000, s6  }
0x147: {  	[hbm4b:s8+s3] =	stream.linear.scatter [tilespmem:s22], [sflag:$0x5], $0x80, $0x38;
	[tilespmem:$0x16800] =	vst v63  }
0x148: {  	s8 =	sshrl.u32 s21, $0x3  }
0x149: {  	s22 =	simm.s32 $0xF480;
	s8 =	sadd.s32 s2, s8  }
0x14a: {  	[hbm4b:s8+s3] =	stream.linear.scatter [tilespmem:s22], [sflag:$0x5], $0x80, $0x38;
	[tilespmem:$0x16800] =	vst v63  }
0x14b: {  	s21 =	sadd.s32 $0x10, s8;
	s22 =	simm.s32 $0xF588  }
0x14c: {  	[hbm4b:s21+s3] =	stream.linear.scatter [tilespmem:s22], [sflag:$0x5], $0x80, $0x38;
	[tilespmem:$0x16800] =	vst v63  }
0x14d: {  	s21 =	sadd.s32 $0x20, s8;
	s22 =	simm.s32 $0xF690  }
0x14e: {  	[hbm4b:s21+s3] =	stream.linear.scatter [tilespmem:s22], [sflag:$0x5], $0x80, $0x38;
	[tilespmem:$0x16800] =	vst v63  }
0x14f: {  	s21 =	sadd.s32 $0x30, s8;
	s22 =	simm.s32 $0xF798  }
0x150: {  	[hbm4b:s21+s3] =	stream.linear.scatter [tilespmem:s22], [sflag:$0x5], $0x80, $0x38;
	[tilespmem:$0x16800] =	vst v63  }
0x151: {  	s21 =	sadd.s32 $0x40, s8;
	s22 =	simm.s32 $0xF8A0  }
0x152: {  	[hbm4b:s21+s3] =	stream.linear.scatter [tilespmem:s22], [sflag:$0x5], $0x80, $0x38;
	[tilespmem:$0x16800] =	vst v63  }
0x153: {  	s21 =	sadd.s32 $0x50, s8;
	s22 =	simm.s32 $0xF9A8  }
0x154: {  	[hbm4b:s21+s3] =	stream.linear.scatter [tilespmem:s22], [sflag:$0x5], $0x80, $0x38;
	[tilespmem:$0x16800] =	vst v63  }
0x155: {  	s21 =	sadd.s32 $0x60, s8;
	s22 =	simm.s32 $0xFAB0  }
0x156: {  	[hbm4b:s21+s3] =	stream.linear.scatter [tilespmem:s22], [sflag:$0x5], $0x80, $0x38;
	[tilespmem:$0x16800] =	vst v63  }
0x157: {  	s8 =	sadd.s32 $0x70, s8;
	s22 =	simm.s32 $0xFBB8;
	s21 =	sadd.s32 $0x10400, s6  }
0x158: {  	[hbm4b:s8+s3] =	stream.linear.scatter [tilespmem:s22], [sflag:$0x5], $0x80, $0x38;
	[tilespmem:$0x16800] =	vst v63  }
0x159: {  	s8 =	sshrl.u32 s21, $0x3  }
0x15a: {  	s22 =	simm.s32 $0xF500;
	s8 =	sadd.s32 s2, s8  }
0x15b: {  	[hbm4b:s8+s3] =	stream.linear.scatter [tilespmem:s22], [sflag:$0x5], $0x80, $0x38;
	[tilespmem:$0x16800] =	vst v63  }
0x15c: {  	s21 =	sadd.s32 $0x10, s8;
	s22 =	simm.s32 $0xF608  }
0x15d: {  	[hbm4b:s21+s3] =	stream.linear.scatter [tilespmem:s22], [sflag:$0x5], $0x80, $0x38;
	[tilespmem:$0x16800] =	vst v63  }
0x15e: {  	s21 =	sadd.s32 $0x20, s8;
	s22 =	simm.s32 $0xF710  }
0x15f: {  	[hbm4b:s21+s3] =	stream.linear.scatter [tilespmem:s22], [sflag:$0x5], $0x80, $0x38;
	[tilespmem:$0x16800] =	vst v63  }
0x160: {  	s21 =	sadd.s32 $0x30, s8;
	s22 =	simm.s32 $0xF818  }
0x161: {  	[hbm4b:s21+s3] =	stream.linear.scatter [tilespmem:s22], [sflag:$0x5], $0x80, $0x38;
	[tilespmem:$0x16800] =	vst v63  }
0x162: {  	s21 =	sadd.s32 $0x40, s8;
	s22 =	simm.s32 $0xF920  }
0x163: {  	[hbm4b:s21+s3] =	stream.linear.scatter [tilespmem:s22], [sflag:$0x5], $0x80, $0x38;
	[tilespmem:$0x16800] =	vst v63  }
0x164: {  	s21 =	sadd.s32 $0x50, s8;
	s22 =	simm.s32 $0xFA28  }
0x165: {  	[hbm4b:s21+s3] =	stream.linear.scatter [tilespmem:s22], [sflag:$0x5], $0x80, $0x38;
	[tilespmem:$0x16800] =	vst v63  }
0x166: {  	s21 =	sadd.s32 $0x60, s8;
	s22 =	simm.s32 $0xFB30  }
0x167: {  	[hbm4b:s21+s3] =	stream.linear.scatter [tilespmem:s22], [sflag:$0x5], $0x80, $0x38;
	[tilespmem:$0x16800] =	vst v63  }
0x168: {  	s8 =	sadd.s32 $0x70, s8;
	s22 =	simm.s32 $0xFC38;
	s21 =	sadd.s32 $0x18000, s6  }
0x169: {  	[hbm4b:s8+s3] =	stream.linear.scatter [tilespmem:s22], [sflag:$0x5], $0x80, $0x38;
	[tilespmem:$0x16800] =	vst v63  }
0x16a: {  	s8 =	sshrl.u32 s21, $0x3  }
0x16b: {  	s22 =	simm.s32 $0xFCC0;
	s8 =	sadd.s32 s2, s8  }
0x16c: {  	[hbm4b:s8+s3] =	stream.linear.scatter [tilespmem:s22], [sflag:$0x5], $0x80, $0x38;
	[tilespmem:$0x16800] =	vst v63  }
0x16d: {  	s21 =	sadd.s32 $0x10, s8;
	s22 =	simm.s32 $0xFDC8  }
0x16e: {  	[hbm4b:s21+s3] =	stream.linear.scatter [tilespmem:s22], [sflag:$0x5], $0x80, $0x38;
	[tilespmem:$0x16800] =	vst v63  }
0x16f: {  	s21 =	sadd.s32 $0x20, s8;
	s22 =	simm.s32 $0xFED0  }
0x170: {  	[hbm4b:s21+s3] =	stream.linear.scatter [tilespmem:s22], [sflag:$0x5], $0x80, $0x38;
	[tilespmem:$0x16800] =	vst v63  }
0x171: {  	s21 =	sadd.s32 $0x30, s8;
	s22 =	simm.s32 $0xFFD8  }
0x172: {  	[hbm4b:s21+s3] =	stream.linear.scatter [tilespmem:s22], [sflag:$0x5], $0x80, $0x38;
	[tilespmem:$0x16800] =	vst v63  }
0x173: {  	s21 =	sadd.s32 $0x40, s8;
	s22 =	simm.s32 $0x100E0  }
0x174: {  	[hbm4b:s21+s3] =	stream.linear.scatter [tilespmem:s22], [sflag:$0x5], $0x80, $0x38;
	[tilespmem:$0x16800] =	vst v63  }
0x175: {  	s21 =	sadd.s32 $0x50, s8;
	s22 =	simm.s32 $0x101E8  }
0x176: {  	[hbm4b:s21+s3] =	stream.linear.scatter [tilespmem:s22], [sflag:$0x5], $0x80, $0x38;
	[tilespmem:$0x16800] =	vst v63  }
0x177: {  	s6 =	sadd.s32 $0x18400, s6;
	s21 =	sadd.s32 $0x60, s8;
	s22 =	simm.s32 $0x102F0  }
0x178: {  	[hbm4b:s21+s3] =	stream.linear.scatter [tilespmem:s22], [sflag:$0x5], $0x80, $0x38;
	[tilespmem:$0x16800] =	vst v63  }
0x179: {  	s6 =	sshrl.u32 s6, $0x3;
	s8 =	sadd.s32 $0x70, s8;
	s22 =	simm.s32 $0x103F8  }
0x17a: {  	[hbm4b:s8+s3] =	stream.linear.scatter [tilespmem:s22], [sflag:$0x5], $0x80, $0x38;
	[tilespmem:$0x16800] =	vst v63  }
0x17b: {  	s9 =	simm.s32 $0xFD40;
	s6 =	sadd.s32 s2, s6  }
0x17c: {  	[hbm4b:s6+s3] =	stream.linear.scatter [tilespmem:s9], [sflag:$0x5], $0x80, $0x38;
	[tilespmem:$0x16800] =	vst v63  }
0x17d: {  	s21 =	sadd.s32 $0x10, s6;
	s22 =	simm.s32 $0xFE48  }
0x17e: {  	[hbm4b:s21+s3] =	stream.linear.scatter [tilespmem:s22], [sflag:$0x5], $0x80, $0x38;
	[tilespmem:$0x16800] =	vst v63  }
0x17f: {  	s21 =	sadd.s32 $0x20, s6;
	s22 =	simm.s32 $0xFF50  }
0x180: {  	[hbm4b:s21+s3] =	stream.linear.scatter [tilespmem:s22], [sflag:$0x5], $0x80, $0x38;
	[tilespmem:$0x16800] =	vst v63  }
0x181: {  	s21 =	sadd.s32 $0x30, s6;
	s22 =	simm.s32 $0x10058  }
0x182: {  	[hbm4b:s21+s3] =	stream.linear.scatter [tilespmem:s22], [sflag:$0x5], $0x80, $0x38;
	[tilespmem:$0x16800] =	vst v63  }
0x183: {  	s21 =	sadd.s32 $0x40, s6;
	s22 =	simm.s32 $0x10160  }
0x184: {  	[hbm4b:s21+s3] =	stream.linear.scatter [tilespmem:s22], [sflag:$0x5], $0x80, $0x38;
	[tilespmem:$0x16800] =	vst v63  }
0x185: {  	p1 =	sne.s32 s13, $0x18;
	s21 =	sadd.s32 $0x50, s6;
	s22 =	simm.s32 $0x10268  }
0x186: {  	[hbm4b:s21+s3] =	stream.linear.scatter [tilespmem:s22], [sflag:$0x5], $0x80, $0x38;
	[tilespmem:$0x16800] =	vst v63  }
.Ltmp1:
0x187: {  	_ = 	snop;
	(pc) =	sbr.rel @p1 .LBB2_6-.Ltmp1, $4  }
0x188: {  	s9 =	sadd.s32 $0x60, s6;
	s21 =	simm.s32 $0x10370  }
0x189: {  	[hbm4b:s9+s3] =	stream.linear.scatter [tilespmem:s21], [sflag:$0x5], $0x80, $0x38;
	[tilespmem:$0x16800] =	vst v63  }
0x18a: {  	s6 =	sadd.s32 $0x70, s6;
	s22 =	simm.s32 $0x10478  }
0x18b: {  	[hbm4b:s6+s3] =	stream.linear.scatter [tilespmem:s22], [sflag:$0x5], $0x80, $0x38;
	[tilespmem:$0x16800] =	vst v63  }
.Ltmp2:
0x18c: {  	(pc) =	sbr.rel .LBB2_7-.Ltmp2, $4  }
0x18d: {  	_ = 	snop  }
0x18e: {  	_ =	swait.ge [sflag:s14], $0x2000  }
0x18f: {  	[sflag:s14] =	ssyncset.done $0x0  }
0x190: {  	[sflag:s14] =	ssyncadd.s32 $0xFFFFE000  }
.LBB2_6:
0x191: {  	s6 =	sadd.s32 $0x400, s17;
	s8 =	simm.s32 $0x6400  }
0x192: {  	[tilespmem:s8], [sflag:$0x1] =	stream.indirect.gather [hbm4b:s4+s10], $0x20, s6, s10, $0xb8;
	[tilespmem:$0x16800] =	vst v63  }
.Ltmp3:
0x193: {  	s21 =	sadd.s32 $0x480, s17;
	s22 =	simm.s32 $0x7400;
	(pc) =	sbr.rel @p0 .LBB2_8-.Ltmp3, $4  }
0x194: {  	[tilespmem:s22], [sflag:$0x1] =	stream.indirect.gather [hbm4b:s4+s10], $0x20, s21, s10, $0xb8;
	[tilespmem:$0x16800] =	vst v63  }
0x195: {  	_ =	swait.ge [sflag:s14], $0x2000  }
0x196: {  	[sflag:s14] =	ssyncset.done $0x0  }
0x197: {  	[sflag:s14] =	ssyncadd.s32 $0xFFFFE000  }
.LBB2_7:
0x198: {  	_ =	swait.ge [sflag:s16], $0x400  }
0x199: {  	[sflag:s16] =	ssyncset.done $0x0  }
0x19a: {  	[sflag:s16] =	ssyncadd.s32 $0xFFFFFC00  }
0x19b: {  	_ =	swait.ge [sflag:s16], $0x400  }
0x19c: {  	[sflag:s16] =	ssyncset.done $0x0  }
0x19d: {  	[sflag:s16] =	ssyncadd.s32 $0xFFFFFC00  }
0x19e: {  	_ =	swait.ge [sflag:s16], $0x400  }
0x19f: {  	[sflag:s16] =	ssyncset.done $0x0  }
0x1a0: {  	[sflag:s16] =	ssyncadd.s32 $0xFFFFFC00  }
0x1a1: {  	_ =	swait.ge [sflag:s16], $0x400  }
0x1a2: {  	[sflag:s16] =	ssyncset.done $0x0  }
0x1a3: {  	[sflag:s16] =	ssyncadd.s32 $0xFFFFFC00  }
0x1a4: {  	_ =	swait.ge [sflag:s16], $0x400  }
0x1a5: {  	[sflag:s16] =	ssyncset.done $0x0  }
0x1a6: {  	[sflag:s16] =	ssyncadd.s32 $0xFFFFFC00  }
0x1a7: {  	_ =	swait.ge [sflag:s16], $0x400  }
0x1a8: {  	[sflag:s16] =	ssyncset.done $0x0  }
0x1a9: {  	[sflag:s16] =	ssyncadd.s32 $0xFFFFFC00  }
0x1aa: {  	_ =	swait.ge [sflag:s16], $0x400  }
0x1ab: {  	[sflag:s16] =	ssyncset.done $0x0  }
0x1ac: {  	[sflag:s16] =	ssyncadd.s32 $0xFFFFFC00  }
0x1ad: {  	_ =	swait.ge [sflag:s16], $0x400  }
0x1ae: {  	[sflag:s16] =	ssyncset.done $0x0  }
0x1af: {  	[sflag:s16] =	ssyncadd.s32 $0xFFFFFC00  }
.LBB2_8:
0x1b0: {  	s6 =	simm.s32 $0x0  }
0x1b1: {  	v17 =	vmov s6  }
0x1b2: {  	v17 =	vshrl.u32 v17, $0x3  }
0x1b3: {  	v17 =	vshll.u32 v17, v1  }
0x1b4: {  	v17 =	vbroadcast v17, $0x0  }
0x1b5: {  	s6 =	simm.s32 $0x8480  }
0x1b6: {  	v18 =	vld [tilespmem:s6+$0xFFFFFF80];
	v19 =	vadd.s32 v0, v17;
	_ =	sdelay $0x4  }
0x1b7: {  	[tilespmem:v19+s18+$0x0] =	vst.idx.msk $0xffff, v18  }
0x1b8: {  	s8 =	simm.s32 $0x1;
	v17 =	vadd.s32 v2, v17;
	v18 =	vld [tilespmem:s6+$0xFFFFFF90]  }
0x1b9: {  	v19 =	vmov s8  }
0x1ba: {  	v19 =	vshrl.u32 v19, $0x3  }
0x1bb: {  	v19 =	vshll.u32 v19, v1  }
0x1bc: {  	v19 =	vbroadcast v19, $0x0  }
0x1bd: {  	[tilespmem:v17+s18+$0x0] =	vst.idx.msk $0xffff, v18  }
0x1be: {  	v18 =	vadd.s32 v3, v19;
	v17 =	vld [tilespmem:s6+$0xFFFFFFA0];
	_ =	sdelay $0x4  }
0x1bf: {  	[tilespmem:v18+s18+$0x0] =	vst.idx.msk $0xffff, v17  }
0x1c0: {  	s9 =	simm.s32 $0x2;
	v18 =	vadd.s32 v4, v19;
	v17 =	vld [tilespmem:s6+$0xFFFFFFB0]  }
0x1c1: {  	v19 =	vmov s9  }
0x1c2: {  	v19 =	vshrl.u32 v19, $0x3  }
0x1c3: {  	v19 =	vshll.u32 v19, v1  }
0x1c4: {  	v19 =	vbroadcast v19, $0x0  }
0x1c5: {  	[tilespmem:v18+s18+$0x0] =	vst.idx.msk $0xffff, v17  }
0x1c6: {  	v18 =	vadd.s32 v5, v19;
	v17 =	vld [tilespmem:s6+$0xFFFFFFC0];
	_ =	sdelay $0x4  }
0x1c7: {  	[tilespmem:v18+s18+$0x0] =	vst.idx.msk $0xffff, v17  }
0x1c8: {  	s21 =	simm.s32 $0x3;
	v18 =	vadd.s32 v6, v19;
	v17 =	vld [tilespmem:s6+$0xFFFFFFD0]  }
0x1c9: {  	v19 =	vmov s21  }
0x1ca: {  	v19 =	vshrl.u32 v19, $0x3  }
0x1cb: {  	v19 =	vshll.u32 v19, v1  }
0x1cc: {  	v19 =	vbroadcast v19, $0x0  }
0x1cd: {  	[tilespmem:v18+s18+$0x0] =	vst.idx.msk $0xffff, v17  }
0x1ce: {  	v18 =	vadd.s32 v7, v19;
	v17 =	vld [tilespmem:s6+$0xFFFFFFE0];
	_ =	sdelay $0x4  }
0x1cf: {  	[tilespmem:v18+s18+$0x0] =	vst.idx.msk $0xffff, v17  }
0x1d0: {  	s22 =	simm.s32 $0x4;
	v18 =	vadd.s32 v8, v19;
	v17 =	vld [tilespmem:s6+$0xFFFFFFF0]  }
0x1d1: {  	v19 =	vmov s22  }
0x1d2: {  	v19 =	vshrl.u32 v19, $0x3  }
0x1d3: {  	v19 =	vshll.u32 v19, v1  }
0x1d4: {  	v19 =	vbroadcast v19, $0x0  }
0x1d5: {  	[tilespmem:v18+s18+$0x0] =	vst.idx.msk $0xffff, v17  }
0x1d6: {  	v18 =	vadd.s32 v9, v19;
	v17 =	vld [tilespmem:s6+$0x0];
	_ =	sdelay $0x4  }
0x1d7: {  	[tilespmem:v18+s18+$0x0] =	vst.idx.msk $0xffff, v17  }
0x1d8: {  	s9 =	simm.s32 $0x5;
	v18 =	vadd.s32 v10, v19;
	v17 =	vld [tilespmem:s6+$0x10]  }
0x1d9: {  	v19 =	vmov s9  }
0x1da: {  	v19 =	vshrl.u32 v19, $0x3  }
0x1db: {  	v19 =	vshll.u32 v19, v1  }
0x1dc: {  	v19 =	vbroadcast v19, $0x0  }
0x1dd: {  	[tilespmem:v18+s18+$0x0] =	vst.idx.msk $0xffff, v17  }
0x1de: {  	v18 =	vadd.s32 v11, v19;
	v17 =	vld [tilespmem:s6+$0x20];
	_ =	sdelay $0x4  }
0x1df: {  	[tilespmem:v18+s18+$0x0] =	vst.idx.msk $0xffff, v17  }
0x1e0: {  	s21 =	simm.s32 $0x6;
	v18 =	vadd.s32 v12, v19;
	v17 =	vld [tilespmem:s6+$0x30]  }
0x1e1: {  	v19 =	vmov s21  }
0x1e2: {  	v19 =	vshrl.u32 v19, $0x3  }
0x1e3: {  	v19 =	vshll.u32 v19, v1  }
0x1e4: {  	v19 =	vbroadcast v19, $0x0  }
0x1e5: {  	[tilespmem:v18+s18+$0x0] =	vst.idx.msk $0xffff, v17  }
0x1e6: {  	v18 =	vadd.s32 v13, v19;
	v17 =	vld [tilespmem:s6+$0x40];
	_ =	sdelay $0x4  }
0x1e7: {  	[tilespmem:v18+s18+$0x0] =	vst.idx.msk $0xffff, v17  }
0x1e8: {  	s22 =	simm.s32 $0x7;
	v18 =	vadd.s32 v14, v19;
	v17 =	vld [tilespmem:s6+$0x50]  }
0x1e9: {  	v19 =	vmov s22  }
0x1ea: {  	v19 =	vshrl.u32 v19, $0x3  }
0x1eb: {  	v19 =	vshll.u32 v19, v1  }
0x1ec: {  	v19 =	vbroadcast v19, $0x0  }
0x1ed: {  	[tilespmem:v18+s18+$0x0] =	vst.idx.msk $0xffff, v17  }
0x1ee: {  	v18 =	vadd.s32 v15, v19;
	v17 =	vld [tilespmem:s6+$0x60];
	_ =	sdelay $0x4  }
0x1ef: {  	[tilespmem:v18+s18+$0x0] =	vst.idx.msk $0xffff, v17  }
0x1f0: {  	s8 =	simm.s32 $0xF;
	s9 =	simm.s32 $0x17;
	s21 =	simm.s32 $0x8;
	v18 =	vadd.s32 v16, v19;
	v17 =	vld [tilespmem:s6+$0x70]  }
.LBB2_9:
0x1f1: {  	p2 =	sne.s32 s9, $0xFF;
	v19 =	vmov s21  }
0x1f2: {  	v19 =	vshrl.u32 v19, $0x3  }
0x1f3: {  	v19 =	vshll.u32 v19, v1  }
0x1f4: {  	v19 =	vbroadcast v19, $0x0  }
0x1f5: {  	s6 =	sadd.s32 $0x100, s6;
	[tilespmem:v18+s18+$0x0] =	vst.idx.msk $0xffff, v17  }
0x1f6: {  	v17 =	vld [tilespmem:s6+$0xFFFFFF80];
	v18 =	vadd.s32 v0, v19;
	_ =	sdelay $0x4  }
0x1f7: {  	[tilespmem:v18+s18+$0x0] =	vst.idx.msk $0xffff, v17  }
0x1f8: {  	s21 =	sadd.s32 $0xFFFFFFFA, s8;
	v18 =	vadd.s32 v2, v19;
	v17 =	vld [tilespmem:s6+$0xFFFFFF90]  }
0x1f9: {  	v19 =	vmov s21  }
0x1fa: {  	v19 =	vshrl.u32 v19, $0x3  }
0x1fb: {  	v19 =	vshll.u32 v19, v1  }
0x1fc: {  	v19 =	vbroadcast v19, $0x0  }
0x1fd: {  	[tilespmem:v18+s18+$0x0] =	vst.idx.msk $0xffff, v17  }
0x1fe: {  	v18 =	vadd.s32 v3, v19;
	v17 =	vld [tilespmem:s6+$0xFFFFFFA0];
	_ =	sdelay $0x4  }
0x1ff: {  	[tilespmem:v18+s18+$0x0] =	vst.idx.msk $0xffff, v17  }
0x200: {  	s21 =	sadd.s32 $0xFFFFFFFB, s8;
	v18 =	vadd.s32 v4, v19;
	v17 =	vld [tilespmem:s6+$0xFFFFFFB0]  }
0x201: {  	v19 =	vmov s21  }
0x202: {  	v19 =	vshrl.u32 v19, $0x3  }
0x203: {  	v19 =	vshll.u32 v19, v1  }
0x204: {  	v19 =	vbroadcast v19, $0x0  }
0x205: {  	[tilespmem:v18+s18+$0x0] =	vst.idx.msk $0xffff, v17  }
0x206: {  	v18 =	vadd.s32 v5, v19;
	v17 =	vld [tilespmem:s6+$0xFFFFFFC0];
	_ =	sdelay $0x4  }
0x207: {  	[tilespmem:v18+s18+$0x0] =	vst.idx.msk $0xffff, v17  }
0x208: {  	s21 =	sadd.s32 $0xFFFFFFFC, s8;
	v18 =	vadd.s32 v6, v19;
	v17 =	vld [tilespmem:s6+$0xFFFFFFD0]  }
0x209: {  	v19 =	vmov s21  }
0x20a: {  	v19 =	vshrl.u32 v19, $0x3  }
0x20b: {  	v19 =	vshll.u32 v19, v1  }
0x20c: {  	v19 =	vbroadcast v19, $0x0  }
0x20d: {  	[tilespmem:v18+s18+$0x0] =	vst.idx.msk $0xffff, v17  }
0x20e: {  	v18 =	vadd.s32 v7, v19;
	v17 =	vld [tilespmem:s6+$0xFFFFFFE0];
	_ =	sdelay $0x4  }
0x20f: {  	[tilespmem:v18+s18+$0x0] =	vst.idx.msk $0xffff, v17  }
0x210: {  	s21 =	sadd.s32 $0xFFFFFFFD, s8;
	v18 =	vadd.s32 v8, v19;
	v17 =	vld [tilespmem:s6+$0xFFFFFFF0]  }
0x211: {  	v19 =	vmov s21  }
0x212: {  	v19 =	vshrl.u32 v19, $0x3  }
0x213: {  	v19 =	vshll.u32 v19, v1  }
0x214: {  	v19 =	vbroadcast v19, $0x0  }
0x215: {  	[tilespmem:v18+s18+$0x0] =	vst.idx.msk $0xffff, v17  }
0x216: {  	v18 =	vadd.s32 v9, v19;
	v17 =	vld [tilespmem:s6+$0x0];
	_ =	sdelay $0x4  }
0x217: {  	[tilespmem:v18+s18+$0x0] =	vst.idx.msk $0xffff, v17  }
0x218: {  	s21 =	sadd.s32 $0xFFFFFFFE, s8;
	v18 =	vadd.s32 v10, v19;
	v17 =	vld [tilespmem:s6+$0x10]  }
0x219: {  	v19 =	vmov s21  }
0x21a: {  	v19 =	vshrl.u32 v19, $0x3  }
0x21b: {  	v19 =	vshll.u32 v19, v1  }
0x21c: {  	v19 =	vbroadcast v19, $0x0  }
0x21d: {  	[tilespmem:v18+s18+$0x0] =	vst.idx.msk $0xffff, v17  }
0x21e: {  	v18 =	vadd.s32 v11, v19;
	v17 =	vld [tilespmem:s6+$0x20];
	_ =	sdelay $0x4  }
0x21f: {  	[tilespmem:v18+s18+$0x0] =	vst.idx.msk $0xffff, v17  }
0x220: {  	s21 =	sadd.s32 $0xFFFFFFFF, s8;
	v18 =	vadd.s32 v12, v19;
	v17 =	vld [tilespmem:s6+$0x30]  }
0x221: {  	v19 =	vmov s21  }
0x222: {  	v19 =	vshrl.u32 v19, $0x3  }
0x223: {  	v19 =	vshll.u32 v19, v1  }
0x224: {  	v19 =	vbroadcast v19, $0x0  }
0x225: {  	[tilespmem:v18+s18+$0x0] =	vst.idx.msk $0xffff, v17  }
0x226: {  	v18 =	vadd.s32 v13, v19;
	v17 =	vld [tilespmem:s6+$0x40];
	_ =	sdelay $0x4  }
0x227: {  	[tilespmem:v18+s18+$0x0] =	vst.idx.msk $0xffff, v17  }
0x228: {  	v18 =	vadd.s32 v14, v19;
	v17 =	vld [tilespmem:s6+$0x50]  }
0x229: {  	v19 =	vmov s8;
	s8 =	smov.u32 s9  }
0x22a: {  	v19 =	vshrl.u32 v19, $0x3  }
0x22b: {  	v19 =	vshll.u32 v19, v1  }
0x22c: {  	v19 =	vbroadcast v19, $0x0  }
0x22d: {  	[tilespmem:v18+s18+$0x0] =	vst.idx.msk $0xffff, v17  }
0x22e: {  	v18 =	vadd.s32 v15, v19;
	v17 =	vld [tilespmem:s6+$0x60];
	_ =	sdelay $0x1  }
.Ltmp4:
0x22f: {  	(pc) =	sbr.rel @p2 .LBB2_9-.Ltmp4, $3  }
0x230: {  	_ =	sdelay $0x1  }
0x231: {  	[tilespmem:v18+s18+$0x0] =	vst.idx.msk $0xffff, v17  }
0x232: {  	s9 =	sadd.s32 $0x8, s9;
	s21 =	sadd.s32 $0xFFFFFFF9, s8;
	v18 =	vadd.s32 v16, v19;
	v17 =	vld [tilespmem:s6+$0x70]  }
0x233: {  	v19 =	vmov s21  }
0x234: {  	v19 =	vshrl.u32 v19, $0x3  }
0x235: {  	v19 =	vshll.u32 v19, v1  }
0x236: {  	v19 =	vbroadcast v19, $0x0  }
0x237: {  	s6 =	sadd.s32 $0x100, s6;
	[tilespmem:v18+s18+$0x0] =	vst.idx.msk $0xffff, v17  }
0x238: {  	v17 =	vld [tilespmem:s6+$0xFFFFFF80];
	v18 =	vadd.s32 v0, v19;
	_ =	sdelay $0x4  }
0x239: {  	[tilespmem:v18+s18+$0x0] =	vst.idx.msk $0xffff, v17  }
0x23a: {  	s9 =	sadd.s32 $0xFFFFFFFA, s8;
	v18 =	vadd.s32 v2, v19;
	v17 =	vld [tilespmem:s6+$0xFFFFFF90]  }
0x23b: {  	v19 =	vmov s9  }
0x23c: {  	v19 =	vshrl.u32 v19, $0x3  }
0x23d: {  	v19 =	vshll.u32 v19, v1  }
0x23e: {  	v19 =	vbroadcast v19, $0x0  }
0x23f: {  	[tilespmem:v18+s18+$0x0] =	vst.idx.msk $0xffff, v17  }
0x240: {  	v18 =	vadd.s32 v3, v19;
	v17 =	vld [tilespmem:s6+$0xFFFFFFA0];
	_ =	sdelay $0x4  }
0x241: {  	[tilespmem:v18+s18+$0x0] =	vst.idx.msk $0xffff, v17  }
0x242: {  	s22 =	sadd.s32 $0xFFFFFFFB, s8;
	v18 =	vadd.s32 v4, v19;
	v17 =	vld [tilespmem:s6+$0xFFFFFFB0]  }
0x243: {  	v19 =	vmov s22  }
0x244: {  	v19 =	vshrl.u32 v19, $0x3  }
0x245: {  	v19 =	vshll.u32 v19, v1  }
0x246: {  	v19 =	vbroadcast v19, $0x0  }
0x247: {  	[tilespmem:v18+s18+$0x0] =	vst.idx.msk $0xffff, v17  }
0x248: {  	v18 =	vadd.s32 v5, v19;
	v17 =	vld [tilespmem:s6+$0xFFFFFFC0];
	_ =	sdelay $0x4  }
0x249: {  	[tilespmem:v18+s18+$0x0] =	vst.idx.msk $0xffff, v17  }
0x24a: {  	s21 =	sadd.s32 $0xFFFFFFFC, s8;
	v18 =	vadd.s32 v6, v19;
	v17 =	vld [tilespmem:s6+$0xFFFFFFD0]  }
0x24b: {  	v19 =	vmov s21  }
0x24c: {  	v19 =	vshrl.u32 v19, $0x3  }
0x24d: {  	v19 =	vshll.u32 v19, v1  }
0x24e: {  	v19 =	vbroadcast v19, $0x0  }
0x24f: {  	[tilespmem:v18+s18+$0x0] =	vst.idx.msk $0xffff, v17  }
0x250: {  	v18 =	vadd.s32 v7, v19;
	v17 =	vld [tilespmem:s6+$0xFFFFFFE0];
	_ =	sdelay $0x4  }
0x251: {  	[tilespmem:v18+s18+$0x0] =	vst.idx.msk $0xffff, v17  }
0x252: {  	s22 =	sadd.s32 $0xFFFFFFFD, s8;
	v18 =	vadd.s32 v8, v19;
	v17 =	vld [tilespmem:s6+$0xFFFFFFF0]  }
0x253: {  	v19 =	vmov s22  }
0x254: {  	v19 =	vshrl.u32 v19, $0x3  }
0x255: {  	v19 =	vshll.u32 v19, v1  }
0x256: {  	v19 =	vbroadcast v19, $0x0  }
0x257: {  	[tilespmem:v18+s18+$0x0] =	vst.idx.msk $0xffff, v17  }
0x258: {  	v18 =	vadd.s32 v9, v19;
	v17 =	vld [tilespmem:s6+$0x0];
	_ =	sdelay $0x4  }
0x259: {  	[tilespmem:v18+s18+$0x0] =	vst.idx.msk $0xffff, v17  }
0x25a: {  	s21 =	sadd.s32 $0xFFFFFFFE, s8;
	v18 =	vadd.s32 v10, v19;
	v17 =	vld [tilespmem:s6+$0x10]  }
0x25b: {  	v19 =	vmov s21  }
0x25c: {  	v19 =	vshrl.u32 v19, $0x3  }
0x25d: {  	v19 =	vshll.u32 v19, v1  }
0x25e: {  	v19 =	vbroadcast v19, $0x0  }
0x25f: {  	[tilespmem:v18+s18+$0x0] =	vst.idx.msk $0xffff, v17  }
0x260: {  	v18 =	vadd.s32 v11, v19;
	v17 =	vld [tilespmem:s6+$0x20];
	_ =	sdelay $0x4  }
0x261: {  	[tilespmem:v18+s18+$0x0] =	vst.idx.msk $0xffff, v17  }
0x262: {  	s22 =	sadd.s32 $0xFFFFFFFF, s8;
	v18 =	vadd.s32 v12, v19;
	v17 =	vld [tilespmem:s6+$0x30]  }
0x263: {  	v19 =	vmov s22  }
0x264: {  	v19 =	vshrl.u32 v19, $0x3  }
0x265: {  	v19 =	vshll.u32 v19, v1  }
0x266: {  	v19 =	vbroadcast v19, $0x0  }
0x267: {  	[tilespmem:v18+s18+$0x0] =	vst.idx.msk $0xffff, v17  }
0x268: {  	v18 =	vadd.s32 v13, v19;
	v17 =	vld [tilespmem:s6+$0x40];
	_ =	sdelay $0x4  }
0x269: {  	[tilespmem:v18+s18+$0x0] =	vst.idx.msk $0xffff, v17  }
0x26a: {  	v18 =	vadd.s32 v14, v19;
	v17 =	vld [tilespmem:s6+$0x50]  }
0x26b: {  	v19 =	vmov s8  }
0x26c: {  	v19 =	vshrl.u32 v19, $0x3  }
0x26d: {  	v19 =	vshll.u32 v19, v1  }
0x26e: {  	v19 =	vbroadcast v19, $0x0  }
0x26f: {  	[tilespmem:v18+s18+$0x0] =	vst.idx.msk $0xffff, v17  }
0x270: {  	v18 =	vadd.s32 v15, v19;
	v17 =	vld [tilespmem:s6+$0x60];
	_ =	sdelay $0x2  }
0x271: {  	s19 =	sadd.s32 s19, s5  }
0x272: {  	s9 =	sadd.s32 $0x2, s19  }
0x273: {  	s21 =	sshrl.u32 s9, $0x5;
	[tilespmem:v18+s18+$0x0] =	vst.idx.msk $0xffff, v17  }
0x274: {  	s22 =	sshll.u32 s21, $0x8;
	s8 =	sshll.u32 s9, $0x3;
	v18 =	vadd.s32 v16, v19;
	v17 =	vld [tilespmem:s6+$0x70]  }
0x275: {  	s9 =	sshll.u32 s21, $0xA;
	s6 =	ssub.s32 s8, s22  }
0x276: {  	s6 =	sadd.s32 s9, s6  }
0x277: {  	s8 =	sshll.u32 s6, $0x4  }
0x278: {  	s21 =	sand.u32 $0x1FFFFF80, s8  }
0x279: {  	s9 =	sadd.s32 s2, s21;
	[tilespmem:v18+s18+$0x0] =	vst.idx.msk $0xffff, v17  }
0x27a: {  	[hbm4b:s9+s3] =	stream.linear.scatter [tilespmem:s18], [sflag:$0x6], $0x80, $0x38;
	[tilespmem:$0x16800] =	vst v63  }
0x27b: {  	s22 =	simm.s32 $0x10608;
	s21 =	sadd.s32 $0x10, s9  }
0x27c: {  	[hbm4b:s21+s3] =	stream.linear.scatter [tilespmem:s22], [sflag:$0x6], $0x80, $0x38;
	[tilespmem:$0x16800] =	vst v63  }
0x27d: {  	s21 =	sadd.s32 $0x20, s9;
	s22 =	simm.s32 $0x10710  }
0x27e: {  	[hbm4b:s21+s3] =	stream.linear.scatter [tilespmem:s22], [sflag:$0x6], $0x80, $0x38;
	[tilespmem:$0x16800] =	vst v63  }
0x27f: {  	s21 =	sadd.s32 $0x30, s9;
	s22 =	simm.s32 $0x10818  }
0x280: {  	[hbm4b:s21+s3] =	stream.linear.scatter [tilespmem:s22], [sflag:$0x6], $0x80, $0x38;
	[tilespmem:$0x16800] =	vst v63  }
0x281: {  	s21 =	sadd.s32 $0x40, s9;
	s22 =	simm.s32 $0x10920  }
0x282: {  	[hbm4b:s21+s3] =	stream.linear.scatter [tilespmem:s22], [sflag:$0x6], $0x80, $0x38;
	[tilespmem:$0x16800] =	vst v63  }
0x283: {  	s21 =	sadd.s32 $0x50, s9;
	s22 =	simm.s32 $0x10A28  }
0x284: {  	[hbm4b:s21+s3] =	stream.linear.scatter [tilespmem:s22], [sflag:$0x6], $0x80, $0x38;
	[tilespmem:$0x16800] =	vst v63  }
0x285: {  	s21 =	sadd.s32 $0x60, s9;
	s22 =	simm.s32 $0x10B30  }
0x286: {  	[hbm4b:s21+s3] =	stream.linear.scatter [tilespmem:s22], [sflag:$0x6], $0x80, $0x38;
	[tilespmem:$0x16800] =	vst v63  }
0x287: {  	s8 =	sand.u32 $0x1FFFFF00, s8;
	s9 =	sadd.s32 $0x70, s9;
	s22 =	simm.s32 $0x10C38  }
0x288: {  	[hbm4b:s9+s3] =	stream.linear.scatter [tilespmem:s22], [sflag:$0x6], $0x80, $0x38;
	[tilespmem:$0x16800] =	vst v63  }
0x289: {  	s8 =	sadd.s32 s8, s7;
	s22 =	simm.s32 $0x10580  }
0x28a: {  	[hbm4b:s8+s3] =	stream.linear.scatter [tilespmem:s22], [sflag:$0x6], $0x80, $0x38;
	[tilespmem:$0x16800] =	vst v63  }
0x28b: {  	s21 =	sadd.s32 $0x10, s8;
	s22 =	simm.s32 $0x10688  }
0x28c: {  	[hbm4b:s21+s3] =	stream.linear.scatter [tilespmem:s22], [sflag:$0x6], $0x80, $0x38;
	[tilespmem:$0x16800] =	vst v63  }
0x28d: {  	s21 =	sadd.s32 $0x20, s8;
	s22 =	simm.s32 $0x10790  }
0x28e: {  	[hbm4b:s21+s3] =	stream.linear.scatter [tilespmem:s22], [sflag:$0x6], $0x80, $0x38;
	[tilespmem:$0x16800] =	vst v63  }
0x28f: {  	s21 =	sadd.s32 $0x30, s8;
	s22 =	simm.s32 $0x10898  }
0x290: {  	[hbm4b:s21+s3] =	stream.linear.scatter [tilespmem:s22], [sflag:$0x6], $0x80, $0x38;
	[tilespmem:$0x16800] =	vst v63  }
0x291: {  	s21 =	sadd.s32 $0x40, s8;
	s22 =	simm.s32 $0x109A0  }
0x292: {  	[hbm4b:s21+s3] =	stream.linear.scatter [tilespmem:s22], [sflag:$0x6], $0x80, $0x38;
	[tilespmem:$0x16800] =	vst v63  }
0x293: {  	s21 =	sadd.s32 $0x50, s8;
	s22 =	simm.s32 $0x10AA8  }
0x294: {  	[hbm4b:s21+s3] =	stream.linear.scatter [tilespmem:s22], [sflag:$0x6], $0x80, $0x38;
	[tilespmem:$0x16800] =	vst v63  }
0x295: {  	s6 =	sshll.u32 s6, $0x7;
	s21 =	sadd.s32 $0x60, s8;
	s22 =	simm.s32 $0x10BB0  }
0x296: {  	[hbm4b:s21+s3] =	stream.linear.scatter [tilespmem:s22], [sflag:$0x6], $0x80, $0x38;
	[tilespmem:$0x16800] =	vst v63  }
0x297: {  	s8 =	sadd.s32 $0x70, s8;
	s22 =	simm.s32 $0x10CB8;
	s21 =	sadd.s32 $0x8000, s6  }
0x298: {  	[hbm4b:s8+s3] =	stream.linear.scatter [tilespmem:s22], [sflag:$0x6], $0x80, $0x38;
	[tilespmem:$0x16800] =	vst v63  }
0x299: {  	s8 =	sshrl.u32 s21, $0x3  }
0x29a: {  	s22 =	simm.s32 $0x10D40;
	s8 =	sadd.s32 s2, s8  }
0x29b: {  	[hbm4b:s8+s3] =	stream.linear.scatter [tilespmem:s22], [sflag:$0x6], $0x80, $0x38;
	[tilespmem:$0x16800] =	vst v63  }
0x29c: {  	s21 =	sadd.s32 $0x10, s8;
	s22 =	simm.s32 $0x10E48  }
0x29d: {  	[hbm4b:s21+s3] =	stream.linear.scatter [tilespmem:s22], [sflag:$0x6], $0x80, $0x38;
	[tilespmem:$0x16800] =	vst v63  }
0x29e: {  	s21 =	sadd.s32 $0x20, s8;
	s22 =	simm.s32 $0x10F50  }
0x29f: {  	[hbm4b:s21+s3] =	stream.linear.scatter [tilespmem:s22], [sflag:$0x6], $0x80, $0x38;
	[tilespmem:$0x16800] =	vst v63  }
0x2a0: {  	s21 =	sadd.s32 $0x30, s8;
	s22 =	simm.s32 $0x11058  }
0x2a1: {  	[hbm4b:s21+s3] =	stream.linear.scatter [tilespmem:s22], [sflag:$0x6], $0x80, $0x38;
	[tilespmem:$0x16800] =	vst v63  }
0x2a2: {  	s21 =	sadd.s32 $0x40, s8;
	s22 =	simm.s32 $0x11160  }
0x2a3: {  	[hbm4b:s21+s3] =	stream.linear.scatter [tilespmem:s22], [sflag:$0x6], $0x80, $0x38;
	[tilespmem:$0x16800] =	vst v63  }
0x2a4: {  	s21 =	sadd.s32 $0x50, s8;
	s22 =	simm.s32 $0x11268  }
0x2a5: {  	[hbm4b:s21+s3] =	stream.linear.scatter [tilespmem:s22], [sflag:$0x6], $0x80, $0x38;
	[tilespmem:$0x16800] =	vst v63  }
0x2a6: {  	s21 =	sadd.s32 $0x60, s8;
	s22 =	simm.s32 $0x11370  }
0x2a7: {  	[hbm4b:s21+s3] =	stream.linear.scatter [tilespmem:s22], [sflag:$0x6], $0x80, $0x38;
	[tilespmem:$0x16800] =	vst v63  }
0x2a8: {  	s8 =	sadd.s32 $0x70, s8;
	s22 =	simm.s32 $0x11478;
	s21 =	sadd.s32 $0x8400, s6  }
0x2a9: {  	[hbm4b:s8+s3] =	stream.linear.scatter [tilespmem:s22], [sflag:$0x6], $0x80, $0x38;
	[tilespmem:$0x16800] =	vst v63  }
0x2aa: {  	s8 =	sshrl.u32 s21, $0x3  }
0x2ab: {  	s22 =	simm.s32 $0x10DC0;
	s8 =	sadd.s32 s2, s8  }
0x2ac: {  	[hbm4b:s8+s3] =	stream.linear.scatter [tilespmem:s22], [sflag:$0x6], $0x80, $0x38;
	[tilespmem:$0x16800] =	vst v63  }
0x2ad: {  	s21 =	sadd.s32 $0x10, s8;
	s22 =	simm.s32 $0x10EC8  }
0x2ae: {  	[hbm4b:s21+s3] =	stream.linear.scatter [tilespmem:s22], [sflag:$0x6], $0x80, $0x38;
	[tilespmem:$0x16800] =	vst v63  }
0x2af: {  	s21 =	sadd.s32 $0x20, s8;
	s22 =	simm.s32 $0x10FD0  }
0x2b0: {  	[hbm4b:s21+s3] =	stream.linear.scatter [tilespmem:s22], [sflag:$0x6], $0x80, $0x38;
	[tilespmem:$0x16800] =	vst v63  }
0x2b1: {  	s21 =	sadd.s32 $0x30, s8;
	s22 =	simm.s32 $0x110D8  }
0x2b2: {  	[hbm4b:s21+s3] =	stream.linear.scatter [tilespmem:s22], [sflag:$0x6], $0x80, $0x38;
	[tilespmem:$0x16800] =	vst v63  }
0x2b3: {  	s21 =	sadd.s32 $0x40, s8;
	s22 =	simm.s32 $0x111E0  }
0x2b4: {  	[hbm4b:s21+s3] =	stream.linear.scatter [tilespmem:s22], [sflag:$0x6], $0x80, $0x38;
	[tilespmem:$0x16800] =	vst v63  }
0x2b5: {  	s21 =	sadd.s32 $0x50, s8;
	s22 =	simm.s32 $0x112E8  }
0x2b6: {  	[hbm4b:s21+s3] =	stream.linear.scatter [tilespmem:s22], [sflag:$0x6], $0x80, $0x38;
	[tilespmem:$0x16800] =	vst v63  }
0x2b7: {  	s21 =	sadd.s32 $0x60, s8;
	s22 =	simm.s32 $0x113F0  }
0x2b8: {  	[hbm4b:s21+s3] =	stream.linear.scatter [tilespmem:s22], [sflag:$0x6], $0x80, $0x38;
	[tilespmem:$0x16800] =	vst v63  }
0x2b9: {  	s8 =	sadd.s32 $0x70, s8;
	s22 =	simm.s32 $0x114F8;
	s21 =	sadd.s32 $0x10000, s6  }
0x2ba: {  	[hbm4b:s8+s3] =	stream.linear.scatter [tilespmem:s22], [sflag:$0x6], $0x80, $0x38;
	[tilespmem:$0x16800] =	vst v63  }
0x2bb: {  	s8 =	sshrl.u32 s21, $0x3  }
0x2bc: {  	s22 =	simm.s32 $0x11580;
	s8 =	sadd.s32 s2, s8  }
0x2bd: {  	[hbm4b:s8+s3] =	stream.linear.scatter [tilespmem:s22], [sflag:$0x6], $0x80, $0x38;
	[tilespmem:$0x16800] =	vst v63  }
0x2be: {  	s21 =	sadd.s32 $0x10, s8;
	s22 =	simm.s32 $0x11688  }
0x2bf: {  	[hbm4b:s21+s3] =	stream.linear.scatter [tilespmem:s22], [sflag:$0x6], $0x80, $0x38;
	[tilespmem:$0x16800] =	vst v63  }
0x2c0: {  	s21 =	sadd.s32 $0x20, s8;
	s22 =	simm.s32 $0x11790  }
0x2c1: {  	[hbm4b:s21+s3] =	stream.linear.scatter [tilespmem:s22], [sflag:$0x6], $0x80, $0x38;
	[tilespmem:$0x16800] =	vst v63  }
0x2c2: {  	s21 =	sadd.s32 $0x30, s8;
	s22 =	simm.s32 $0x11898  }
0x2c3: {  	[hbm4b:s21+s3] =	stream.linear.scatter [tilespmem:s22], [sflag:$0x6], $0x80, $0x38;
	[tilespmem:$0x16800] =	vst v63  }
0x2c4: {  	s21 =	sadd.s32 $0x40, s8;
	s22 =	simm.s32 $0x119A0  }
0x2c5: {  	[hbm4b:s21+s3] =	stream.linear.scatter [tilespmem:s22], [sflag:$0x6], $0x80, $0x38;
	[tilespmem:$0x16800] =	vst v63  }
0x2c6: {  	s21 =	sadd.s32 $0x50, s8;
	s22 =	simm.s32 $0x11AA8  }
0x2c7: {  	[hbm4b:s21+s3] =	stream.linear.scatter [tilespmem:s22], [sflag:$0x6], $0x80, $0x38;
	[tilespmem:$0x16800] =	vst v63  }
0x2c8: {  	s21 =	sadd.s32 $0x60, s8;
	s22 =	simm.s32 $0x11BB0  }
0x2c9: {  	[hbm4b:s21+s3] =	stream.linear.scatter [tilespmem:s22], [sflag:$0x6], $0x80, $0x38;
	[tilespmem:$0x16800] =	vst v63  }
0x2ca: {  	s8 =	sadd.s32 $0x70, s8;
	s22 =	simm.s32 $0x11CB8;
	s21 =	sadd.s32 $0x10400, s6  }
0x2cb: {  	[hbm4b:s8+s3] =	stream.linear.scatter [tilespmem:s22], [sflag:$0x6], $0x80, $0x38;
	[tilespmem:$0x16800] =	vst v63  }
0x2cc: {  	s8 =	sshrl.u32 s21, $0x3  }
0x2cd: {  	s22 =	simm.s32 $0x11600;
	s8 =	sadd.s32 s2, s8  }
0x2ce: {  	[hbm4b:s8+s3] =	stream.linear.scatter [tilespmem:s22], [sflag:$0x6], $0x80, $0x38;
	[tilespmem:$0x16800] =	vst v63  }
0x2cf: {  	s21 =	sadd.s32 $0x10, s8;
	s22 =	simm.s32 $0x11708  }
0x2d0: {  	[hbm4b:s21+s3] =	stream.linear.scatter [tilespmem:s22], [sflag:$0x6], $0x80, $0x38;
	[tilespmem:$0x16800] =	vst v63  }
0x2d1: {  	s21 =	sadd.s32 $0x20, s8;
	s22 =	simm.s32 $0x11810  }
0x2d2: {  	[hbm4b:s21+s3] =	stream.linear.scatter [tilespmem:s22], [sflag:$0x6], $0x80, $0x38;
	[tilespmem:$0x16800] =	vst v63  }
0x2d3: {  	s21 =	sadd.s32 $0x30, s8;
	s22 =	simm.s32 $0x11918  }
0x2d4: {  	[hbm4b:s21+s3] =	stream.linear.scatter [tilespmem:s22], [sflag:$0x6], $0x80, $0x38;
	[tilespmem:$0x16800] =	vst v63  }
0x2d5: {  	s21 =	sadd.s32 $0x40, s8;
	s22 =	simm.s32 $0x11A20  }
0x2d6: {  	[hbm4b:s21+s3] =	stream.linear.scatter [tilespmem:s22], [sflag:$0x6], $0x80, $0x38;
	[tilespmem:$0x16800] =	vst v63  }
0x2d7: {  	s21 =	sadd.s32 $0x50, s8;
	s22 =	simm.s32 $0x11B28  }
0x2d8: {  	[hbm4b:s21+s3] =	stream.linear.scatter [tilespmem:s22], [sflag:$0x6], $0x80, $0x38;
	[tilespmem:$0x16800] =	vst v63  }
0x2d9: {  	s21 =	sadd.s32 $0x60, s8;
	s22 =	simm.s32 $0x11C30  }
0x2da: {  	[hbm4b:s21+s3] =	stream.linear.scatter [tilespmem:s22], [sflag:$0x6], $0x80, $0x38;
	[tilespmem:$0x16800] =	vst v63  }
0x2db: {  	s8 =	sadd.s32 $0x70, s8;
	s22 =	simm.s32 $0x11D38;
	s21 =	sadd.s32 $0x18000, s6  }
0x2dc: {  	[hbm4b:s8+s3] =	stream.linear.scatter [tilespmem:s22], [sflag:$0x6], $0x80, $0x38;
	[tilespmem:$0x16800] =	vst v63  }
0x2dd: {  	s8 =	sshrl.u32 s21, $0x3  }
0x2de: {  	s22 =	simm.s32 $0x11DC0;
	s8 =	sadd.s32 s2, s8  }
0x2df: {  	[hbm4b:s8+s3] =	stream.linear.scatter [tilespmem:s22], [sflag:$0x6], $0x80, $0x38;
	[tilespmem:$0x16800] =	vst v63  }
0x2e0: {  	s21 =	sadd.s32 $0x10, s8;
	s22 =	simm.s32 $0x11EC8  }
0x2e1: {  	[hbm4b:s21+s3] =	stream.linear.scatter [tilespmem:s22], [sflag:$0x6], $0x80, $0x38;
	[tilespmem:$0x16800] =	vst v63  }
0x2e2: {  	s21 =	sadd.s32 $0x20, s8;
	s22 =	simm.s32 $0x11FD0  }
0x2e3: {  	[hbm4b:s21+s3] =	stream.linear.scatter [tilespmem:s22], [sflag:$0x6], $0x80, $0x38;
	[tilespmem:$0x16800] =	vst v63  }
0x2e4: {  	s21 =	sadd.s32 $0x30, s8;
	s22 =	simm.s32 $0x120D8  }
0x2e5: {  	[hbm4b:s21+s3] =	stream.linear.scatter [tilespmem:s22], [sflag:$0x6], $0x80, $0x38;
	[tilespmem:$0x16800] =	vst v63  }
0x2e6: {  	s21 =	sadd.s32 $0x40, s8;
	s22 =	simm.s32 $0x121E0  }
0x2e7: {  	[hbm4b:s21+s3] =	stream.linear.scatter [tilespmem:s22], [sflag:$0x6], $0x80, $0x38;
	[tilespmem:$0x16800] =	vst v63  }
0x2e8: {  	s21 =	sadd.s32 $0x50, s8;
	s22 =	simm.s32 $0x122E8  }
0x2e9: {  	[hbm4b:s21+s3] =	stream.linear.scatter [tilespmem:s22], [sflag:$0x6], $0x80, $0x38;
	[tilespmem:$0x16800] =	vst v63  }
0x2ea: {  	s6 =	sadd.s32 $0x18400, s6;
	s21 =	sadd.s32 $0x60, s8;
	s22 =	simm.s32 $0x123F0  }
0x2eb: {  	[hbm4b:s21+s3] =	stream.linear.scatter [tilespmem:s22], [sflag:$0x6], $0x80, $0x38;
	[tilespmem:$0x16800] =	vst v63  }
0x2ec: {  	s6 =	sshrl.u32 s6, $0x3;
	s8 =	sadd.s32 $0x70, s8;
	s22 =	simm.s32 $0x124F8  }
0x2ed: {  	[hbm4b:s8+s3] =	stream.linear.scatter [tilespmem:s22], [sflag:$0x6], $0x80, $0x38;
	[tilespmem:$0x16800] =	vst v63  }
0x2ee: {  	s9 =	simm.s32 $0x11E40;
	s6 =	sadd.s32 s2, s6  }
0x2ef: {  	[hbm4b:s6+s3] =	stream.linear.scatter [tilespmem:s9], [sflag:$0x6], $0x80, $0x38;
	[tilespmem:$0x16800] =	vst v63  }
0x2f0: {  	s21 =	sadd.s32 $0x10, s6;
	s22 =	simm.s32 $0x11F48  }
0x2f1: {  	[hbm4b:s21+s3] =	stream.linear.scatter [tilespmem:s22], [sflag:$0x6], $0x80, $0x38;
	[tilespmem:$0x16800] =	vst v63  }
0x2f2: {  	s21 =	sadd.s32 $0x20, s6;
	s22 =	simm.s32 $0x12050  }
0x2f3: {  	[hbm4b:s21+s3] =	stream.linear.scatter [tilespmem:s22], [sflag:$0x6], $0x80, $0x38;
	[tilespmem:$0x16800] =	vst v63  }
0x2f4: {  	s21 =	sadd.s32 $0x30, s6;
	s22 =	simm.s32 $0x12158  }
0x2f5: {  	[hbm4b:s21+s3] =	stream.linear.scatter [tilespmem:s22], [sflag:$0x6], $0x80, $0x38;
	[tilespmem:$0x16800] =	vst v63  }
0x2f6: {  	s21 =	sadd.s32 $0x40, s6;
	s22 =	simm.s32 $0x12260  }
0x2f7: {  	[hbm4b:s21+s3] =	stream.linear.scatter [tilespmem:s22], [sflag:$0x6], $0x80, $0x38;
	[tilespmem:$0x16800] =	vst v63  }
0x2f8: {  	s21 =	sadd.s32 $0x50, s6;
	s22 =	simm.s32 $0x12368  }
0x2f9: {  	[hbm4b:s21+s3] =	stream.linear.scatter [tilespmem:s22], [sflag:$0x6], $0x80, $0x38;
	[tilespmem:$0x16800] =	vst v63  }
.Ltmp5:
0x2fa: {  	_ = 	snop;
	(pc) =	sbr.rel @p1 .LBB2_12-.Ltmp5, $4  }
0x2fb: {  	s9 =	sadd.s32 $0x60, s6;
	s21 =	simm.s32 $0x12470  }
0x2fc: {  	[hbm4b:s9+s3] =	stream.linear.scatter [tilespmem:s21], [sflag:$0x6], $0x80, $0x38;
	[tilespmem:$0x16800] =	vst v63  }
0x2fd: {  	s6 =	sadd.s32 $0x70, s6;
	s22 =	simm.s32 $0x12578  }
0x2fe: {  	[hbm4b:s6+s3] =	stream.linear.scatter [tilespmem:s22], [sflag:$0x6], $0x80, $0x38;
	[tilespmem:$0x16800] =	vst v63  }
.Ltmp6:
0x2ff: {  	(pc) =	sbr.rel .LBB2_13-.Ltmp6, $4  }
0x300: {  	_ = 	snop  }
0x301: {  	_ =	swait.ge [sflag:s25], $0x2000  }
0x302: {  	[sflag:s25] =	ssyncset.done $0x0  }
0x303: {  	[sflag:s25] =	ssyncadd.s32 $0xFFFFE000  }
.LBB2_12:
0x304: {  	s6 =	sadd.s32 $0x500, s17;
	s8 =	simm.s32 $0x8400  }
0x305: {  	[tilespmem:s8], [sflag:$0x2] =	stream.indirect.gather [hbm4b:s4+s10], $0x20, s6, s10, $0xb8;
	[tilespmem:$0x16800] =	vst v63  }
.Ltmp7:
0x306: {  	s21 =	sadd.s32 $0x580, s17;
	s22 =	simm.s32 $0x9400;
	(pc) =	sbr.rel @p0 .LBB2_14-.Ltmp7, $4  }
0x307: {  	[tilespmem:s22], [sflag:$0x2] =	stream.indirect.gather [hbm4b:s4+s10], $0x20, s21, s10, $0xb8;
	[tilespmem:$0x16800] =	vst v63  }
0x308: {  	_ =	swait.ge [sflag:s25], $0x2000  }
0x309: {  	[sflag:s25] =	ssyncset.done $0x0  }
0x30a: {  	[sflag:s25] =	ssyncadd.s32 $0xFFFFE000  }
.LBB2_13:
0x30b: {  	_ =	swait.ge [sflag:s26], $0x400  }
0x30c: {  	[sflag:s26] =	ssyncset.done $0x0  }
0x30d: {  	[sflag:s26] =	ssyncadd.s32 $0xFFFFFC00  }
0x30e: {  	_ =	swait.ge [sflag:s26], $0x400  }
0x30f: {  	[sflag:s26] =	ssyncset.done $0x0  }
0x310: {  	[sflag:s26] =	ssyncadd.s32 $0xFFFFFC00  }
0x311: {  	_ =	swait.ge [sflag:s26], $0x400  }
0x312: {  	[sflag:s26] =	ssyncset.done $0x0  }
0x313: {  	[sflag:s26] =	ssyncadd.s32 $0xFFFFFC00  }
0x314: {  	_ =	swait.ge [sflag:s26], $0x400  }
0x315: {  	[sflag:s26] =	ssyncset.done $0x0  }
0x316: {  	[sflag:s26] =	ssyncadd.s32 $0xFFFFFC00  }
0x317: {  	_ =	swait.ge [sflag:s26], $0x400  }
0x318: {  	[sflag:s26] =	ssyncset.done $0x0  }
0x319: {  	[sflag:s26] =	ssyncadd.s32 $0xFFFFFC00  }
0x31a: {  	_ =	swait.ge [sflag:s26], $0x400  }
0x31b: {  	[sflag:s26] =	ssyncset.done $0x0  }
0x31c: {  	[sflag:s26] =	ssyncadd.s32 $0xFFFFFC00  }
0x31d: {  	_ =	swait.ge [sflag:s26], $0x400  }
0x31e: {  	[sflag:s26] =	ssyncset.done $0x0  }
0x31f: {  	[sflag:s26] =	ssyncadd.s32 $0xFFFFFC00  }
0x320: {  	_ =	swait.ge [sflag:s26], $0x400  }
0x321: {  	[sflag:s26] =	ssyncset.done $0x0  }
0x322: {  	[sflag:s26] =	ssyncadd.s32 $0xFFFFFC00  }
.LBB2_14:
0x323: {  	s6 =	simm.s32 $0x0  }
0x324: {  	v17 =	vmov s6  }
0x325: {  	v17 =	vshrl.u32 v17, $0x3  }
0x326: {  	v17 =	vshll.u32 v17, v1  }
0x327: {  	v17 =	vbroadcast v17, $0x0  }
0x328: {  	s6 =	simm.s32 $0xA480  }
0x329: {  	v18 =	vld [tilespmem:s6+$0xFFFFFF80];
	v19 =	vadd.s32 v0, v17;
	_ =	sdelay $0x4  }
0x32a: {  	[tilespmem:v19+s28+$0x0] =	vst.idx.msk $0xffff, v18  }
0x32b: {  	s8 =	simm.s32 $0x1;
	v17 =	vadd.s32 v2, v17;
	v18 =	vld [tilespmem:s6+$0xFFFFFF90]  }
0x32c: {  	v19 =	vmov s8  }
0x32d: {  	v19 =	vshrl.u32 v19, $0x3  }
0x32e: {  	v19 =	vshll.u32 v19, v1  }
0x32f: {  	v19 =	vbroadcast v19, $0x0  }
0x330: {  	[tilespmem:v17+s28+$0x0] =	vst.idx.msk $0xffff, v18  }
0x331: {  	v18 =	vadd.s32 v3, v19;
	v17 =	vld [tilespmem:s6+$0xFFFFFFA0];
	_ =	sdelay $0x4  }
0x332: {  	[tilespmem:v18+s28+$0x0] =	vst.idx.msk $0xffff, v17  }
0x333: {  	s9 =	simm.s32 $0x2;
	v18 =	vadd.s32 v4, v19;
	v17 =	vld [tilespmem:s6+$0xFFFFFFB0]  }
0x334: {  	v19 =	vmov s9  }
0x335: {  	v19 =	vshrl.u32 v19, $0x3  }
0x336: {  	v19 =	vshll.u32 v19, v1  }
0x337: {  	v19 =	vbroadcast v19, $0x0  }
0x338: {  	[tilespmem:v18+s28+$0x0] =	vst.idx.msk $0xffff, v17  }
0x339: {  	v18 =	vadd.s32 v5, v19;
	v17 =	vld [tilespmem:s6+$0xFFFFFFC0];
	_ =	sdelay $0x4  }
0x33a: {  	[tilespmem:v18+s28+$0x0] =	vst.idx.msk $0xffff, v17  }
0x33b: {  	s21 =	simm.s32 $0x3;
	v18 =	vadd.s32 v6, v19;
	v17 =	vld [tilespmem:s6+$0xFFFFFFD0]  }
0x33c: {  	v19 =	vmov s21  }
0x33d: {  	v19 =	vshrl.u32 v19, $0x3  }
0x33e: {  	v19 =	vshll.u32 v19, v1  }
0x33f: {  	v19 =	vbroadcast v19, $0x0  }
0x340: {  	[tilespmem:v18+s28+$0x0] =	vst.idx.msk $0xffff, v17  }
0x341: {  	v18 =	vadd.s32 v7, v19;
	v17 =	vld [tilespmem:s6+$0xFFFFFFE0];
	_ =	sdelay $0x4  }
0x342: {  	[tilespmem:v18+s28+$0x0] =	vst.idx.msk $0xffff, v17  }
0x343: {  	s22 =	simm.s32 $0x4;
	v18 =	vadd.s32 v8, v19;
	v17 =	vld [tilespmem:s6+$0xFFFFFFF0]  }
0x344: {  	v19 =	vmov s22  }
0x345: {  	v19 =	vshrl.u32 v19, $0x3  }
0x346: {  	v19 =	vshll.u32 v19, v1  }
0x347: {  	v19 =	vbroadcast v19, $0x0  }
0x348: {  	[tilespmem:v18+s28+$0x0] =	vst.idx.msk $0xffff, v17  }
0x349: {  	v18 =	vadd.s32 v9, v19;
	v17 =	vld [tilespmem:s6+$0x0];
	_ =	sdelay $0x4  }
0x34a: {  	[tilespmem:v18+s28+$0x0] =	vst.idx.msk $0xffff, v17  }
0x34b: {  	s9 =	simm.s32 $0x5;
	v18 =	vadd.s32 v10, v19;
	v17 =	vld [tilespmem:s6+$0x10]  }
0x34c: {  	v19 =	vmov s9  }
0x34d: {  	v19 =	vshrl.u32 v19, $0x3  }
0x34e: {  	v19 =	vshll.u32 v19, v1  }
0x34f: {  	v19 =	vbroadcast v19, $0x0  }
0x350: {  	[tilespmem:v18+s28+$0x0] =	vst.idx.msk $0xffff, v17  }
0x351: {  	v18 =	vadd.s32 v11, v19;
	v17 =	vld [tilespmem:s6+$0x20];
	_ =	sdelay $0x4  }
0x352: {  	[tilespmem:v18+s28+$0x0] =	vst.idx.msk $0xffff, v17  }
0x353: {  	s21 =	simm.s32 $0x6;
	v18 =	vadd.s32 v12, v19;
	v17 =	vld [tilespmem:s6+$0x30]  }
0x354: {  	v19 =	vmov s21  }
0x355: {  	v19 =	vshrl.u32 v19, $0x3  }
0x356: {  	v19 =	vshll.u32 v19, v1  }
0x357: {  	v19 =	vbroadcast v19, $0x0  }
0x358: {  	[tilespmem:v18+s28+$0x0] =	vst.idx.msk $0xffff, v17  }
0x359: {  	v18 =	vadd.s32 v13, v19;
	v17 =	vld [tilespmem:s6+$0x40];
	_ =	sdelay $0x4  }
0x35a: {  	[tilespmem:v18+s28+$0x0] =	vst.idx.msk $0xffff, v17  }
0x35b: {  	s22 =	simm.s32 $0x7;
	v18 =	vadd.s32 v14, v19;
	v17 =	vld [tilespmem:s6+$0x50]  }
0x35c: {  	v19 =	vmov s22  }
0x35d: {  	v19 =	vshrl.u32 v19, $0x3  }
0x35e: {  	v19 =	vshll.u32 v19, v1  }
0x35f: {  	v19 =	vbroadcast v19, $0x0  }
0x360: {  	[tilespmem:v18+s28+$0x0] =	vst.idx.msk $0xffff, v17  }
0x361: {  	v18 =	vadd.s32 v15, v19;
	v17 =	vld [tilespmem:s6+$0x60];
	_ =	sdelay $0x4  }
0x362: {  	[tilespmem:v18+s28+$0x0] =	vst.idx.msk $0xffff, v17  }
0x363: {  	s8 =	simm.s32 $0xF;
	s9 =	simm.s32 $0x17;
	s21 =	simm.s32 $0x8;
	v18 =	vadd.s32 v16, v19;
	v17 =	vld [tilespmem:s6+$0x70]  }
.LBB2_15:
0x364: {  	p2 =	sne.s32 s9, $0xFF;
	v19 =	vmov s21  }
0x365: {  	v19 =	vshrl.u32 v19, $0x3  }
0x366: {  	v19 =	vshll.u32 v19, v1  }
0x367: {  	v19 =	vbroadcast v19, $0x0  }
0x368: {  	s6 =	sadd.s32 $0x100, s6;
	[tilespmem:v18+s28+$0x0] =	vst.idx.msk $0xffff, v17  }
0x369: {  	v17 =	vld [tilespmem:s6+$0xFFFFFF80];
	v18 =	vadd.s32 v0, v19;
	_ =	sdelay $0x4  }
0x36a: {  	[tilespmem:v18+s28+$0x0] =	vst.idx.msk $0xffff, v17  }
0x36b: {  	s21 =	sadd.s32 $0xFFFFFFFA, s8;
	v18 =	vadd.s32 v2, v19;
	v17 =	vld [tilespmem:s6+$0xFFFFFF90]  }
0x36c: {  	v19 =	vmov s21  }
0x36d: {  	v19 =	vshrl.u32 v19, $0x3  }
0x36e: {  	v19 =	vshll.u32 v19, v1  }
0x36f: {  	v19 =	vbroadcast v19, $0x0  }
0x370: {  	[tilespmem:v18+s28+$0x0] =	vst.idx.msk $0xffff, v17  }
0x371: {  	v18 =	vadd.s32 v3, v19;
	v17 =	vld [tilespmem:s6+$0xFFFFFFA0];
	_ =	sdelay $0x4  }
0x372: {  	[tilespmem:v18+s28+$0x0] =	vst.idx.msk $0xffff, v17  }
0x373: {  	s21 =	sadd.s32 $0xFFFFFFFB, s8;
	v18 =	vadd.s32 v4, v19;
	v17 =	vld [tilespmem:s6+$0xFFFFFFB0]  }
0x374: {  	v19 =	vmov s21  }
0x375: {  	v19 =	vshrl.u32 v19, $0x3  }
0x376: {  	v19 =	vshll.u32 v19, v1  }
0x377: {  	v19 =	vbroadcast v19, $0x0  }
0x378: {  	[tilespmem:v18+s28+$0x0] =	vst.idx.msk $0xffff, v17  }
0x379: {  	v18 =	vadd.s32 v5, v19;
	v17 =	vld [tilespmem:s6+$0xFFFFFFC0];
	_ =	sdelay $0x4  }
0x37a: {  	[tilespmem:v18+s28+$0x0] =	vst.idx.msk $0xffff, v17  }
0x37b: {  	s21 =	sadd.s32 $0xFFFFFFFC, s8;
	v18 =	vadd.s32 v6, v19;
	v17 =	vld [tilespmem:s6+$0xFFFFFFD0]  }
0x37c: {  	v19 =	vmov s21  }
0x37d: {  	v19 =	vshrl.u32 v19, $0x3  }
0x37e: {  	v19 =	vshll.u32 v19, v1  }
0x37f: {  	v19 =	vbroadcast v19, $0x0  }
0x380: {  	[tilespmem:v18+s28+$0x0] =	vst.idx.msk $0xffff, v17  }
0x381: {  	v18 =	vadd.s32 v7, v19;
	v17 =	vld [tilespmem:s6+$0xFFFFFFE0];
	_ =	sdelay $0x4  }
0x382: {  	[tilespmem:v18+s28+$0x0] =	vst.idx.msk $0xffff, v17  }
0x383: {  	s21 =	sadd.s32 $0xFFFFFFFD, s8;
	v18 =	vadd.s32 v8, v19;
	v17 =	vld [tilespmem:s6+$0xFFFFFFF0]  }
0x384: {  	v19 =	vmov s21  }
0x385: {  	v19 =	vshrl.u32 v19, $0x3  }
0x386: {  	v19 =	vshll.u32 v19, v1  }
0x387: {  	v19 =	vbroadcast v19, $0x0  }
0x388: {  	[tilespmem:v18+s28+$0x0] =	vst.idx.msk $0xffff, v17  }
0x389: {  	v18 =	vadd.s32 v9, v19;
	v17 =	vld [tilespmem:s6+$0x0];
	_ =	sdelay $0x4  }
0x38a: {  	[tilespmem:v18+s28+$0x0] =	vst.idx.msk $0xffff, v17  }
0x38b: {  	s21 =	sadd.s32 $0xFFFFFFFE, s8;
	v18 =	vadd.s32 v10, v19;
	v17 =	vld [tilespmem:s6+$0x10]  }
0x38c: {  	v19 =	vmov s21  }
0x38d: {  	v19 =	vshrl.u32 v19, $0x3  }
0x38e: {  	v19 =	vshll.u32 v19, v1  }
0x38f: {  	v19 =	vbroadcast v19, $0x0  }
0x390: {  	[tilespmem:v18+s28+$0x0] =	vst.idx.msk $0xffff, v17  }
0x391: {  	v18 =	vadd.s32 v11, v19;
	v17 =	vld [tilespmem:s6+$0x20];
	_ =	sdelay $0x4  }
0x392: {  	[tilespmem:v18+s28+$0x0] =	vst.idx.msk $0xffff, v17  }
0x393: {  	s21 =	sadd.s32 $0xFFFFFFFF, s8;
	v18 =	vadd.s32 v12, v19;
	v17 =	vld [tilespmem:s6+$0x30]  }
0x394: {  	v19 =	vmov s21  }
0x395: {  	v19 =	vshrl.u32 v19, $0x3  }
0x396: {  	v19 =	vshll.u32 v19, v1  }
0x397: {  	v19 =	vbroadcast v19, $0x0  }
0x398: {  	[tilespmem:v18+s28+$0x0] =	vst.idx.msk $0xffff, v17  }
0x399: {  	v18 =	vadd.s32 v13, v19;
	v17 =	vld [tilespmem:s6+$0x40];
	_ =	sdelay $0x4  }
0x39a: {  	[tilespmem:v18+s28+$0x0] =	vst.idx.msk $0xffff, v17  }
0x39b: {  	v18 =	vadd.s32 v14, v19;
	v17 =	vld [tilespmem:s6+$0x50]  }
0x39c: {  	v19 =	vmov s8;
	s8 =	smov.u32 s9  }
0x39d: {  	v19 =	vshrl.u32 v19, $0x3  }
0x39e: {  	v19 =	vshll.u32 v19, v1  }
0x39f: {  	v19 =	vbroadcast v19, $0x0  }
0x3a0: {  	[tilespmem:v18+s28+$0x0] =	vst.idx.msk $0xffff, v17  }
0x3a1: {  	v18 =	vadd.s32 v15, v19;
	v17 =	vld [tilespmem:s6+$0x60];
	_ =	sdelay $0x1  }
.Ltmp8:
0x3a2: {  	(pc) =	sbr.rel @p2 .LBB2_15-.Ltmp8, $3  }
0x3a3: {  	_ =	sdelay $0x1  }
0x3a4: {  	[tilespmem:v18+s28+$0x0] =	vst.idx.msk $0xffff, v17  }
0x3a5: {  	s9 =	sadd.s32 $0x8, s9;
	s21 =	sadd.s32 $0xFFFFFFF9, s8;
	v18 =	vadd.s32 v16, v19;
	v17 =	vld [tilespmem:s6+$0x70]  }
0x3a6: {  	v19 =	vmov s21  }
0x3a7: {  	v19 =	vshrl.u32 v19, $0x3  }
0x3a8: {  	v19 =	vshll.u32 v19, v1  }
0x3a9: {  	v19 =	vbroadcast v19, $0x0  }
0x3aa: {  	s6 =	sadd.s32 $0x100, s6;
	[tilespmem:v18+s28+$0x0] =	vst.idx.msk $0xffff, v17  }
0x3ab: {  	v17 =	vld [tilespmem:s6+$0xFFFFFF80];
	v18 =	vadd.s32 v0, v19;
	_ =	sdelay $0x4  }
0x3ac: {  	[tilespmem:v18+s28+$0x0] =	vst.idx.msk $0xffff, v17  }
0x3ad: {  	s9 =	sadd.s32 $0xFFFFFFFA, s8;
	v18 =	vadd.s32 v2, v19;
	v17 =	vld [tilespmem:s6+$0xFFFFFF90]  }
0x3ae: {  	v19 =	vmov s9  }
0x3af: {  	v19 =	vshrl.u32 v19, $0x3  }
0x3b0: {  	v19 =	vshll.u32 v19, v1  }
0x3b1: {  	v19 =	vbroadcast v19, $0x0  }
0x3b2: {  	[tilespmem:v18+s28+$0x0] =	vst.idx.msk $0xffff, v17  }
0x3b3: {  	v18 =	vadd.s32 v3, v19;
	v17 =	vld [tilespmem:s6+$0xFFFFFFA0];
	_ =	sdelay $0x4  }
0x3b4: {  	[tilespmem:v18+s28+$0x0] =	vst.idx.msk $0xffff, v17  }
0x3b5: {  	s22 =	sadd.s32 $0xFFFFFFFB, s8;
	v18 =	vadd.s32 v4, v19;
	v17 =	vld [tilespmem:s6+$0xFFFFFFB0]  }
0x3b6: {  	v19 =	vmov s22  }
0x3b7: {  	v19 =	vshrl.u32 v19, $0x3  }
0x3b8: {  	v19 =	vshll.u32 v19, v1  }
0x3b9: {  	v19 =	vbroadcast v19, $0x0  }
0x3ba: {  	[tilespmem:v18+s28+$0x0] =	vst.idx.msk $0xffff, v17  }
0x3bb: {  	v18 =	vadd.s32 v5, v19;
	v17 =	vld [tilespmem:s6+$0xFFFFFFC0];
	_ =	sdelay $0x4  }
0x3bc: {  	[tilespmem:v18+s28+$0x0] =	vst.idx.msk $0xffff, v17  }
0x3bd: {  	s21 =	sadd.s32 $0xFFFFFFFC, s8;
	v18 =	vadd.s32 v6, v19;
	v17 =	vld [tilespmem:s6+$0xFFFFFFD0]  }
0x3be: {  	v19 =	vmov s21  }
0x3bf: {  	v19 =	vshrl.u32 v19, $0x3  }
0x3c0: {  	v19 =	vshll.u32 v19, v1  }
0x3c1: {  	v19 =	vbroadcast v19, $0x0  }
0x3c2: {  	[tilespmem:v18+s28+$0x0] =	vst.idx.msk $0xffff, v17  }
0x3c3: {  	v18 =	vadd.s32 v7, v19;
	v17 =	vld [tilespmem:s6+$0xFFFFFFE0];
	_ =	sdelay $0x4  }
0x3c4: {  	[tilespmem:v18+s28+$0x0] =	vst.idx.msk $0xffff, v17  }
0x3c5: {  	s22 =	sadd.s32 $0xFFFFFFFD, s8;
	v18 =	vadd.s32 v8, v19;
	v17 =	vld [tilespmem:s6+$0xFFFFFFF0]  }
0x3c6: {  	v19 =	vmov s22  }
0x3c7: {  	v19 =	vshrl.u32 v19, $0x3  }
0x3c8: {  	v19 =	vshll.u32 v19, v1  }
0x3c9: {  	v19 =	vbroadcast v19, $0x0  }
0x3ca: {  	[tilespmem:v18+s28+$0x0] =	vst.idx.msk $0xffff, v17  }
0x3cb: {  	v18 =	vadd.s32 v9, v19;
	v17 =	vld [tilespmem:s6+$0x0];
	_ =	sdelay $0x4  }
0x3cc: {  	[tilespmem:v18+s28+$0x0] =	vst.idx.msk $0xffff, v17  }
0x3cd: {  	s21 =	sadd.s32 $0xFFFFFFFE, s8;
	v18 =	vadd.s32 v10, v19;
	v17 =	vld [tilespmem:s6+$0x10]  }
0x3ce: {  	v19 =	vmov s21  }
0x3cf: {  	v19 =	vshrl.u32 v19, $0x3  }
0x3d0: {  	v19 =	vshll.u32 v19, v1  }
0x3d1: {  	v19 =	vbroadcast v19, $0x0  }
0x3d2: {  	[tilespmem:v18+s28+$0x0] =	vst.idx.msk $0xffff, v17  }
0x3d3: {  	v18 =	vadd.s32 v11, v19;
	v17 =	vld [tilespmem:s6+$0x20];
	_ =	sdelay $0x4  }
0x3d4: {  	[tilespmem:v18+s28+$0x0] =	vst.idx.msk $0xffff, v17  }
0x3d5: {  	s22 =	sadd.s32 $0xFFFFFFFF, s8;
	v18 =	vadd.s32 v12, v19;
	v17 =	vld [tilespmem:s6+$0x30]  }
0x3d6: {  	v19 =	vmov s22  }
0x3d7: {  	v19 =	vshrl.u32 v19, $0x3  }
0x3d8: {  	v19 =	vshll.u32 v19, v1  }
0x3d9: {  	v19 =	vbroadcast v19, $0x0  }
0x3da: {  	[tilespmem:v18+s28+$0x0] =	vst.idx.msk $0xffff, v17  }
0x3db: {  	v18 =	vadd.s32 v13, v19;
	v17 =	vld [tilespmem:s6+$0x40];
	_ =	sdelay $0x4  }
0x3dc: {  	[tilespmem:v18+s28+$0x0] =	vst.idx.msk $0xffff, v17  }
0x3dd: {  	v18 =	vadd.s32 v14, v19;
	v17 =	vld [tilespmem:s6+$0x50]  }
0x3de: {  	v19 =	vmov s8  }
0x3df: {  	v19 =	vshrl.u32 v19, $0x3  }
0x3e0: {  	v19 =	vshll.u32 v19, v1  }
0x3e1: {  	v19 =	vbroadcast v19, $0x0  }
0x3e2: {  	[tilespmem:v18+s28+$0x0] =	vst.idx.msk $0xffff, v17  }
0x3e3: {  	v18 =	vadd.s32 v15, v19;
	v17 =	vld [tilespmem:s6+$0x60];
	_ =	sdelay $0x3  }
0x3e4: {  	s19 =	sadd.s32 $0x4, s19  }
0x3e5: {  	s21 =	sshrl.u32 s19, $0x5;
	[tilespmem:v18+s28+$0x0] =	vst.idx.msk $0xffff, v17  }
0x3e6: {  	s22 =	sshll.u32 s21, $0x8;
	s8 =	sshll.u32 s19, $0x3;
	v18 =	vadd.s32 v16, v19;
	v17 =	vld [tilespmem:s6+$0x70]  }
0x3e7: {  	s9 =	sshll.u32 s21, $0xA;
	s6 =	ssub.s32 s8, s22  }
0x3e8: {  	s6 =	sadd.s32 s9, s6  }
0x3e9: {  	s8 =	sshll.u32 s6, $0x4  }
0x3ea: {  	s19 =	sand.u32 $0x1FFFFF80, s8  }
0x3eb: {  	s9 =	sadd.s32 s2, s19;
	[tilespmem:v18+s28+$0x0] =	vst.idx.msk $0xffff, v17  }
0x3ec: {  	[hbm4b:s9+s3] =	stream.linear.scatter [tilespmem:s28], [sflag:$0x7], $0x80, $0x38;
	[tilespmem:$0x16800] =	vst v63  }
0x3ed: {  	s22 =	simm.s32 $0x12708;
	s21 =	sadd.s32 $0x10, s9  }
0x3ee: {  	[hbm4b:s21+s3] =	stream.linear.scatter [tilespmem:s22], [sflag:$0x7], $0x80, $0x38;
	[tilespmem:$0x16800] =	vst v63  }
0x3ef: {  	s21 =	sadd.s32 $0x20, s9;
	s22 =	simm.s32 $0x12810  }
0x3f0: {  	[hbm4b:s21+s3] =	stream.linear.scatter [tilespmem:s22], [sflag:$0x7], $0x80, $0x38;
	[tilespmem:$0x16800] =	vst v63  }
0x3f1: {  	s21 =	sadd.s32 $0x30, s9;
	s22 =	simm.s32 $0x12918  }
0x3f2: {  	[hbm4b:s21+s3] =	stream.linear.scatter [tilespmem:s22], [sflag:$0x7], $0x80, $0x38;
	[tilespmem:$0x16800] =	vst v63  }
0x3f3: {  	s21 =	sadd.s32 $0x40, s9;
	s22 =	simm.s32 $0x12A20  }
0x3f4: {  	[hbm4b:s21+s3] =	stream.linear.scatter [tilespmem:s22], [sflag:$0x7], $0x80, $0x38;
	[tilespmem:$0x16800] =	vst v63  }
0x3f5: {  	s21 =	sadd.s32 $0x50, s9;
	s22 =	simm.s32 $0x12B28  }
0x3f6: {  	[hbm4b:s21+s3] =	stream.linear.scatter [tilespmem:s22], [sflag:$0x7], $0x80, $0x38;
	[tilespmem:$0x16800] =	vst v63  }
0x3f7: {  	s21 =	sadd.s32 $0x60, s9;
	s22 =	simm.s32 $0x12C30  }
0x3f8: {  	[hbm4b:s21+s3] =	stream.linear.scatter [tilespmem:s22], [sflag:$0x7], $0x80, $0x38;
	[tilespmem:$0x16800] =	vst v63  }
0x3f9: {  	s8 =	sand.u32 $0x1FFFFF00, s8;
	s9 =	sadd.s32 $0x70, s9;
	s22 =	simm.s32 $0x12D38  }
0x3fa: {  	[hbm4b:s9+s3] =	stream.linear.scatter [tilespmem:s22], [sflag:$0x7], $0x80, $0x38;
	[tilespmem:$0x16800] =	vst v63  }
0x3fb: {  	s8 =	sadd.s32 s8, s7;
	s19 =	simm.s32 $0x12680  }
0x3fc: {  	[hbm4b:s8+s3] =	stream.linear.scatter [tilespmem:s19], [sflag:$0x7], $0x80, $0x38;
	[tilespmem:$0x16800] =	vst v63  }
0x3fd: {  	s21 =	sadd.s32 $0x10, s8;
	s22 =	simm.s32 $0x12788  }
0x3fe: {  	[hbm4b:s21+s3] =	stream.linear.scatter [tilespmem:s22], [sflag:$0x7], $0x80, $0x38;
	[tilespmem:$0x16800] =	vst v63  }
0x3ff: {  	s21 =	sadd.s32 $0x20, s8;
	s22 =	simm.s32 $0x12890  }
0x400: {  	[hbm4b:s21+s3] =	stream.linear.scatter [tilespmem:s22], [sflag:$0x7], $0x80, $0x38;
	[tilespmem:$0x16800] =	vst v63  }
0x401: {  	s21 =	sadd.s32 $0x30, s8;
	s22 =	simm.s32 $0x12998  }
0x402: {  	[hbm4b:s21+s3] =	stream.linear.scatter [tilespmem:s22], [sflag:$0x7], $0x80, $0x38;
	[tilespmem:$0x16800] =	vst v63  }
0x403: {  	s21 =	sadd.s32 $0x40, s8;
	s22 =	simm.s32 $0x12AA0  }
0x404: {  	[hbm4b:s21+s3] =	stream.linear.scatter [tilespmem:s22], [sflag:$0x7], $0x80, $0x38;
	[tilespmem:$0x16800] =	vst v63  }
0x405: {  	s21 =	sadd.s32 $0x50, s8;
	s22 =	simm.s32 $0x12BA8  }
0x406: {  	[hbm4b:s21+s3] =	stream.linear.scatter [tilespmem:s22], [sflag:$0x7], $0x80, $0x38;
	[tilespmem:$0x16800] =	vst v63  }
0x407: {  	s6 =	sshll.u32 s6, $0x7;
	s19 =	sadd.s32 $0x60, s8;
	s21 =	simm.s32 $0x12CB0  }
0x408: {  	[hbm4b:s19+s3] =	stream.linear.scatter [tilespmem:s21], [sflag:$0x7], $0x80, $0x38;
	[tilespmem:$0x16800] =	vst v63  }
0x409: {  	s9 =	sadd.s32 $0x8000, s6;
	s8 =	sadd.s32 $0x70, s8;
	s22 =	simm.s32 $0x12DB8  }
0x40a: {  	[hbm4b:s8+s3] =	stream.linear.scatter [tilespmem:s22], [sflag:$0x7], $0x80, $0x38;
	[tilespmem:$0x16800] =	vst v63  }
0x40b: {  	s8 =	sshrl.u32 s9, $0x3  }
0x40c: {  	s19 =	simm.s32 $0x12E40;
	s8 =	sadd.s32 s2, s8  }
0x40d: {  	[hbm4b:s8+s3] =	stream.linear.scatter [tilespmem:s19], [sflag:$0x7], $0x80, $0x38;
	[tilespmem:$0x16800] =	vst v63  }
0x40e: {  	s22 =	simm.s32 $0x12F48;
	s21 =	sadd.s32 $0x10, s8  }
0x40f: {  	[hbm4b:s21+s3] =	stream.linear.scatter [tilespmem:s22], [sflag:$0x7], $0x80, $0x38;
	[tilespmem:$0x16800] =	vst v63  }
0x410: {  	s21 =	sadd.s32 $0x20, s8;
	s22 =	simm.s32 $0x13050  }
0x411: {  	[hbm4b:s21+s3] =	stream.linear.scatter [tilespmem:s22], [sflag:$0x7], $0x80, $0x38;
	[tilespmem:$0x16800] =	vst v63  }
0x412: {  	s21 =	sadd.s32 $0x30, s8;
	s22 =	simm.s32 $0x13158  }
0x413: {  	[hbm4b:s21+s3] =	stream.linear.scatter [tilespmem:s22], [sflag:$0x7], $0x80, $0x38;
	[tilespmem:$0x16800] =	vst v63  }
0x414: {  	s21 =	sadd.s32 $0x40, s8;
	s22 =	simm.s32 $0x13260  }
0x415: {  	[hbm4b:s21+s3] =	stream.linear.scatter [tilespmem:s22], [sflag:$0x7], $0x80, $0x38;
	[tilespmem:$0x16800] =	vst v63  }
0x416: {  	s21 =	sadd.s32 $0x50, s8;
	s22 =	simm.s32 $0x13368  }
0x417: {  	[hbm4b:s21+s3] =	stream.linear.scatter [tilespmem:s22], [sflag:$0x7], $0x80, $0x38;
	[tilespmem:$0x16800] =	vst v63  }
0x418: {  	s19 =	sadd.s32 $0x60, s8;
	s21 =	simm.s32 $0x13470  }
0x419: {  	[hbm4b:s19+s3] =	stream.linear.scatter [tilespmem:s21], [sflag:$0x7], $0x80, $0x38;
	[tilespmem:$0x16800] =	vst v63  }
0x41a: {  	s9 =	sadd.s32 $0x8400, s6;
	s8 =	sadd.s32 $0x70, s8;
	s22 =	simm.s32 $0x13578  }
0x41b: {  	[hbm4b:s8+s3] =	stream.linear.scatter [tilespmem:s22], [sflag:$0x7], $0x80, $0x38;
	[tilespmem:$0x16800] =	vst v63  }
0x41c: {  	s8 =	sshrl.u32 s9, $0x3  }
0x41d: {  	s19 =	simm.s32 $0x12EC0;
	s8 =	sadd.s32 s2, s8  }
0x41e: {  	[hbm4b:s8+s3] =	stream.linear.scatter [tilespmem:s19], [sflag:$0x7], $0x80, $0x38;
	[tilespmem:$0x16800] =	vst v63  }
0x41f: {  	s22 =	simm.s32 $0x12FC8;
	s21 =	sadd.s32 $0x10, s8  }
0x420: {  	[hbm4b:s21+s3] =	stream.linear.scatter [tilespmem:s22], [sflag:$0x7], $0x80, $0x38;
	[tilespmem:$0x16800] =	vst v63  }
0x421: {  	s21 =	sadd.s32 $0x20, s8;
	s22 =	simm.s32 $0x130D0  }
0x422: {  	[hbm4b:s21+s3] =	stream.linear.scatter [tilespmem:s22], [sflag:$0x7], $0x80, $0x38;
	[tilespmem:$0x16800] =	vst v63  }
0x423: {  	s21 =	sadd.s32 $0x30, s8;
	s22 =	simm.s32 $0x131D8  }
0x424: {  	[hbm4b:s21+s3] =	stream.linear.scatter [tilespmem:s22], [sflag:$0x7], $0x80, $0x38;
	[tilespmem:$0x16800] =	vst v63  }
0x425: {  	s21 =	sadd.s32 $0x40, s8;
	s22 =	simm.s32 $0x132E0  }
0x426: {  	[hbm4b:s21+s3] =	stream.linear.scatter [tilespmem:s22], [sflag:$0x7], $0x80, $0x38;
	[tilespmem:$0x16800] =	vst v63  }
0x427: {  	s21 =	sadd.s32 $0x50, s8;
	s22 =	simm.s32 $0x133E8  }
0x428: {  	[hbm4b:s21+s3] =	stream.linear.scatter [tilespmem:s22], [sflag:$0x7], $0x80, $0x38;
	[tilespmem:$0x16800] =	vst v63  }
0x429: {  	s19 =	sadd.s32 $0x60, s8;
	s21 =	simm.s32 $0x134F0  }
0x42a: {  	[hbm4b:s19+s3] =	stream.linear.scatter [tilespmem:s21], [sflag:$0x7], $0x80, $0x38;
	[tilespmem:$0x16800] =	vst v63  }
0x42b: {  	s9 =	sadd.s32 $0x10000, s6;
	s8 =	sadd.s32 $0x70, s8;
	s22 =	simm.s32 $0x135F8  }
0x42c: {  	[hbm4b:s8+s3] =	stream.linear.scatter [tilespmem:s22], [sflag:$0x7], $0x80, $0x38;
	[tilespmem:$0x16800] =	vst v63  }
0x42d: {  	s8 =	sshrl.u32 s9, $0x3  }
0x42e: {  	s19 =	simm.s32 $0x13680;
	s8 =	sadd.s32 s2, s8  }
0x42f: {  	[hbm4b:s8+s3] =	stream.linear.scatter [tilespmem:s19], [sflag:$0x7], $0x80, $0x38;
	[tilespmem:$0x16800] =	vst v63  }
0x430: {  	s22 =	simm.s32 $0x13788;
	s21 =	sadd.s32 $0x10, s8  }
0x431: {  	[hbm4b:s21+s3] =	stream.linear.scatter [tilespmem:s22], [sflag:$0x7], $0x80, $0x38;
	[tilespmem:$0x16800] =	vst v63  }
0x432: {  	s21 =	sadd.s32 $0x20, s8;
	s22 =	simm.s32 $0x13890  }
0x433: {  	[hbm4b:s21+s3] =	stream.linear.scatter [tilespmem:s22], [sflag:$0x7], $0x80, $0x38;
	[tilespmem:$0x16800] =	vst v63  }
0x434: {  	s21 =	sadd.s32 $0x30, s8;
	s22 =	simm.s32 $0x13998  }
0x435: {  	[hbm4b:s21+s3] =	stream.linear.scatter [tilespmem:s22], [sflag:$0x7], $0x80, $0x38;
	[tilespmem:$0x16800] =	vst v63  }
0x436: {  	s21 =	sadd.s32 $0x40, s8;
	s22 =	simm.s32 $0x13AA0  }
0x437: {  	[hbm4b:s21+s3] =	stream.linear.scatter [tilespmem:s22], [sflag:$0x7], $0x80, $0x38;
	[tilespmem:$0x16800] =	vst v63  }
0x438: {  	s21 =	sadd.s32 $0x50, s8;
	s22 =	simm.s32 $0x13BA8  }
0x439: {  	[hbm4b:s21+s3] =	stream.linear.scatter [tilespmem:s22], [sflag:$0x7], $0x80, $0x38;
	[tilespmem:$0x16800] =	vst v63  }
0x43a: {  	s19 =	sadd.s32 $0x60, s8;
	s21 =	simm.s32 $0x13CB0  }
0x43b: {  	[hbm4b:s19+s3] =	stream.linear.scatter [tilespmem:s21], [sflag:$0x7], $0x80, $0x38;
	[tilespmem:$0x16800] =	vst v63  }
0x43c: {  	s9 =	sadd.s32 $0x10400, s6;
	s8 =	sadd.s32 $0x70, s8;
	s22 =	simm.s32 $0x13DB8  }
0x43d: {  	[hbm4b:s8+s3] =	stream.linear.scatter [tilespmem:s22], [sflag:$0x7], $0x80, $0x38;
	[tilespmem:$0x16800] =	vst v63  }
0x43e: {  	s8 =	sshrl.u32 s9, $0x3  }
0x43f: {  	s19 =	simm.s32 $0x13700;
	s8 =	sadd.s32 s2, s8  }
0x440: {  	[hbm4b:s8+s3] =	stream.linear.scatter [tilespmem:s19], [sflag:$0x7], $0x80, $0x38;
	[tilespmem:$0x16800] =	vst v63  }
0x441: {  	s22 =	simm.s32 $0x13808;
	s21 =	sadd.s32 $0x10, s8  }
0x442: {  	[hbm4b:s21+s3] =	stream.linear.scatter [tilespmem:s22], [sflag:$0x7], $0x80, $0x38;
	[tilespmem:$0x16800] =	vst v63  }
0x443: {  	s21 =	sadd.s32 $0x20, s8;
	s22 =	simm.s32 $0x13910  }
0x444: {  	[hbm4b:s21+s3] =	stream.linear.scatter [tilespmem:s22], [sflag:$0x7], $0x80, $0x38;
	[tilespmem:$0x16800] =	vst v63  }
0x445: {  	s21 =	sadd.s32 $0x30, s8;
	s22 =	simm.s32 $0x13A18  }
0x446: {  	[hbm4b:s21+s3] =	stream.linear.scatter [tilespmem:s22], [sflag:$0x7], $0x80, $0x38;
	[tilespmem:$0x16800] =	vst v63  }
0x447: {  	s21 =	sadd.s32 $0x40, s8;
	s22 =	simm.s32 $0x13B20  }
0x448: {  	[hbm4b:s21+s3] =	stream.linear.scatter [tilespmem:s22], [sflag:$0x7], $0x80, $0x38;
	[tilespmem:$0x16800] =	vst v63  }
0x449: {  	s21 =	sadd.s32 $0x50, s8;
	s22 =	simm.s32 $0x13C28  }
0x44a: {  	[hbm4b:s21+s3] =	stream.linear.scatter [tilespmem:s22], [sflag:$0x7], $0x80, $0x38;
	[tilespmem:$0x16800] =	vst v63  }
0x44b: {  	s19 =	sadd.s32 $0x60, s8;
	s21 =	simm.s32 $0x13D30  }
0x44c: {  	[hbm4b:s19+s3] =	stream.linear.scatter [tilespmem:s21], [sflag:$0x7], $0x80, $0x38;
	[tilespmem:$0x16800] =	vst v63  }
0x44d: {  	s9 =	sadd.s32 $0x18000, s6;
	s8 =	sadd.s32 $0x70, s8;
	s22 =	simm.s32 $0x13E38  }
0x44e: {  	[hbm4b:s8+s3] =	stream.linear.scatter [tilespmem:s22], [sflag:$0x7], $0x80, $0x38;
	[tilespmem:$0x16800] =	vst v63  }
0x44f: {  	s8 =	sshrl.u32 s9, $0x3  }
0x450: {  	s19 =	simm.s32 $0x13EC0;
	s8 =	sadd.s32 s2, s8  }
0x451: {  	[hbm4b:s8+s3] =	stream.linear.scatter [tilespmem:s19], [sflag:$0x7], $0x80, $0x38;
	[tilespmem:$0x16800] =	vst v63  }
0x452: {  	s22 =	simm.s32 $0x13FC8;
	s21 =	sadd.s32 $0x10, s8  }
0x453: {  	[hbm4b:s21+s3] =	stream.linear.scatter [tilespmem:s22], [sflag:$0x7], $0x80, $0x38;
	[tilespmem:$0x16800] =	vst v63  }
0x454: {  	s21 =	sadd.s32 $0x20, s8;
	s22 =	simm.s32 $0x140D0  }
0x455: {  	[hbm4b:s21+s3] =	stream.linear.scatter [tilespmem:s22], [sflag:$0x7], $0x80, $0x38;
	[tilespmem:$0x16800] =	vst v63  }
0x456: {  	s21 =	sadd.s32 $0x30, s8;
	s22 =	simm.s32 $0x141D8  }
0x457: {  	[hbm4b:s21+s3] =	stream.linear.scatter [tilespmem:s22], [sflag:$0x7], $0x80, $0x38;
	[tilespmem:$0x16800] =	vst v63  }
0x458: {  	s21 =	sadd.s32 $0x40, s8;
	s22 =	simm.s32 $0x142E0  }
0x459: {  	[hbm4b:s21+s3] =	stream.linear.scatter [tilespmem:s22], [sflag:$0x7], $0x80, $0x38;
	[tilespmem:$0x16800] =	vst v63  }
0x45a: {  	s21 =	sadd.s32 $0x50, s8;
	s22 =	simm.s32 $0x143E8  }
0x45b: {  	[hbm4b:s21+s3] =	stream.linear.scatter [tilespmem:s22], [sflag:$0x7], $0x80, $0x38;
	[tilespmem:$0x16800] =	vst v63  }
0x45c: {  	s6 =	sadd.s32 $0x18400, s6;
	s19 =	sadd.s32 $0x60, s8;
	s21 =	simm.s32 $0x144F0  }
0x45d: {  	[hbm4b:s19+s3] =	stream.linear.scatter [tilespmem:s21], [sflag:$0x7], $0x80, $0x38;
	[tilespmem:$0x16800] =	vst v63  }
0x45e: {  	s6 =	sshrl.u32 s6, $0x3;
	s8 =	sadd.s32 $0x70, s8;
	s22 =	simm.s32 $0x145F8  }
0x45f: {  	[hbm4b:s8+s3] =	stream.linear.scatter [tilespmem:s22], [sflag:$0x7], $0x80, $0x38;
	[tilespmem:$0x16800] =	vst v63  }
0x460: {  	s6 =	sadd.s32 s2, s6;
	s19 =	simm.s32 $0x13F40  }
0x461: {  	[hbm4b:s6+s3] =	stream.linear.scatter [tilespmem:s19], [sflag:$0x7], $0x80, $0x38;
	[tilespmem:$0x16800] =	vst v63  }
0x462: {  	s21 =	sadd.s32 $0x10, s6;
	s22 =	simm.s32 $0x14048  }
0x463: {  	[hbm4b:s21+s3] =	stream.linear.scatter [tilespmem:s22], [sflag:$0x7], $0x80, $0x38;
	[tilespmem:$0x16800] =	vst v63  }
0x464: {  	s9 =	sadd.s32 $0x20, s6;
	s19 =	simm.s32 $0x14150  }
0x465: {  	[hbm4b:s9+s3] =	stream.linear.scatter [tilespmem:s19], [sflag:$0x7], $0x80, $0x38;
	[tilespmem:$0x16800] =	vst v63  }
0x466: {  	s21 =	sadd.s32 $0x30, s6;
	s22 =	simm.s32 $0x14258  }
0x467: {  	[hbm4b:s21+s3] =	stream.linear.scatter [tilespmem:s22], [sflag:$0x7], $0x80, $0x38;
	[tilespmem:$0x16800] =	vst v63  }
0x468: {  	s9 =	sadd.s32 $0x40, s6;
	s19 =	simm.s32 $0x14360  }
0x469: {  	[hbm4b:s9+s3] =	stream.linear.scatter [tilespmem:s19], [sflag:$0x7], $0x80, $0x38;
	[tilespmem:$0x16800] =	vst v63  }
0x46a: {  	s21 =	sadd.s32 $0x50, s6;
	s22 =	simm.s32 $0x14468  }
0x46b: {  	[hbm4b:s21+s3] =	stream.linear.scatter [tilespmem:s22], [sflag:$0x7], $0x80, $0x38;
	[tilespmem:$0x16800] =	vst v63  }
.Ltmp9:
0x46c: {  	_ = 	snop;
	(pc) =	sbr.rel @p1 .LBB2_18-.Ltmp9, $4  }
0x46d: {  	s19 =	sadd.s32 $0x60, s6;
	s21 =	simm.s32 $0x14570  }
0x46e: {  	[hbm4b:s19+s3] =	stream.linear.scatter [tilespmem:s21], [sflag:$0x7], $0x80, $0x38;
	[tilespmem:$0x16800] =	vst v63  }
0x46f: {  	s6 =	sadd.s32 $0x70, s6;
	s22 =	simm.s32 $0x14678  }
0x470: {  	[hbm4b:s6+s3] =	stream.linear.scatter [tilespmem:s22], [sflag:$0x7], $0x80, $0x38;
	[tilespmem:$0x16800] =	vst v63  }
.Ltmp10:
0x471: {  	(pc) =	sbr.rel .LBB2_19-.Ltmp10, $4  }
0x472: {  	_ = 	snop  }
0x473: {  	_ =	swait.ge [sflag:s11], $0x2000  }
0x474: {  	[sflag:s11] =	ssyncset.done $0x0  }
0x475: {  	[sflag:s11] =	ssyncadd.s32 $0xFFFFE000  }
.LBB2_18:
0x476: {  	s6 =	sadd.s32 $0x600, s17;
	s8 =	simm.s32 $0xA400  }
0x477: {  	[tilespmem:s8], [sflag:$0x3] =	stream.indirect.gather [hbm4b:s4+s10], $0x20, s6, s10, $0xb8;
	[tilespmem:$0x16800] =	vst v63  }
.Ltmp11:
0x478: {  	s21 =	sadd.s32 $0x680, s17;
	s22 =	simm.s32 $0xB400;
	(pc) =	sbr.rel @p0 .LBB2_20-.Ltmp11, $4  }
0x479: {  	[tilespmem:s22], [sflag:$0x3] =	stream.indirect.gather [hbm4b:s4+s10], $0x20, s21, s10, $0xb8;
	[tilespmem:$0x16800] =	vst v63  }
0x47a: {  	_ =	swait.ge [sflag:s11], $0x2000  }
0x47b: {  	[sflag:s11] =	ssyncset.done $0x0  }
0x47c: {  	[sflag:s11] =	ssyncadd.s32 $0xFFFFE000  }
.LBB2_19:
0x47d: {  	_ =	swait.ge [sflag:s12], $0x400  }
0x47e: {  	[sflag:s12] =	ssyncset.done $0x0  }
0x47f: {  	[sflag:s12] =	ssyncadd.s32 $0xFFFFFC00  }
0x480: {  	_ =	swait.ge [sflag:s12], $0x400  }
0x481: {  	[sflag:s12] =	ssyncset.done $0x0  }
0x482: {  	[sflag:s12] =	ssyncadd.s32 $0xFFFFFC00  }
0x483: {  	_ =	swait.ge [sflag:s12], $0x400  }
0x484: {  	[sflag:s12] =	ssyncset.done $0x0  }
0x485: {  	[sflag:s12] =	ssyncadd.s32 $0xFFFFFC00  }
0x486: {  	_ =	swait.ge [sflag:s12], $0x400  }
0x487: {  	[sflag:s12] =	ssyncset.done $0x0  }
0x488: {  	[sflag:s12] =	ssyncadd.s32 $0xFFFFFC00  }
0x489: {  	_ =	swait.ge [sflag:s12], $0x400  }
0x48a: {  	[sflag:s12] =	ssyncset.done $0x0  }
0x48b: {  	[sflag:s12] =	ssyncadd.s32 $0xFFFFFC00  }
0x48c: {  	_ =	swait.ge [sflag:s12], $0x400  }
0x48d: {  	[sflag:s12] =	ssyncset.done $0x0  }
0x48e: {  	[sflag:s12] =	ssyncadd.s32 $0xFFFFFC00  }
0x48f: {  	_ =	swait.ge [sflag:s12], $0x400  }
0x490: {  	[sflag:s12] =	ssyncset.done $0x0  }
0x491: {  	[sflag:s12] =	ssyncadd.s32 $0xFFFFFC00  }
0x492: {  	_ =	swait.ge [sflag:s12], $0x400  }
0x493: {  	[sflag:s12] =	ssyncset.done $0x0  }
0x494: {  	[sflag:s12] =	ssyncadd.s32 $0xFFFFFC00  }
.LBB2_20:
0x495: {  	s6 =	simm.s32 $0x0  }
0x496: {  	v17 =	vmov s6  }
0x497: {  	v17 =	vshrl.u32 v17, $0x3  }
0x498: {  	v17 =	vshll.u32 v17, v1  }
0x499: {  	v17 =	vbroadcast v17, $0x0  }
0x49a: {  	s6 =	simm.s32 $0xC480  }
0x49b: {  	v18 =	vld [tilespmem:s6+$0xFFFFFF80];
	v19 =	vadd.s32 v0, v17;
	_ =	sdelay $0x4  }
0x49c: {  	[tilespmem:v19+s20+$0x0] =	vst.idx.msk $0xffff, v18  }
0x49d: {  	s8 =	simm.s32 $0x1;
	v17 =	vadd.s32 v2, v17;
	v18 =	vld [tilespmem:s6+$0xFFFFFF90]  }
0x49e: {  	v19 =	vmov s8  }
0x49f: {  	v19 =	vshrl.u32 v19, $0x3  }
0x4a0: {  	v19 =	vshll.u32 v19, v1  }
0x4a1: {  	v19 =	vbroadcast v19, $0x0  }
0x4a2: {  	[tilespmem:v17+s20+$0x0] =	vst.idx.msk $0xffff, v18  }
0x4a3: {  	v18 =	vadd.s32 v3, v19;
	v17 =	vld [tilespmem:s6+$0xFFFFFFA0];
	_ =	sdelay $0x4  }
0x4a4: {  	[tilespmem:v18+s20+$0x0] =	vst.idx.msk $0xffff, v17  }
0x4a5: {  	s22 =	simm.s32 $0x2;
	v18 =	vadd.s32 v4, v19;
	v17 =	vld [tilespmem:s6+$0xFFFFFFB0]  }
0x4a6: {  	v19 =	vmov s22  }
0x4a7: {  	v19 =	vshrl.u32 v19, $0x3  }
0x4a8: {  	v19 =	vshll.u32 v19, v1  }
0x4a9: {  	v19 =	vbroadcast v19, $0x0  }
0x4aa: {  	[tilespmem:v18+s20+$0x0] =	vst.idx.msk $0xffff, v17  }
0x4ab: {  	v18 =	vadd.s32 v5, v19;
	v17 =	vld [tilespmem:s6+$0xFFFFFFC0];
	_ =	sdelay $0x4  }
0x4ac: {  	[tilespmem:v18+s20+$0x0] =	vst.idx.msk $0xffff, v17  }
0x4ad: {  	s9 =	simm.s32 $0x3;
	v18 =	vadd.s32 v6, v19;
	v17 =	vld [tilespmem:s6+$0xFFFFFFD0]  }
0x4ae: {  	v19 =	vmov s9  }
0x4af: {  	v19 =	vshrl.u32 v19, $0x3  }
0x4b0: {  	v19 =	vshll.u32 v19, v1  }
0x4b1: {  	v19 =	vbroadcast v19, $0x0  }
0x4b2: {  	[tilespmem:v18+s20+$0x0] =	vst.idx.msk $0xffff, v17  }
0x4b3: {  	v18 =	vadd.s32 v7, v19;
	v17 =	vld [tilespmem:s6+$0xFFFFFFE0];
	_ =	sdelay $0x4  }
0x4b4: {  	[tilespmem:v18+s20+$0x0] =	vst.idx.msk $0xffff, v17  }
0x4b5: {  	s17 =	simm.s32 $0x4;
	v18 =	vadd.s32 v8, v19;
	v17 =	vld [tilespmem:s6+$0xFFFFFFF0]  }
0x4b6: {  	v19 =	vmov s17  }
0x4b7: {  	v19 =	vshrl.u32 v19, $0x3  }
0x4b8: {  	v19 =	vshll.u32 v19, v1  }
0x4b9: {  	v19 =	vbroadcast v19, $0x0  }
0x4ba: {  	[tilespmem:v18+s20+$0x0] =	vst.idx.msk $0xffff, v17  }
0x4bb: {  	v18 =	vadd.s32 v9, v19;
	v17 =	vld [tilespmem:s6+$0x0];
	_ =	sdelay $0x4  }
0x4bc: {  	[tilespmem:v18+s20+$0x0] =	vst.idx.msk $0xffff, v17  }
0x4bd: {  	s19 =	simm.s32 $0x5;
	v18 =	vadd.s32 v10, v19;
	v17 =	vld [tilespmem:s6+$0x10]  }
0x4be: {  	v19 =	vmov s19  }
0x4bf: {  	v19 =	vshrl.u32 v19, $0x3  }
0x4c0: {  	v19 =	vshll.u32 v19, v1  }
0x4c1: {  	v19 =	vbroadcast v19, $0x0  }
0x4c2: {  	[tilespmem:v18+s20+$0x0] =	vst.idx.msk $0xffff, v17  }
0x4c3: {  	v18 =	vadd.s32 v11, v19;
	v17 =	vld [tilespmem:s6+$0x20];
	_ =	sdelay $0x4  }
0x4c4: {  	[tilespmem:v18+s20+$0x0] =	vst.idx.msk $0xffff, v17  }
0x4c5: {  	s21 =	simm.s32 $0x6;
	v18 =	vadd.s32 v12, v19;
	v17 =	vld [tilespmem:s6+$0x30]  }
0x4c6: {  	v19 =	vmov s21  }
0x4c7: {  	v19 =	vshrl.u32 v19, $0x3  }
0x4c8: {  	v19 =	vshll.u32 v19, v1  }
0x4c9: {  	v19 =	vbroadcast v19, $0x0  }
0x4ca: {  	[tilespmem:v18+s20+$0x0] =	vst.idx.msk $0xffff, v17  }
0x4cb: {  	v18 =	vadd.s32 v13, v19;
	v17 =	vld [tilespmem:s6+$0x40];
	_ =	sdelay $0x4  }
0x4cc: {  	[tilespmem:v18+s20+$0x0] =	vst.idx.msk $0xffff, v17  }
0x4cd: {  	s22 =	simm.s32 $0x7;
	v18 =	vadd.s32 v14, v19;
	v17 =	vld [tilespmem:s6+$0x50]  }
0x4ce: {  	v19 =	vmov s22  }
0x4cf: {  	v19 =	vshrl.u32 v19, $0x3  }
0x4d0: {  	v19 =	vshll.u32 v19, v1  }
0x4d1: {  	v19 =	vbroadcast v19, $0x0  }
0x4d2: {  	[tilespmem:v18+s20+$0x0] =	vst.idx.msk $0xffff, v17  }
0x4d3: {  	v18 =	vadd.s32 v15, v19;
	v17 =	vld [tilespmem:s6+$0x60];
	_ =	sdelay $0x4  }
0x4d4: {  	[tilespmem:v18+s20+$0x0] =	vst.idx.msk $0xffff, v17  }
0x4d5: {  	s8 =	simm.s32 $0xF;
	s9 =	simm.s32 $0x17;
	s17 =	simm.s32 $0x8;
	v18 =	vadd.s32 v16, v19;
	v17 =	vld [tilespmem:s6+$0x70]  }
.LBB2_21:
0x4d6: {  	p0 =	sne.s32 s9, $0xFF;
	v19 =	vmov s17  }
0x4d7: {  	v19 =	vshrl.u32 v19, $0x3  }
0x4d8: {  	v19 =	vshll.u32 v19, v1  }
0x4d9: {  	v19 =	vbroadcast v19, $0x0  }
0x4da: {  	s6 =	sadd.s32 $0x100, s6;
	[tilespmem:v18+s20+$0x0] =	vst.idx.msk $0xffff, v17  }
0x4db: {  	v17 =	vld [tilespmem:s6+$0xFFFFFF80];
	v18 =	vadd.s32 v0, v19;
	_ =	sdelay $0x4  }
0x4dc: {  	[tilespmem:v18+s20+$0x0] =	vst.idx.msk $0xffff, v17  }
0x4dd: {  	s17 =	sadd.s32 $0xFFFFFFFA, s8;
	v18 =	vadd.s32 v2, v19;
	v17 =	vld [tilespmem:s6+$0xFFFFFF90]  }
0x4de: {  	v19 =	vmov s17  }
0x4df: {  	v19 =	vshrl.u32 v19, $0x3  }
0x4e0: {  	v19 =	vshll.u32 v19, v1  }
0x4e1: {  	v19 =	vbroadcast v19, $0x0  }
0x4e2: {  	[tilespmem:v18+s20+$0x0] =	vst.idx.msk $0xffff, v17  }
0x4e3: {  	v18 =	vadd.s32 v3, v19;
	v17 =	vld [tilespmem:s6+$0xFFFFFFA0];
	_ =	sdelay $0x4  }
0x4e4: {  	[tilespmem:v18+s20+$0x0] =	vst.idx.msk $0xffff, v17  }
0x4e5: {  	s17 =	sadd.s32 $0xFFFFFFFB, s8;
	v18 =	vadd.s32 v4, v19;
	v17 =	vld [tilespmem:s6+$0xFFFFFFB0]  }
0x4e6: {  	v19 =	vmov s17  }
0x4e7: {  	v19 =	vshrl.u32 v19, $0x3  }
0x4e8: {  	v19 =	vshll.u32 v19, v1  }
0x4e9: {  	v19 =	vbroadcast v19, $0x0  }
0x4ea: {  	[tilespmem:v18+s20+$0x0] =	vst.idx.msk $0xffff, v17  }
0x4eb: {  	v18 =	vadd.s32 v5, v19;
	v17 =	vld [tilespmem:s6+$0xFFFFFFC0];
	_ =	sdelay $0x4  }
0x4ec: {  	[tilespmem:v18+s20+$0x0] =	vst.idx.msk $0xffff, v17  }
0x4ed: {  	s17 =	sadd.s32 $0xFFFFFFFC, s8;
	v18 =	vadd.s32 v6, v19;
	v17 =	vld [tilespmem:s6+$0xFFFFFFD0]  }
0x4ee: {  	v19 =	vmov s17  }
0x4ef: {  	v19 =	vshrl.u32 v19, $0x3  }
0x4f0: {  	v19 =	vshll.u32 v19, v1  }
0x4f1: {  	v19 =	vbroadcast v19, $0x0  }
0x4f2: {  	[tilespmem:v18+s20+$0x0] =	vst.idx.msk $0xffff, v17  }
0x4f3: {  	v18 =	vadd.s32 v7, v19;
	v17 =	vld [tilespmem:s6+$0xFFFFFFE0];
	_ =	sdelay $0x4  }
0x4f4: {  	[tilespmem:v18+s20+$0x0] =	vst.idx.msk $0xffff, v17  }
0x4f5: {  	s17 =	sadd.s32 $0xFFFFFFFD, s8;
	v18 =	vadd.s32 v8, v19;
	v17 =	vld [tilespmem:s6+$0xFFFFFFF0]  }
0x4f6: {  	v19 =	vmov s17  }
0x4f7: {  	v19 =	vshrl.u32 v19, $0x3  }
0x4f8: {  	v19 =	vshll.u32 v19, v1  }
0x4f9: {  	v19 =	vbroadcast v19, $0x0  }
0x4fa: {  	[tilespmem:v18+s20+$0x0] =	vst.idx.msk $0xffff, v17  }
0x4fb: {  	v18 =	vadd.s32 v9, v19;
	v17 =	vld [tilespmem:s6+$0x0];
	_ =	sdelay $0x4  }
0x4fc: {  	[tilespmem:v18+s20+$0x0] =	vst.idx.msk $0xffff, v17  }
0x4fd: {  	s17 =	sadd.s32 $0xFFFFFFFE, s8;
	v18 =	vadd.s32 v10, v19;
	v17 =	vld [tilespmem:s6+$0x10]  }
0x4fe: {  	v19 =	vmov s17  }
0x4ff: {  	v19 =	vshrl.u32 v19, $0x3  }
0x500: {  	v19 =	vshll.u32 v19, v1  }
0x501: {  	v19 =	vbroadcast v19, $0x0  }
0x502: {  	[tilespmem:v18+s20+$0x0] =	vst.idx.msk $0xffff, v17  }
0x503: {  	v18 =	vadd.s32 v11, v19;
	v17 =	vld [tilespmem:s6+$0x20];
	_ =	sdelay $0x4  }
0x504: {  	[tilespmem:v18+s20+$0x0] =	vst.idx.msk $0xffff, v17  }
0x505: {  	s17 =	sadd.s32 $0xFFFFFFFF, s8;
	v18 =	vadd.s32 v12, v19;
	v17 =	vld [tilespmem:s6+$0x30]  }
0x506: {  	v19 =	vmov s17  }
0x507: {  	v19 =	vshrl.u32 v19, $0x3  }
0x508: {  	v19 =	vshll.u32 v19, v1  }
0x509: {  	v19 =	vbroadcast v19, $0x0  }
0x50a: {  	[tilespmem:v18+s20+$0x0] =	vst.idx.msk $0xffff, v17  }
0x50b: {  	v18 =	vadd.s32 v13, v19;
	v17 =	vld [tilespmem:s6+$0x40];
	_ =	sdelay $0x4  }
0x50c: {  	[tilespmem:v18+s20+$0x0] =	vst.idx.msk $0xffff, v17  }
0x50d: {  	v18 =	vadd.s32 v14, v19;
	v17 =	vld [tilespmem:s6+$0x50]  }
0x50e: {  	v19 =	vmov s8;
	s8 =	smov.u32 s9  }
0x50f: {  	v19 =	vshrl.u32 v19, $0x3  }
0x510: {  	v19 =	vshll.u32 v19, v1  }
0x511: {  	v19 =	vbroadcast v19, $0x0  }
0x512: {  	[tilespmem:v18+s20+$0x0] =	vst.idx.msk $0xffff, v17  }
0x513: {  	v18 =	vadd.s32 v15, v19;
	v17 =	vld [tilespmem:s6+$0x60];
	_ =	sdelay $0x1  }
.Ltmp12:
0x514: {  	(pc) =	sbr.rel @p0 .LBB2_21-.Ltmp12, $3  }
0x515: {  	_ =	sdelay $0x1  }
0x516: {  	[tilespmem:v18+s20+$0x0] =	vst.idx.msk $0xffff, v17  }
0x517: {  	s9 =	sadd.s32 $0x8, s9;
	s17 =	sadd.s32 $0xFFFFFFF9, s8;
	v18 =	vadd.s32 v16, v19;
	v17 =	vld [tilespmem:s6+$0x70]  }
0x518: {  	v19 =	vmov s17  }
0x519: {  	v19 =	vshrl.u32 v19, $0x3  }
0x51a: {  	v19 =	vshll.u32 v19, v1  }
0x51b: {  	v19 =	vbroadcast v19, $0x0  }
0x51c: {  	s6 =	sadd.s32 $0x100, s6;
	[tilespmem:v18+s20+$0x0] =	vst.idx.msk $0xffff, v17  }
0x51d: {  	v17 =	vld [tilespmem:s6+$0xFFFFFF80];
	v18 =	vadd.s32 v0, v19;
	_ =	sdelay $0x4  }
0x51e: {  	[tilespmem:v18+s20+$0x0] =	vst.idx.msk $0xffff, v17  }
0x51f: {  	s9 =	sadd.s32 $0xFFFFFFFA, s8;
	v18 =	vadd.s32 v2, v19;
	v17 =	vld [tilespmem:s6+$0xFFFFFF90]  }
0x520: {  	v19 =	vmov s9  }
0x521: {  	v19 =	vshrl.u32 v19, $0x3  }
0x522: {  	v19 =	vshll.u32 v19, v1  }
0x523: {  	v19 =	vbroadcast v19, $0x0  }
0x524: {  	[tilespmem:v18+s20+$0x0] =	vst.idx.msk $0xffff, v17  }
0x525: {  	v18 =	vadd.s32 v3, v19;
	v17 =	vld [tilespmem:s6+$0xFFFFFFA0];
	_ =	sdelay $0x4  }
0x526: {  	[tilespmem:v18+s20+$0x0] =	vst.idx.msk $0xffff, v17  }
0x527: {  	s22 =	sadd.s32 $0xFFFFFFFB, s8;
	v18 =	vadd.s32 v4, v19;
	v17 =	vld [tilespmem:s6+$0xFFFFFFB0]  }
0x528: {  	v19 =	vmov s22  }
0x529: {  	v19 =	vshrl.u32 v19, $0x3  }
0x52a: {  	v19 =	vshll.u32 v19, v1  }
0x52b: {  	v19 =	vbroadcast v19, $0x0  }
0x52c: {  	[tilespmem:v18+s20+$0x0] =	vst.idx.msk $0xffff, v17  }
0x52d: {  	v18 =	vadd.s32 v5, v19;
	v17 =	vld [tilespmem:s6+$0xFFFFFFC0];
	_ =	sdelay $0x4  }
0x52e: {  	[tilespmem:v18+s20+$0x0] =	vst.idx.msk $0xffff, v17  }
0x52f: {  	s17 =	sadd.s32 $0xFFFFFFFC, s8;
	v18 =	vadd.s32 v6, v19;
	v17 =	vld [tilespmem:s6+$0xFFFFFFD0]  }
0x530: {  	v19 =	vmov s17  }
0x531: {  	v19 =	vshrl.u32 v19, $0x3  }
0x532: {  	v19 =	vshll.u32 v19, v1  }
0x533: {  	v19 =	vbroadcast v19, $0x0  }
0x534: {  	[tilespmem:v18+s20+$0x0] =	vst.idx.msk $0xffff, v17  }
0x535: {  	v18 =	vadd.s32 v7, v19;
	v17 =	vld [tilespmem:s6+$0xFFFFFFE0];
	_ =	sdelay $0x4  }
0x536: {  	[tilespmem:v18+s20+$0x0] =	vst.idx.msk $0xffff, v17  }
0x537: {  	s19 =	sadd.s32 $0xFFFFFFFD, s8;
	v18 =	vadd.s32 v8, v19;
	v17 =	vld [tilespmem:s6+$0xFFFFFFF0]  }
0x538: {  	v19 =	vmov s19  }
0x539: {  	v19 =	vshrl.u32 v19, $0x3  }
0x53a: {  	v19 =	vshll.u32 v19, v1  }
0x53b: {  	v19 =	vbroadcast v19, $0x0  }
0x53c: {  	[tilespmem:v18+s20+$0x0] =	vst.idx.msk $0xffff, v17  }
0x53d: {  	v18 =	vadd.s32 v9, v19;
	v17 =	vld [tilespmem:s6+$0x0];
	_ =	sdelay $0x4  }
0x53e: {  	[tilespmem:v18+s20+$0x0] =	vst.idx.msk $0xffff, v17  }
0x53f: {  	s21 =	sadd.s32 $0xFFFFFFFE, s8;
	v18 =	vadd.s32 v10, v19;
	v17 =	vld [tilespmem:s6+$0x10]  }
0x540: {  	v19 =	vmov s21  }
0x541: {  	v19 =	vshrl.u32 v19, $0x3  }
0x542: {  	v19 =	vshll.u32 v19, v1  }
0x543: {  	v19 =	vbroadcast v19, $0x0  }
0x544: {  	[tilespmem:v18+s20+$0x0] =	vst.idx.msk $0xffff, v17  }
0x545: {  	v18 =	vadd.s32 v11, v19;
	v17 =	vld [tilespmem:s6+$0x20];
	_ =	sdelay $0x4  }
0x546: {  	[tilespmem:v18+s20+$0x0] =	vst.idx.msk $0xffff, v17  }
0x547: {  	s22 =	sadd.s32 $0xFFFFFFFF, s8;
	v18 =	vadd.s32 v12, v19;
	v17 =	vld [tilespmem:s6+$0x30]  }
0x548: {  	v19 =	vmov s22  }
0x549: {  	v19 =	vshrl.u32 v19, $0x3  }
0x54a: {  	v19 =	vshll.u32 v19, v1  }
0x54b: {  	v19 =	vbroadcast v19, $0x0  }
0x54c: {  	[tilespmem:v18+s20+$0x0] =	vst.idx.msk $0xffff, v17  }
0x54d: {  	v18 =	vadd.s32 v13, v19;
	v17 =	vld [tilespmem:s6+$0x40];
	_ =	sdelay $0x4  }
0x54e: {  	[tilespmem:v18+s20+$0x0] =	vst.idx.msk $0xffff, v17  }
0x54f: {  	v18 =	vadd.s32 v14, v19;
	v17 =	vld [tilespmem:s6+$0x50]  }
0x550: {  	v19 =	vmov s8  }
0x551: {  	v19 =	vshrl.u32 v19, $0x3  }
0x552: {  	v19 =	vshll.u32 v19, v1  }
0x553: {  	v19 =	vbroadcast v19, $0x0  }
0x554: {  	[tilespmem:v18+s20+$0x0] =	vst.idx.msk $0xffff, v17  }
0x555: {  	v18 =	vadd.s32 v15, v19;
	v17 =	vld [tilespmem:s6+$0x60];
	_ =	sdelay $0x3  }
0x556: {  	s9 =	sadd.s32 s5, s15  }
0x557: {  	s15 =	sshrl.u32 s9, $0x5;
	[tilespmem:v18+s20+$0x0] =	vst.idx.msk $0xffff, v17  }
0x558: {  	s17 =	sshll.u32 s15, $0x8;
	s8 =	sshll.u32 s9, $0x3;
	v18 =	vadd.s32 v16, v19;
	v17 =	vld [tilespmem:s6+$0x70]  }
0x559: {  	s9 =	sshll.u32 s15, $0xA;
	s6 =	ssub.s32 s8, s17  }
0x55a: {  	s6 =	sadd.s32 s9, s6  }
0x55b: {  	s8 =	sshll.u32 s6, $0x4  }
0x55c: {  	s19 =	sand.u32 $0x1FFFFF80, s8  }
0x55d: {  	s9 =	sadd.s32 s2, s19;
	[tilespmem:v18+s20+$0x0] =	vst.idx.msk $0xffff, v17  }
0x55e: {  	[hbm4b:s9+s3] =	stream.linear.scatter [tilespmem:s20], [sflag:$0x8], $0x80, $0x38;
	[tilespmem:$0x16800] =	vst v63  }
0x55f: {  	s22 =	simm.s32 $0x14808;
	s21 =	sadd.s32 $0x10, s9  }
0x560: {  	[hbm4b:s21+s3] =	stream.linear.scatter [tilespmem:s22], [sflag:$0x8], $0x80, $0x38;
	[tilespmem:$0x16800] =	vst v63  }
0x561: {  	s19 =	simm.s32 $0x14910;
	s17 =	sadd.s32 $0x20, s9  }
0x562: {  	[hbm4b:s17+s3] =	stream.linear.scatter [tilespmem:s19], [sflag:$0x8], $0x80, $0x38;
	[tilespmem:$0x16800] =	vst v63  }
0x563: {  	s21 =	sadd.s32 $0x30, s9;
	s22 =	simm.s32 $0x14A18  }
0x564: {  	[hbm4b:s21+s3] =	stream.linear.scatter [tilespmem:s22], [sflag:$0x8], $0x80, $0x38;
	[tilespmem:$0x16800] =	vst v63  }
0x565: {  	s17 =	sadd.s32 $0x40, s9;
	s19 =	simm.s32 $0x14B20  }
0x566: {  	[hbm4b:s17+s3] =	stream.linear.scatter [tilespmem:s19], [sflag:$0x8], $0x80, $0x38;
	[tilespmem:$0x16800] =	vst v63  }
0x567: {  	s21 =	sadd.s32 $0x50, s9;
	s22 =	simm.s32 $0x14C28  }
0x568: {  	[hbm4b:s21+s3] =	stream.linear.scatter [tilespmem:s22], [sflag:$0x8], $0x80, $0x38;
	[tilespmem:$0x16800] =	vst v63  }
0x569: {  	s19 =	sadd.s32 $0x60, s9;
	s21 =	simm.s32 $0x14D30  }
0x56a: {  	[hbm4b:s19+s3] =	stream.linear.scatter [tilespmem:s21], [sflag:$0x8], $0x80, $0x38;
	[tilespmem:$0x16800] =	vst v63  }
0x56b: {  	s8 =	sand.u32 $0x1FFFFF00, s8;
	s9 =	sadd.s32 $0x70, s9;
	s22 =	simm.s32 $0x14E38  }
0x56c: {  	[hbm4b:s9+s3] =	stream.linear.scatter [tilespmem:s22], [sflag:$0x8], $0x80, $0x38;
	[tilespmem:$0x16800] =	vst v63  }
0x56d: {  	s15 =	simm.s32 $0x14780;
	s8 =	sadd.s32 s8, s7  }
0x56e: {  	[hbm4b:s8+s3] =	stream.linear.scatter [tilespmem:s15], [sflag:$0x8], $0x80, $0x38;
	[tilespmem:$0x16800] =	vst v63  }
0x56f: {  	s17 =	sadd.s32 $0x10, s8;
	s19 =	simm.s32 $0x14888  }
0x570: {  	[hbm4b:s17+s3] =	stream.linear.scatter [tilespmem:s19], [sflag:$0x8], $0x80, $0x38;
	[tilespmem:$0x16800] =	vst v63  }
0x571: {  	s21 =	sadd.s32 $0x20, s8;
	s22 =	simm.s32 $0x14990  }
0x572: {  	[hbm4b:s21+s3] =	stream.linear.scatter [tilespmem:s22], [sflag:$0x8], $0x80, $0x38;
	[tilespmem:$0x16800] =	vst v63  }
0x573: {  	s17 =	sadd.s32 $0x30, s8;
	s19 =	simm.s32 $0x14A98  }
0x574: {  	[hbm4b:s17+s3] =	stream.linear.scatter [tilespmem:s19], [sflag:$0x8], $0x80, $0x38;
	[tilespmem:$0x16800] =	vst v63  }
0x575: {  	s21 =	sadd.s32 $0x40, s8;
	s22 =	simm.s32 $0x14BA0  }
0x576: {  	[hbm4b:s21+s3] =	stream.linear.scatter [tilespmem:s22], [sflag:$0x8], $0x80, $0x38;
	[tilespmem:$0x16800] =	vst v63  }
0x577: {  	s15 =	sadd.s32 $0x50, s8;
	s17 =	simm.s32 $0x14CA8  }
0x578: {  	[hbm4b:s15+s3] =	stream.linear.scatter [tilespmem:s17], [sflag:$0x8], $0x80, $0x38;
	[tilespmem:$0x16800] =	vst v63  }
0x579: {  	s6 =	sshll.u32 s6, $0x7;
	s19 =	sadd.s32 $0x60, s8;
	s21 =	simm.s32 $0x14DB0  }
0x57a: {  	[hbm4b:s19+s3] =	stream.linear.scatter [tilespmem:s21], [sflag:$0x8], $0x80, $0x38;
	[tilespmem:$0x16800] =	vst v63  }
0x57b: {  	s9 =	sadd.s32 $0x8000, s6;
	s8 =	sadd.s32 $0x70, s8;
	s22 =	simm.s32 $0x14EB8  }
0x57c: {  	[hbm4b:s8+s3] =	stream.linear.scatter [tilespmem:s22], [sflag:$0x8], $0x80, $0x38;
	[tilespmem:$0x16800] =	vst v63  }
0x57d: {  	s8 =	sshrl.u32 s9, $0x3  }
0x57e: {  	s15 =	simm.s32 $0x14F40;
	s8 =	sadd.s32 s2, s8  }
0x57f: {  	[hbm4b:s8+s3] =	stream.linear.scatter [tilespmem:s15], [sflag:$0x8], $0x80, $0x38;
	[tilespmem:$0x16800] =	vst v63  }
0x580: {  	s19 =	simm.s32 $0x15048;
	s17 =	sadd.s32 $0x10, s8  }
0x581: {  	[hbm4b:s17+s3] =	stream.linear.scatter [tilespmem:s19], [sflag:$0x8], $0x80, $0x38;
	[tilespmem:$0x16800] =	vst v63  }
0x582: {  	s22 =	simm.s32 $0x15150;
	s21 =	sadd.s32 $0x20, s8  }
0x583: {  	[hbm4b:s21+s3] =	stream.linear.scatter [tilespmem:s22], [sflag:$0x8], $0x80, $0x38;
	[tilespmem:$0x16800] =	vst v63  }
0x584: {  	s17 =	sadd.s32 $0x30, s8;
	s19 =	simm.s32 $0x15258  }
0x585: {  	[hbm4b:s17+s3] =	stream.linear.scatter [tilespmem:s19], [sflag:$0x8], $0x80, $0x38;
	[tilespmem:$0x16800] =	vst v63  }
0x586: {  	s21 =	sadd.s32 $0x40, s8;
	s22 =	simm.s32 $0x15360  }
0x587: {  	[hbm4b:s21+s3] =	stream.linear.scatter [tilespmem:s22], [sflag:$0x8], $0x80, $0x38;
	[tilespmem:$0x16800] =	vst v63  }
0x588: {  	s15 =	sadd.s32 $0x50, s8;
	s17 =	simm.s32 $0x15468  }
0x589: {  	[hbm4b:s15+s3] =	stream.linear.scatter [tilespmem:s17], [sflag:$0x8], $0x80, $0x38;
	[tilespmem:$0x16800] =	vst v63  }
0x58a: {  	s19 =	sadd.s32 $0x60, s8;
	s21 =	simm.s32 $0x15570  }
0x58b: {  	[hbm4b:s19+s3] =	stream.linear.scatter [tilespmem:s21], [sflag:$0x8], $0x80, $0x38;
	[tilespmem:$0x16800] =	vst v63  }
0x58c: {  	s9 =	sadd.s32 $0x8400, s6;
	s8 =	sadd.s32 $0x70, s8;
	s22 =	simm.s32 $0x15678  }
0x58d: {  	[hbm4b:s8+s3] =	stream.linear.scatter [tilespmem:s22], [sflag:$0x8], $0x80, $0x38;
	[tilespmem:$0x16800] =	vst v63  }
0x58e: {  	s8 =	sshrl.u32 s9, $0x3  }
0x58f: {  	s15 =	simm.s32 $0x14FC0;
	s8 =	sadd.s32 s2, s8  }
0x590: {  	[hbm4b:s8+s3] =	stream.linear.scatter [tilespmem:s15], [sflag:$0x8], $0x80, $0x38;
	[tilespmem:$0x16800] =	vst v63  }
0x591: {  	s19 =	simm.s32 $0x150C8;
	s17 =	sadd.s32 $0x10, s8  }
0x592: {  	[hbm4b:s17+s3] =	stream.linear.scatter [tilespmem:s19], [sflag:$0x8], $0x80, $0x38;
	[tilespmem:$0x16800] =	vst v63  }
0x593: {  	s22 =	simm.s32 $0x151D0;
	s21 =	sadd.s32 $0x20, s8  }
0x594: {  	[hbm4b:s21+s3] =	stream.linear.scatter [tilespmem:s22], [sflag:$0x8], $0x80, $0x38;
	[tilespmem:$0x16800] =	vst v63  }
0x595: {  	s17 =	sadd.s32 $0x30, s8;
	s19 =	simm.s32 $0x152D8  }
0x596: {  	[hbm4b:s17+s3] =	stream.linear.scatter [tilespmem:s19], [sflag:$0x8], $0x80, $0x38;
	[tilespmem:$0x16800] =	vst v63  }
0x597: {  	s21 =	sadd.s32 $0x40, s8;
	s22 =	simm.s32 $0x153E0  }
0x598: {  	[hbm4b:s21+s3] =	stream.linear.scatter [tilespmem:s22], [sflag:$0x8], $0x80, $0x38;
	[tilespmem:$0x16800] =	vst v63  }
0x599: {  	s15 =	sadd.s32 $0x50, s8;
	s17 =	simm.s32 $0x154E8  }
0x59a: {  	[hbm4b:s15+s3] =	stream.linear.scatter [tilespmem:s17], [sflag:$0x8], $0x80, $0x38;
	[tilespmem:$0x16800] =	vst v63  }
0x59b: {  	s19 =	sadd.s32 $0x60, s8;
	s21 =	simm.s32 $0x155F0  }
0x59c: {  	[hbm4b:s19+s3] =	stream.linear.scatter [tilespmem:s21], [sflag:$0x8], $0x80, $0x38;
	[tilespmem:$0x16800] =	vst v63  }
0x59d: {  	s9 =	sadd.s32 $0x10000, s6;
	s8 =	sadd.s32 $0x70, s8;
	s22 =	simm.s32 $0x156F8  }
0x59e: {  	[hbm4b:s8+s3] =	stream.linear.scatter [tilespmem:s22], [sflag:$0x8], $0x80, $0x38;
	[tilespmem:$0x16800] =	vst v63  }
0x59f: {  	s8 =	sshrl.u32 s9, $0x3  }
0x5a0: {  	s15 =	simm.s32 $0x15780;
	s8 =	sadd.s32 s2, s8  }
0x5a1: {  	[hbm4b:s8+s3] =	stream.linear.scatter [tilespmem:s15], [sflag:$0x8], $0x80, $0x38;
	[tilespmem:$0x16800] =	vst v63  }
0x5a2: {  	s19 =	simm.s32 $0x15888;
	s17 =	sadd.s32 $0x10, s8  }
0x5a3: {  	[hbm4b:s17+s3] =	stream.linear.scatter [tilespmem:s19], [sflag:$0x8], $0x80, $0x38;
	[tilespmem:$0x16800] =	vst v63  }
0x5a4: {  	s22 =	simm.s32 $0x15990;
	s21 =	sadd.s32 $0x20, s8  }
0x5a5: {  	[hbm4b:s21+s3] =	stream.linear.scatter [tilespmem:s22], [sflag:$0x8], $0x80, $0x38;
	[tilespmem:$0x16800] =	vst v63  }
0x5a6: {  	s17 =	sadd.s32 $0x30, s8;
	s19 =	simm.s32 $0x15A98  }
0x5a7: {  	[hbm4b:s17+s3] =	stream.linear.scatter [tilespmem:s19], [sflag:$0x8], $0x80, $0x38;
	[tilespmem:$0x16800] =	vst v63  }
0x5a8: {  	s21 =	sadd.s32 $0x40, s8;
	s22 =	simm.s32 $0x15BA0  }
0x5a9: {  	[hbm4b:s21+s3] =	stream.linear.scatter [tilespmem:s22], [sflag:$0x8], $0x80, $0x38;
	[tilespmem:$0x16800] =	vst v63  }
0x5aa: {  	s15 =	sadd.s32 $0x50, s8;
	s17 =	simm.s32 $0x15CA8  }
0x5ab: {  	[hbm4b:s15+s3] =	stream.linear.scatter [tilespmem:s17], [sflag:$0x8], $0x80, $0x38;
	[tilespmem:$0x16800] =	vst v63  }
0x5ac: {  	s19 =	sadd.s32 $0x60, s8;
	s21 =	simm.s32 $0x15DB0  }
0x5ad: {  	[hbm4b:s19+s3] =	stream.linear.scatter [tilespmem:s21], [sflag:$0x8], $0x80, $0x38;
	[tilespmem:$0x16800] =	vst v63  }
0x5ae: {  	s9 =	sadd.s32 $0x10400, s6;
	s8 =	sadd.s32 $0x70, s8;
	s22 =	simm.s32 $0x15EB8  }
0x5af: {  	[hbm4b:s8+s3] =	stream.linear.scatter [tilespmem:s22], [sflag:$0x8], $0x80, $0x38;
	[tilespmem:$0x16800] =	vst v63  }
0x5b0: {  	s8 =	sshrl.u32 s9, $0x3  }
0x5b1: {  	s15 =	simm.s32 $0x15800;
	s8 =	sadd.s32 s2, s8  }
0x5b2: {  	[hbm4b:s8+s3] =	stream.linear.scatter [tilespmem:s15], [sflag:$0x8], $0x80, $0x38;
	[tilespmem:$0x16800] =	vst v63  }
0x5b3: {  	s19 =	simm.s32 $0x15908;
	s17 =	sadd.s32 $0x10, s8  }
0x5b4: {  	[hbm4b:s17+s3] =	stream.linear.scatter [tilespmem:s19], [sflag:$0x8], $0x80, $0x38;
	[tilespmem:$0x16800] =	vst v63  }
0x5b5: {  	s22 =	simm.s32 $0x15A10;
	s21 =	sadd.s32 $0x20, s8  }
0x5b6: {  	[hbm4b:s21+s3] =	stream.linear.scatter [tilespmem:s22], [sflag:$0x8], $0x80, $0x38;
	[tilespmem:$0x16800] =	vst v63  }
0x5b7: {  	s17 =	sadd.s32 $0x30, s8;
	s19 =	simm.s32 $0x15B18  }
0x5b8: {  	[hbm4b:s17+s3] =	stream.linear.scatter [tilespmem:s19], [sflag:$0x8], $0x80, $0x38;
	[tilespmem:$0x16800] =	vst v63  }
0x5b9: {  	s21 =	sadd.s32 $0x40, s8;
	s22 =	simm.s32 $0x15C20  }
0x5ba: {  	[hbm4b:s21+s3] =	stream.linear.scatter [tilespmem:s22], [sflag:$0x8], $0x80, $0x38;
	[tilespmem:$0x16800] =	vst v63  }
0x5bb: {  	s15 =	sadd.s32 $0x50, s8  }
0x5bc: {  	[hbm4b:s15+s3] =	stream.linear.scatter [tilespmem:s29], [sflag:$0x8], $0x80, $0x38;
	[tilespmem:$0x16800] =	vst v63  }
0x5bd: {  	s17 =	sadd.s32 $0x60, s8  }
0x5be: {  	[hbm4b:s17+s3] =	stream.linear.scatter [tilespmem:s30], [sflag:$0x8], $0x80, $0x38;
	[tilespmem:$0x16800] =	vst v63  }
0x5bf: {  	s8 =	sadd.s32 $0x70, s8;
	s19 =	sadd.s32 $0x18000, s6  }
0x5c0: {  	[hbm4b:s8+s3] =	stream.linear.scatter [tilespmem:s31], [sflag:$0x8], $0x80, $0x38;
	[tilespmem:$0x16800] =	vst v63  }
0x5c1: {  	s8 =	sshrl.u32 s19, $0x3  }
0x5c2: {  	s8 =	sadd.s32 s2, s8  }
0x5c3: {  	[hbm4b:s8+s3] =	stream.linear.scatter [tilespmem:s1], [sflag:$0x8], $0x80, $0x38;
	[tilespmem:$0x16800] =	vst v63  }
0x5c4: {  	s22 =	simm.s32 $0x160C8;
	s21 =	sadd.s32 $0x10, s8  }
0x5c5: {  	[hbm4b:s21+s3] =	stream.linear.scatter [tilespmem:s22], [sflag:$0x8], $0x80, $0x38;
	[tilespmem:$0x16800] =	vst v63  }
0x5c6: {  	s19 =	simm.s32 $0x161D0;
	s17 =	sadd.s32 $0x20, s8  }
0x5c7: {  	[hbm4b:s17+s3] =	stream.linear.scatter [tilespmem:s19], [sflag:$0x8], $0x80, $0x38;
	[tilespmem:$0x16800] =	vst v63  }
0x5c8: {  	s21 =	sadd.s32 $0x30, s8;
	s22 =	simm.s32 $0x162D8  }
0x5c9: {  	[hbm4b:s21+s3] =	stream.linear.scatter [tilespmem:s22], [sflag:$0x8], $0x80, $0x38;
	[tilespmem:$0x16800] =	vst v63  }
0x5ca: {  	s17 =	sadd.s32 $0x40, s8;
	s19 =	simm.s32 $0x163E0  }
0x5cb: {  	[hbm4b:s17+s3] =	stream.linear.scatter [tilespmem:s19], [sflag:$0x8], $0x80, $0x38;
	[tilespmem:$0x16800] =	vst v63  }
0x5cc: {  	s21 =	sadd.s32 $0x50, s8;
	s22 =	simm.s32 $0x164E8  }
0x5cd: {  	[hbm4b:s21+s3] =	stream.linear.scatter [tilespmem:s22], [sflag:$0x8], $0x80, $0x38;
	[tilespmem:$0x16800] =	vst v63  }
0x5ce: {  	s6 =	sadd.s32 $0x18400, s6;
	s17 =	sadd.s32 $0x60, s8;
	s19 =	simm.s32 $0x165F0  }
0x5cf: {  	[hbm4b:s17+s3] =	stream.linear.scatter [tilespmem:s19], [sflag:$0x8], $0x80, $0x38;
	[tilespmem:$0x16800] =	vst v63  }
0x5d0: {  	s6 =	sshrl.u32 s6, $0x3;
	s8 =	sadd.s32 $0x70, s8;
	s21 =	simm.s32 $0x166F8  }
0x5d1: {  	[hbm4b:s8+s3] =	stream.linear.scatter [tilespmem:s21], [sflag:$0x8], $0x80, $0x38;
	[tilespmem:$0x16800] =	vst v63  }
0x5d2: {  	s6 =	sadd.s32 s2, s6;
	s22 =	simm.s32 $0x16040  }
0x5d3: {  	[hbm4b:s6+s3] =	stream.linear.scatter [tilespmem:s22], [sflag:$0x8], $0x80, $0x38;
	[tilespmem:$0x16800] =	vst v63  }
0x5d4: {  	s9 =	sadd.s32 $0x10, s6;
	s15 =	simm.s32 $0x16148  }
0x5d5: {  	[hbm4b:s9+s3] =	stream.linear.scatter [tilespmem:s15], [sflag:$0x8], $0x80, $0x38;
	[tilespmem:$0x16800] =	vst v63  }
0x5d6: {  	s17 =	sadd.s32 $0x20, s6;
	s19 =	simm.s32 $0x16250  }
0x5d7: {  	[hbm4b:s17+s3] =	stream.linear.scatter [tilespmem:s19], [sflag:$0x8], $0x80, $0x38;
	[tilespmem:$0x16800] =	vst v63  }
0x5d8: {  	s21 =	sadd.s32 $0x30, s6;
	s22 =	simm.s32 $0x16358  }
0x5d9: {  	[hbm4b:s21+s3] =	stream.linear.scatter [tilespmem:s22], [sflag:$0x8], $0x80, $0x38;
	[tilespmem:$0x16800] =	vst v63  }
0x5da: {  	s13 =	sadd.s32 $0x1, s13;
	s9 =	sadd.s32 $0x40, s6;
	s15 =	simm.s32 $0x16460  }
0x5db: {  	[hbm4b:s9+s3] =	stream.linear.scatter [tilespmem:s15], [sflag:$0x8], $0x80, $0x38;
	[tilespmem:$0x16800] =	vst v63  }
0x5dc: {  	p0 =	sne.s32 s13, $0x19;
	s17 =	sadd.s32 $0x50, s6;
	s19 =	simm.s32 $0x16568  }
0x5dd: {  	[hbm4b:s17+s3] =	stream.linear.scatter [tilespmem:s19], [sflag:$0x8], $0x80, $0x38;
	[tilespmem:$0x16800] =	vst v63  }
.Ltmp13:
0x5de: {  	_ = 	snop;
	(pc) =	sbr.rel @p0 .LBB2_2-.Ltmp13, $4  }
0x5df: {  	s21 =	sadd.s32 $0x60, s6;
	s22 =	simm.s32 $0x16670  }
0x5e0: {  	[hbm4b:s21+s3] =	stream.linear.scatter [tilespmem:s22], [sflag:$0x8], $0x80, $0x38;
	[tilespmem:$0x16800] =	vst v63  }
0x5e1: {  	s6 =	sadd.s32 $0x70, s6  }
0x5e2: {  	[hbm4b:s6+s3] =	stream.linear.scatter [tilespmem:s0], [sflag:$0x8], $0x80, $0x38;
	[tilespmem:$0x16800] =	vst v63  }
0x5e3: {  	s6 =	simm.s32 $0x5  }
0x5e4: {  	_ =	swait.ge [sflag:s6], $0x400  }
0x5e5: {  	[sflag:s6] =	ssyncset.done $0x0  }
0x5e6: {  	[sflag:s6] =	ssyncadd.s32 $0xFFFFFC00  }
0x5e7: {  	_ =	swait.ge [sflag:s6], $0x400  }
0x5e8: {  	[sflag:s6] =	ssyncset.done $0x0  }
0x5e9: {  	[sflag:s6] =	ssyncadd.s32 $0xFFFFFC00  }
0x5ea: {  	_ =	swait.ge [sflag:s6], $0x400  }
0x5eb: {  	[sflag:s6] =	ssyncset.done $0x0  }
0x5ec: {  	[sflag:s6] =	ssyncadd.s32 $0xFFFFFC00  }
0x5ed: {  	_ =	swait.ge [sflag:s6], $0x400  }
0x5ee: {  	[sflag:s6] =	ssyncset.done $0x0  }
0x5ef: {  	[sflag:s6] =	ssyncadd.s32 $0xFFFFFC00  }
0x5f0: {  	_ =	swait.ge [sflag:s6], $0x400  }
0x5f1: {  	[sflag:s6] =	ssyncset.done $0x0  }
0x5f2: {  	[sflag:s6] =	ssyncadd.s32 $0xFFFFFC00  }
0x5f3: {  	_ =	swait.ge [sflag:s6], $0x400  }
0x5f4: {  	[sflag:s6] =	ssyncset.done $0x0  }
0x5f5: {  	[sflag:s6] =	ssyncadd.s32 $0xFFFFFC00  }
0x5f6: {  	_ =	swait.ge [sflag:s6], $0x400  }
0x5f7: {  	[sflag:s6] =	ssyncset.done $0x0  }
0x5f8: {  	[sflag:s6] =	ssyncadd.s32 $0xFFFFFC00  }
0x5f9: {  	_ =	swait.ge [sflag:s6], $0x400  }
0x5fa: {  	[sflag:s6] =	ssyncset.done $0x0  }
0x5fb: {  	[sflag:s6] =	ssyncadd.s32 $0xFFFFFC00  }
0x5fc: {  	_ =	swait.ge [sflag:s16], $0x400  }
0x5fd: {  	[sflag:s16] =	ssyncset.done $0x0  }
0x5fe: {  	[sflag:s16] =	ssyncadd.s32 $0xFFFFFC00  }
0x5ff: {  	_ =	swait.ge [sflag:s16], $0x400  }
0x600: {  	[sflag:s16] =	ssyncset.done $0x0  }
0x601: {  	[sflag:s16] =	ssyncadd.s32 $0xFFFFFC00  }
0x602: {  	_ =	swait.ge [sflag:s16], $0x400  }
0x603: {  	[sflag:s16] =	ssyncset.done $0x0  }
0x604: {  	[sflag:s16] =	ssyncadd.s32 $0xFFFFFC00  }
0x605: {  	_ =	swait.ge [sflag:s16], $0x400  }
0x606: {  	[sflag:s16] =	ssyncset.done $0x0  }
0x607: {  	[sflag:s16] =	ssyncadd.s32 $0xFFFFFC00  }
0x608: {  	_ =	swait.ge [sflag:s16], $0x400  }
0x609: {  	[sflag:s16] =	ssyncset.done $0x0  }
0x60a: {  	[sflag:s16] =	ssyncadd.s32 $0xFFFFFC00  }
0x60b: {  	_ =	swait.ge [sflag:s16], $0x400  }
0x60c: {  	[sflag:s16] =	ssyncset.done $0x0  }
0x60d: {  	[sflag:s16] =	ssyncadd.s32 $0xFFFFFC00  }
0x60e: {  	_ =	swait.ge [sflag:s16], $0x400  }
0x60f: {  	[sflag:s16] =	ssyncset.done $0x0  }
0x610: {  	[sflag:s16] =	ssyncadd.s32 $0xFFFFFC00  }
0x611: {  	_ =	swait.ge [sflag:s16], $0x400  }
0x612: {  	[sflag:s16] =	ssyncset.done $0x0  }
0x613: {  	[sflag:s16] =	ssyncadd.s32 $0xFFFFFC00  }
0x614: {  	_ =	swait.ge [sflag:s26], $0x400  }
0x615: {  	[sflag:s26] =	ssyncset.done $0x0  }
0x616: {  	[sflag:s26] =	ssyncadd.s32 $0xFFFFFC00  }
0x617: {  	_ =	swait.ge [sflag:s26], $0x400  }
0x618: {  	[sflag:s26] =	ssyncset.done $0x0  }
0x619: {  	[sflag:s26] =	ssyncadd.s32 $0xFFFFFC00  }
0x61a: {  	_ =	swait.ge [sflag:s26], $0x400  }
0x61b: {  	[sflag:s26] =	ssyncset.done $0x0  }
0x61c: {  	[sflag:s26] =	ssyncadd.s32 $0xFFFFFC00  }
0x61d: {  	_ =	swait.ge [sflag:s26], $0x400  }
0x61e: {  	[sflag:s26] =	ssyncset.done $0x0  }
0x61f: {  	[sflag:s26] =	ssyncadd.s32 $0xFFFFFC00  }
0x620: {  	_ =	swait.ge [sflag:s26], $0x400  }
0x621: {  	[sflag:s26] =	ssyncset.done $0x0  }
0x622: {  	[sflag:s26] =	ssyncadd.s32 $0xFFFFFC00  }
0x623: {  	_ =	swait.ge [sflag:s26], $0x400  }
0x624: {  	[sflag:s26] =	ssyncset.done $0x0  }
0x625: {  	[sflag:s26] =	ssyncadd.s32 $0xFFFFFC00  }
0x626: {  	_ =	swait.ge [sflag:s26], $0x400  }
0x627: {  	[sflag:s26] =	ssyncset.done $0x0  }
0x628: {  	[sflag:s26] =	ssyncadd.s32 $0xFFFFFC00  }
0x629: {  	_ =	swait.ge [sflag:s26], $0x400  }
0x62a: {  	[sflag:s26] =	ssyncset.done $0x0  }
0x62b: {  	[sflag:s26] =	ssyncadd.s32 $0xFFFFFC00  }
0x62c: {  	_ =	swait.ge [sflag:s12], $0x400  }
0x62d: {  	[sflag:s12] =	ssyncset.done $0x0  }
0x62e: {  	[sflag:s12] =	ssyncadd.s32 $0xFFFFFC00  }
0x62f: {  	_ =	swait.ge [sflag:s12], $0x400  }
0x630: {  	[sflag:s12] =	ssyncset.done $0x0  }
0x631: {  	[sflag:s12] =	ssyncadd.s32 $0xFFFFFC00  }
0x632: {  	_ =	swait.ge [sflag:s12], $0x400  }
0x633: {  	[sflag:s12] =	ssyncset.done $0x0  }
0x634: {  	[sflag:s12] =	ssyncadd.s32 $0xFFFFFC00  }
0x635: {  	_ =	swait.ge [sflag:s12], $0x400  }
0x636: {  	[sflag:s12] =	ssyncset.done $0x0  }
0x637: {  	[sflag:s12] =	ssyncadd.s32 $0xFFFFFC00  }
0x638: {  	_ =	swait.ge [sflag:s12], $0x400  }
0x639: {  	[sflag:s12] =	ssyncset.done $0x0  }
0x63a: {  	[sflag:s12] =	ssyncadd.s32 $0xFFFFFC00  }
0x63b: {  	_ =	swait.ge [sflag:s12], $0x400  }
0x63c: {  	[sflag:s12] =	ssyncset.done $0x0  }
0x63d: {  	[sflag:s12] =	ssyncadd.s32 $0xFFFFFC00  }
0x63e: {  	_ =	swait.ge [sflag:s12], $0x400  }
0x63f: {  	[sflag:s12] =	ssyncset.done $0x0  }
0x640: {  	[sflag:s12] =	ssyncadd.s32 $0xFFFFFC00  }
0x641: {  	_ =	swait.ge [sflag:s12], $0x400  }
0x642: {  	s8 =	rddreg [dreg:$0x5]  }
0x643: {  	s22 =	rddreg [dreg:$0x4];
	s8 =	sadd.s32 $0x1, s8  }
0x644: {  	p0 =	sne.s32 s8, s22  }
.Ltmp14:
0x645: {  	_ = 	snop;
	(pc) =	sbr.rel @p0 .LBB2_1-.Ltmp14, $3  }
0x646: {  	_ =	sdelay $0x1  }
0x647: {  	[sflag:s12] =	ssyncset.done $0x0  }
0x648: {  	[sflag:s12] =	ssyncadd.s32 $0xFFFFFC00  }
0x649: {  	_ =	sfence.sel $0x180000  }
0x64a: {  	[bflag:$0x0] =	sbarrier.arrive $0xFFFF  }
0x64b: {  	_ =	strace $0x9000004A  }
0x64c: {  	s0 =	stileid.u32;
	[bflag:$0x2] =	sbarrier.arrive $0xFFFF  }
0x64d: {  	p0 =	sne.s32 s0, $0x0;
	s0 =	rddreg [dreg:$0x2]  }
0x64e: {  	s0 =	sadd.s32 @!p0 $0x100000, s0  }
0x64f: {  	[sflag:s0] =	ssyncadd.tile.s32 @!p0 $0x1;
	_ =	shalt  }
.Lfunc_end2:
_tile_overlayer_lowered:
.L_overlay_start_2:
0x650: {  	(tag) =	ssettag $0x2  }
0x651: {  	s0 =	rddreg [dreg:$0x0];
	s2 =	stileid.u32  }
0x652: {  	s1 =	rddreg [dreg:$0x1];
	p0 =	sne.s32 s2, $0x0  }
0x653: {  	s3 =	rddreg [dreg:$0x2];
	[bflag:$0x3] =	sbarrier.arrive $0xFFFF;
	s2 =	simm.s32 @!p0 $0x1C09  }
0x654: {  	[timem:s3], [sflag:s2] =	dma.local @!p0 [hbm:s0], s1  }
0x655: {  	s0 =	simm.s32 @!p0 $0x9  }
0x656: {  	_ =	swait.ge @!p0 [sflag:s0], s1  }
0x657: {  	s1 =	ssub.s32 @!p0 $0x0, s1;
	[sflag:s0] =	ssyncset.done @!p0 $0x0  }
0x658: {  	[sflag:s0] =	ssyncadd.s32 @!p0 s1  }
0x659: {  	[bflag:$0x3] =	sbarrier.arrive $0xFFFF  }
0x65a: {  	_ =	shalt  }

// kernel: sparse-core-data-format-call.cloned.1.call-start
scs
called_computation_lowered:
.L_overlay_start_0:
0x0: {  	s2 =	sld [smem:$0x3FD9]  }
0x1: {  	s3 =	sld [smem:$0x3FFE];
	_ =	sdelay $0x1  }
0x2: {  	s1 =	srdreg.scid  }
0x3: {  	s0 =	sand.u32 $0x1, s1  }
0x4: {  	s18 =	sshll.u32 s0, $0xA;
	s2 =	sadd.s32 s3, s2  }
0x5: {  	s2 =	sadd.s32 s2, s18  }
0x6: {  	[smem:$0x3FC6] =	sst s2  }
0x7: {  	_ = 	snop  }
0x8: {  	s2 =	sld [smem:$0x3FC8];
	(tm) =	ssettm $0x1  }
0x9: {  	s19 =	sld [smem:$0x3FFB];
	_ =	sdelay $0x3  }
0xa: {  	_ =	strace s19  }
0xb: {  	s3 =	sld [smem:$0x3FFC];
	_ =	sdelay $0x3  }
0xc: {  	_ =	strace s3  }
0xd: {  	s3 =	sld [smem:$0x3FFD];
	_ =	sdelay $0x3  }
0xe: {  	_ =	strace s3  }
0xf: {  	_ =	strace $0x8FFFFFFF  }
0x10: {  	s20 =	sld [smem:$0x3FDB];
	_ =	sdelay $0x1  }
0x11: {  	s4 =	simm.s32 $_scs_section_size  }
0x12: {  	s5 =	simm.s32 $_size__tile_overlayer_lowered;
	s6 =	simm.s32 $_tile_overlayer_lowered  }
0x13: {  	s23 =	simm.s32 $0x1BFF;
	s22 =	sshll.u32 s6, $0x1;
	s3 =	sadd.s32 s4, s20  }
0x14: {  	s7 =	simm.s32 $0x0;
	s21 =	sshll.u32 s5, $0x1;
	s5 =	sadd.s32 s22, s3  }
0x15: {  	[timem:s7], [sflag:s23] =	dma.local [hbm:s5], s21  }
0x16: {  	_ =	swait.ge [sflag:s23], s21  }
0x17: {  	s4 =	ssub.s32 $0x0, s21;
	[sflag:s23] =	ssyncset.done $0x0  }
0x18: {  	[sflag:s23] =	ssyncadd.s32 s4;
	_ =	sdelay $0x1  }
0x19: {  	s24 =	simm.s32 $0x1B8B  }
0x1a: {  	_ =	swait.ge [sflag:s24], $0x1  }
0x1b: {  	[sflag:s24] =	ssyncset.done $0x0  }
0x1c: {  	s26 =	simm.s32 $0x1B8E;
	s25 =	sld [smem:$0x3FFE];
	[sflag:s24] =	ssyncadd.s32 $0xFFFFFFFF  }
0x1d: {  	s27 =	simm.s32 $execute0_lowered;
	[smem:$0x3FD2] =	sst s26  }
0x1e: {  	s5 =	sshll.u32 s27, $0x1;
	_ =	strace $0x80000046;
	[dreg:$0x1] =	wrdreg $0xFFFFFFFF  }
0x1f: {  	s28 =	simm.s32 $_size_execute0_lowered;
	s3 =	sadd.s32 s3, s5;
	[dreg:$0x0] =	wrdreg $0x0  }
0x20: {  	s5 =	sshll.u32 s28, $0x1;
	[dreg:$0x2] =	wrdreg s3  }
0x21: {  	[dreg:$0x3] =	wrdreg s5  }
0x22: {  	[dreg:$0x4] =	wrdreg $0xC0  }
0x23: {  	_ =	task [dreg:s7], $0x5FFFF  }
0x24: {  	[dreg:$0x1] =	wrdreg $0xFFFFFFFF  }
0x25: {  	[dreg:$0x0] =	wrdreg $0x60  }
0x26: {  	[dreg:$0x2] =	wrdreg s2  }
0x27: {  	[dreg:$0x3] =	wrdreg s25  }
0x28: {  	[dreg:$0x4] =	wrdreg $0x9  }
0x29: {  	_ =	task.clear_ibuf [dreg:s7], $0x5FFFF;
	_ =	strace $0x90000046  }
0x2a: {  	s29 =	simm.s32 $0x9;
	_ =	strace $0x80000048  }
0x2b: {  	_ =	swait.ge [sflag:s29], $0x1  }
0x2c: {  	[sflag:s29] =	ssyncadd.s32 $0xFFFFFFFF  }
0x2d: {  	_ =	strace $0x90000048  }
0x2e: {  	_ =	sfence  }
0x2f: {  	s30 =	sld [smem:$0x0];
	_ =	sdelay $0x2  }
0x30: {  	s31 =	sshll.u32 s1, $0xD;
	s1 =	sshrl.u32 s1, $0x2  }
0x31: {  	s3 =	sand.u32 $0x4000, s31;
	s1 =	sadd.s32 s1, s30  }
0x32: {  	s0 =	sor.u32 s3, s0;
	s1 =	sshll.u32 s1, $0x11  }
0x33: {  	s0 =	sor.u32 s1, s0  }
0x34: {  	s0 =	sadd.s32 $0x8F2B, s0  }
0x35: {  	[sflag:s0] =	ssyncadd.remote.s32 $0x1  }
0x36: {  	_ =	sfence.sel $0xFFFF  }
0x37: {  	[dreg:$0x0] =	wrdreg $0xFFFFFFFF;
	(pc) =	sbr.abs _section_cstart, $3  }
0x38: {  	[dreg:$0x1] =	wrdreg $0xFFFFFFFF  }
0x39: {  	_ =	task.clear_ibuf [dreg:s7], $0x2FFFF;
	_ =	strace $0x9FFFFFFF  }
0x3a: {  	(tm) =	ssettm $0x7FFFFFFF  }
0x3b: {  	_ =	shalt  }
tec
execute0_lowered:
.L_overlay_start_1:
0x0: {  	(tag) =	ssettag $0x1  }
0x1: {  	s0 =	srdreg.scid;
	s2 =	rddreg [dreg:$0x0]  }
0x2: {  	s5 =	rddreg [dreg:$0x1];
	s1 =	stileid.u32  }
0x3: {  	s4 =	simm.s32 $0x1;
	s6 =	simm.s32 $0x2;
	s15 =	simm.s32 $0x0  }
0x4: {  	p0 =	por $0x0, $0x0;
	s8 =	simm.s32 $0x80;
	s0 =	sshll.u32 s0, $0x4  }
0x5: {  	s14 =	simm.s32 $0x0;
	s9 =	simm.s32 $0x0;
	s3 =	sand.u32 $0x10, s0  }
.Ltmp0:
0x6: {  	s10 =	simm.s32 $0x0;
	s3 =	sor.u32 s1, s3;
	(pc) =	sbr.rel .LBB1_1-.Ltmp0, $4  }
0x7: {  	s0 =	rddreg [dreg:$0x2];
	_ =	strace $0x80000047;
	s3 =	sshll.u32 s3, $0x7  }
0x8: {  	s12 =	simm.s32 $0x0;
	[sflag:s4] =	ssyncpa.u1 $0x0;
	s7 =	ssub.s32 $0xF4200, s3  }
0x9: {  	s13 =	simm.s32 $0x0;
	[sflag:s6] =	ssyncpa.u1 $0x0;
	s6 =	sshrl.u32 s7, $0xC  }
0xa: {  	s5 =	sadd.s32 $0xA00, s5;
	s11 =	smov.u32 s3;
	s7 =	sadd.s32 $0x2, s6  }
.LBB1_5:
0xb: {  	p1 =	slt.u32 s13, $0x2  }
0xc: {  	s17 =	smov.u32 s15;
	p2 =	sgt.s32 @!p1 s15, $0xF41C0;
	s16 =	sshra.s32 @!p1 s15, $0x1F  }
0xd: {  	p3 =	sgt.s32 @!p1 s14, $0x60;
	s18 =	sshra.s32 @!p1 s14, $0x1F;
	p2 =	por !p2, p1  }
0xe: {  	s15 =	sand.u32 @!p1 s16, s15;
	p3 =	por !p3, p1;
	s16 =	smov.u32 s14  }
0xf: {  	s14 =	sand.u32 @!p1 s18, s14;
	s17 =	simm.s32 @p2 $0xF41C0;
	s16 =	simm.s32 @p3 $0x60  }
0x10: {  	s15 =	ssub.s32 @!p1 s17, s15;
	s14 =	ssub.s32 @!p1 s16, s14  }
0x11: {  	s18 =	smov.u32 s12;
	s16 =	sadd.s32 @!p1 $0xFFF0BE40, s15;
	s17 =	sadd.s32 @!p1 $0xFFFFFFA0, s14  }
0x12: {  	s15 =	ssub.s32 @!p1 $0xF4240, s15;
	p2 =	sgt.s32 @!p1 s16, $0x7F;
	p3 =	sgt.s32 @!p1 s17, $0x1F  }
0x13: {  	s14 =	ssub.s32 @!p1 $0x80, s14;
	p2 =	por !p2, p1;
	p3 =	por !p3, p1  }
0x14: {  	s16 =	sadd.s32 $0x1000, s11;
	s15 =	simm.s32 @!p2 $0x0;
	s14 =	simm.s32 @!p3 $0x0  }
0x15: {  	p2 =	sgt.s32 s16, $0xF423F;
	s14 =	smul.u32 @!p1 s14, s15;
	s15 =	sadd.s32 $0x20, s12  }
0x16: {  	s18 =	smov.u32 @p2 s15  }
0x17: {  	s16 =	smov.u32 @p2 s3;
	p2 =	sgt.s32 s18, $0x1F  }
0x18: {  	s18 =	simm.s32 @p2 $0x0;
	p2 =	sne.s32 s13, s7  }
.Ltmp1:
0x19: {  	p0 =	por !p0, !p0;
	s17 =	simm.s32 @!p1 $0x2;
	(pc) =	sbr.rel @!p2 .LBB1_6-.Ltmp1, $4  }
0x1a: {  	s15 =	smov.u32 s9;
	s9 =	smov.u32 s11;
	s14 =	sand.u32 @!p1 $0x3FFFFFFF, s14  }
0x1b: {  	s11 =	smov.u32 s16;
	_ =	swait.ge @!p1 [sflag:s17], s14;
	s19 =	ssub.s32 @!p1 $0x0, s14  }
0x1c: {  	s14 =	smov.u32 s10;
	s13 =	sadd.s32 $0x1, s13;
	[sflag:s17] =	ssyncset.done @!p1 $0x0  }
0x1d: {  	s10 =	smov.u32 s12;
	s12 =	smov.u32 s18;
	[sflag:s17] =	ssyncadd.s32 @!p1 s19  }
.LBB1_1:
0x1e: {  	p1 =	sgt.u32 s13, s6  }
0x1f: {  	s16 =	sshrl.u32 @!p1 s12, $0x3  }
0x20: {  	s17 =	sshll.u32 @!p1 s11, $0x3;
	s16 =	smul.u32 @!p1 $0x7A1400, s16  }
0x21: {  	s18 =	sshll.u32 @!p1 s12, $0x7;
	s17 =	sand.u32 @!p1 $0xFFFFFC00, s17  }
0x22: {  	s16 =	sadd.s32 @!p1 s16, s17;
	s17 =	sand.u32 @!p1 $0x380, s18  }
0x23: {  	s18 =	sand.u32 @!p1 $0x7F, s11;
	s16 =	sor.u32 @!p1 s17, s16  }
0x24: {  	s17 =	sor.u32 @!p1 s18, s16  }
0x25: {  	s18 =	smulhi.u32 @!p1 $0x218D6287, s17;
	_ =	sdelay $0x1  }
0x26: {  	s16 =	smulhi.u32 @!p1 $0x218D6287, s16;
	s18 =	sshrl.u32 @!p1 s18, $0x11  }
0x27: {  	s18 =	smul.u32 @!p1 $0xF4280, s18  }
0x28: {  	s19 =	sxor.u32 @!p1 $0xFFFFFFFF, s13;
	s16 =	sshrl.u32 @!p1 s16, $0x11  }
0x29: {  	s19 =	sshll.u32 @!p1 s19, $0xC;
	s16 =	sand.u32 @!p1 $0x1F, s16;
	s17 =	ssub.s32 @!p1 s17, s18  }
0x2a: {  	s16 =	smul.u32 @!p1 $0x1E850, s16;
	s18 =	sshrl.u32 @!p1 s17, $0x3;
	s17 =	sand.u32 @!p1 $0x7, s17  }
0x2b: {  	s19 =	sand.u32 @!p1 $0x1000, s19;
	s18 =	sadd.s32 @!p1 s2, s18;
	s17 =	sshll.u32 @!p1 s17, $0x12  }
0x2c: {  	s16 =	sadd.s32 @!p1 s16, s18;
	s17 =	sor.u32 @!p1 $0x400, s17;
	s18 =	simm.s32 @!p1 $0x7A1400  }
0x2d: {  	[tilespmem:s19], [sflag:$0x1] =	stream.strided.gather @!p1 [hbm4b:s16+s17], $0x1000, s18, s17, $0x38;
	[tilespmem:$0x4100] =	vst v63  }
0x2e: {  	p1 =	seq.s32 s13, $0x0  }
0x2f: {  	p2 =	sge.u32 @!p1 s13, s7  }
0x30: {  	p1 =	por p1, p2  }
.Ltmp2:
0x31: {  	_ = 	snop;
	(pc) =	sbr.rel @p1 .LBB1_5-.Ltmp2, $1  }
0x32: {  	_ =	sdelay $0x3  }
0x33: {  	s16 =	simm.s32 $0x1  }
0x34: {  	_ =	swait.ge [sflag:s4], $0x1000;
	s16 =	simm.s32 @!p0 $0x0  }
0x35: {  	[sflag:s4] =	ssyncset.done $0x0;
	s17 =	sshll.u32 s16, $0xC  }
0x36: {  	[sflag:s4] =	ssyncadd.s32 $0xFFFFF000;
	s17 =	sor.u32 $0x40, s17  }
0x37: {  	s16 =	smul.u32 $0x4200, s16;
	v0 =	vld [tilespmem:s17+$0x30]  }
0x38: {  	v1 =	vld [tilespmem:s17+$0xFFFFFFD0]  }
0x39: {  	s16 =	sshrl.u32 s16, $0x2;
	v5 =	vld [tilespmem:s17+$0xFFFFFFE0]  }
0x3a: {  	v6 =	vld [tilespmem:s17+$0xFFFFFFF0];
	s19 =	sor.u32 $0x2000, s16  }
0x3b: {  	s31 =	sand.u32 $0x1, s13;
	v4 =	vld [tilespmem:s17+$0x0];
	s18 =	sadd.s32 $0x0, s19  }
0x3c: {  	v3 =	vld [tilespmem:s17+$0x10];
	s16 =	smul.u32 $0x4200, s31;
	[tilespmem:s18+$0xE70 ss:$0x21] =	vst.msk $0xffff, v0  }
0x3d: {  	v2 =	vld [tilespmem:s17+$0x20];
	[tilespmem:s18+$0x210 ss:$0x21] =	vst.msk $0xffff, v1  }
0x3e: {  	s16 =	sshrl.u32 s16, $0x2;
	v1 =	vld [tilespmem:s17+$0xFFFFFFC0];
	[tilespmem:s18+$0x420 ss:$0x21] =	vst.msk $0xffff, v5;
	s17 =	sadd.s32 $0x80, s17  }
0x3f: {  	s20 =	simm.s32 $0x4;
	s21 =	simm.s32 $0x8;
	s16 =	sor.u32 $0x2000, s16;
	[tilespmem:s18+$0x630 ss:$0x21] =	vst.msk $0xffff, v6;
	v0 =	vld [tilespmem:s17+$0x30]  }
.LBB1_3:
0x40: {  	p1 =	sne.s32 s21, $0x7C;
	v5 =	vld [tilespmem:s17+$0xFFFFFFD0];
	[tilespmem:s18+$0x840 ss:$0x21] =	vst.msk $0xffff, v4  }
0x41: {  	v6 =	vld [tilespmem:s17+$0xFFFFFFE0];
	[tilespmem:s18+$0xA50 ss:$0x21] =	vst.msk $0xffff, v3  }
0x42: {  	s22 =	sshra.s32 s20, $0x2;
	s20 =	smov.u32 s21;
	v7 =	vld [tilespmem:s17+$0xFFFFFFF0];
	[tilespmem:s18+$0xC60 ss:$0x21] =	vst.msk $0xffff, v2  }
.Ltmp3:
0x43: {  	v4 =	vld [tilespmem:s17+$0x0];
	[tilespmem:s18+$0x0 ss:$0x21] =	vst.msk $0xffff, v1;
	s18 =	sadd.s32 s22, s19;
	(pc) =	sbr.rel @p1 .LBB1_3-.Ltmp3, $4  }
0x44: {  	v3 =	vld [tilespmem:s17+$0x10];
	[tilespmem:s18+$0xE70 ss:$0x21] =	vst.msk $0xffff, v0  }
0x45: {  	[tilespmem:s18+$0x210 ss:$0x21] =	vst.msk $0xffff, v5;
	v2 =	vld [tilespmem:s17+$0x20]  }
0x46: {  	v1 =	vld [tilespmem:s17+$0xFFFFFFC0];
	[tilespmem:s18+$0x420 ss:$0x21] =	vst.msk $0xffff, v6;
	s17 =	sadd.s32 $0x80, s17  }
0x47: {  	s21 =	sadd.s32 $0x4, s21;
	v0 =	vld [tilespmem:s17+$0x30];
	[tilespmem:s18+$0x630 ss:$0x21] =	vst.msk $0xffff, v7  }
0x48: {  	s21 =	sshll.u32 s9, $0x7;
	s22 =	sshll.u32 s10, $0x3;
	s20 =	sshra.s32 s20, $0x2  }
0x49: {  	p1 =	sgt.s32 s9, $0xF41C0;
	s30 =	sshra.s32 s9, $0x1F;
	s25 =	sshra.s32 s10, $0x1F  }
0x4a: {  	v5 =	vld [tilespmem:s17+$0xFFFFFFD0];
	s28 =	sshrl.u32 s10, $0x3;
	s23 =	sand.u32 $0xFFFFFC00, s21;
	s22 =	sand.u32 $0xFFFFFC00, s22  }
0x4b: {  	[tilespmem:s18+$0x840 ss:$0x21] =	vst.msk $0xffff, v4;
	v58 =	vld [tilespmem:s17+$0xFFFFFFE0];
	s21 =	sand.u32 $0x380, s21;
	s19 =	sadd.s32 s20, s19;
	s22 =	sadd.s32 s22, s23  }
0x4c: {  	v59 =	vld [tilespmem:s17+$0xFFFFFFF0];
	[tilespmem:s18+$0xA50 ss:$0x21] =	vst.msk $0xffff, v3;
	s29 =	sor.u32 s21, s22;
	s21 =	smov.u32 s9;
	s22 =	sand.u32 s30, s9  }
0x4d: {  	v60 =	vld [tilespmem:s17+$0x0];
	[tilespmem:s18+$0xC60 ss:$0x21] =	vst.msk $0xffff, v2;
	s30 =	sand.u32 $0x7, s10;
	s20 =	sshrl.u32 s29, $0x7;
	s21 =	simm.s32 @!p1 $0xF41C0  }
0x4e: {  	v61 =	vld [tilespmem:s17+$0x10];
	[tilespmem:s18+$0x0 ss:$0x21] =	vst.msk $0xffff, v1;
	p1 =	sgt.s32 s10, $0x60;
	s24 =	ssub.s32 s21, s22;
	s21 =	smov.u32 s10  }
0x4f: {  	v62 =	vld [tilespmem:s17+$0x20];
	[tilespmem:s19+$0xE70 ss:$0x21] =	vst.msk $0xffff, v0;
	s31 =	smulhi.u32 $0x218DEF5, s20;
	s22 =	sand.u32 s25, s10;
	s21 =	simm.s32 @!p1 $0x60  }
0x50: {  	v63 =	vld [tilespmem:s17+$0xFFFFFFC0];
	[tilespmem:s19+$0x210 ss:$0x21] =	vst.msk $0xffff, v5;
	s26 =	sadd.s32 $0xFFF0BE40, s24;
	s17 =	ssub.s32 $0xF4240, s24;
	s21 =	ssub.s32 s21, s22  }
0x51: {  	[tilespmem:s19+$0x420 ss:$0x21] =	vst.msk $0xffff, v58;
	s23 =	sshrl.u32 s31, $0xD;
	p1 =	sgt.s32 s26, $0x7F;
	s27 =	sadd.s32 $0xFFFFFFA0, s21  }
0x52: {  	[tilespmem:s19+$0x630 ss:$0x21] =	vst.msk $0xffff, v59;
	s23 =	smul.u32 $0xF4240, s23;
	s18 =	ssub.s32 $0x80, s21;
	p2 =	sgt.s32 s27, $0x1F  }
.Ltmp4:
0x53: {  	[tilespmem:s19+$0x840 ss:$0x21] =	vst.msk $0xffff, v60;
	s17 =	simm.s32 @p1 $0x0;
	s18 =	simm.s32 @p2 $0x0;
	(pc) =	sbr.rel .LBB1_5-.Ltmp4, $4  }
0x54: {  	s29 =	sand.u32 $0xF, s28;
	[tilespmem:s19+$0xA50 ss:$0x21] =	vst.msk $0xffff, v61;
	s20 =	ssub.s32 s20, s23;
	s17 =	smul.u32 s18, s17  }
0x55: {  	[tilespmem:s19+$0xC60 ss:$0x21] =	vst.msk $0xffff, v62;
	s21 =	sshll.u32 s30, $0x12;
	s20 =	sshll.u32 s20, $0x4;
	s18 =	sadd.s32 s5, s29  }
0x56: {  	[tilespmem:s19+$0x0 ss:$0x21] =	vst.msk $0xffff, v63;
	s31 =	sor.u32 $0x20, s21;
	s18 =	sadd.s32 s20, s18;
	s17 =	sand.u32 $0x3FFFFFFF, s17  }
0x57: {  	[hbm4b:s18+s31] =	stream.strided.scatter [tilespmem:s16], [sflag:$0x2], s17, s8, s31, $0x10;
	[tilespmem:$0x4100] =	vst v63  }
.LBB1_6:
0x58: {  	_ =	sfence.sel $0x180000  }
0x59: {  	s2 =	simm.s32 $0x1;
	[bflag:$0x0] =	sbarrier.arrive $0xFFFF  }
0x5a: {  	s31 =	simm.s32 $0x2;
	[sflag:s2] =	ssyncpa.u1 $0x1  }
0x5b: {  	[sflag:s31] =	ssyncpa.u1 $0x1  }
0x5c: {  	p0 =	sne.s32 s1, $0x0;
	_ =	strace $0x90000047  }
0x5d: {  	s0 =	sadd.s32 @!p0 $0x100000, s0;
	[bflag:$0x2] =	sbarrier.arrive $0xFFFF  }
0x5e: {  	[sflag:s0] =	ssyncadd.tile.s32 @!p0 $0x1;
	_ =	shalt  }
.Lfunc_end1:
_tile_overlayer_lowered:
.L_overlay_start_2:
0x5f: {  	(tag) =	ssettag $0x2  }
0x60: {  	s0 =	rddreg [dreg:$0x0];
	s2 =	stileid.u32  }
0x61: {  	s1 =	rddreg [dreg:$0x1];
	p0 =	sne.s32 s2, $0x0  }
0x62: {  	s3 =	rddreg [dreg:$0x2];
	[bflag:$0x3] =	sbarrier.arrive $0xFFFF;
	s2 =	simm.s32 @!p0 $0x1C01  }
0x63: {  	[timem:s3], [sflag:s2] =	dma.local @!p0 [hbm:s0], s1  }
0x64: {  	s0 =	simm.s32 @!p0 $0x1  }
0x65: {  	_ =	swait.ge @!p0 [sflag:s0], s1  }
0x66: {  	s1 =	ssub.s32 @!p0 $0x0, s1;
	[sflag:s0] =	ssyncset.done @!p0 $0x0  }
0x67: {  	[sflag:s0] =	ssyncadd.s32 @!p0 s1  }
0x68: {  	[bflag:$0x3] =	sbarrier.arrive $0xFFFF  }
0x69: {  	_ =	shalt  }

</sc_bundles>
